<compile_context>
chip_gen: v7x
topology: tpu7x:2x2x1
jax: 0.10.2.dev20260603
libtpu: 0.0.44.dev20260713+nightly
codegen_flags: <defaults>
</compile_context>

<pallas_src>
import jax
import jax.numpy as jnp
from jax.experimental import pallas as pl

N = 10000
E = 160000
D = 128
K = 512


def _matmul_body(x_ref, w_ref, o_ref):
    o_ref[...] = jnp.dot(x_ref[...], w_ref[...],
                         preferred_element_type=jnp.float32)


def _matmul(x, w):
    return pl.pallas_call(
        _matmul_body,
        out_shape=jax.ShapeDtypeStruct((x.shape[0], w.shape[1]), jnp.float32),
    )(x, w)


def kernel(x, edge_index, edge_weight, batch, W_lin, b_lin, W_att, b_att,
           le_W1, le_b1, le_W2, le_W3, le_b3):
    n = x.shape[0]
    loops = jnp.arange(n)
    src = jnp.concatenate([edge_index[0], loops])
    dst = jnp.concatenate([edge_index[1], loops])
    w = jnp.concatenate([edge_weight, jnp.ones((n,), dtype=x.dtype)])

    p = _matmul(x, W_att[D:].reshape(D, 1))[:, 0]

    M = jax.ops.segment_max(x[src], dst, num_segments=n)
    q = _matmul(M, W_lin) + b_lin
    q = _matmul(q, W_att[:D].reshape(D, 1))[:, 0] + b_att

    score = q[dst] + p[src]
    score = jnp.where(score > 0, score, 0.2 * score)

    m = jax.ops.segment_max(score, dst, num_segments=n)
    e = jnp.exp(score - m[dst])
    denom = jax.ops.segment_sum(e, dst, num_segments=n)
    score = e / (denom[dst] + 1e-16)

    x_new = jax.ops.segment_sum(x[src] * score[:, None], dst, num_segments=n)

    lw = jnp.concatenate([le_W1, le_W2, le_W3], axis=1)
    abz = _matmul(x_new, lw)
    a = abz[:, 0] + le_b1[0]
    b2 = abz[:, 1]
    z3 = abz[:, 2] + le_b3[0]
    deg = jax.ops.segment_sum(jnp.ones_like(w), dst, num_segments=n)
    agg = deg * a - jax.ops.segment_sum(b2[src], dst, num_segments=n)
    fitness = jax.nn.sigmoid(agg + z3)

    _, perm = jax.lax.top_k(fitness, K)
    x_out = x_new[perm] * fitness[perm][:, None]
    batch_out = batch[perm]

    inv_perm = jnp.full((n,), K, dtype=jnp.int32).at[perm].set(
        jnp.arange(K, dtype=jnp.int32))
    col_pos = inv_perm[dst]
    S = jnp.zeros((n, K + 1), dtype=x.dtype).at[src, col_pos].add(score)[:, :K]
    T = jax.ops.segment_sum(w[:, None] * S[dst], src, num_segments=n)
    A_new = jnp.zeros((K + 1, K), dtype=x.dtype).at[col_pos].add(
        score[:, None] * T[src])[:K]
    A_new = A_new * (1.0 - jnp.eye(K, dtype=x.dtype))
    return (x_out, A_new, batch_out, perm)

# --- scband reference (transcript-rebuilt; emitter-appended) ---
"""Pipeline reference for scband-asapooling-54219667145507 (READ-ONLY COPY).

The authoritative reference and input builder live on the scoring server;
editing this copy changes nothing except your own understanding.
"""

import jax, jax.numpy as jnp
import numpy as np

N = 10000
E = 160000
D = 128
K = 512


def setup_inputs(seed: int = 0) -> dict:
    key = jax.random.key(seed)
    ks = jax.random.split(key, 16)
    x = jax.random.normal(ks[0], (N, D), dtype=jnp.float32)
    src = jax.random.randint(ks[1], (E,), 0, N)
    dst = jax.random.randint(ks[2], (E,), 0, N)
    dst = jnp.where(src == dst, (dst + 1) % N, dst)  # no pre-existing self loops
    edge_index = jnp.stack([src, dst], axis=0)
    edge_weight = jax.random.uniform(ks[3], (E,), dtype=jnp.float32)
    batch = jnp.zeros((N,), dtype=jnp.int32)
    s1 = float(1.0 / np.sqrt(D))
    s2 = float(1.0 / np.sqrt(2 * D))
    W_lin = jax.random.uniform(ks[4], (D, D), minval=-s1, maxval=s1, dtype=jnp.float32)
    b_lin = jax.random.uniform(ks[5], (D,), minval=-s1, maxval=s1, dtype=jnp.float32)
    W_att = jax.random.uniform(ks[6], (2 * D,), minval=-s2, maxval=s2, dtype=jnp.float32)
    b_att = jax.random.uniform(ks[7], (), minval=-s2, maxval=s2, dtype=jnp.float32)
    le_W1 = jax.random.uniform(ks[8], (D, 1), minval=-s1, maxval=s1, dtype=jnp.float32)
    le_b1 = jax.random.uniform(ks[9], (1,), minval=-s1, maxval=s1, dtype=jnp.float32)
    le_W2 = jax.random.uniform(ks[10], (D, 1), minval=-s1, maxval=s1, dtype=jnp.float32)
    le_W3 = jax.random.uniform(ks[11], (D, 1), minval=-s1, maxval=s1, dtype=jnp.float32)
    le_b3 = jax.random.uniform(ks[12], (1,), minval=-s1, maxval=s1, dtype=jnp.float32)
    return {"x": x, "edge_index": edge_index, "edge_weight": edge_weight, "batch": batch,
            "W_lin": W_lin, "b_lin": b_lin, "W_att": W_att, "b_att": b_att,
            "le_W1": le_W1, "le_b1": le_b1, "le_W2": le_W2, "le_W3": le_W3, "le_b3": le_b3}


def reference(x, edge_index, edge_weight, batch, W_lin, b_lin, W_att, b_att,
              le_W1, le_b1, le_W2, le_W3, le_b3):
    n = x.shape[0]
    loops = jnp.arange(n)
    src = jnp.concatenate([edge_index[0], loops])
    dst = jnp.concatenate([edge_index[1], loops])
    w = jnp.concatenate([edge_weight, jnp.ones((n,), dtype=x.dtype)])
    # attention-based cluster assignment scores
    x_pool_j = x[src]
    x_q = jax.ops.segment_max(x_pool_j, dst, num_segments=n)
    x_q = (x_q @ W_lin + b_lin)[dst]
    score = jnp.concatenate([x_q, x_pool_j], axis=-1) @ W_att + b_att
    score = jax.nn.leaky_relu(score, negative_slope=0.2)
    # segment softmax over destination nodes (every node has a self loop)
    m = jax.ops.segment_max(score, dst, num_segments=n)
    e = jnp.exp(score - m[dst])
    denom = jax.ops.segment_sum(e, dst, num_segments=n)
    score = e / (denom[dst] + 1e-16)
    # weighted aggregation of cluster members
    v = x[src] * score[:, None]
    x_new = jax.ops.segment_sum(v, dst, num_segments=n)
    # LEConv fitness score: out_i = lin3(x_i) + sum_{j->i} (lin1(x)_i - lin2(x)_j)
    a = x_new @ le_W1 + le_b1
    b = x_new @ le_W2
    agg = jax.ops.segment_sum(a[dst] - b[src], dst, num_segments=n)
    fitness = jax.nn.sigmoid((agg + x_new @ le_W3 + le_b3).reshape(-1))
    _, perm = jax.lax.top_k(fitness, K)
    x_out = x_new[perm] * fitness[perm][:, None]
    batch_out = batch[perm]
    # coarsened adjacency  A' = S^T A S, S = assignment matrix column-selected by perm
    inv_perm = jnp.full((n,), K, dtype=jnp.int32).at[perm].set(jnp.arange(K, dtype=jnp.int32))
    col_pos = inv_perm[dst]
    S = jnp.zeros((n, K + 1), dtype=x.dtype).at[src, col_pos].add(score)[:, :K]
    T = jax.ops.segment_sum(w[:, None] * S[dst], src, num_segments=n)  # A @ S
    A_new = jnp.zeros((K + 1, K), dtype=x.dtype).at[col_pos].add(score[:, None] * T[src])[:K]
    A_new = A_new * (1.0 - jnp.eye(K, dtype=x.dtype))  # remove_diag
    return (x_out, A_new, batch_out, perm)

if __name__ == "__main__":
    import jax
    _d = setup_inputs()
    print(jax.jit(kernel)(*tuple(_d.values())))

</pallas_src>

<mosaic_0001>
module attributes {stable_mosaic.version = 14 : i64} {
  func.func @_matmul_body(%arg0: memref<10000x128xf32, #tpu.memory_space<vmem>>, %arg1: memref<128x1xf32, #tpu.memory_space<vmem>>, %arg2: memref<10000x1xf32, #tpu.memory_space<vmem>>) attributes {dimension_semantics = [], scalar_prefetch = 0 : i64, scratch_operands = 0 : i64, tpu.core_type = #tpu.core_type<tc>} {
    %get3A = arith.constant 0 : index
    %get3A_0 = arith.constant 0 : index
    %get3A_1 = vector.load %arg0[%get3A, %get3A_0] : memref<10000x128xf32, #tpu.memory_space<vmem>>, vector<10000x128xf32>
    %get3A_2 = arith.constant 0 : index
    %get3A_3 = arith.constant 0 : index
    %get3A_4 = vector.load %arg1[%get3A_2, %get3A_3] : memref<128x1xf32, #tpu.memory_space<vmem>>, vector<128x1xf32>
    %dot_general3A = arith.constant dense<0.000000e+00> : vector<10000x1xf32>
    %dot_general3A_5 = tpu.matmul %get3A_1, %get3A_4, %dot_general3A {dimension_numbers = #tpu.dot_dimension_numbers<[1], [0], [0], [1], [0, 0, 1, 1], [], []>, transpose_lhs_hint = false} : vector<10000x128xf32>, vector<128x1xf32>, vector<10000x1xf32> -> vector<10000x1xf32>
    %swap3A = arith.constant 0 : index
    %swap3A_6 = arith.constant 0 : index
    %swap3A_7 = vector.load %arg2[%swap3A, %swap3A_6] : memref<10000x1xf32, #tpu.memory_space<vmem>>, vector<10000x1xf32>
    tpu.vector_store %arg2[%swap3A, %swap3A_6], %dot_general3A_5 {strides = array<i32>} : memref<10000x1xf32, #tpu.memory_space<vmem>>, vector<10000x1xf32>,
    return
  }
}

module attributes {stable_mosaic.version = 14 : i64} {
  func.func @_matmul_body(%arg0: memref<10000x128xf32, #tpu.memory_space<vmem>>, %arg1: memref<128x128xf32, #tpu.memory_space<vmem>>, %arg2: memref<10000x128xf32, #tpu.memory_space<vmem>>) attributes {dimension_semantics = [], scalar_prefetch = 0 : i64, scratch_operands = 0 : i64, tpu.core_type = #tpu.core_type<tc>} {
    %get3A = arith.constant 0 : index
    %get3A_0 = arith.constant 0 : index
    %get3A_1 = vector.load %arg0[%get3A, %get3A_0] : memref<10000x128xf32, #tpu.memory_space<vmem>>, vector<10000x128xf32>
    %get3A_2 = arith.constant 0 : index
    %get3A_3 = arith.constant 0 : index
    %get3A_4 = vector.load %arg1[%get3A_2, %get3A_3] : memref<128x128xf32, #tpu.memory_space<vmem>>, vector<128x128xf32>
    %dot_general3A = arith.constant dense<0.000000e+00> : vector<10000x128xf32>
    %dot_general3A_5 = tpu.matmul %get3A_1, %get3A_4, %dot_general3A {dimension_numbers = #tpu.dot_dimension_numbers<[1], [0], [0], [1], [0, 0, 1, 1], [], []>, transpose_lhs_hint = false} : vector<10000x128xf32>, vector<128x128xf32>, vector<10000x128xf32> -> vector<10000x128xf32>
    %swap3A = arith.constant 0 : index
    %swap3A_6 = arith.constant 0 : index
    %swap3A_7 = vector.load %arg2[%swap3A, %swap3A_6] : memref<10000x128xf32, #tpu.memory_space<vmem>>, vector<10000x128xf32>
    tpu.vector_store %arg2[%swap3A, %swap3A_6], %dot_general3A_5 {strides = array<i32>} : memref<10000x128xf32, #tpu.memory_space<vmem>>, vector<10000x128xf32>,
    return
  }
}

module attributes {stable_mosaic.version = 14 : i64} {
  func.func @_matmul_body(%arg0: memref<10000x128xf32, #tpu.memory_space<vmem>>, %arg1: memref<128x3xf32, #tpu.memory_space<vmem>>, %arg2: memref<10000x3xf32, #tpu.memory_space<vmem>>) attributes {dimension_semantics = [], scalar_prefetch = 0 : i64, scratch_operands = 0 : i64, tpu.core_type = #tpu.core_type<tc>} {
    %get3A = arith.constant 0 : index
    %get3A_0 = arith.constant 0 : index
    %get3A_1 = vector.load %arg0[%get3A, %get3A_0] : memref<10000x128xf32, #tpu.memory_space<vmem>>, vector<10000x128xf32>
    %get3A_2 = arith.constant 0 : index
    %get3A_3 = arith.constant 0 : index
    %get3A_4 = vector.load %arg1[%get3A_2, %get3A_3] : memref<128x3xf32, #tpu.memory_space<vmem>>, vector<128x3xf32>
    %dot_general3A = arith.constant dense<0.000000e+00> : vector<10000x3xf32>
    %dot_general3A_5 = tpu.matmul %get3A_1, %get3A_4, %dot_general3A {dimension_numbers = #tpu.dot_dimension_numbers<[1], [0], [0], [1], [0, 0, 1, 1], [], []>, transpose_lhs_hint = false} : vector<10000x128xf32>, vector<128x3xf32>, vector<10000x3xf32> -> vector<10000x3xf32>
    %swap3A = arith.constant 0 : index
    %swap3A_6 = arith.constant 0 : index
    %swap3A_7 = vector.load %arg2[%swap3A, %swap3A_6] : memref<10000x3xf32, #tpu.memory_space<vmem>>, vector<10000x3xf32>
    tpu.vector_store %arg2[%swap3A, %swap3A_6], %dot_general3A_5 {strides = array<i32>} : memref<10000x3xf32, #tpu.memory_space<vmem>>, vector<10000x3xf32>,
    return
  }
}

</mosaic_0001>

<sc_bundles>
// kernel: scatter_offload_async_start.1
scs
__scs_entry_jumppad:
0x0: {  	(pc) =	sbr.rel $0x88, $3  }
0x1: {  	(tag) =	ssettag $0x0;
	lr =	simm.s32 $0x1  }
0x2: {  	[smem:$0x3F94] =	sst lr;
	_ =	strace $0xD0000000  }
0x3: {  	_ = 	snop  }
0x4: {  	_ = 	snop  }
0x5: {  	_ = 	snop  }
0x6: {  	_ = 	snop  }
0x7: {  	_ = 	snop  }
__scs_overlays_trampoline_lowered:
0x8: {  	[smem:$0x3FA3] =	sst s0  }
0x9: {  	[smem:$0x3FA4] =	sst s1  }
0xa: {  	[smem:$0x3FA5] =	sst s2  }
0xb: {  	[smem:$0x3FA6] =	sst s3  }
0xc: {  	[smem:$0x3FA7] =	sst s4  }
0xd: {  	[smem:$0x3FA8] =	sst s5  }
0xe: {  	[smem:$0x3FA9] =	sst s6  }
0xf: {  	[smem:$0x3FAA] =	sst s7  }
0x10: {  	[smem:$0x3FAB] =	sst s8  }
0x11: {  	[smem:$0x3FAC] =	sst s9;
	s0 =	simm.s32 @!p0 $0x0  }
0x12: {  	s1 =	sld [smem:$0x3F92];
	s0 =	simm.s32 @p0 $0x1  }
0x13: {  	[smem:$0x3FAD] =	sst s0;
	s0 =	simm.s32 @!p1 $0x0  }
0x14: {  	s2 =	sld [smem:$0x3F91];
	s0 =	simm.s32 @p1 $0x1  }
0x15: {  	[smem:$0x3FAE] =	sst s0;
	s0 =	simm.s32 @!p2 $0x0  }
0x16: {  	s3 =	sld [smem:$0x3FDB];
	s0 =	simm.s32 @p2 $0x1  }
0x17: {  	s4 =	simm.s32 $0x1BF5;
	[smem:$0x3FB0] =	sst s0  }
0x18: {  	s0 =	sld [smem:$0x3F93];
	_ =	swait.ge [sflag:s4], $0x0  }
0x19: {  	s7 =	sld [smem:$0x3F94]  }
0x1a: {  	s8 =	sadd.s32 $0xFFFFE003, lr  }
0x1b: {  	s9 =	sadd.s32 $0xFFFFFEF7, lr;
	s5 =	simm.s32 $0xFFFFFFFF;
	p2 =	slt.u32 s8, $0xFFFFF086  }
0x1c: {  	p1 =	slt.u32 s9, $0xF7A;
	s5 =	simm.s32 @!p2 $0x0  }
0x1d: {  	s5 =	simm.s32 @p1 $0x1;
	p0 =	seq.s32 s7, s2  }
0x1e: {  	s7 =	smul.u32 @!p0 $0xF7A, s2;
	p2 =	seq.s32 @!p0 s5, $0x0  }
0x1f: {  	s9 =	smul.u32 $0xF7A, s1;
	s8 =	simm.s32 @!p0 $0x1BF5;
	p2 =	por !p2, p0  }
0x20: {  	[sflag:s8] =	ssyncset.s32 @!p0 $0xFFFFF086;
	s6 =	sadd.s32 @!p0 s3, s7;
	s7 =	simm.s32 @!p0 $0x108  }
0x21: {  	s3 =	sadd.s32 s3, s9;
	s6 =	sadd.s32 @!p0 $0x88, s6;
	s7 =	simm.s32 @p2 $0x1082  }
0x22: {  	[simem:s7], [sflag:s8] =	dma.local @!p0 [hbm:s6], $0xF7A  }
0x23: {  	s9 =	sor.u32 $0xD0000000, s2;
	s6 =	simm.s32 $0x108;
	_ =	swait.ge @!p0 [sflag:s8], $0x0  }
0x24: {  	s3 =	sadd.s32 $0x88, s3;
	s6 =	simm.s32 @!p1 $0x1082;
	[sflag:s4] =	ssyncset.s32 $0xFFFFF086  }
0x25: {  	[simem:s6], [sflag:s4] =	dma.local [hbm:s3], $0xF7A  }
0x26: {  	[smem:$0x3F94] =	sst s1;
	(tag) =	ssettag s2;
	_ =	strace s9  }
0x27: {  	s1 =	sld [smem:$0x3FA4]  }
0x28: {  	s2 =	sld [smem:$0x3FA5]  }
0x29: {  	s4 =	sld [smem:$0x3FA7]  }
0x2a: {  	p0 =	seq.s32 s5, $0x0;
	s5 =	sld [smem:$0x3FA8]  }
0x2b: {  	s6 =	sld [smem:$0x3FA9]  }
0x2c: {  	s7 =	sld [smem:$0x3FAA]  }
0x2d: {  	s3 =	simm.s32 $0x108;
	s8 =	sld [smem:$0x3FAB]  }
0x2e: {  	s3 =	simm.s32 @!p0 $0x1082;
	s9 =	sld [smem:$0x3FAC]  }
0x2f: {  	lr =	sadd.s32 s0, s3;
	s0 =	sld [smem:$0x3FA3]  }
0x30: {  	s3 =	sld [smem:$0x3FA6]  }
0x31: {  	[smem:$0x3FAF] =	sst s10  }
0x32: {  	s10 =	sld [smem:$0x3FAD];
	_ =	sdelay $0x3  }
0x33: {  	p0 =	seq.s32 s10, $0x1;
	s10 =	sld [smem:$0x3FAF];
	_ =	sdelay $0x3  }
0x34: {  	[smem:$0x3FAF] =	sst s10  }
0x35: {  	s10 =	sld [smem:$0x3FAE];
	_ =	sdelay $0x3  }
0x36: {  	p1 =	seq.s32 s10, $0x1;
	s10 =	sld [smem:$0x3FAF];
	_ =	sdelay $0x3  }
0x37: {  	[smem:$0x3FAF] =	sst s10  }
0x38: {  	s10 =	sld [smem:$0x3FB0]  }
0x39: {  	_ = 	snop;
	(pc) =	sbr.ind lr, $3  }
0x3a: {  	_ = 	snop  }
0x3b: {  	_ = 	snop  }
0x3c: {  	p2 =	seq.s32 s10, $0x1;
	s10 =	sld [smem:$0x3FAF]  }
0x3d: {  	_ =	shalt  }
0x3e: {  	_ =	shalt  }
0x3f: {  	_ =	shalt  }
0x40: {  	_ =	shalt  }
0x41: {  	_ =	shalt  }
0x42: {  	_ =	shalt  }
0x43: {  	_ =	shalt  }
0x44: {  	_ =	shalt  }
0x45: {  	_ =	shalt  }
0x46: {  	_ =	shalt  }
0x47: {  	_ =	shalt  }
0x48: {  	_ =	shalt  }
0x49: {  	_ =	shalt  }
0x4a: {  	_ =	shalt  }
0x4b: {  	_ =	shalt  }
0x4c: {  	_ =	shalt  }
0x4d: {  	_ =	shalt  }
0x4e: {  	_ =	shalt  }
0x4f: {  	_ =	shalt  }
0x50: {  	_ =	shalt  }
0x51: {  	_ =	shalt  }
0x52: {  	_ =	shalt  }
0x53: {  	_ =	shalt  }
0x54: {  	_ =	shalt  }
0x55: {  	_ =	shalt  }
0x56: {  	_ =	shalt  }
0x57: {  	_ =	shalt  }
0x58: {  	_ =	shalt  }
0x59: {  	_ =	shalt  }
0x5a: {  	_ =	shalt  }
0x5b: {  	_ =	shalt  }
0x5c: {  	_ =	shalt  }
0x5d: {  	_ =	shalt  }
0x5e: {  	_ =	shalt  }
0x5f: {  	_ =	shalt  }
0x60: {  	_ =	shalt  }
0x61: {  	_ =	shalt  }
0x62: {  	_ =	shalt  }
0x63: {  	_ =	shalt  }
0x64: {  	_ =	shalt  }
0x65: {  	_ =	shalt  }
0x66: {  	_ =	shalt  }
0x67: {  	_ =	shalt  }
0x68: {  	_ =	shalt  }
0x69: {  	_ =	shalt  }
0x6a: {  	_ =	shalt  }
0x6b: {  	_ =	shalt  }
0x6c: {  	_ =	shalt  }
0x6d: {  	_ =	shalt  }
0x6e: {  	_ =	shalt  }
0x6f: {  	_ =	shalt  }
0x70: {  	_ =	shalt  }
0x71: {  	_ =	shalt  }
0x72: {  	_ =	shalt  }
0x73: {  	_ =	shalt  }
0x74: {  	_ =	shalt  }
0x75: {  	_ =	shalt  }
0x76: {  	_ =	shalt  }
0x77: {  	_ =	shalt  }
0x78: {  	_ =	shalt  }
0x79: {  	_ =	shalt  }
0x7a: {  	_ =	shalt  }
0x7b: {  	_ =	shalt  }
0x7c: {  	_ =	shalt  }
0x7d: {  	_ =	shalt  }
0x7e: {  	_ =	shalt  }
0x7f: {  	_ =	shalt  }
0x80: {  	_ =	shalt  }
0x81: {  	_ =	shalt  }
0x82: {  	_ =	shalt  }
0x83: {  	_ =	shalt  }
0x84: {  	_ =	shalt  }
0x85: {  	_ =	shalt  }
0x86: {  	_ =	shalt  }
0x87: {  	_ =	shalt  }
.Lfunc_end0:
.L_simem_size_0:
called_computation.1_lowered:
.L_overlay_start_0:
0x88: {  	s0 =	sld [smem:$0x3FD9]  }
0x89: {  	s1 =	sld [smem:$0x3FFE];
	_ =	sdelay $0x3  }
0x8a: {  	s0 =	sadd.s32 s1, s0  }
0x8b: {  	[smem:$0x3FBB] =	sst s0  }
0x8c: {  	_ = 	snop  }
0x8d: {  	s0 =	sld [smem:$0x3FD0];
	_ =	sdelay $0x2  }
0x8e: {  	s13 =	simm.s32 $0xD;
	s2 =	simm.s32 $0x10  }
0x8f: {  	[smem:s2], [sflag:s13] =	dma.local [hbm:s0], $0x1  }
0x90: {  	_ =	swait.eq [sflag:s13], $0x1  }
0x91: {  	[sflag:s13] =	ssyncset.done $0x0  }
0x92: {  	[sflag:s13] =	ssyncadd.s32 $0xFFFFFFFF  }
0x93: {  	s14 =	sld [smem:$0x10];
	(tm) =	ssettm $0x1  }
0x94: {  	s15 =	sld [smem:$0x3FFB];
	_ =	sdelay $0x3  }
0x95: {  	_ =	strace s15  }
0x96: {  	s1 =	sld [smem:$0x3FFC];
	_ =	sdelay $0x3  }
0x97: {  	_ =	strace s1  }
0x98: {  	s1 =	sld [smem:$0x3FFD];
	_ =	sdelay $0x3  }
0x99: {  	_ =	strace s1  }
0x9a: {  	_ =	strace $0x8FFFFFFF  }
0x9b: {  	s16 =	sld [smem:$0x3FDB];
	_ =	sdelay $0x1  }
0x9c: {  	s17 =	simm.s32 $_scs_section_size  }
0x9d: {  	s3 =	simm.s32 $_size__tile_overlayer_lowered;
	s4 =	simm.s32 $_tile_overlayer_lowered  }
0x9e: {  	s20 =	simm.s32 $0x1BFF;
	s19 =	sshll.u32 s4, $0x1;
	s1 =	sadd.s32 s17, s16  }
0x9f: {  	s5 =	simm.s32 $0x0;
	s18 =	sshll.u32 s3, $0x1;
	s3 =	sadd.s32 s19, s1  }
0xa0: {  	[timem:s5], [sflag:s20] =	dma.local [hbm:s3], s18  }
0xa1: {  	_ =	swait.ge [sflag:s20], s18  }
0xa2: {  	s2 =	ssub.s32 $0x0, s18;
	[sflag:s20] =	ssyncset.done $0x0  }
0xa3: {  	[sflag:s20] =	ssyncadd.s32 s2;
	_ =	sdelay $0x1  }
0xa4: {  	s21 =	simm.s32 $0x1B8B  }
0xa5: {  	_ =	swait.ge [sflag:s21], $0x1  }
0xa6: {  	[sflag:s21] =	ssyncset.done $0x0  }
0xa7: {  	s23 =	simm.s32 $0x1B8E;
	s22 =	sld [smem:$0x3FFE];
	[sflag:s21] =	ssyncadd.s32 $0xFFFFFFFF  }
0xa8: {  	s24 =	simm.s32 $execute0_lowered;
	[smem:$0x3FD2] =	sst s23  }
0xa9: {  	s3 =	sshll.u32 s24, $0x1;
	_ =	strace $0x80000049;
	[dreg:$0x1] =	wrdreg $0xFFFFFFFF  }
0xaa: {  	s25 =	simm.s32 $_size_execute0_lowered;
	s1 =	sadd.s32 s1, s3;
	[dreg:$0x0] =	wrdreg $0x0  }
0xab: {  	s3 =	sshll.u32 s25, $0x1;
	[dreg:$0x2] =	wrdreg s1  }
0xac: {  	[dreg:$0x3] =	wrdreg s3  }
0xad: {  	[dreg:$0x4] =	wrdreg $0xC0  }
0xae: {  	_ =	task [dreg:s5], $0x5FFFF  }
0xaf: {  	[dreg:$0x1] =	wrdreg $0xFFFFFFFF  }
0xb0: {  	[dreg:$0x0] =	wrdreg $0x60  }
0xb1: {  	[dreg:$0x2] =	wrdreg s14  }
0xb2: {  	[dreg:$0x3] =	wrdreg s22  }
0xb3: {  	[dreg:$0x4] =	wrdreg $0x9  }
0xb4: {  	_ =	task.clear_ibuf [dreg:s5], $0x5FFFF;
	_ =	strace $0x90000049  }
0xb5: {  	s26 =	simm.s32 $0x9;
	_ =	strace $0x8000004B  }
0xb6: {  	_ =	swait.ge [sflag:s26], $0x1  }
0xb7: {  	[sflag:s26] =	ssyncadd.s32 $0xFFFFFFFF  }
0xb8: {  	_ =	strace $0x9000004B  }
0xb9: {  	_ =	sfence  }
0xba: {  	s28 =	sld [smem:$0x0];
	_ =	sdelay $0x1  }
0xbb: {  	s29 =	srdreg.scid  }
0xbc: {  	s30 =	sshll.u32 s29, $0xD;
	s31 =	sshrl.u32 s29, $0x2  }
0xbd: {  	s2 =	sand.u32 $0x4000, s30;
	s1 =	sand.u32 $0x1, s29;
	s0 =	sadd.s32 s31, s28  }
0xbe: {  	s1 =	sor.u32 s2, s1;
	s0 =	sshll.u32 s0, $0x11  }
0xbf: {  	s0 =	sor.u32 s0, s1  }
0xc0: {  	s0 =	sadd.s32 $0x8F2B, s0  }
0xc1: {  	[sflag:s0] =	ssyncadd.remote.s32 $0x1  }
0xc2: {  	_ =	sfence.sel $0xFFFF  }
0xc3: {  	[dreg:$0x0] =	wrdreg $0xFFFFFFFF;
	(pc) =	sbr.abs _section_cstart, $3  }
0xc4: {  	[dreg:$0x1] =	wrdreg $0xFFFFFFFF  }
0xc5: {  	_ =	task.clear_ibuf [dreg:s5], $0x2FFFF;
	_ =	strace $0x9FFFFFFF  }
0xc6: {  	(tm) =	ssettm $0x7FFFFFFF  }
0xc7: {  	_ =	shalt  }
tec
execute0_lowered:
.L_overlay_start_1:
0x0: {  	(tag) =	ssettag $0x1  }
0x1: {  	s1 =	rddreg [dreg:$0x0]  }
0x2: {  	s0 =	rddreg [dreg:$0x1];
	_ =	strace $0x8000004A;
	s2 =	simm.s32 $0x1  }
0x3: {  	s11 =	stileid.u32;
	v1 =	vimm.s32 $0xFFFFFFFF;
	[sflag:s2] =	ssyncpa.u1 $0x0  }
0x4: {  	s3 =	smin.u32 s11, $0x9;
	[tilespmem:$0x10] =	vst v1  }
0x5: {  	v0 =	vimm.f32 $-Inf;
	s3 =	sadd.s32 s11, s3;
	[tilespmem:$0x20] =	vst v1  }
0x6: {  	s4 =	simm.s32 $0x3520;
	p0 =	slt.u32 s11, $0x9;
	[tilespmem:$0x30] =	vst v0;
	s3 =	smul.u32 $0x1A90, s3  }
0x7: {  	s4 =	simm.s32 @!p0 $0x1A90;
	[tilespmem:$0x40] =	vst v0  }
0x8: {  	[tilespmem:$0x50] =	vst v0;
	s4 =	sadd.s32 s4, s3  }
0x9: {  	[tilespmem:$0x60] =	vst v1;
	s4 =	smin.u32 s4, $0x29810  }
0xa: {  	s7 =	simm.s32 $0x2;
	s8 =	simm.s32 $0x8;
	[tilespmem:$0x70] =	vst v1;
	s6 =	ssub.s32 s4, s3  }
0xb: {  	s29 =	simm.s32 $0x9;
	s16 =	simm.s32 $0x0;
	[tilespmem:$0x80] =	vst v1;
	p0 =	sgt.s32 s6, $0x0  }
0xc: {  	s17 =	simm.s32 $0xF0;
	s18 =	simm.s32 $0xFFFFFFFF;
	v1 =	vimm.s32 $0x0;
	[tilespmem:$0xB0] =	vst v0;
	s6 =	simm.s32 @!p0 $0x0  }
0xd: {  	s19 =	simm.s32 $0xFFFFCBE0;
	s20 =	simm.s32 $0xFFFFFFFE;
	[tilespmem:$0x90] =	vst v1;
	s5 =	smulhi.u32 $0x134679AD, s6  }
0xe: {  	s21 =	simm.s32 $0xF;
	[tilespmem:$0xA0] =	vst v1;
	[sflag:s7] =	ssyncpa.u1 $0x0;
	s7 =	simm.s32 $0x7  }
0xf: {  	s25 =	simm.s32 $0x0;
	[sflag:s7] =	ssyncpa.u1 $0x0;
	s9 =	sshrl.u32 s5, $0x9  }
0x10: {  	s24 =	simm.s32 $0x0;
	[sflag:s8] =	ssyncpa.u1 $0x0;
	s10 =	smul.u32 $0x1A90, s9  }
0x11: {  	s14 =	sshllo.u32 s11, $0x1;
	s23 =	smov.u32 s3;
	[sflag:s29] =	ssyncpa.u1 $0x0  }
.Ltmp0:
0x12: {  	s5 =	sadd.s32 $0x2BCE00, s0;
	p0 =	sne.s32 s6, s10;
	(pc) =	sbr.rel .LBB2_1-.Ltmp0, $4  }
0x13: {  	s0 =	sadd.s32 $0x2C2200, s0;
	s10 =	sshll.u32 s11, $0x1;
	s2 =	simm.s32 @!p0 $0x0  }
0x14: {  	[dreg:$0x3] =	wrdreg s0;
	s31 =	sor.u32 $0x81, s10;
	s9 =	sadd.s32 s2, s9  }
0x15: {  	vm0 =	vmmov $0xffff;
	v2 =	vlaneseq.u32;
	vm1 =	vmxor vm1, vm1;
	s15 =	sor.u32 $0x80, s10;
	[dreg:$0x5] =	wrdreg s31;
	s30 =	sadd.s32 $0x1, s9  }
0x16: {  	vm2 =	vmmov $0x1;
	v3 =	vimm.f32 $0.0e+00;
	vm3 =	vcmask $0x3F3C;
	p0 =	por $0x0, $0x0;
	s12 =	sadd.s32 $0x2, s9;
	[dreg:$0x4] =	wrdreg s30  }
.LBB2_9:
0x17: {  	p1 =	slt.u32 s24, $0x3  }
0x18: {  	s0 =	simm.s32 @!p1 $0x2  }
0x19: {  	_ =	swait.ge @!p1 [sflag:s0], $0x1A90  }
0x1a: {  	[sflag:s0] =	ssyncset.done @!p1 $0x0  }
0x1b: {  	[sflag:s0] =	ssyncadd.s32 @!p1 $0xFFFFE570;
	s0 =	simm.s32 @!p1 $0x9  }
0x1c: {  	_ =	swait.ge @!p1 [sflag:s0], $0x10  }
0x1d: {  	[sflag:s0] =	ssyncset.done @!p1 $0x0  }
0x1e: {  	[sflag:s0] =	ssyncadd.s32 @!p1 $0xFFFFFFF0;
	p1 =	sne.s32 s24, s12  }
.Ltmp1:
0x1f: {  	s2 =	sadd.s32 $0x1A90, s23;
	(pc) =	sbr.rel @!p1 .LBB2_10-.Ltmp1, $4  }
0x20: {  	s6 =	smov.u32 s3;
	s31 =	sadd.s32 $0x1, s24;
	s17 =	sadd.s32 $0x1A90, s17  }
0x21: {  	s18 =	sadd.s32 $0x1, s18;
	s25 =	smov.u32 s23;
	p2 =	slt.s32 s2, s4  }
0x22: {  	p0 =	por !p0, !p0;
	s19 =	sadd.s32 $0x1A90, s19;
	s6 =	smov.u32 @p2 s2  }
0x23: {  	s20 =	sadd.s32 $0x1, s20;
	s23 =	smov.u32 s6;
	s24 =	smov.u32 s31  }
.LBB2_1:
0x24: {  	p1 =	sge.u32 s24, s9  }
0x25: {  	s0 =	smulhi.u32 @!p1 $0xAAAAAAAB, s24;
	_ =	sdelay $0x1  }
0x26: {  	s0 =	sshrl.u32 @!p1 s0, $0x1  }
0x27: {  	s0 =	smul.u32 @!p1 $0x3, s0;
	_ =	sdelay $0x1  }
0x28: {  	s0 =	ssub.s32 @!p1 s24, s0  }
0x29: {  	s0 =	smul.u32 @!p1 $0x6A40, s0;
	_ =	sdelay $0x1  }
0x2a: {  	s2 =	sshrl.u32 @!p1 s23, $0x3;
	s0 =	sshrl.u32 @!p1 s0, $0x2  }
0x2b: {  	s6 =	sand.u32 @!p1 $0x7, s23;
	s2 =	sadd.s32 @!p1 s5, s2;
	s0 =	sadd.s32 @!p1 $0x100, s0  }
0x2c: {  	[tilespmem:s0], [sflag:$0x7] =	stream.linear.gather @!p1 [hbm4b:s2+s6], $0x1A90, $0x38;
	[tilespmem:$0xF030] =	vst v63  }
0x2d: {  	s0 =	sadd.s32 $0xFFFFFFFF, s24  }
0x2e: {  	p1 =	sge.u32 s0, s9  }
.Ltmp2:
0x2f: {  	_ = 	snop;
	(pc) =	sbr.rel @p1 .LBB2_5-.Ltmp2, $1  }
0x30: {  	_ =	sdelay $0x3  }
0x31: {  	s2 =	smulhi.u32 $0xAAAAAAAB, s0;
	_ =	sdelay $0x1  }
0x32: {  	s2 =	sshrl.u32 s2, $0x1  }
0x33: {  	s2 =	smul.u32 $0x3, s2;
	_ =	sdelay $0x1  }
0x34: {  	s2 =	ssub.s32 s0, s2  }
0x35: {  	s2 =	smul.u32 $0x6A40, s2  }
0x36: {  	_ =	swait.ge [sflag:s7], $0x1A90  }
0x37: {  	[sflag:s7] =	ssyncset.done $0x0;
	s2 =	sshrl.u32 s2, $0x2  }
0x38: {  	[sflag:s7] =	ssyncadd.s32 $0xFFFFE570;
	(ifvalue) =	ssetifvalue $0xFFFFFFFF;
	v4 =	vld.msk [tilespmem:s2+$0x100 ss:$0x1], $0xffff;
	_ =	sdelay $0x2  }
0x39: {  	s29 =	smulhi.u32 $0xAAAAAAAB, s18;
	p1 =	sne.s32 s24, $0x1  }
0x3a: {  	v5 =	vimm.s32 @!p1 $0x0  }
0x3b: {  	s2 =	sshrl.u32 s29, $0x1;
	v5 =	vperm.xlane @!p1 v4, v5  }
0x3c: {  	s6 =	sshll.u32 s24, $0x4;
	s2 =	smul.u32 $0xFFFEC140, s2;
	vm4 =	vlt.u32 v4, $0x2800  }
0x3d: {  	s6 =	sand.u32 $0x10, s6;
	v4 =	vnsel vm4, $0xFFFFFFFE, v4;
	vm4 =	vlt.u32 @!p1 v5, $0x2800  }
0x3e: {  	s2 =	sshra.s32 s2, $0x2;
	[tilespmem:s6+$0x60] =	vst v4;
	v4 =	vnsel @!p1 vm4, $0xFFFFFFFE, v5  }
0x3f: {  	s30 =	sadd.s32 s2, s17;
	[tilespmem:$0x80] =	vst @!p1 v4  }
0x40: {  	v4 =	vld.msk [tilespmem:s30+$0x0 ss:$0x1], $0xffff;
	_ =	sdelay $0x4  }
0x41: {  	(xrf1) =	vunique.msk.u32 $0xffff, v4;
	_ =	sdelay $0xd  }
0x42: {  	v5 =	vimm.s32 $0xFFFFFFFF;
	v6, _, _ =	vpop (xrf1)  }
0x43: {  	vm5 =	vne.s32 v4, v5;
	vm4 =	veq.s32 v6, v2  }
0x44: {  	vm6 =	vlt.u32 v4, $0x2800;
	vm4 =	vmand vm5, vm4  }
0x45: {  	vm4 =	vmand vm6, vm4  }
0x46: {  	v5 =	vnsel vm4, $0xFFFFFFFF, v4  }
0x47: {  	s31 =	sand.u32 $0x1, s0  }
0x48: {  	s26 =	simm.s32 $0x1A90;
	p1 =	seq.s32 s31, $0x1  }
0x49: {  	s26 =	simm.s32 @!p1 $0x0  }
0x4a: {  	s28 =	sadd.s32 $0x6B30, s26;
	(ifvalue) =	ssetifvalue $0xFFFFFFFF  }
0x4b: {  	v4 =	vperm.xlane v4, v1;
	[tilespmem:s28], [sflag:$0x8] =	stream.indirect_vreg.gather [hbm4b:s1+s16], $0x1, v5, vm0, $0x4038;
	v5 =	vnsel vm6, $0xFFFFFFFE, v5;
	[tilespmem:$0xF030] =	vst v63  }
0x4c: {  	s0 =	simm.s32 $0x0;
	s2 =	sadd.s32 $0xFFFFFFF0, s30;
	[tilespmem:s30+$0x0] =	vst v5  }
.LBB2_3:
0x4d: {  	v5 =	vld.msk [tilespmem:s2+$0x0 ss:$0x1], $0xffff;
	s0 =	sadd.s32 $0x10, s0;
	v6 =	vmov v4;
	s6 =	smov.u32 s2  }
0x4e: {  	p1 =	slt.u32 s0, $0x1A80;
	_ =	sdelay $0x4  }
0x4f: {  	v4 =	vperm.xlane v5, v1;
	(xrf1) =	vunique.msk.u32 $0xffff, v5;
	_ =	sdelay $0xd  }
0x50: {  	v7, _, _ =	vpop (xrf1)  }
0x51: {  	vm5 =	vne.s32 v5, v6;
	vm4 =	veq.s32 v7, v2  }
0x52: {  	vm6 =	vlt.u32 v5, $0x2800;
	vm4 =	vmand vm5, vm4  }
0x53: {  	vm4 =	vmand vm6, vm4  }
0x54: {  	v5 =	vnsel vm4, $0xFFFFFFFF, v5  }
.Ltmp3:
0x55: {  	v6 =	vnsel vm6, $0xFFFFFFFE, v5;
	(pc) =	sbr.rel @p1 .LBB2_3-.Ltmp3, $3  }
0x56: {  	_ =	sdelay $0x1  }
0x57: {  	s2 =	sadd.s32 $0xFFFFFFF0, s2;
	s28 =	sadd.s32 $0xFFFFFFF0, s28;
	(ifvalue) =	ssetifvalue $0xFFFFFFFF  }
0x58: {  	[tilespmem:s28], [sflag:$0x8] =	stream.indirect_vreg.gather [hbm4b:s1+s16], $0x1, v5, vm0, $0x4038;
	[tilespmem:s6+$0x0] =	vst v6  }
0x59: {  	s0 =	sshrl.u32 s25, $0x3;
	s2 =	rddreg [dreg:$0x3]  }
0x5a: {  	s31 =	sadd.s32 $0x85D0, s26;
	s0 =	sadd.s32 s2, s0  }
0x5b: {  	[tilespmem:s31], [sflag:$0x8] =	stream.linear.gather [hbm:s0], $0x1A90, $0x38;
	[tilespmem:$0xF030] =	vst v63  }
.LBB2_5:
0x5c: {  	p1 =	slt.u32 s24, $0x2  }
0x5d: {  	p2 =	sge.u32 @!p1 s24, s12  }
0x5e: {  	p1 =	por p1, p2  }
.Ltmp4:
0x5f: {  	_ = 	snop;
	(pc) =	sbr.rel @p1 .LBB2_9-.Ltmp4, $1  }
0x60: {  	_ =	sdelay $0x3  }
0x61: {  	s0 =	sadd.s32 $0xFFFFFFFE, s24  }
0x62: {  	s2 =	smulhi.u32 $0xAAAAAAAB, s0;
	_ =	sdelay $0x1  }
0x63: {  	s2 =	sshrl.u32 s2, $0x1  }
0x64: {  	s2 =	smul.u32 $0x3, s2;
	_ =	sdelay $0x1  }
0x65: {  	_ =	swait.ge [sflag:s8], $0x3520;
	s0 =	ssub.s32 s0, s2  }
0x66: {  	s6 =	rddreg [dreg:$0x4];
	s0 =	smul.u32 $0x1A90, s0  }
0x67: {  	[sflag:s8] =	ssyncset.done $0x0;
	p1 =	sne.s32 s24, s6  }
0x68: {  	[sflag:s8] =	ssyncadd.s32 $0xFFFFCAE0;
	s6 =	rddreg [dreg:$0x5];
	s2 =	sadd.s32 @!p1 $0x1B8F, s0  }
0x69: {  	[spmem:s6] =	stream.linear.scatter @!p1 [tilespmem:s2], [sflag:$0x1], $0x1, $0x38;
	[tilespmem:$0xF030] =	vst v63  }
0x6a: {  	s2 =	simm.s32 @!p1 $0x1  }
0x6b: {  	_ =	swait.ge @!p1 [sflag:s2], $0x1  }
0x6c: {  	s11 =	sshll.u32 s24, $0x4;
	[sflag:s2] =	ssyncset.done @!p1 $0x0  }
0x6d: {  	s25 =	sand.u32 $0x10, s11;
	[sflag:s2] =	ssyncadd.s32 @!p1 $0xFFFFFFFF  }
0x6e: {  	s2 =	sxor.u32 $0x10, s25;
	v5 =	vld [tilespmem:s25+$0x10]  }
0x6f: {  	v6 =	vld [tilespmem:s2+$0x60]  }
0x70: {  	v4 =	vld [tilespmem:$0x80];
	_ =	sdelay $0x2  }
0x71: {  	(v2sf) =	vpush v5, $0x0  }
0x72: {  	(v2sf) =	vpush v6, $0x0  }
0x73: {  	(v2sf) =	vpush v4, $0x0;
	_ =	sdelay $0xc  }
0x74: {  	s13 =	spop (v2sf)  }
0x75: {  	s22 =	spop (v2sf)  }
0x76: {  	s26 =	spop (v2sf)  }
0x77: {  	p2 =	seq.s32 s13, s22;
	p3 =	seq.s32 s26, s13  }
0x78: {  	p3 =	por p2, p3  }
0x79: {  	s22 =	sand.u32 $0x1, s24;
	v5 =	vpsel p3, $0xFFFFFFFF, v5  }
0x7a: {  	s28 =	smul.u32 $0x1A90, s22;
	[tilespmem:s25+$0x10] =	vst.msk $0x1, v5  }
0x7b: {  	v5 =	vld [tilespmem:$0x30]  }
0x7c: {  	v6 =	vld [tilespmem:s28+$0x85D0]  }
0x7d: {  	v7 =	vld [tilespmem:s25+$0x40];
	_ =	sdelay $0x2  }
0x7e: {  	vm4 =	vmmov vm1  }
0x7f: {  	vm5 =	vmmov vm2;
	vm4 =	vmmov @p2 vm2;
	v6 =	vmax.f32 v5, v6  }
0x80: {  	s6 =	sshll.u32 s22, $0x4;
	vm5 =	vmmov @p3 vm1;
	v5 =	vmax.f32 v5, v7;
	[tilespmem:s28+$0x85D0] =	vst.msk vm4, v6  }
0x81: {  	[tilespmem:s6+$0xF010] =	vst.msk vm5, v5  }
0x82: {  	v5 =	vld [tilespmem:s28+$0x6B30];
	_ =	sdelay $0x4  }
0x83: {  	v5 =	vshift.insert v5, v3, s21  }
0x84: {  	s11 =	sor.u32 $0x40, s2  }
0x85: {  	v6 =	vimm.f32 $-Inf;
	[tilespmem:s11+$0x0] =	vst.msk $0x1, v5  }
0x86: {  	[tilespmem:s28+$0x6B3F] =	vst.msk $0x1, v6  }
0x87: {  	v5 =	vld [tilespmem:s0+$0x1B80]  }
0x88: {  	s13 =	smulhi.u32 $0xAAAAAAAB, s20;
	_ =	sdelay $0x1  }
0x89: {  	s22 =	simm.s32 $0x1;
	s0 =	sshrl.u32 s13, $0x1  }
0x8a: {  	s22 =	simm.s32 @!p0 $0x0;
	s0 =	smul.u32 $0xFFFEC140, s0  }
0x8b: {  	s22 =	smul.u32 $0x6A40, s22;
	v5 =	vshift.insert v5, v1, s21  }
0x8c: {  	s0 =	sshra.s32 s0, $0x2  }
0x8d: {  	s22 =	sshrl.u32 s22, $0x2;
	s11 =	sadd.s32 s0, s19;
	[tilespmem:s2+$0x10] =	vst.msk $0x1, v5  }
0x8e: {  	s2 =	sadd.s32 $0x85D0, s22;
	v7 =	vld [tilespmem:s11+$0x0]  }
0x8f: {  	v8 =	vld [tilespmem:s2+$0x0];
	_ =	sdelay $0x4  }
0x90: {  	vm4 =	vne.s32 v7, $0xFFFFFFFF;
	v6 =	vmax.f32 v8, v6  }
0x91: {  	(xrf0) =	vmax.seg.scan.f32 vm4, v6  }
0x92: {  	s13 =	sadd.s32 $0x50B0, s22;
	v8 =	vld [tilespmem:$0xA0]  }
0x93: {  	v9 =	vld [tilespmem:s13+$0x0];
	_ =	sdelay $0x1  }
0x94: {  	v6 =	vperm.xlane v5, v1;
	_ =	sdelay $0x1  }
0x95: {  	vm6 =	veq.s32 v7, v4;
	vm7 =	veq.s32 v7, v6;
	vm5 =	veq.s32 v8, $0x1;
	v8, _, _ =	vpop (xrf0)  }
0x96: {  	vm8 =	vgt.u32 v7, $0xFFFFFFFD;
	vm7 =	vmor vm7, vm6;
	v9 =	vmax.f32 v8, v9  }
0x97: {  	s30 =	sadd.s32 $0xBAF0, s22;
	v10 =	vld [tilespmem:$0x90];
	vm7 =	vmor vm7, vm8;
	v9 =	vsel vm6, v8, v9  }
0x98: {  	[tilespmem:s30+$0x0] =	vst v9;
	v9 =	vsel vm7, $0xFFFFFFFF, v7;
	_ =	sdelay $0x1  }
0x99: {  	s31 =	simm.s32 $0x0;
	vm9 =	vmand vm4, vm3  }
0x9a: {  	s29 =	sadd.s32 $0xF010, s6;
	s6 =	sadd.s32 $0x10, s13;
	s22 =	sadd.s32 $0x10, s30;
	v11 =	vsel vm9, $0xFF800000, v8  }
0x9b: {  	s0 =	sadd.s32 $0x10, s2;
	s2 =	sadd.s32 $0x10, s11;
	vm4 =	vmor vm5, vm6;
	v7 =	vsel vm6, v8, v10;
	v8 =	vshift.insert v11, v0, s21;
	(ifvalue) =	ssetifvalue $0xFFFFFFFF  }
.LBB2_7:
0x9c: {  	[hbm4b:s1+s16] =	stream.indirect_vreg.scatter [tilespmem:s30], [sflag:$0x2], $0x1, v9, vm0, $0x4038;
	[tilespmem:$0xF030] =	vst v63  }
0x9d: {  	s31 =	sadd.s32 $0x10, s31;
	s30 =	smov.u32 s22;
	v9 =	vld [tilespmem:s2+$0x0]  }
0x9e: {  	p2 =	slt.u32 s31, $0x1A80;
	v10 =	vld [tilespmem:s0+$0x0];
	_ =	sdelay $0x4  }
0x9f: {  	vm5 =	vne.s32 v9, $0xFFFFFFFF;
	v8 =	vmax.f32 v10, v8  }
0xa0: {  	(xrf0) =	vmax.seg.scan.f32 vm5, v8;
	_ =	sdelay $0x1  }
0xa1: {  	v8 =	vld [tilespmem:s6+$0x0]  }
0xa2: {  	vm6 =	veq.s32 v9, v4;
	vm7 =	veq.s32 v9, v6  }
0xa3: {  	vm8 =	vgt.u32 v9, $0xFFFFFFFD;
	vm4 =	vmor vm4, vm6;
	vm7 =	vmor vm7, vm6  }
0xa4: {  	vm7 =	vmor vm7, vm8  }
.Ltmp5:
0xa5: {  	vm5 =	vmand vm5, vm3;
	v9 =	vsel vm7, $0xFFFFFFFF, v9;
	v10, _, _ =	vpop (xrf0);
	(pc) =	sbr.rel @p2 .LBB2_7-.Ltmp5, $4  }
0xa6: {  	v7 =	vsel vm6, v10, v7;
	v8 =	vmax.f32 v10, v8;
	v11 =	vsel vm5, $0xFF800000, v10  }
0xa7: {  	v10 =	vsel vm6, v10, v8;
	v8 =	vshift.insert v11, v0, s21  }
0xa8: {  	s2 =	sadd.s32 $0x10, s2;
	s0 =	sadd.s32 $0x10, s0;
	[tilespmem:s22+$0x0] =	vst v10  }
0xa9: {  	s6 =	sadd.s32 $0x10, s6;
	s22 =	sadd.s32 $0x10, s22;
	(ifvalue) =	ssetifvalue $0xFFFFFFFF  }
0xaa: {  	_ =	sdelay $0x3  }
0xab: {  	[hbm4b:s1+s16] =	stream.indirect_vreg.scatter [tilespmem:s30], [sflag:$0x2], $0x1, v9, vm0, $0x4038;
	[tilespmem:$0xF030] =	vst v63  }
0xac: {  	v4 =	vld [tilespmem:s28+$0xD570];
	_ =	sdelay $0x4  }
0xad: {  	v4 =	vshift.insert v4, v3, s21  }
0xae: {  	s0 =	simm.s32 $0x30  }
0xaf: {  	[tilespmem:s0+$0x0] =	vst.msk $0x1, v4  }
0xb0: {  	v4 =	vsel vm4, $0x1, v1;
	[tilespmem:$0x90] =	vst v7  }
0xb1: {  	s0 =	sadd.s32 @!p1 $0xD57F, s28;
	[tilespmem:$0xA0] =	vst v4  }
0xb2: {  	[spmem:s14] =	stream.linear.scatter @!p1 [tilespmem:s0], [sflag:$0x1], $0x1, $0x38;
	[tilespmem:$0xF030] =	vst v63  }
0xb3: {  	s0 =	simm.s32 @!p1 $0x1  }
0xb4: {  	v4 =	vmctz.xlane @!p1 vm4;
	_ =	swait.ge @!p1 [sflag:s0], $0x1  }
0xb5: {  	(v2sf) =	vpush @!p1 v5, $0x0  }
0xb6: {  	(v2sf) =	vpush @!p1 v4, $0x0;
	_ =	sdelay $0xd  }
0xb7: {  	s2 =	spop @!p1 (v2sf)  }
0xb8: {  	s6 =	spop @!p1 (v2sf)  }
0xb9: {  	p2 =	sne.s32 @!p1 s26, s2;
	p3 =	slt.s32 @!p1 s6, $0xF  }
0xba: {  	[sflag:s0] =	ssyncset.done @!p1 $0x0;
	p2 =	por p2, p1;
	p3 =	por !p3, p1  }
0xbb: {  	[sflag:s0] =	ssyncadd.s32 @!p1 $0xFFFFFFFF;
	v4 =	vimm.s32 @!p2 $0xFFFFFFFF;
	s6 =	simm.s32 @p3 $0xF  }
0xbc: {  	[tilespmem:$0x80] =	vst @!p2 v4;
	s2 =	sadd.s32 @!p1 $0x90, s6  }
0xbd: {  	[spmem:s10] =	stream.linear.scatter @!p1 [tilespmem:s2], [sflag:$0x1], $0x1, $0x38;
	[tilespmem:$0xF030] =	vst v63  }
0xbe: {  	_ =	swait.ge @!p1 [sflag:s0], $0x1  }
0xbf: {  	[sflag:s0] =	ssyncset.done @!p1 $0x0  }
0xc0: {  	s2 =	simm.s32 @!p1 $0x80;
	[sflag:s0] =	ssyncadd.s32 @!p1 $0xFFFFFFFF  }
0xc1: {  	[spmem:s15] =	stream.linear.scatter @!p1 [tilespmem:s2], [sflag:$0x1], $0x1, $0x38;
	[tilespmem:$0xF030] =	vst v63  }
0xc2: {  	_ =	swait.ge @!p1 [sflag:s0], $0x1  }
0xc3: {  	[sflag:s0] =	ssyncset.done @!p1 $0x0  }
0xc4: {  	[sflag:s0] =	ssyncadd.s32 @!p1 $0xFFFFFFFF;
	(ifvalue) =	ssetifvalue $0xFFFFFFFF;
	v4 =	vld [tilespmem:s25+$0x10];
	_ =	sdelay $0x3  }
.Ltmp6:
0xc5: {  	_ = 	snop;
	(pc) =	sbr.rel .LBB2_9-.Ltmp6, $3  }
0xc6: {  	_ =	sdelay $0x1  }
0xc7: {  	(ifvalue) =	ssetifvalue $0xFFFFFFFF  }
0xc8: {  	[hbm4b:s1+s16] =	stream.indirect_vreg.scatter [tilespmem:s29], [sflag:$0x9], $0x1, v4, vm0, $0x4038;
	[tilespmem:$0xF030] =	vst v63  }
.LBB2_10:
0xc9: {  	_ =	sfence.sel $0x180000  }
0xca: {  	s0 =	simm.s32 $0x7;
	[bflag:$0x0] =	sbarrier.arrive $0xFFFF  }
0xcb: {  	s26 =	simm.s32 $0x8;
	[sflag:s0] =	ssyncpa.u1 $0x1  }
0xcc: {  	s28 =	simm.s32 $0x9;
	[sflag:s26] =	ssyncpa.u1 $0x1  }
0xcd: {  	[sflag:s28] =	ssyncpa.u1 $0x1  }
0xce: {  	_ =	sfence.stream.spmem  }
0xcf: {  	s29 =	simm.s32 $0x3;
	[bflag:$0x0] =	sbarrier.arrive $0xFFFF  }
0xd0: {  	s30 =	simm.s32 $0x4;
	[sflag:s29] =	ssyncpa.u1 $0x1  }
0xd1: {  	s31 =	simm.s32 $0x3C;
	s2 =	stileid.u32;
	[sflag:s30] =	ssyncpa.u1 $0x1  }
0xd2: {  	p0 =	sne.s32 s2, $0x0;
	[sflag:s31] =	ssyncpa.u1 $0x1  }
0xd3: {  	s0 =	simm.s32 @p0 $0x1;
	_ =	sfence @p0  }
0xd4: {  	[sflag:s0] =	ssyncpa.u1 @p0 $0x1;
	s0 =	simm.s32 @p0 $0x2  }
0xd5: {  	[sflag:s0] =	ssyncpa.u1 @p0 $0x1  }
0xd6: {  	_ =	strace @p0 $0x9000004A  }
0xd7: {  	[bflag:$0x2] =	sbarrier.arrive @p0 $0xFFFF  }
0xd8: {  	_ =	shalt @p0  }
.LBB2_11:
0xd9: {  	_ =	sfence.stream.spmem;
	s0 =	simm.s32 $0x5  }
0xda: {  	s2 =	simm.s32 $0x80;
	s3 =	simm.s32 $0xC0;
	[sflag:s0] =	ssyncpa.u1 $0x0  }
0xdb: {  	[tilespmem:s3], [sflag:$0x5] =	stream.linear.gather [spmem:s2], $0x20, $0x38;
	[tilespmem:$0xF030] =	vst v63  }
0xdc: {  	s30 =	simm.s32 $0xE0;
	s2 =	simm.s32 $0x0  }
0xdd: {  	[tilespmem:s30], [sflag:$0x5] =	stream.linear.gather [spmem:s2], $0x20, $0x38;
	[tilespmem:$0xF030] =	vst v63  }
.Ltmp7:
0xde: {  	_ = 	snop;
	(pc) =	sbr.rel .LBB2_12-.Ltmp7, $4  }
0xdf: {  	_ =	swait.ge [sflag:s0], $0x40  }
0xe0: {  	[sflag:s0] =	ssyncset.done $0x0  }
0xe1: {  	s31 =	simm.s32 $0x6;
	[sflag:s0] =	ssyncadd.s32 $0xFFFFFFC0  }
0xe2: {  	s3 =	simm.s32 $0x0;
	[sflag:s31] =	ssyncpa.u1 $0x0  }
.LBB2_17:
0xe3: {  	p0 =	sgt.u32 s4, $0x27FF  }
0xe4: {  	s0 =	sshrl.u32 @!p0 s4, $0x3  }
0xe5: {  	s4 =	sand.u32 @!p0 $0x7, s4;
	s5 =	simm.s32 @!p0 $0xB0;
	s0 =	sadd.s32 @!p0 s1, s0  }
0xe6: {  	[tilespmem:s5], [sflag:$0x6] =	stream.linear.gather @!p0 [hbm4b:s0+s4], $0x1, $0x38;
	[tilespmem:$0xF030] =	vst v63  }
0xe7: {  	s0 =	simm.s32 @!p0 $0x6  }
0xe8: {  	_ =	swait.ge @!p0 [sflag:s0], $0x1  }
0xe9: {  	[sflag:s0] =	ssyncset.done @!p0 $0x0  }
0xea: {  	[sflag:s0] =	ssyncadd.s32 @!p0 $0xFFFFFFFF  }
0xeb: {  	v1 =	vld.msk @!p0 [tilespmem:$0xB0], $0x1  }
0xec: {  	v2 =	vld.msk @!p0 [tilespmem:s3+$0xE0], $0x1;
	_ =	sdelay $0x4  }
0xed: {  	v1 =	vmax.f32 @!p0 v2, v1  }
0xee: {  	[tilespmem:s3+$0xE0] =	vst.msk @!p0 $0x1, v1  }
0xef: {  	[tilespmem:s2+$0xC0] =	vst.msk $0x1, v0  }
0xf0: {  	v0 =	vld.msk [tilespmem:s3+$0xE0], $0x1;
	_ =	sdelay $0x4  }
0xf1: {  	[tilespmem:s2+$0xE0] =	vst.msk $0x1, v0;
	s2 =	sadd.s32 $0x1, s2  }
.LBB2_19:
0xf2: {  	s3 =	sadd.s32 $0x1, s3  }
0xf3: {  	p0 =	sne.s32 s3, $0x20  }
.Ltmp8:
0xf4: {  	_ = 	snop;
	(pc) =	sbr.rel @!p0 .LBB2_20-.Ltmp8, $1  }
0xf5: {  	_ =	sdelay $0x3  }
.LBB2_12:
0xf6: {  	v0 =	vld.msk [tilespmem:s3+$0xC0], $0x1;
	_ =	sdelay $0x4  }
0xf7: {  	(v2sf) =	vpush v0, $0x0;
	_ =	sdelay $0xe  }
0xf8: {  	s4 =	spop (v2sf)  }
0xf9: {  	p0 =	seq.s32 s4, $0xFFFFFFFF  }
.Ltmp9:
0xfa: {  	_ = 	snop;
	(pc) =	sbr.rel @p0 .LBB2_19-.Ltmp9, $1  }
0xfb: {  	_ =	sdelay $0x3  }
0xfc: {  	p0 =	slt.s32 s2, $0x1  }
.Ltmp10:
0xfd: {  	_ = 	snop;
	(pc) =	sbr.rel @p0 .LBB2_17-.Ltmp10, $1  }
0xfe: {  	_ =	sdelay $0x3  }
0xff: {  	s0 =	simm.s32 $0xC0;
	p0 =	por $0x0, $0x0  }
0x100: {  	v1 =	vld.msk @!p0 [tilespmem:s0+$0x0], $0x1;
	_ =	sdelay $0x4  }
0x101: {  	(v2sf) =	vpush @!p0 v1, $0x0;
	_ =	sdelay $0xd  }
0x102: {  	p2 =	sne.s32 s2, $0x1  }
.Ltmp11:
0x103: {  	s5 =	spop @!p0 (v2sf);
	(pc) =	sbr.rel @!p2 .LBB2_16-.Ltmp11, $4  }
0x104: {  	p1 =	seq.s32 @!p0 s4, s5  }
0x105: {  	s5 =	simm.s32 $0x0;
	p1 =	por !p1, p0  }
0x106: {  	s7 =	simm.s32 $0xFFFFFFFF;
	s5 =	simm.s32 @p1 $0xFFFFFFFF  }
0x107: {  	s6 =	simm.s32 $0x1;
	s5 =	smov.u32 @p0 s7  }
.LBB2_15:
0x108: {  	s7 =	smov.u32 s5;
	p0 =	sne.s32 s5, $0xFFFFFFFF  }
0x109: {  	s0 =	sadd.s32 $0x1, s0;
	s5 =	smov.u32 s6;
	s6 =	sadd.s32 $0x1, s6  }
0x10a: {  	p1 =	sne.s32 s2, s6;
	v1 =	vld.msk @!p0 [tilespmem:s0+$0x0], $0x1;
	_ =	sdelay $0x4  }
0x10b: {  	(v2sf) =	vpush @!p0 v1, $0x0;
	_ =	sdelay $0xe  }
.Ltmp12:
0x10c: {  	s8 =	spop @!p0 (v2sf);
	(pc) =	sbr.rel @p1 .LBB2_15-.Ltmp12, $4  }
0x10d: {  	p2 =	seq.s32 @!p0 s4, s8  }
0x10e: {  	p2 =	por !p2, p0  }
0x10f: {  	s5 =	simm.s32 @p2 $0xFFFFFFFF  }
0x110: {  	s5 =	smov.u32 @p0 s7  }
.LBB2_16:
0x111: {  	p0 =	sne.s32 s5, $0xFFFFFFFF  }
.Ltmp13:
0x112: {  	_ = 	snop;
	(pc) =	sbr.rel @!p0 .LBB2_17-.Ltmp13, $1  }
0x113: {  	_ =	sdelay $0x3  }
0x114: {  	v0 =	vld.msk [tilespmem:s3+$0xE0], $0x1  }
0x115: {  	v1 =	vld.msk [tilespmem:s5+$0xE0], $0x1;
	_ =	sdelay $0x1  }
.Ltmp14:
0x116: {  	_ = 	snop;
	(pc) =	sbr.rel .LBB2_19-.Ltmp14, $3  }
0x117: {  	_ =	sdelay $0x1  }
0x118: {  	v0 =	vmax.f32 v1, v0  }
0x119: {  	[tilespmem:s5+$0xE0] =	vst.msk $0x1, v0  }
.LBB2_20:
0x11a: {  	p0 =	slt.s32 s2, $0x1  }
.Ltmp15:
0x11b: {  	_ = 	snop;
	(pc) =	sbr.rel @p0 .LBB2_24-.Ltmp15, $3  }
0x11c: {  	_ =	sdelay $0x1  }
0x11d: {  	s0 =	simm.s32 $0x6  }
0x11e: {  	s3 =	simm.s32 $0x0;
	[sflag:s0] =	ssyncpa.u1 $0x1  }
0x11f: {  	s0 =	simm.s32 $0xC0  }
0x120: {  	v0 =	vld.msk [tilespmem:s0+$0x0], $0x1;
	_ =	sdelay $0x4  }
0x121: {  	(v2sf) =	vpush v0, $0x0;
	_ =	sdelay $0xe  }
0x122: {  	s2 =	sadd.s32 $0xFFFFFFFF, s2;
	s4 =	spop (v2sf)  }
0x123: {  	p1 =	sne.s32 s2, $0x0;
	p0 =	sgt.u32 s4, $0x27FF  }
.Ltmp16:
0x124: {  	s5 =	sshrl.u32 @!p0 s4, $0x3;
	(pc) =	sbr.rel @!p1 .LBB2_23-.Ltmp16, $4  }
0x125: {  	s0 =	simm.s32 $0xE0;
	s4 =	sand.u32 @!p0 $0x7, s4;
	s5 =	sadd.s32 @!p0 s1, s5  }
0x126: {  	[hbm4b:s5+s4] =	stream.linear.scatter @!p0 [tilespmem:s0], [sflag:$0x5], $0x1, $0x38;
	[tilespmem:$0xF030] =	vst v63  }
0x127: {  	s5 =	simm.s32 $0x0  }
0x128: {  	s4 =	simm.s32 $0xC1;
	s5 =	simm.s32 @!p0 $0x4  }
.LBB2_22:
0x129: {  	v0 =	vld.msk [tilespmem:s4+$0x0], $0x1;
	s2 =	sadd.s32 $0xFFFFFFFF, s2;
	s3 =	sadd.s32 s3, s5  }
0x12a: {  	p0 =	sne.s32 s2, $0x0;
	_ =	sdelay $0x3  }
0x12b: {  	(v2sf) =	vpush v0, $0x0;
	_ =	sdelay $0xe  }
.Ltmp17:
0x12c: {  	s6 =	spop (v2sf);
	(pc) =	sbr.rel @p0 .LBB2_22-.Ltmp17, $4  }
0x12d: {  	s5 =	simm.s32 $0x0;
	p1 =	sgt.u32 s6, $0x27FF  }
0x12e: {  	s0 =	sadd.s32 $0x1, s0;
	s5 =	simm.s32 @!p1 $0x4;
	s7 =	sshrl.u32 @!p1 s6, $0x3  }
0x12f: {  	s4 =	sadd.s32 $0x1, s4;
	s6 =	sand.u32 @!p1 $0x7, s6;
	s7 =	sadd.s32 @!p1 s1, s7  }
0x130: {  	[hbm4b:s7+s6] =	stream.linear.scatter @!p1 [tilespmem:s0], [sflag:$0x5], $0x1, $0x38;
	[tilespmem:$0xF030] =	vst v63  }
.LBB2_23:
0x131: {  	s0 =	sadd.s32 s3, s5  }
0x132: {  	s3 =	sshrl.u32 s0, $0x2  }
.LBB2_24:
0x133: {  	s0 =	simm.s32 $0x5  }
0x134: {  	_ =	swait.ge [sflag:s0], s3  }
0x135: {  	s1 =	ssub.s32 $0x0, s3;
	[sflag:s0] =	ssyncset.done $0x0  }
0x136: {  	[sflag:s0] =	ssyncadd.s32 s1  }
0x137: {  	[sflag:s0] =	ssyncpa.u1 $0x1  }
0x138: {  	s29 =	simm.s32 $0x1;
	_ =	sfence  }
0x139: {  	s30 =	simm.s32 $0x2;
	[sflag:s29] =	ssyncpa.u1 $0x1  }
0x13a: {  	[sflag:s30] =	ssyncpa.u1 $0x1  }
0x13b: {  	_ =	strace $0x9000004A  }
0x13c: {  	[bflag:$0x2] =	sbarrier.arrive $0xFFFF  }
0x13d: {  	s31 =	rddreg [dreg:$0x2]  }
0x13e: {  	s0 =	sadd.s32 $0x100000, s31  }
0x13f: {  	[sflag:s0] =	ssyncadd.tile.s32 $0x1;
	_ =	shalt  }
.Lfunc_end2:
_tile_overlayer_lowered:
.L_overlay_start_2:
0x140: {  	(tag) =	ssettag $0x2  }
0x141: {  	s0 =	rddreg [dreg:$0x0];
	s2 =	stileid.u32  }
0x142: {  	s1 =	rddreg [dreg:$0x1];
	p0 =	sne.s32 s2, $0x0  }
0x143: {  	s3 =	rddreg [dreg:$0x2];
	[bflag:$0x3] =	sbarrier.arrive $0xFFFF;
	s2 =	simm.s32 @!p0 $0x1C01  }
0x144: {  	[timem:s3], [sflag:s2] =	dma.local @!p0 [hbm:s0], s1  }
0x145: {  	s0 =	simm.s32 @!p0 $0x1  }
0x146: {  	_ =	swait.ge @!p0 [sflag:s0], s1  }
0x147: {  	s1 =	ssub.s32 @!p0 $0x0, s1;
	[sflag:s0] =	ssyncset.done @!p0 $0x0  }
0x148: {  	[sflag:s0] =	ssyncadd.s32 @!p0 s1  }
0x149: {  	[bflag:$0x3] =	sbarrier.arrive $0xFFFF  }
0x14a: {  	_ =	shalt  }

// kernel: scatter_offload_async_start.2
scs
__scs_entry_jumppad:
0x0: {  	(pc) =	sbr.rel $0x88, $3  }
0x1: {  	(tag) =	ssettag $0x0;
	lr =	simm.s32 $0x1  }
0x2: {  	[smem:$0x3F94] =	sst lr;
	_ =	strace $0xD0000000  }
0x3: {  	_ = 	snop  }
0x4: {  	_ = 	snop  }
0x5: {  	_ = 	snop  }
0x6: {  	_ = 	snop  }
0x7: {  	_ = 	snop  }
__scs_overlays_trampoline_lowered:
0x8: {  	[smem:$0x3FA3] =	sst s0  }
0x9: {  	[smem:$0x3FA4] =	sst s1  }
0xa: {  	[smem:$0x3FA5] =	sst s2  }
0xb: {  	[smem:$0x3FA6] =	sst s3  }
0xc: {  	[smem:$0x3FA7] =	sst s4  }
0xd: {  	[smem:$0x3FA8] =	sst s5  }
0xe: {  	[smem:$0x3FA9] =	sst s6  }
0xf: {  	[smem:$0x3FAA] =	sst s7  }
0x10: {  	[smem:$0x3FAB] =	sst s8  }
0x11: {  	[smem:$0x3FAC] =	sst s9;
	s0 =	simm.s32 @!p0 $0x0  }
0x12: {  	s1 =	sld [smem:$0x3F92];
	s0 =	simm.s32 @p0 $0x1  }
0x13: {  	[smem:$0x3FAD] =	sst s0;
	s0 =	simm.s32 @!p1 $0x0  }
0x14: {  	s2 =	sld [smem:$0x3F91];
	s0 =	simm.s32 @p1 $0x1  }
0x15: {  	[smem:$0x3FAE] =	sst s0;
	s0 =	simm.s32 @!p2 $0x0  }
0x16: {  	s3 =	sld [smem:$0x3FDB];
	s0 =	simm.s32 @p2 $0x1  }
0x17: {  	s4 =	simm.s32 $0x1BF5;
	[smem:$0x3FB0] =	sst s0  }
0x18: {  	s0 =	sld [smem:$0x3F93];
	_ =	swait.ge [sflag:s4], $0x0  }
0x19: {  	s7 =	sld [smem:$0x3F94]  }
0x1a: {  	s8 =	sadd.s32 $0xFFFFE003, lr  }
0x1b: {  	s9 =	sadd.s32 $0xFFFFFEF7, lr;
	s5 =	simm.s32 $0xFFFFFFFF;
	p2 =	slt.u32 s8, $0xFFFFF086  }
0x1c: {  	p1 =	slt.u32 s9, $0xF7A;
	s5 =	simm.s32 @!p2 $0x0  }
0x1d: {  	s5 =	simm.s32 @p1 $0x1;
	p0 =	seq.s32 s7, s2  }
0x1e: {  	s7 =	smul.u32 @!p0 $0xF7A, s2;
	p2 =	seq.s32 @!p0 s5, $0x0  }
0x1f: {  	s9 =	smul.u32 $0xF7A, s1;
	s8 =	simm.s32 @!p0 $0x1BF5;
	p2 =	por !p2, p0  }
0x20: {  	[sflag:s8] =	ssyncset.s32 @!p0 $0xFFFFF086;
	s6 =	sadd.s32 @!p0 s3, s7;
	s7 =	simm.s32 @!p0 $0x108  }
0x21: {  	s3 =	sadd.s32 s3, s9;
	s6 =	sadd.s32 @!p0 $0x88, s6;
	s7 =	simm.s32 @p2 $0x1082  }
0x22: {  	[simem:s7], [sflag:s8] =	dma.local @!p0 [hbm:s6], $0xF7A  }
0x23: {  	s9 =	sor.u32 $0xD0000000, s2;
	s6 =	simm.s32 $0x108;
	_ =	swait.ge @!p0 [sflag:s8], $0x0  }
0x24: {  	s3 =	sadd.s32 $0x88, s3;
	s6 =	simm.s32 @!p1 $0x1082;
	[sflag:s4] =	ssyncset.s32 $0xFFFFF086  }
0x25: {  	[simem:s6], [sflag:s4] =	dma.local [hbm:s3], $0xF7A  }
0x26: {  	[smem:$0x3F94] =	sst s1;
	(tag) =	ssettag s2;
	_ =	strace s9  }
0x27: {  	s1 =	sld [smem:$0x3FA4]  }
0x28: {  	s2 =	sld [smem:$0x3FA5]  }
0x29: {  	s4 =	sld [smem:$0x3FA7]  }
0x2a: {  	p0 =	seq.s32 s5, $0x0;
	s5 =	sld [smem:$0x3FA8]  }
0x2b: {  	s6 =	sld [smem:$0x3FA9]  }
0x2c: {  	s7 =	sld [smem:$0x3FAA]  }
0x2d: {  	s3 =	simm.s32 $0x108;
	s8 =	sld [smem:$0x3FAB]  }
0x2e: {  	s3 =	simm.s32 @!p0 $0x1082;
	s9 =	sld [smem:$0x3FAC]  }
0x2f: {  	lr =	sadd.s32 s0, s3;
	s0 =	sld [smem:$0x3FA3]  }
0x30: {  	s3 =	sld [smem:$0x3FA6]  }
0x31: {  	[smem:$0x3FAF] =	sst s10  }
0x32: {  	s10 =	sld [smem:$0x3FAD];
	_ =	sdelay $0x3  }
0x33: {  	p0 =	seq.s32 s10, $0x1;
	s10 =	sld [smem:$0x3FAF];
	_ =	sdelay $0x3  }
0x34: {  	[smem:$0x3FAF] =	sst s10  }
0x35: {  	s10 =	sld [smem:$0x3FAE];
	_ =	sdelay $0x3  }
0x36: {  	p1 =	seq.s32 s10, $0x1;
	s10 =	sld [smem:$0x3FAF];
	_ =	sdelay $0x3  }
0x37: {  	[smem:$0x3FAF] =	sst s10  }
0x38: {  	s10 =	sld [smem:$0x3FB0]  }
0x39: {  	_ = 	snop;
	(pc) =	sbr.ind lr, $3  }
0x3a: {  	_ = 	snop  }
0x3b: {  	_ = 	snop  }
0x3c: {  	p2 =	seq.s32 s10, $0x1;
	s10 =	sld [smem:$0x3FAF]  }
0x3d: {  	_ =	shalt  }
0x3e: {  	_ =	shalt  }
0x3f: {  	_ =	shalt  }
0x40: {  	_ =	shalt  }
0x41: {  	_ =	shalt  }
0x42: {  	_ =	shalt  }
0x43: {  	_ =	shalt  }
0x44: {  	_ =	shalt  }
0x45: {  	_ =	shalt  }
0x46: {  	_ =	shalt  }
0x47: {  	_ =	shalt  }
0x48: {  	_ =	shalt  }
0x49: {  	_ =	shalt  }
0x4a: {  	_ =	shalt  }
0x4b: {  	_ =	shalt  }
0x4c: {  	_ =	shalt  }
0x4d: {  	_ =	shalt  }
0x4e: {  	_ =	shalt  }
0x4f: {  	_ =	shalt  }
0x50: {  	_ =	shalt  }
0x51: {  	_ =	shalt  }
0x52: {  	_ =	shalt  }
0x53: {  	_ =	shalt  }
0x54: {  	_ =	shalt  }
0x55: {  	_ =	shalt  }
0x56: {  	_ =	shalt  }
0x57: {  	_ =	shalt  }
0x58: {  	_ =	shalt  }
0x59: {  	_ =	shalt  }
0x5a: {  	_ =	shalt  }
0x5b: {  	_ =	shalt  }
0x5c: {  	_ =	shalt  }
0x5d: {  	_ =	shalt  }
0x5e: {  	_ =	shalt  }
0x5f: {  	_ =	shalt  }
0x60: {  	_ =	shalt  }
0x61: {  	_ =	shalt  }
0x62: {  	_ =	shalt  }
0x63: {  	_ =	shalt  }
0x64: {  	_ =	shalt  }
0x65: {  	_ =	shalt  }
0x66: {  	_ =	shalt  }
0x67: {  	_ =	shalt  }
0x68: {  	_ =	shalt  }
0x69: {  	_ =	shalt  }
0x6a: {  	_ =	shalt  }
0x6b: {  	_ =	shalt  }
0x6c: {  	_ =	shalt  }
0x6d: {  	_ =	shalt  }
0x6e: {  	_ =	shalt  }
0x6f: {  	_ =	shalt  }
0x70: {  	_ =	shalt  }
0x71: {  	_ =	shalt  }
0x72: {  	_ =	shalt  }
0x73: {  	_ =	shalt  }
0x74: {  	_ =	shalt  }
0x75: {  	_ =	shalt  }
0x76: {  	_ =	shalt  }
0x77: {  	_ =	shalt  }
0x78: {  	_ =	shalt  }
0x79: {  	_ =	shalt  }
0x7a: {  	_ =	shalt  }
0x7b: {  	_ =	shalt  }
0x7c: {  	_ =	shalt  }
0x7d: {  	_ =	shalt  }
0x7e: {  	_ =	shalt  }
0x7f: {  	_ =	shalt  }
0x80: {  	_ =	shalt  }
0x81: {  	_ =	shalt  }
0x82: {  	_ =	shalt  }
0x83: {  	_ =	shalt  }
0x84: {  	_ =	shalt  }
0x85: {  	_ =	shalt  }
0x86: {  	_ =	shalt  }
0x87: {  	_ =	shalt  }
.Lfunc_end0:
.L_simem_size_0:
called_computation.2_lowered:
.L_overlay_start_0:
0x88: {  	s0 =	sld [smem:$0x3FD9]  }
0x89: {  	s1 =	sld [smem:$0x3FFE];
	_ =	sdelay $0x3  }
0x8a: {  	s0 =	sadd.s32 s1, s0  }
0x8b: {  	[smem:$0x3FBB] =	sst s0  }
0x8c: {  	_ = 	snop  }
0x8d: {  	s0 =	sld [smem:$0x3FD0];
	_ =	sdelay $0x2  }
0x8e: {  	s12 =	simm.s32 $0xD;
	s2 =	simm.s32 $0x10  }
0x8f: {  	[smem:s2], [sflag:s12] =	dma.local [hbm:s0], $0x1  }
0x90: {  	_ =	swait.eq [sflag:s12], $0x1  }
0x91: {  	[sflag:s12] =	ssyncset.done $0x0  }
0x92: {  	[sflag:s12] =	ssyncadd.s32 $0xFFFFFFFF  }
0x93: {  	s13 =	sld [smem:$0x10];
	(tm) =	ssettm $0x1  }
0x94: {  	s14 =	sld [smem:$0x3FFB];
	_ =	sdelay $0x3  }
0x95: {  	_ =	strace s14  }
0x96: {  	s0 =	sld [smem:$0x3FFC];
	_ =	sdelay $0x3  }
0x97: {  	_ =	strace s0  }
0x98: {  	s0 =	sld [smem:$0x3FFD];
	_ =	sdelay $0x3  }
0x99: {  	_ =	strace s0  }
0x9a: {  	_ =	strace $0x8FFFFFFF  }
0x9b: {  	s15 =	sld [smem:$0x3FDB];
	_ =	sdelay $0x1  }
0x9c: {  	s16 =	simm.s32 $_scs_section_size  }
0x9d: {  	s3 =	simm.s32 $_size__tile_overlayer_lowered;
	s4 =	simm.s32 $_tile_overlayer_lowered  }
0x9e: {  	s5 =	simm.s32 $0x1BFF;
	s17 =	sshll.u32 s4, $0x1;
	s2 =	sadd.s32 s16, s15  }
0x9f: {  	s18 =	simm.s32 $0x0;
	s3 =	sshll.u32 s3, $0x1;
	s4 =	sadd.s32 s17, s2  }
0xa0: {  	[timem:s18], [sflag:s5] =	dma.local [hbm:s4], s3  }
0xa1: {  	_ =	swait.ge [sflag:s5], s3  }
0xa2: {  	s3 =	ssub.s32 $0x0, s3;
	[sflag:s5] =	ssyncset.done $0x0  }
0xa3: {  	[sflag:s5] =	ssyncadd.s32 s3;
	_ =	sdelay $0x1  }
0xa4: {  	s19 =	simm.s32 $0x1B8B  }
0xa5: {  	_ =	swait.ge [sflag:s19], $0x1  }
0xa6: {  	[sflag:s19] =	ssyncset.done $0x0  }
0xa7: {  	s21 =	simm.s32 $0x1B8E;
	s20 =	sld [smem:$0x3FFE];
	[sflag:s19] =	ssyncadd.s32 $0xFFFFFFFF  }
0xa8: {  	s22 =	simm.s32 $execute0_lowered;
	[smem:$0x3FD2] =	sst s21  }
0xa9: {  	s4 =	sshll.u32 s22, $0x1;
	_ =	strace $0x8000004C;
	[dreg:$0x1] =	wrdreg $0xFFFFFFFF  }
0xaa: {  	s23 =	simm.s32 $_size_execute0_lowered;
	s4 =	sadd.s32 s2, s4;
	[dreg:$0x0] =	wrdreg $0x0  }
0xab: {  	s5 =	sshll.u32 s23, $0x1;
	[dreg:$0x2] =	wrdreg s4  }
0xac: {  	[dreg:$0x3] =	wrdreg s5  }
0xad: {  	[dreg:$0x4] =	wrdreg $0xC0  }
0xae: {  	s24 =	simm.s32 $execute1_lowered;
	_ =	task [dreg:s18], $0x5FFFF  }
0xaf: {  	s4 =	sshll.u32 s24, $0x1;
	[dreg:$0x1] =	wrdreg $0xFFFFFFFF  }
0xb0: {  	s2 =	sadd.s32 s2, s4;
	[dreg:$0x0] =	wrdreg $0x60  }
0xb1: {  	[dreg:$0x2] =	wrdreg s2  }
0xb2: {  	[dreg:$0x3] =	wrdreg s13  }
0xb3: {  	[dreg:$0x4] =	wrdreg s20  }
0xb4: {  	[dreg:$0x5] =	wrdreg $0x9  }
0xb5: {  	_ =	task.clear_ibuf [dreg:s18], $0x6FFFF;
	_ =	strace $0x9000004C  }
0xb6: {  	s25 =	simm.s32 $0x9;
	_ =	strace $0x8000004E  }
0xb7: {  	_ =	swait.ge [sflag:s25], $0x1  }
0xb8: {  	[sflag:s25] =	ssyncadd.s32 $0xFFFFFFFF  }
0xb9: {  	_ =	strace $0x9000004E  }
0xba: {  	_ =	strace $0x8000004F;
	[dreg:$0x1] =	wrdreg $0xFFFFFFFF  }
0xbb: {  	[dreg:$0x0] =	wrdreg $0x2030  }
0xbc: {  	[dreg:$0x2] =	wrdreg s20  }
0xbd: {  	[dreg:$0x3] =	wrdreg $0xA  }
0xbe: {  	_ =	task.clear_ibuf [dreg:s18], $0x4FFFF;
	_ =	strace $0x9000004F  }
0xbf: {  	s26 =	simm.s32 $0xA;
	_ =	strace $0x80000051  }
0xc0: {  	_ =	swait.ge [sflag:s26], $0x1  }
0xc1: {  	[sflag:s26] =	ssyncadd.s32 $0xFFFFFFFF  }
0xc2: {  	_ =	strace $0x90000051  }
0xc3: {  	_ =	sfence  }
0xc4: {  	s28 =	sld [smem:$0x0];
	_ =	sdelay $0x1  }
0xc5: {  	s29 =	srdreg.scid  }
0xc6: {  	s30 =	sshll.u32 s29, $0xD;
	s31 =	sshrl.u32 s29, $0x2  }
0xc7: {  	s3 =	sand.u32 $0x4000, s30;
	s2 =	sand.u32 $0x1, s29;
	s1 =	sadd.s32 s31, s28  }
0xc8: {  	s2 =	sor.u32 s3, s2;
	s1 =	sshll.u32 s1, $0x11  }
0xc9: {  	s1 =	sor.u32 s1, s2  }
0xca: {  	s1 =	sadd.s32 $0x8F2B, s1  }
0xcb: {  	[sflag:s1] =	ssyncadd.remote.s32 $0x1  }
0xcc: {  	_ =	sfence.sel $0xFFFF  }
0xcd: {  	[dreg:$0x0] =	wrdreg $0xFFFFFFFF;
	(pc) =	sbr.abs _section_cstart, $3  }
0xce: {  	[dreg:$0x1] =	wrdreg $0xFFFFFFFF  }
0xcf: {  	_ =	task.clear_ibuf [dreg:s18], $0x2FFFF;
	_ =	strace $0x9FFFFFFF  }
0xd0: {  	(tm) =	ssettm $0x7FFFFFFF  }
0xd1: {  	_ =	shalt  }
tec
execute0_lowered:
.L_overlay_start_1:
0x0: {  	(tag) =	ssettag $0x1  }
0x1: {  	s2 =	rddreg [dreg:$0x0]  }
0x2: {  	s5 =	rddreg [dreg:$0x1]  }
0x3: {  	s4 =	rddreg [dreg:$0x2]  }
0x4: {  	s0 =	rddreg [dreg:$0x3];
	s3 =	stileid.u32  }
0x5: {  	[bflag:$0x3] =	sbarrier.arrive $0xFFFF;
	s1 =	simm.s32 $_size_execute1_lowered;
	p0 =	sne.s32 s3, $0x0  }
0x6: {  	s1 =	sshll.u32 s1, $0x1;
	s6 =	simm.s32 @!p0 $0x1C3F;
	s7 =	simm.s32 @!p0 $0x4060  }
0x7: {  	[timem:s7], [sflag:s6] =	dma.local @!p0 [hbm:s2], s1  }
.Ltmp0:
0x8: {  	s30 =	simm.s32 $0x2;
	s8 =	simm.s32 $0x780;
	(pc) =	sbr.rel .LBB2_1-.Ltmp0, $4  }
0x9: {  	s10 =	simm.s32 $0x0;
	s9 =	simm.s32 $0x0;
	s2 =	smul.u32 $0x280, s3  }
0xa: {  	s4 =	sadd.s32 $0x2C7600, s4;
	s3 =	simm.s32 $0x1;
	_ =	strace $0x8000004D  }
0xb: {  	s6 =	simm.s32 $0x0;
	[sflag:s3] =	ssyncpa.u1 $0x0;
	s31 =	sshrl.u32 s2, $0x3  }
0xc: {  	s7 =	simm.s32 $0x280;
	[sflag:s30] =	ssyncpa.u1 $0x0;
	s5 =	sadd.s32 s31, s5  }
.LBB2_8:
0xd: {  	p1 =	seq.s32 s9, $0x2  }
.Ltmp1:
0xe: {  	_ = 	snop;
	(pc) =	sbr.rel @p1 .LBB2_10-.Ltmp1, $1  }
0xf: {  	_ =	sdelay $0x3  }
.LBB2_9:
0x10: {  	s9 =	sadd.s32 $0x1, s9;
	s10 =	smov.u32 s2  }
.LBB2_1:
0x11: {  	p1 =	sne.s32 s9, $0x0  }
.Ltmp2:
0x12: {  	_ = 	snop;
	(pc) =	sbr.rel @!p1 .LBB2_2-.Ltmp2, $1  }
0x13: {  	_ =	sdelay $0x3  }
0x14: {  	s11 =	sand.u32 $0x1, s9  }
0x15: {  	p1 =	seq.s32 s11, $0x0  }
.Ltmp3:
0x16: {  	_ = 	snop;
	(pc) =	sbr.rel @p1 .LBB2_8-.Ltmp3, $1  }
0x17: {  	_ =	sdelay $0x3  }
0x18: {  	_ =	swait.ge [sflag:s3], $0x280  }
0x19: {  	[sflag:s3] =	ssyncset.done $0x0  }
0x1a: {  	s11 =	simm.s32 $0x0;
	p1 =	por $0x1, $0x1;
	[sflag:s3] =	ssyncadd.s32 $0xFFFFFD80  }
.LBB2_5:
0x1b: {  	v0 =	vld [tilespmem:s11+$0x280]  }
0x1c: {  	v1 =	vld [tilespmem:s11+$0x290]  }
0x1d: {  	v2 =	vld [tilespmem:s11+$0x2A0]  }
0x1e: {  	v3 =	vld [tilespmem:s11+$0x2B0]  }
0x1f: {  	v4 =	vld [tilespmem:s11+$0x2C0]  }
0x20: {  	v53 =	vld [tilespmem:s11+$0x2D0];
	[tilespmem:s11+$0x780] =	vst v0  }
0x21: {  	v54 =	vld [tilespmem:s11+$0x2E0];
	[tilespmem:s11+$0x790] =	vst v1  }
0x22: {  	v55 =	vld [tilespmem:s11+$0x2F0];
	[tilespmem:s11+$0x7A0] =	vst v2  }
0x23: {  	v56 =	vld [tilespmem:s11+$0x300];
	[tilespmem:s11+$0x7B0] =	vst v3  }
0x24: {  	v57 =	vld [tilespmem:s11+$0x310];
	[tilespmem:s11+$0x7C0] =	vst v4  }
0x25: {  	v58 =	vld [tilespmem:s11+$0x320];
	[tilespmem:s11+$0x7D0] =	vst v53  }
0x26: {  	v59 =	vld [tilespmem:s11+$0x330];
	[tilespmem:s11+$0x7E0] =	vst v54  }
0x27: {  	v60 =	vld [tilespmem:s11+$0x340];
	[tilespmem:s11+$0x7F0] =	vst v55  }
0x28: {  	v61 =	vld [tilespmem:s11+$0x350];
	[tilespmem:s11+$0x800] =	vst v56  }
0x29: {  	v62 =	vld [tilespmem:s11+$0x360];
	[tilespmem:s11+$0x810] =	vst v57  }
0x2a: {  	v63 =	vld [tilespmem:s11+$0x370];
	p2 =	por p1, p1;
	[tilespmem:s11+$0x820] =	vst v58  }
.Ltmp4:
0x2b: {  	[tilespmem:s11+$0x830] =	vst v59;
	(pc) =	sbr.rel @p2 .LBB2_5-.Ltmp4, $4  }
0x2c: {  	[tilespmem:s11+$0x840] =	vst v60  }
0x2d: {  	[tilespmem:s11+$0x850] =	vst v61  }
0x2e: {  	s12 =	simm.s32 $0x1F0;
	s13 =	simm.s32 $0x980;
	[tilespmem:s11+$0x860] =	vst v62  }
0x2f: {  	s14 =	simm.s32 $0x480;
	p1 =	por $0x0, $0x0;
	[tilespmem:s11+$0x870] =	vst v63;
	s11 =	simm.s32 $0x100  }
.LBB2_6:
0x30: {  	s12 =	sadd.s32 $0x10, s12  }
0x31: {  	v0 =	vld [tilespmem:s14+$0x0];
	p1 =	slt.u32 s12, $0x270  }
.Ltmp5:
0x32: {  	_ = 	snop;
	(pc) =	sbr.rel @p1 .LBB2_6-.Ltmp5, $2  }
0x33: {  	_ =	sdelay $0x2  }
0x34: {  	s14 =	sadd.s32 $0x10, s14;
	[tilespmem:s13+$0x0] =	vst v0;
	s13 =	sadd.s32 $0x10, s13  }
.Ltmp6:
0x35: {  	(pc) =	sbr.rel .LBB2_8-.Ltmp6, $4  }
0x36: {  	_ = 	snop  }
0x37: {  	s10 =	sshrl.u32 s10, $0x3  }
0x38: {  	s10 =	sadd.s32 s4, s10  }
0x39: {  	[hbm4b:s10+s6] =	stream.linear.scatter [tilespmem:s8], [sflag:$0x2], $0x280, $0x38;
	[tilespmem:$0xA00] =	vst v63  }
.LBB2_2:
.Ltmp7:
0x3a: {  	(pc) =	sbr.rel .LBB2_9-.Ltmp7, $2  }
0x3b: {  	_ =	sdelay $0x2  }
0x3c: {  	[tilespmem:s7], [sflag:$0x1] =	stream.linear.gather [hbm4b:s5+s6], $0x280, $0x38;
	[tilespmem:$0xA00] =	vst v63  }
.LBB2_10:
0x3d: {  	s2 =	simm.s32 $0x2  }
0x3e: {  	_ =	swait.ge [sflag:s2], $0x280  }
0x3f: {  	[sflag:s2] =	ssyncset.done $0x0  }
0x40: {  	[sflag:s2] =	ssyncadd.s32 $0xFFFFFD80  }
0x41: {  	_ =	sfence.sel $0x180000  }
0x42: {  	s3 =	simm.s32 $0x1;
	[bflag:$0x0] =	sbarrier.arrive $0xFFFF  }
0x43: {  	[sflag:s3] =	ssyncpa.u1 $0x1  }
0x44: {  	[sflag:s2] =	ssyncpa.u1 $0x1  }
0x45: {  	_ =	strace $0x9000004D  }
0x46: {  	s0 =	sadd.s32 @!p0 $0x100000, s0;
	[bflag:$0x2] =	sbarrier.arrive $0xFFFF  }
0x47: {  	[sflag:s0] =	ssyncadd.tile.s32 @!p0 $0x1;
	s0 =	simm.s32 @!p0 $0x3F  }
0x48: {  	_ =	swait.ge @!p0 [sflag:s0], s1  }
0x49: {  	s1 =	ssub.s32 @!p0 $0x0, s1;
	[sflag:s0] =	ssyncset.done @!p0 $0x0  }
0x4a: {  	[sflag:s0] =	ssyncadd.s32 @!p0 s1  }
0x4b: {  	[bflag:$0x3] =	sbarrier.arrive $0xFFFF  }
0x4c: {  	_ =	shalt  }
.Lfunc_end2:
execute1_lowered:
.L_overlay_start_2:
0x4d: {  	(tag) =	ssettag $0x2  }
0x4e: {  	s0 =	rddreg [dreg:$0x0]  }
0x4f: {  	s6 =	stileid.u32;
	_ =	strace $0x80000050;
	s2 =	simm.s32 $0x1  }
0x50: {  	v1 =	vimm.s32 $0xFFFFFFFF;
	s1 =	smin.u32 s6, $0x9;
	[sflag:s2] =	ssyncpa.u1 $0x0  }
0x51: {  	s1 =	sadd.s32 s6, s1;
	[tilespmem:$0x10] =	vst v1  }
0x52: {  	v0 =	vimm.f32 $0.0e+00;
	p0 =	slt.u32 s6, $0x9;
	[tilespmem:$0x20] =	vst v1;
	s3 =	smul.u32 $0x1A90, s1;
	s1 =	simm.s32 $0x3520  }
0x53: {  	[tilespmem:$0x30] =	vst v0;
	s1 =	simm.s32 @!p0 $0x1A90  }
0x54: {  	[tilespmem:$0x40] =	vst v0;
	s1 =	sadd.s32 s1, s3  }
0x55: {  	[tilespmem:$0x50] =	vst v0;
	s4 =	smin.u32 s1, $0x29810  }
0x56: {  	s7 =	simm.s32 $0x2;
	[tilespmem:$0x60] =	vst v1;
	s9 =	ssub.s32 s4, s3  }
0x57: {  	s8 =	simm.s32 $0x8;
	s31 =	simm.s32 $0x9;
	[tilespmem:$0x70] =	vst v1;
	p0 =	sgt.s32 s9, $0x0  }
0x58: {  	s16 =	simm.s32 $0x0;
	s17 =	simm.s32 $0xF0;
	[tilespmem:$0x80] =	vst v1;
	s9 =	simm.s32 @!p0 $0x0  }
0x59: {  	s18 =	simm.s32 $0xFFFFFFFF;
	s19 =	simm.s32 $0xFFFFCBE0;
	v1 =	vimm.s32 $0x0;
	[tilespmem:$0xB0] =	vst v0;
	s5 =	smulhi.u32 $0x134679AD, s9  }
0x5a: {  	s20 =	simm.s32 $0xFFFFFFFE;
	s21 =	simm.s32 $0xF;
	s25 =	simm.s32 $0x0;
	[tilespmem:$0x90] =	vst v1  }
0x5b: {  	[tilespmem:$0xA0] =	vst v1;
	[sflag:s7] =	ssyncpa.u1 $0x0;
	s7 =	simm.s32 $0x7;
	s10 =	sshrl.u32 s5, $0x9  }
0x5c: {  	s24 =	simm.s32 $0x0;
	[sflag:s7] =	ssyncpa.u1 $0x0;
	s11 =	smul.u32 $0x1A90, s10  }
0x5d: {  	s14 =	sshllo.u32 s6, $0x1;
	[sflag:s8] =	ssyncpa.u1 $0x0;
	s23 =	smov.u32 s3  }
.Ltmp8:
0x5e: {  	s1 =	sadd.s32 $0x2C7600, s0;
	p0 =	sne.s32 s9, s11;
	(pc) =	sbr.rel .LBB3_1-.Ltmp8, $4  }
0x5f: {  	s5 =	sadd.s32 $0x2BCE00, s0;
	s0 =	sadd.s32 $0x2C2200, s0;
	s2 =	simm.s32 @!p0 $0x0  }
0x60: {  	[sflag:s31] =	ssyncpa.u1 $0x0;
	[dreg:$0x2] =	wrdreg s0;
	s9 =	sadd.s32 s2, s10  }
0x61: {  	vm0 =	vmmov $0xffff;
	v2 =	vlaneseq.u32;
	p0 =	por $0x0, $0x0;
	s10 =	sshll.u32 s6, $0x1;
	s11 =	sadd.s32 $0x1, s9  }
0x62: {  	vm1 =	vmxor vm1, vm1;
	vm2 =	vmmov $0x1;
	vm3 =	vcmask $0x3F3C;
	s12 =	sadd.s32 $0x2, s9;
	s13 =	sor.u32 $0x81, s10;
	s15 =	sor.u32 $0x80, s10  }
.LBB3_9:
0x63: {  	p1 =	slt.u32 s24, $0x3  }
0x64: {  	s0 =	simm.s32 @!p1 $0x2  }
0x65: {  	_ =	swait.ge @!p1 [sflag:s0], $0x1A90  }
0x66: {  	[sflag:s0] =	ssyncset.done @!p1 $0x0  }
0x67: {  	[sflag:s0] =	ssyncadd.s32 @!p1 $0xFFFFE570;
	s0 =	simm.s32 @!p1 $0x9  }
0x68: {  	_ =	swait.ge @!p1 [sflag:s0], $0x10  }
0x69: {  	[sflag:s0] =	ssyncset.done @!p1 $0x0  }
0x6a: {  	[sflag:s0] =	ssyncadd.s32 @!p1 $0xFFFFFFF0;
	p1 =	sne.s32 s24, s12  }
.Ltmp9:
0x6b: {  	s2 =	sadd.s32 $0x1A90, s23;
	(pc) =	sbr.rel @!p1 .LBB3_10-.Ltmp9, $4  }
0x6c: {  	s6 =	smov.u32 s3;
	s31 =	sadd.s32 $0x1, s24;
	s17 =	sadd.s32 $0x1A90, s17  }
0x6d: {  	s18 =	sadd.s32 $0x1, s18;
	s25 =	smov.u32 s23;
	p2 =	slt.s32 s2, s4  }
0x6e: {  	p0 =	por !p0, !p0;
	s19 =	sadd.s32 $0x1A90, s19;
	s6 =	smov.u32 @p2 s2  }
0x6f: {  	s20 =	sadd.s32 $0x1, s20;
	s23 =	smov.u32 s6;
	s24 =	smov.u32 s31  }
.LBB3_1:
0x70: {  	p1 =	sge.u32 s24, s9  }
0x71: {  	s0 =	smulhi.u32 @!p1 $0xAAAAAAAB, s24;
	_ =	sdelay $0x1  }
0x72: {  	s0 =	sshrl.u32 @!p1 s0, $0x1  }
0x73: {  	s0 =	smul.u32 @!p1 $0x3, s0;
	_ =	sdelay $0x1  }
0x74: {  	s0 =	ssub.s32 @!p1 s24, s0  }
0x75: {  	s0 =	smul.u32 @!p1 $0x6A40, s0;
	_ =	sdelay $0x1  }
0x76: {  	s2 =	sshrl.u32 @!p1 s23, $0x3;
	s0 =	sshrl.u32 @!p1 s0, $0x2  }
0x77: {  	s22 =	sand.u32 @!p1 $0x7, s23;
	s2 =	sadd.s32 @!p1 s5, s2;
	s0 =	sadd.s32 @!p1 $0x100, s0  }
0x78: {  	[tilespmem:s0], [sflag:$0x7] =	stream.linear.gather @!p1 [hbm4b:s2+s22], $0x1A90, $0x38;
	[tilespmem:$0xF030] =	vst v63  }
0x79: {  	s0 =	sadd.s32 $0xFFFFFFFF, s24  }
0x7a: {  	p1 =	sge.u32 s0, s9  }
.Ltmp10:
0x7b: {  	_ = 	snop;
	(pc) =	sbr.rel @p1 .LBB3_5-.Ltmp10, $1  }
0x7c: {  	_ =	sdelay $0x3  }
0x7d: {  	s2 =	smulhi.u32 $0xAAAAAAAB, s0;
	_ =	sdelay $0x1  }
0x7e: {  	s2 =	sshrl.u32 s2, $0x1  }
0x7f: {  	s2 =	smul.u32 $0x3, s2;
	_ =	sdelay $0x1  }
0x80: {  	s2 =	ssub.s32 s0, s2  }
0x81: {  	s2 =	smul.u32 $0x6A40, s2  }
0x82: {  	_ =	swait.ge [sflag:s7], $0x1A90  }
0x83: {  	[sflag:s7] =	ssyncset.done $0x0;
	s2 =	sshrl.u32 s2, $0x2  }
0x84: {  	[sflag:s7] =	ssyncadd.s32 $0xFFFFE570;
	(ifvalue) =	ssetifvalue $0xFFFFFFFF;
	v3 =	vld.msk [tilespmem:s2+$0x100 ss:$0x1], $0xffff;
	_ =	sdelay $0x2  }
0x85: {  	s30 =	smulhi.u32 $0xAAAAAAAB, s18;
	p1 =	sne.s32 s24, $0x1  }
0x86: {  	v4 =	vimm.s32 @!p1 $0x0  }
0x87: {  	s2 =	sshrl.u32 s30, $0x1;
	v4 =	vperm.xlane @!p1 v3, v4  }
0x88: {  	s22 =	sshll.u32 s24, $0x4;
	s2 =	smul.u32 $0xFFFEC140, s2;
	vm4 =	vlt.u32 v3, $0x2800  }
0x89: {  	s22 =	sand.u32 $0x10, s22;
	v3 =	vnsel vm4, $0xFFFFFFFE, v3;
	vm4 =	vlt.u32 @!p1 v4, $0x2800  }
0x8a: {  	s2 =	sshra.s32 s2, $0x2;
	[tilespmem:s22+$0x60] =	vst v3;
	v3 =	vnsel @!p1 vm4, $0xFFFFFFFE, v4  }
0x8b: {  	s28 =	sadd.s32 s2, s17;
	[tilespmem:$0x80] =	vst @!p1 v3  }
0x8c: {  	v3 =	vld.msk [tilespmem:s28+$0x0 ss:$0x1], $0xffff;
	_ =	sdelay $0x4  }
0x8d: {  	(xrf1) =	vunique.msk.u32 $0xffff, v3;
	_ =	sdelay $0xd  }
0x8e: {  	v4 =	vimm.s32 $0xFFFFFFFF;
	v5, _, _ =	vpop (xrf1)  }
0x8f: {  	vm5 =	vne.s32 v3, v4;
	vm4 =	veq.s32 v5, v2  }
0x90: {  	vm6 =	vlt.u32 v3, $0x2800;
	vm4 =	vmand vm5, vm4  }
0x91: {  	vm4 =	vmand vm6, vm4  }
0x92: {  	v4 =	vnsel vm4, $0xFFFFFFFF, v3  }
0x93: {  	s31 =	sand.u32 $0x1, s0  }
0x94: {  	s0 =	simm.s32 $0x1A90;
	p1 =	seq.s32 s31, $0x1  }
0x95: {  	s0 =	simm.s32 @!p1 $0x0  }
0x96: {  	s26 =	sadd.s32 $0x6B30, s0;
	(ifvalue) =	ssetifvalue $0xFFFFFFFF  }
0x97: {  	v3 =	vperm.xlane v3, v1;
	[tilespmem:s26], [sflag:$0x8] =	stream.indirect_vreg.gather [hbm4b:s1+s16], $0x1, v4, vm0, $0x4038;
	v4 =	vnsel vm6, $0xFFFFFFFE, v4;
	[tilespmem:$0xF030] =	vst v63  }
0x98: {  	s2 =	simm.s32 $0x0;
	s22 =	sadd.s32 $0xFFFFFFF0, s28;
	[tilespmem:s28+$0x0] =	vst v4  }
.LBB3_3:
0x99: {  	v4 =	vld.msk [tilespmem:s22+$0x0 ss:$0x1], $0xffff;
	s2 =	sadd.s32 $0x10, s2;
	v5 =	vmov v3;
	s28 =	smov.u32 s22  }
0x9a: {  	p1 =	slt.u32 s2, $0x1A80;
	_ =	sdelay $0x4  }
0x9b: {  	v3 =	vperm.xlane v4, v1;
	(xrf1) =	vunique.msk.u32 $0xffff, v4;
	_ =	sdelay $0xd  }
0x9c: {  	v6, _, _ =	vpop (xrf1)  }
0x9d: {  	vm5 =	vne.s32 v4, v5;
	vm4 =	veq.s32 v6, v2  }
0x9e: {  	vm6 =	vlt.u32 v4, $0x2800;
	vm4 =	vmand vm5, vm4  }
0x9f: {  	vm4 =	vmand vm6, vm4  }
0xa0: {  	v4 =	vnsel vm4, $0xFFFFFFFF, v4  }
.Ltmp11:
0xa1: {  	v5 =	vnsel vm6, $0xFFFFFFFE, v4;
	(pc) =	sbr.rel @p1 .LBB3_3-.Ltmp11, $3  }
0xa2: {  	_ =	sdelay $0x1  }
0xa3: {  	s22 =	sadd.s32 $0xFFFFFFF0, s22;
	s26 =	sadd.s32 $0xFFFFFFF0, s26;
	(ifvalue) =	ssetifvalue $0xFFFFFFFF  }
0xa4: {  	[tilespmem:s26], [sflag:$0x8] =	stream.indirect_vreg.gather [hbm4b:s1+s16], $0x1, v4, vm0, $0x4038;
	[tilespmem:s28+$0x0] =	vst v5  }
0xa5: {  	s2 =	sshrl.u32 s25, $0x3;
	s6 =	rddreg [dreg:$0x2]  }
0xa6: {  	s0 =	sadd.s32 $0x85D0, s0;
	s2 =	sadd.s32 s6, s2  }
0xa7: {  	[tilespmem:s0], [sflag:$0x8] =	stream.linear.gather [hbm:s2], $0x1A90, $0x38;
	[tilespmem:$0xF030] =	vst v63  }
.LBB3_5:
0xa8: {  	p1 =	slt.u32 s24, $0x2  }
0xa9: {  	p2 =	sge.u32 @!p1 s24, s12  }
0xaa: {  	p1 =	por p1, p2  }
.Ltmp12:
0xab: {  	_ = 	snop;
	(pc) =	sbr.rel @p1 .LBB3_9-.Ltmp12, $1  }
0xac: {  	_ =	sdelay $0x3  }
0xad: {  	s0 =	sadd.s32 $0xFFFFFFFE, s24  }
0xae: {  	s2 =	smulhi.u32 $0xAAAAAAAB, s0;
	_ =	sdelay $0x1  }
0xaf: {  	s2 =	sshrl.u32 s2, $0x1  }
0xb0: {  	s2 =	smul.u32 $0x3, s2;
	_ =	sdelay $0x1  }
0xb1: {  	s0 =	ssub.s32 s0, s2  }
0xb2: {  	_ =	swait.ge [sflag:s8], $0x3520;
	s0 =	smul.u32 $0x1A90, s0  }
0xb3: {  	p1 =	sne.s32 s24, s11;
	[sflag:s8] =	ssyncset.done $0x0  }
0xb4: {  	[sflag:s8] =	ssyncadd.s32 $0xFFFFCAE0;
	s2 =	sadd.s32 @!p1 $0x1B8F, s0  }
0xb5: {  	[spmem:s13] =	stream.linear.scatter @!p1 [tilespmem:s2], [sflag:$0x1], $0x1, $0x38;
	[tilespmem:$0xF030] =	vst v63  }
0xb6: {  	s2 =	simm.s32 @!p1 $0x1  }
0xb7: {  	_ =	swait.ge @!p1 [sflag:s2], $0x1  }
0xb8: {  	s22 =	sshll.u32 s24, $0x4;
	[sflag:s2] =	ssyncset.done @!p1 $0x0  }
0xb9: {  	s25 =	sand.u32 $0x10, s22;
	[sflag:s2] =	ssyncadd.s32 @!p1 $0xFFFFFFFF  }
0xba: {  	s2 =	sxor.u32 $0x10, s25;
	v4 =	vld [tilespmem:s25+$0x10]  }
0xbb: {  	v5 =	vld [tilespmem:s2+$0x60]  }
0xbc: {  	v3 =	vld [tilespmem:$0x80];
	_ =	sdelay $0x2  }
0xbd: {  	(v2sf) =	vpush v4, $0x0  }
0xbe: {  	(v2sf) =	vpush v5, $0x0  }
0xbf: {  	(v2sf) =	vpush v3, $0x0;
	_ =	sdelay $0xc  }
0xc0: {  	s6 =	spop (v2sf)  }
0xc1: {  	s28 =	spop (v2sf)  }
0xc2: {  	s26 =	spop (v2sf)  }
0xc3: {  	p2 =	seq.s32 s6, s28;
	p3 =	seq.s32 s26, s6  }
0xc4: {  	p3 =	por p2, p3  }
0xc5: {  	s6 =	sand.u32 $0x1, s24;
	v4 =	vpsel p3, $0xFFFFFFFF, v4  }
0xc6: {  	s28 =	smul.u32 $0x1A90, s6;
	[tilespmem:s25+$0x10] =	vst.msk $0x1, v4  }
0xc7: {  	v4 =	vld [tilespmem:$0x30]  }
0xc8: {  	v5 =	vld [tilespmem:s28+$0x85D0]  }
0xc9: {  	v6 =	vld [tilespmem:s25+$0x40];
	_ =	sdelay $0x3  }
0xca: {  	vm4 =	vmmov vm1;
	v5 =	vadd.f32 v5, v4  }
0xcb: {  	vm5 =	vmmov vm2;
	vm4 =	vmmov @p2 vm2;
	v4 =	vadd.f32 v6, v4  }
0xcc: {  	s22 =	sshll.u32 s6, $0x4;
	vm5 =	vmmov @p3 vm1;
	[tilespmem:s28+$0x85D0] =	vst.msk vm4, v5  }
0xcd: {  	[tilespmem:s22+$0xF010] =	vst.msk vm5, v4  }
0xce: {  	v4 =	vld [tilespmem:s28+$0x6B30];
	_ =	sdelay $0x3  }
0xcf: {  	v5 =	vimm.f32 $0.0e+00  }
0xd0: {  	v4 =	vshift.insert v4, v5, s21  }
0xd1: {  	s29 =	sor.u32 $0x40, s2  }
0xd2: {  	[tilespmem:s29+$0x0] =	vst.msk $0x1, v4  }
0xd3: {  	[tilespmem:s28+$0x6B3F] =	vst.msk $0x1, v5  }
0xd4: {  	v4 =	vld [tilespmem:s0+$0x1B80];
	_ =	sdelay $0x1  }
0xd5: {  	s29 =	smulhi.u32 $0xAAAAAAAB, s20;
	s0 =	simm.s32 $0x1  }
0xd6: {  	s0 =	simm.s32 @!p0 $0x0  }
0xd7: {  	s29 =	sshrl.u32 s29, $0x1;
	s0 =	smul.u32 $0x6A40, s0  }
0xd8: {  	s29 =	smul.u32 $0xFFFEC140, s29;
	v4 =	vshift.insert v4, v1, s21  }
0xd9: {  	s0 =	sshrl.u32 s0, $0x2  }
0xda: {  	s29 =	sshra.s32 s29, $0x2;
	s30 =	sadd.s32 $0x85D0, s0;
	[tilespmem:s2+$0x10] =	vst.msk $0x1, v4  }
0xdb: {  	s6 =	sadd.s32 s29, s19;
	v6 =	vld [tilespmem:s30+$0x0]  }
0xdc: {  	v7 =	vld [tilespmem:s6+$0x0];
	_ =	sdelay $0x3  }
0xdd: {  	v5 =	vadd.f32 v6, v5  }
0xde: {  	vm4 =	vne.s32 v7, $0xFFFFFFFF  }
0xdf: {  	(xrf2) =	vadd.seg.scan.f32 vm4, v5;
	_ =	sdelay $0x3  }
0xe0: {  	s31 =	sadd.s32 $0x50B0, s0;
	v5 =	vperm.xlane v4, v1  }
0xe1: {  	v6 =	vld [tilespmem:s31+$0x0]  }
0xe2: {  	vm5 =	veq.s32 v7, v3;
	vm6 =	veq.s32 v7, v5  }
0xe3: {  	vm7 =	vgt.u32 v7, $0xFFFFFFFD;
	vm6 =	vmor vm6, vm5  }
0xe4: {  	vm6 =	vmor vm6, vm7  }
0xe5: {  	v9 =	vld [tilespmem:$0xA0];
	v7 =	vsel vm6, $0xFFFFFFFF, v7  }
0xe6: {  	v10 =	vld [tilespmem:$0x90];
	v6 =	vsel vm5, $0x0, v6;
	v8, _, _ =	vpop (xrf2)  }
0xe7: {  	v6 =	vadd.f32 v8, v6  }
0xe8: {  	s0 =	sadd.s32 $0xBAF0, s0  }
0xe9: {  	vm4 =	vmand vm4, vm3;
	[tilespmem:s0+$0x0] =	vst v6;
	(ifvalue) =	ssetifvalue $0xFFFFFFFF  }
0xea: {  	vm6 =	veq.s32 v9, $0x1;
	[hbm4b:s1+s16] =	stream.indirect_vreg.scatter [tilespmem:s0], [sflag:$0x2], $0x1, v7, vm0, $0x4038;
	v7 =	vsel vm4, $0x0, v8;
	[tilespmem:$0xF030] =	vst v63  }
0xeb: {  	s29 =	sadd.s32 $0xF010, s22;
	s22 =	sadd.s32 $0x10, s6;
	s2 =	simm.s32 $0x0;
	vm4 =	vmor vm6, vm5;
	v6 =	vsel vm5, v8, v10;
	v7 =	vshift.insert v7, v0, s21  }
.LBB3_7:
0xec: {  	v8 =	vld [tilespmem:s22+$0x0];
	s30 =	sadd.s32 $0x10, s30  }
0xed: {  	s31 =	sadd.s32 $0x10, s31;
	v9 =	vld [tilespmem:s30+$0x0]  }
0xee: {  	s2 =	sadd.s32 $0x10, s2;
	v10 =	vld [tilespmem:s31+$0x0]  }
0xef: {  	p2 =	slt.u32 s2, $0x1A80;
	_ =	sdelay $0x2  }
0xf0: {  	v7 =	vadd.f32 v9, v7  }
0xf1: {  	vm5 =	vne.s32 v8, $0xFFFFFFFF  }
0xf2: {  	vm6 =	vmand vm5, vm3;
	(xrf2) =	vadd.seg.scan.f32 vm5, v7;
	_ =	sdelay $0x5  }
0xf3: {  	vm7 =	veq.s32 v8, v5;
	vm5 =	veq.s32 v8, v3  }
0xf4: {  	vm8 =	vgt.u32 v8, $0xFFFFFFFD;
	vm4 =	vmor vm4, vm5;
	vm7 =	vmor vm7, vm5  }
0xf5: {  	vm7 =	vmor vm7, vm8  }
0xf6: {  	v8 =	vsel vm7, $0xFFFFFFFF, v8  }
.Ltmp13:
0xf7: {  	v7 =	vsel vm5, $0x0, v10;
	v9, _, _ =	vpop (xrf2);
	(pc) =	sbr.rel @p2 .LBB3_7-.Ltmp13, $4  }
0xf8: {  	v6 =	vsel vm5, v9, v6;
	v10 =	vadd.f32 v9, v7;
	v7 =	vsel vm6, $0x0, v9  }
0xf9: {  	s0 =	sadd.s32 $0x10, s0;
	v7 =	vshift.insert v7, v0, s21  }
0xfa: {  	s22 =	sadd.s32 $0x10, s22;
	[tilespmem:s0+$0x0] =	vst v10;
	(ifvalue) =	ssetifvalue $0xFFFFFFFF  }
0xfb: {  	[hbm4b:s1+s16] =	stream.indirect_vreg.scatter [tilespmem:s0], [sflag:$0x2], $0x1, v8, vm0, $0x4038;
	[tilespmem:$0xF030] =	vst v63  }
0xfc: {  	v3 =	vld [tilespmem:s28+$0xD570];
	_ =	sdelay $0x4  }
0xfd: {  	v3 =	vshift.insert v3, v0, s21  }
0xfe: {  	s0 =	simm.s32 $0x30  }
0xff: {  	[tilespmem:s0+$0x0] =	vst.msk $0x1, v3  }
0x100: {  	v3 =	vsel vm4, $0x1, v1;
	[tilespmem:$0x90] =	vst v6  }
0x101: {  	s0 =	sadd.s32 @!p1 $0xD57F, s28;
	[tilespmem:$0xA0] =	vst v3  }
0x102: {  	[spmem:s14] =	stream.linear.scatter @!p1 [tilespmem:s0], [sflag:$0x1], $0x1, $0x38;
	[tilespmem:$0xF030] =	vst v63  }
0x103: {  	s0 =	simm.s32 @!p1 $0x1  }
0x104: {  	v3 =	vmctz.xlane @!p1 vm4;
	_ =	swait.ge @!p1 [sflag:s0], $0x1  }
0x105: {  	(v2sf) =	vpush @!p1 v4, $0x0  }
0x106: {  	(v2sf) =	vpush @!p1 v3, $0x0;
	_ =	sdelay $0xd  }
0x107: {  	s2 =	spop @!p1 (v2sf)  }
0x108: {  	s6 =	spop @!p1 (v2sf)  }
0x109: {  	p2 =	sne.s32 @!p1 s26, s2;
	p3 =	slt.s32 @!p1 s6, $0xF  }
0x10a: {  	[sflag:s0] =	ssyncset.done @!p1 $0x0;
	p2 =	por p2, p1;
	p3 =	por !p3, p1  }
0x10b: {  	[sflag:s0] =	ssyncadd.s32 @!p1 $0xFFFFFFFF;
	v3 =	vimm.s32 @!p2 $0xFFFFFFFF;
	s6 =	simm.s32 @p3 $0xF  }
0x10c: {  	[tilespmem:$0x80] =	vst @!p2 v3;
	s2 =	sadd.s32 @!p1 $0x90, s6  }
0x10d: {  	[spmem:s10] =	stream.linear.scatter @!p1 [tilespmem:s2], [sflag:$0x1], $0x1, $0x38;
	[tilespmem:$0xF030] =	vst v63  }
0x10e: {  	_ =	swait.ge @!p1 [sflag:s0], $0x1  }
0x10f: {  	[sflag:s0] =	ssyncset.done @!p1 $0x0  }
0x110: {  	s2 =	simm.s32 @!p1 $0x80;
	[sflag:s0] =	ssyncadd.s32 @!p1 $0xFFFFFFFF  }
0x111: {  	[spmem:s15] =	stream.linear.scatter @!p1 [tilespmem:s2], [sflag:$0x1], $0x1, $0x38;
	[tilespmem:$0xF030] =	vst v63  }
0x112: {  	_ =	swait.ge @!p1 [sflag:s0], $0x1  }
0x113: {  	[sflag:s0] =	ssyncset.done @!p1 $0x0  }
0x114: {  	[sflag:s0] =	ssyncadd.s32 @!p1 $0xFFFFFFFF;
	(ifvalue) =	ssetifvalue $0xFFFFFFFF;
	v3 =	vld [tilespmem:s25+$0x10];
	_ =	sdelay $0x3  }
.Ltmp14:
0x115: {  	_ = 	snop;
	(pc) =	sbr.rel .LBB3_9-.Ltmp14, $3  }
0x116: {  	_ =	sdelay $0x1  }
0x117: {  	(ifvalue) =	ssetifvalue $0xFFFFFFFF  }
0x118: {  	[hbm4b:s1+s16] =	stream.indirect_vreg.scatter [tilespmem:s29], [sflag:$0x9], $0x1, v3, vm0, $0x4038;
	[tilespmem:$0xF030] =	vst v63  }
.LBB3_10:
0x119: {  	_ =	sfence.sel $0x180000  }
0x11a: {  	s0 =	simm.s32 $0x7;
	[bflag:$0x0] =	sbarrier.arrive $0xFFFF  }
0x11b: {  	s26 =	simm.s32 $0x8;
	[sflag:s0] =	ssyncpa.u1 $0x1  }
0x11c: {  	s28 =	simm.s32 $0x9;
	[sflag:s26] =	ssyncpa.u1 $0x1  }
0x11d: {  	[sflag:s28] =	ssyncpa.u1 $0x1  }
0x11e: {  	_ =	sfence.stream.spmem  }
0x11f: {  	s29 =	simm.s32 $0x3;
	[bflag:$0x0] =	sbarrier.arrive $0xFFFF  }
0x120: {  	s30 =	simm.s32 $0x4;
	[sflag:s29] =	ssyncpa.u1 $0x1  }
0x121: {  	s31 =	simm.s32 $0x3C;
	s2 =	stileid.u32;
	[sflag:s30] =	ssyncpa.u1 $0x1  }
0x122: {  	p0 =	sne.s32 s2, $0x0;
	[sflag:s31] =	ssyncpa.u1 $0x1  }
0x123: {  	s0 =	simm.s32 @p0 $0x1;
	_ =	sfence @p0  }
0x124: {  	[sflag:s0] =	ssyncpa.u1 @p0 $0x1;
	s0 =	simm.s32 @p0 $0x2  }
0x125: {  	[sflag:s0] =	ssyncpa.u1 @p0 $0x1  }
0x126: {  	_ =	strace @p0 $0x90000050  }
0x127: {  	[bflag:$0x2] =	sbarrier.arrive @p0 $0xFFFF  }
0x128: {  	_ =	shalt @p0  }
.LBB3_11:
0x129: {  	_ =	sfence.stream.spmem;
	s0 =	simm.s32 $0x5  }
0x12a: {  	s2 =	simm.s32 $0x80;
	s3 =	simm.s32 $0xC0;
	[sflag:s0] =	ssyncpa.u1 $0x0  }
0x12b: {  	[tilespmem:s3], [sflag:$0x5] =	stream.linear.gather [spmem:s2], $0x20, $0x38;
	[tilespmem:$0xF030] =	vst v63  }
0x12c: {  	s2 =	simm.s32 $0x0;
	s3 =	simm.s32 $0xE0  }
0x12d: {  	[tilespmem:s3], [sflag:$0x5] =	stream.linear.gather [spmem:s2], $0x20, $0x38;
	[tilespmem:$0xF030] =	vst v63  }
.Ltmp15:
0x12e: {  	_ = 	snop;
	(pc) =	sbr.rel .LBB3_12-.Ltmp15, $4  }
0x12f: {  	_ =	swait.ge [sflag:s0], $0x40  }
0x130: {  	[sflag:s0] =	ssyncset.done $0x0  }
0x131: {  	s31 =	simm.s32 $0x6;
	[sflag:s0] =	ssyncadd.s32 $0xFFFFFFC0  }
0x132: {  	s4 =	simm.s32 $0x0;
	[sflag:s31] =	ssyncpa.u1 $0x0  }
.LBB3_17:
0x133: {  	p0 =	sgt.u32 s5, $0x27FF  }
0x134: {  	s0 =	sshrl.u32 @!p0 s5, $0x3  }
0x135: {  	s5 =	sand.u32 @!p0 $0x7, s5;
	s6 =	simm.s32 @!p0 $0xB0;
	s0 =	sadd.s32 @!p0 s1, s0  }
0x136: {  	[tilespmem:s6], [sflag:$0x6] =	stream.linear.gather @!p0 [hbm4b:s0+s5], $0x1, $0x38;
	[tilespmem:$0xF030] =	vst v63  }
0x137: {  	s0 =	simm.s32 @!p0 $0x6  }
0x138: {  	_ =	swait.ge @!p0 [sflag:s0], $0x1  }
0x139: {  	[sflag:s0] =	ssyncset.done @!p0 $0x0  }
0x13a: {  	[sflag:s0] =	ssyncadd.s32 @!p0 $0xFFFFFFFF  }
0x13b: {  	v2 =	vmov @!p0 s4;
	v1 =	vld.msk @!p0 [tilespmem:$0xB0], $0x1;
	_ =	sdelay $0x3  }
0x13c: {  	s0 =	simm.s32 @!p0 $0xE0  }
0x13d: {  	[tilespmem:v2+s0+$0x0], v1 =	vst.idx.ret.add.f32.msk @!p0 $0x1, v1  }
0x13e: {  	[tilespmem:s2+$0xC0] =	vst.msk $0x1, v0  }
0x13f: {  	v0 =	vld.msk [tilespmem:s4+$0xE0], $0x1;
	_ =	sdelay $0x4  }
0x140: {  	[tilespmem:s2+$0xE0] =	vst.msk $0x1, v0;
	s2 =	sadd.s32 $0x1, s2  }
.LBB3_19:
0x141: {  	s4 =	sadd.s32 $0x1, s4  }
0x142: {  	p0 =	sne.s32 s4, $0x20  }
.Ltmp16:
0x143: {  	_ = 	snop;
	(pc) =	sbr.rel @!p0 .LBB3_20-.Ltmp16, $1  }
0x144: {  	_ =	sdelay $0x3  }
.LBB3_12:
0x145: {  	v0 =	vld.msk [tilespmem:s4+$0xC0], $0x1;
	_ =	sdelay $0x4  }
0x146: {  	(v2sf) =	vpush v0, $0x0;
	_ =	sdelay $0xe  }
0x147: {  	s5 =	spop (v2sf)  }
0x148: {  	p0 =	seq.s32 s5, $0xFFFFFFFF  }
.Ltmp17:
0x149: {  	_ = 	snop;
	(pc) =	sbr.rel @p0 .LBB3_19-.Ltmp17, $1  }
0x14a: {  	_ =	sdelay $0x3  }
0x14b: {  	p0 =	slt.s32 s2, $0x1  }
.Ltmp18:
0x14c: {  	_ = 	snop;
	(pc) =	sbr.rel @p0 .LBB3_17-.Ltmp18, $1  }
0x14d: {  	_ =	sdelay $0x3  }
0x14e: {  	s0 =	simm.s32 $0xC0;
	p0 =	por $0x0, $0x0  }
0x14f: {  	v1 =	vld.msk @!p0 [tilespmem:s0+$0x0], $0x1;
	_ =	sdelay $0x4  }
0x150: {  	(v2sf) =	vpush @!p0 v1, $0x0;
	_ =	sdelay $0xd  }
0x151: {  	p2 =	sne.s32 s2, $0x1  }
.Ltmp19:
0x152: {  	s6 =	spop @!p0 (v2sf);
	(pc) =	sbr.rel @!p2 .LBB3_16-.Ltmp19, $4  }
0x153: {  	p1 =	seq.s32 @!p0 s5, s6  }
0x154: {  	s6 =	simm.s32 $0x0;
	p1 =	por !p1, p0  }
0x155: {  	s8 =	simm.s32 $0xFFFFFFFF;
	s6 =	simm.s32 @p1 $0xFFFFFFFF  }
0x156: {  	s7 =	simm.s32 $0x1;
	s6 =	smov.u32 @p0 s8  }
.LBB3_15:
0x157: {  	s8 =	smov.u32 s6;
	p0 =	sne.s32 s6, $0xFFFFFFFF  }
0x158: {  	s0 =	sadd.s32 $0x1, s0;
	s6 =	smov.u32 s7;
	s7 =	sadd.s32 $0x1, s7  }
0x159: {  	p1 =	sne.s32 s2, s7;
	v1 =	vld.msk @!p0 [tilespmem:s0+$0x0], $0x1;
	_ =	sdelay $0x4  }
0x15a: {  	(v2sf) =	vpush @!p0 v1, $0x0;
	_ =	sdelay $0xe  }
.Ltmp20:
0x15b: {  	s9 =	spop @!p0 (v2sf);
	(pc) =	sbr.rel @p1 .LBB3_15-.Ltmp20, $4  }
0x15c: {  	p2 =	seq.s32 @!p0 s5, s9  }
0x15d: {  	p2 =	por !p2, p0  }
0x15e: {  	s6 =	simm.s32 @p2 $0xFFFFFFFF  }
0x15f: {  	s6 =	smov.u32 @p0 s8  }
.LBB3_16:
0x160: {  	p0 =	sne.s32 s6, $0xFFFFFFFF  }
.Ltmp21:
0x161: {  	_ = 	snop;
	(pc) =	sbr.rel @!p0 .LBB3_17-.Ltmp21, $1  }
0x162: {  	_ =	sdelay $0x3  }
0x163: {  	v0 =	vld.msk [tilespmem:s4+$0xE0], $0x1;
	v1 =	vmov s6  }
.Ltmp22:
0x164: {  	_ = 	snop;
	(pc) =	sbr.rel .LBB3_19-.Ltmp22, $2  }
0x165: {  	_ =	sdelay $0x2  }
0x166: {  	[tilespmem:v1+s3+$0x0], v0 =	vst.idx.ret.add.f32.msk $0x1, v0  }
.LBB3_20:
0x167: {  	p0 =	slt.s32 s2, $0x1  }
.Ltmp23:
0x168: {  	_ = 	snop;
	(pc) =	sbr.rel @p0 .LBB3_24-.Ltmp23, $3  }
0x169: {  	_ =	sdelay $0x1  }
0x16a: {  	s0 =	simm.s32 $0x6  }
0x16b: {  	s3 =	simm.s32 $0x0;
	[sflag:s0] =	ssyncpa.u1 $0x1  }
0x16c: {  	s0 =	simm.s32 $0xC0  }
0x16d: {  	v0 =	vld.msk [tilespmem:s0+$0x0], $0x1;
	_ =	sdelay $0x4  }
0x16e: {  	(v2sf) =	vpush v0, $0x0;
	_ =	sdelay $0xe  }
0x16f: {  	s2 =	sadd.s32 $0xFFFFFFFF, s2;
	s4 =	spop (v2sf)  }
0x170: {  	p1 =	sne.s32 s2, $0x0;
	p0 =	sgt.u32 s4, $0x27FF  }
.Ltmp24:
0x171: {  	s5 =	sshrl.u32 @!p0 s4, $0x3;
	(pc) =	sbr.rel @!p1 .LBB3_23-.Ltmp24, $4  }
0x172: {  	s0 =	simm.s32 $0xE0;
	s4 =	sand.u32 @!p0 $0x7, s4;
	s5 =	sadd.s32 @!p0 s1, s5  }
0x173: {  	[hbm4b:s5+s4] =	stream.linear.scatter @!p0 [tilespmem:s0], [sflag:$0x5], $0x1, $0x38;
	[tilespmem:$0xF030] =	vst v63  }
0x174: {  	s5 =	simm.s32 $0x0  }
0x175: {  	s4 =	simm.s32 $0xC1;
	s5 =	simm.s32 @!p0 $0x4  }
.LBB3_22:
0x176: {  	v0 =	vld.msk [tilespmem:s4+$0x0], $0x1;
	s2 =	sadd.s32 $0xFFFFFFFF, s2;
	s3 =	sadd.s32 s3, s5  }
0x177: {  	p0 =	sne.s32 s2, $0x0;
	_ =	sdelay $0x3  }
0x178: {  	(v2sf) =	vpush v0, $0x0;
	_ =	sdelay $0xe  }
.Ltmp25:
0x179: {  	s6 =	spop (v2sf);
	(pc) =	sbr.rel @p0 .LBB3_22-.Ltmp25, $4  }
0x17a: {  	s5 =	simm.s32 $0x0;
	p1 =	sgt.u32 s6, $0x27FF  }
0x17b: {  	s0 =	sadd.s32 $0x1, s0;
	s5 =	simm.s32 @!p1 $0x4;
	s7 =	sshrl.u32 @!p1 s6, $0x3  }
0x17c: {  	s4 =	sadd.s32 $0x1, s4;
	s6 =	sand.u32 @!p1 $0x7, s6;
	s7 =	sadd.s32 @!p1 s1, s7  }
0x17d: {  	[hbm4b:s7+s6] =	stream.linear.scatter @!p1 [tilespmem:s0], [sflag:$0x5], $0x1, $0x38;
	[tilespmem:$0xF030] =	vst v63  }
.LBB3_23:
0x17e: {  	s0 =	sadd.s32 s3, s5  }
0x17f: {  	s3 =	sshrl.u32 s0, $0x2  }
.LBB3_24:
0x180: {  	s0 =	simm.s32 $0x5  }
0x181: {  	_ =	swait.ge [sflag:s0], s3  }
0x182: {  	s1 =	ssub.s32 $0x0, s3;
	[sflag:s0] =	ssyncset.done $0x0  }
0x183: {  	[sflag:s0] =	ssyncadd.s32 s1  }
0x184: {  	[sflag:s0] =	ssyncpa.u1 $0x1  }
0x185: {  	s29 =	simm.s32 $0x1;
	_ =	sfence  }
0x186: {  	s30 =	simm.s32 $0x2;
	[sflag:s29] =	ssyncpa.u1 $0x1  }
0x187: {  	[sflag:s30] =	ssyncpa.u1 $0x1  }
0x188: {  	_ =	strace $0x90000050  }
0x189: {  	[bflag:$0x2] =	sbarrier.arrive $0xFFFF  }
0x18a: {  	s31 =	rddreg [dreg:$0x1]  }
0x18b: {  	s0 =	sadd.s32 $0x100000, s31  }
0x18c: {  	[sflag:s0] =	ssyncadd.tile.s32 $0x1;
	_ =	shalt  }
.Lfunc_end3:
_tile_overlayer_lowered:
.L_overlay_start_3:
0x18d: {  	(tag) =	ssettag $0x3  }
0x18e: {  	s0 =	rddreg [dreg:$0x0];
	s2 =	stileid.u32  }
0x18f: {  	s1 =	rddreg [dreg:$0x1];
	p0 =	sne.s32 s2, $0x0  }
0x190: {  	s3 =	rddreg [dreg:$0x2];
	[bflag:$0x3] =	sbarrier.arrive $0xFFFF;
	s2 =	simm.s32 @!p0 $0x1C01  }
0x191: {  	[timem:s3], [sflag:s2] =	dma.local @!p0 [hbm:s0], s1  }
0x192: {  	s0 =	simm.s32 @!p0 $0x1  }
0x193: {  	_ =	swait.ge @!p0 [sflag:s0], s1  }
0x194: {  	s1 =	ssub.s32 @!p0 $0x0, s1;
	[sflag:s0] =	ssyncset.done @!p0 $0x0  }
0x195: {  	[sflag:s0] =	ssyncadd.s32 @!p0 s1  }
0x196: {  	[bflag:$0x3] =	sbarrier.arrive $0xFFFF  }
0x197: {  	_ =	shalt  }

// kernel: scatter_offload_async_start.3
scs
__scs_entry_jumppad:
0x0: {  	(pc) =	sbr.rel $0x88, $3  }
0x1: {  	(tag) =	ssettag $0x0;
	lr =	simm.s32 $0x1  }
0x2: {  	[smem:$0x3F94] =	sst lr;
	_ =	strace $0xD0000000  }
0x3: {  	_ = 	snop  }
0x4: {  	_ = 	snop  }
0x5: {  	_ = 	snop  }
0x6: {  	_ = 	snop  }
0x7: {  	_ = 	snop  }
__scs_overlays_trampoline_lowered:
0x8: {  	[smem:$0x3FA3] =	sst s0  }
0x9: {  	[smem:$0x3FA4] =	sst s1  }
0xa: {  	[smem:$0x3FA5] =	sst s2  }
0xb: {  	[smem:$0x3FA6] =	sst s3  }
0xc: {  	[smem:$0x3FA7] =	sst s4  }
0xd: {  	[smem:$0x3FA8] =	sst s5  }
0xe: {  	[smem:$0x3FA9] =	sst s6  }
0xf: {  	[smem:$0x3FAA] =	sst s7  }
0x10: {  	[smem:$0x3FAB] =	sst s8  }
0x11: {  	[smem:$0x3FAC] =	sst s9;
	s0 =	simm.s32 @!p0 $0x0  }
0x12: {  	s1 =	sld [smem:$0x3F92];
	s0 =	simm.s32 @p0 $0x1  }
0x13: {  	[smem:$0x3FAD] =	sst s0;
	s0 =	simm.s32 @!p1 $0x0  }
0x14: {  	s2 =	sld [smem:$0x3F91];
	s0 =	simm.s32 @p1 $0x1  }
0x15: {  	[smem:$0x3FAE] =	sst s0;
	s0 =	simm.s32 @!p2 $0x0  }
0x16: {  	s3 =	sld [smem:$0x3FDB];
	s0 =	simm.s32 @p2 $0x1  }
0x17: {  	s4 =	simm.s32 $0x1BF5;
	[smem:$0x3FB0] =	sst s0  }
0x18: {  	s0 =	sld [smem:$0x3F93];
	_ =	swait.ge [sflag:s4], $0x0  }
0x19: {  	s7 =	sld [smem:$0x3F94]  }
0x1a: {  	s8 =	sadd.s32 $0xFFFFE003, lr  }
0x1b: {  	s9 =	sadd.s32 $0xFFFFFEF7, lr;
	s5 =	simm.s32 $0xFFFFFFFF;
	p2 =	slt.u32 s8, $0xFFFFF086  }
0x1c: {  	p1 =	slt.u32 s9, $0xF7A;
	s5 =	simm.s32 @!p2 $0x0  }
0x1d: {  	s5 =	simm.s32 @p1 $0x1;
	p0 =	seq.s32 s7, s2  }
0x1e: {  	s7 =	smul.u32 @!p0 $0xF7A, s2;
	p2 =	seq.s32 @!p0 s5, $0x0  }
0x1f: {  	s9 =	smul.u32 $0xF7A, s1;
	s8 =	simm.s32 @!p0 $0x1BF5;
	p2 =	por !p2, p0  }
0x20: {  	[sflag:s8] =	ssyncset.s32 @!p0 $0xFFFFF086;
	s6 =	sadd.s32 @!p0 s3, s7;
	s7 =	simm.s32 @!p0 $0x108  }
0x21: {  	s3 =	sadd.s32 s3, s9;
	s6 =	sadd.s32 @!p0 $0x88, s6;
	s7 =	simm.s32 @p2 $0x1082  }
0x22: {  	[simem:s7], [sflag:s8] =	dma.local @!p0 [hbm:s6], $0xF7A  }
0x23: {  	s9 =	sor.u32 $0xD0000000, s2;
	s6 =	simm.s32 $0x108;
	_ =	swait.ge @!p0 [sflag:s8], $0x0  }
0x24: {  	s3 =	sadd.s32 $0x88, s3;
	s6 =	simm.s32 @!p1 $0x1082;
	[sflag:s4] =	ssyncset.s32 $0xFFFFF086  }
0x25: {  	[simem:s6], [sflag:s4] =	dma.local [hbm:s3], $0xF7A  }
0x26: {  	[smem:$0x3F94] =	sst s1;
	(tag) =	ssettag s2;
	_ =	strace s9  }
0x27: {  	s1 =	sld [smem:$0x3FA4]  }
0x28: {  	s2 =	sld [smem:$0x3FA5]  }
0x29: {  	s4 =	sld [smem:$0x3FA7]  }
0x2a: {  	p0 =	seq.s32 s5, $0x0;
	s5 =	sld [smem:$0x3FA8]  }
0x2b: {  	s6 =	sld [smem:$0x3FA9]  }
0x2c: {  	s7 =	sld [smem:$0x3FAA]  }
0x2d: {  	s3 =	simm.s32 $0x108;
	s8 =	sld [smem:$0x3FAB]  }
0x2e: {  	s3 =	simm.s32 @!p0 $0x1082;
	s9 =	sld [smem:$0x3FAC]  }
0x2f: {  	lr =	sadd.s32 s0, s3;
	s0 =	sld [smem:$0x3FA3]  }
0x30: {  	s3 =	sld [smem:$0x3FA6]  }
0x31: {  	[smem:$0x3FAF] =	sst s10  }
0x32: {  	s10 =	sld [smem:$0x3FAD];
	_ =	sdelay $0x3  }
0x33: {  	p0 =	seq.s32 s10, $0x1;
	s10 =	sld [smem:$0x3FAF];
	_ =	sdelay $0x3  }
0x34: {  	[smem:$0x3FAF] =	sst s10  }
0x35: {  	s10 =	sld [smem:$0x3FAE];
	_ =	sdelay $0x3  }
0x36: {  	p1 =	seq.s32 s10, $0x1;
	s10 =	sld [smem:$0x3FAF];
	_ =	sdelay $0x3  }
0x37: {  	[smem:$0x3FAF] =	sst s10  }
0x38: {  	s10 =	sld [smem:$0x3FB0]  }
0x39: {  	_ = 	snop;
	(pc) =	sbr.ind lr, $3  }
0x3a: {  	_ = 	snop  }
0x3b: {  	_ = 	snop  }
0x3c: {  	p2 =	seq.s32 s10, $0x1;
	s10 =	sld [smem:$0x3FAF]  }
0x3d: {  	_ =	shalt  }
0x3e: {  	_ =	shalt  }
0x3f: {  	_ =	shalt  }
0x40: {  	_ =	shalt  }
0x41: {  	_ =	shalt  }
0x42: {  	_ =	shalt  }
0x43: {  	_ =	shalt  }
0x44: {  	_ =	shalt  }
0x45: {  	_ =	shalt  }
0x46: {  	_ =	shalt  }
0x47: {  	_ =	shalt  }
0x48: {  	_ =	shalt  }
0x49: {  	_ =	shalt  }
0x4a: {  	_ =	shalt  }
0x4b: {  	_ =	shalt  }
0x4c: {  	_ =	shalt  }
0x4d: {  	_ =	shalt  }
0x4e: {  	_ =	shalt  }
0x4f: {  	_ =	shalt  }
0x50: {  	_ =	shalt  }
0x51: {  	_ =	shalt  }
0x52: {  	_ =	shalt  }
0x53: {  	_ =	shalt  }
0x54: {  	_ =	shalt  }
0x55: {  	_ =	shalt  }
0x56: {  	_ =	shalt  }
0x57: {  	_ =	shalt  }
0x58: {  	_ =	shalt  }
0x59: {  	_ =	shalt  }
0x5a: {  	_ =	shalt  }
0x5b: {  	_ =	shalt  }
0x5c: {  	_ =	shalt  }
0x5d: {  	_ =	shalt  }
0x5e: {  	_ =	shalt  }
0x5f: {  	_ =	shalt  }
0x60: {  	_ =	shalt  }
0x61: {  	_ =	shalt  }
0x62: {  	_ =	shalt  }
0x63: {  	_ =	shalt  }
0x64: {  	_ =	shalt  }
0x65: {  	_ =	shalt  }
0x66: {  	_ =	shalt  }
0x67: {  	_ =	shalt  }
0x68: {  	_ =	shalt  }
0x69: {  	_ =	shalt  }
0x6a: {  	_ =	shalt  }
0x6b: {  	_ =	shalt  }
0x6c: {  	_ =	shalt  }
0x6d: {  	_ =	shalt  }
0x6e: {  	_ =	shalt  }
0x6f: {  	_ =	shalt  }
0x70: {  	_ =	shalt  }
0x71: {  	_ =	shalt  }
0x72: {  	_ =	shalt  }
0x73: {  	_ =	shalt  }
0x74: {  	_ =	shalt  }
0x75: {  	_ =	shalt  }
0x76: {  	_ =	shalt  }
0x77: {  	_ =	shalt  }
0x78: {  	_ =	shalt  }
0x79: {  	_ =	shalt  }
0x7a: {  	_ =	shalt  }
0x7b: {  	_ =	shalt  }
0x7c: {  	_ =	shalt  }
0x7d: {  	_ =	shalt  }
0x7e: {  	_ =	shalt  }
0x7f: {  	_ =	shalt  }
0x80: {  	_ =	shalt  }
0x81: {  	_ =	shalt  }
0x82: {  	_ =	shalt  }
0x83: {  	_ =	shalt  }
0x84: {  	_ =	shalt  }
0x85: {  	_ =	shalt  }
0x86: {  	_ =	shalt  }
0x87: {  	_ =	shalt  }
.Lfunc_end0:
.L_simem_size_0:
called_computation.3_lowered:
.L_overlay_start_0:
0x88: {  	s0 =	sld [smem:$0x3FD9]  }
0x89: {  	s1 =	sld [smem:$0x3FFE];
	_ =	sdelay $0x3  }
0x8a: {  	s0 =	sadd.s32 s1, s0  }
0x8b: {  	[smem:$0x3FBB] =	sst s0  }
0x8c: {  	_ = 	snop  }
0x8d: {  	(tm) =	ssettm $0x1  }
0x8e: {  	s15 =	sld [smem:$0x3FFB];
	_ =	sdelay $0x3  }
0x8f: {  	_ =	strace s15  }
0x90: {  	s0 =	sld [smem:$0x3FFC];
	_ =	sdelay $0x3  }
0x91: {  	_ =	strace s0  }
0x92: {  	s0 =	sld [smem:$0x3FFD];
	_ =	sdelay $0x3  }
0x93: {  	_ =	strace s0  }
0x94: {  	_ =	strace $0x8FFFFFFF  }
0x95: {  	s16 =	sld [smem:$0x3FDB];
	_ =	sdelay $0x1  }
0x96: {  	s17 =	simm.s32 $_scs_section_size  }
0x97: {  	s2 =	simm.s32 $_size__tile_overlayer_lowered;
	s3 =	simm.s32 $_tile_overlayer_lowered  }
0x98: {  	s20 =	simm.s32 $0x1BFF;
	s19 =	sshll.u32 s3, $0x1;
	s0 =	sadd.s32 s17, s16  }
0x99: {  	s4 =	simm.s32 $0x0;
	s18 =	sshll.u32 s2, $0x1;
	s2 =	sadd.s32 s19, s0  }
0x9a: {  	[timem:s4], [sflag:s20] =	dma.local [hbm:s2], s18  }
0x9b: {  	_ =	swait.ge [sflag:s20], s18  }
0x9c: {  	s1 =	ssub.s32 $0x0, s18;
	[sflag:s20] =	ssyncset.done $0x0  }
0x9d: {  	[sflag:s20] =	ssyncadd.s32 s1;
	_ =	sdelay $0x1  }
0x9e: {  	s21 =	simm.s32 $0x1B8B  }
0x9f: {  	_ =	swait.ge [sflag:s21], $0x1  }
0xa0: {  	[sflag:s21] =	ssyncset.done $0x0  }
0xa1: {  	s23 =	simm.s32 $0x1B8E;
	s22 =	sld [smem:$0x3FFE];
	[sflag:s21] =	ssyncadd.s32 $0xFFFFFFFF  }
0xa2: {  	s24 =	simm.s32 $execute0_lowered;
	[smem:$0x3FD2] =	sst s23  }
0xa3: {  	s2 =	sshll.u32 s24, $0x1;
	_ =	strace $0x80000052;
	[dreg:$0x1] =	wrdreg $0xFFFFFFFF  }
0xa4: {  	s25 =	simm.s32 $_size_execute0_lowered;
	s0 =	sadd.s32 s0, s2;
	[dreg:$0x0] =	wrdreg $0x0  }
0xa5: {  	s2 =	sshll.u32 s25, $0x1;
	[dreg:$0x2] =	wrdreg s0  }
0xa6: {  	[dreg:$0x3] =	wrdreg s2  }
0xa7: {  	[dreg:$0x4] =	wrdreg $0xC0  }
0xa8: {  	_ =	task [dreg:s4], $0x5FFFF  }
0xa9: {  	[dreg:$0x1] =	wrdreg $0xFFFFFFFF  }
0xaa: {  	[dreg:$0x0] =	wrdreg $0x60  }
0xab: {  	[dreg:$0x2] =	wrdreg s22  }
0xac: {  	[dreg:$0x3] =	wrdreg $0x9  }
0xad: {  	_ =	task.clear_ibuf [dreg:s4], $0x4FFFF;
	_ =	strace $0x90000052  }
0xae: {  	s26 =	simm.s32 $0x9;
	_ =	strace $0x80000054  }
0xaf: {  	_ =	swait.ge [sflag:s26], $0x1  }
0xb0: {  	[sflag:s26] =	ssyncadd.s32 $0xFFFFFFFF  }
0xb1: {  	_ =	strace $0x90000054  }
0xb2: {  	_ =	sfence  }
0xb3: {  	s28 =	sld [smem:$0x0];
	_ =	sdelay $0x1  }
0xb4: {  	s29 =	srdreg.scid  }
0xb5: {  	s30 =	sshll.u32 s29, $0xD;
	s31 =	sshrl.u32 s29, $0x2  }
0xb6: {  	s1 =	sand.u32 $0x1, s29;
	s2 =	sand.u32 $0x4000, s30;
	s0 =	sadd.s32 s31, s28  }
0xb7: {  	s1 =	sor.u32 s2, s1;
	s0 =	sshll.u32 s0, $0x11  }
0xb8: {  	s0 =	sor.u32 s0, s1  }
0xb9: {  	s0 =	sadd.s32 $0x8F2B, s0  }
0xba: {  	[sflag:s0] =	ssyncadd.remote.s32 $0x1  }
0xbb: {  	_ =	sfence.sel $0xFFFF  }
0xbc: {  	[dreg:$0x0] =	wrdreg $0xFFFFFFFF;
	(pc) =	sbr.abs _section_cstart, $3  }
0xbd: {  	[dreg:$0x1] =	wrdreg $0xFFFFFFFF  }
0xbe: {  	_ =	task.clear_ibuf [dreg:s4], $0x2FFFF;
	_ =	strace $0x9FFFFFFF  }
0xbf: {  	(tm) =	ssettm $0x7FFFFFFF  }
tec
execute0_lowered:
.L_overlay_start_1:
0x0: {  	(tag) =	ssettag $0x1  }
0x1: {  	s0 =	rddreg [dreg:$0x0];
	_ =	strace $0x80000053;
	s1 =	simm.s32 $0x1  }
0x2: {  	s8 =	simm.s32 $0x108;
	v0 =	vimm.s32 $0x0;
	[sflag:s1] =	ssyncpa.u1 $0x0  }
0x3: {  	[tilespmem:s8+$0x70] =	vst v0  }
0x4: {  	[tilespmem:s8+$0x60] =	vst v0  }
0x5: {  	[tilespmem:s8+$0x50] =	vst v0  }
0x6: {  	[tilespmem:s8+$0x40] =	vst v0  }
0x7: {  	[tilespmem:s8+$0x30] =	vst v0  }
0x8: {  	s2 =	simm.s32 $0x40;
	s1 =	sadd.s32 $0x2BCE00, s0;
	[tilespmem:s8+$0x20] =	vst v0  }
0x9: {  	s3 =	sadd.s32 $0x5400, s0;
	s4 =	sadd.s32 $0x1F800, s0;
	s5 =	sadd.s32 $0xA800, s0;
	[tilespmem:s8+$0x10] =	vst v0  }
.LBB2_1:
0xa: {  	s2 =	sadd.s32 $0x40, s2;
	[tilespmem:s8+$0x0] =	vst v0;
	s8 =	sadd.s32 $0x80, s8  }
0xb: {  	p0 =	slt.u32 s2, $0x3C40;
	[tilespmem:s8+$0x70] =	vst v0  }
0xc: {  	[tilespmem:s8+$0x60] =	vst v0  }
.Ltmp0:
0xd: {  	[tilespmem:s8+$0x50] =	vst v0;
	(pc) =	sbr.rel @p0 .LBB2_1-.Ltmp0, $4  }
0xe: {  	[tilespmem:s8+$0x40] =	vst v0  }
0xf: {  	[tilespmem:s8+$0x30] =	vst v0  }
0x10: {  	[tilespmem:s8+$0x20] =	vst v0  }
0x11: {  	[tilespmem:s8+$0x10] =	vst v0  }
0x12: {  	s13 =	stileid.u32  }
0x13: {  	s0 =	smul.u32 $0x2C, s13  }
0x14: {  	s2 =	smin.u32 s13, $0x5  }
0x15: {  	s0 =	sadd.s32 s2, s0  }
0x16: {  	p0 =	slt.u32 s13, $0x5;
	s6 =	smul.u32 $0xF0, s0;
	s0 =	simm.s32 $0x2A30  }
0x17: {  	s0 =	simm.s32 @!p0 $0x2940  }
0x18: {  	s0 =	sadd.s32 s0, s6  }
0x19: {  	s7 =	smin.u32 s0, $0x29810  }
0x1a: {  	s0 =	ssub.s32 s7, s6  }
0x1b: {  	p0 =	sgt.s32 s0, $0x0  }
0x1c: {  	s0 =	simm.s32 @!p0 $0x0  }
0x1d: {  	s31 =	smulhi.u32 $0x88888889, s0  }
0x1e: {  	s30 =	simm.s32 $0x2;
	s9 =	simm.s32 $0x7;
	s10 =	simm.s32 $0x8  }
0x1f: {  	s19 =	simm.s32 $0x0;
	s15 =	simm.s32 $0xA;
	s2 =	sshrl.u32 s31, $0x7  }
0x20: {  	s17 =	simm.s32 $0x0;
	s18 =	simm.s32 $0x0;
	s11 =	smul.u32 $0xF0, s2  }
.Ltmp1:
0x21: {  	[tilespmem:s8+$0x0] =	vst v0;
	v0 =	vimm.s32 $0xFFFFFFFF;
	[sflag:s30] =	ssyncpa.u1 $0x0;
	s13 =	sshll.u32 s13, $0x8;
	(pc) =	sbr.rel .LBB2_3-.Ltmp1, $4  }
0x22: {  	[tilespmem:$0xF208] =	vst v0;
	[sflag:s9] =	ssyncpa.u1 $0x0;
	p0 =	sne.s32 s0, s11;
	s0 =	simm.s32 $0x1  }
0x23: {  	[sflag:s10] =	ssyncpa.u1 $0x0;
	s10 =	simm.s32 $0x9;
	s0 =	simm.s32 @!p0 $0x0  }
0x24: {  	[sflag:s10] =	ssyncpa.u1 $0x0;
	s16 =	smov.u32 s6;
	s12 =	sadd.s32 s0, s2  }
0x25: {  	v0 =	vlaneseq.u32;
	s11 =	simm.s32 $0x1;
	p0 =	por $0x0, $0x0;
	s14 =	sadd.s32 $0x1, s12  }
.LBB2_18:
0x26: {  	s0 =	sshrl.u32 s28, $0x2  }
.LBB2_20:
0x27: {  	_ =	swait.ge [sflag:s15], s0  }
0x28: {  	s31 =	ssub.s32 $0x0, s0;
	v1 =	vmov s21;
	vm0 =	veq.s32 v0, $0x0;
	[sflag:s15] =	ssyncset.done $0x0  }
0x29: {  	vm15 =	veq.s32 v0, $0x2;
	v1 =	vsel vm0, s26, v1;
	[sflag:s15] =	ssyncadd.s32 s31  }
0x2a: {  	v1 =	vsel vm15, s19, v1;
	[sflag:s15] =	ssyncpa.u1 $0x1  }
0x2b: {  	[tilespmem:$0xF208] =	vst v1  }
.LBB2_21:
0x2c: {  	s0 =	sadd.s32 $0xF0, s16  }
0x2d: {  	s2 =	smov.u32 s6;
	p1 =	slt.s32 s0, s7  }
0x2e: {  	s2 =	smov.u32 @p1 s0;
	p1 =	sne.s32 s18, s14  }
.Ltmp2:
0x2f: {  	_ = 	snop;
	(pc) =	sbr.rel @!p1 .LBB2_22-.Ltmp2, $3  }
0x30: {  	_ =	sdelay $0x1  }
0x31: {  	s19 =	smov.u32 s17;
	s31 =	sadd.s32 $0x1, s18;
	s17 =	smov.u32 s16  }
0x32: {  	p0 =	por !p0, !p0;
	s18 =	smov.u32 s31;
	s16 =	smov.u32 s2  }
.LBB2_3:
0x33: {  	p1 =	sge.u32 s18, s12  }
0x34: {  	s0 =	smulhi.u32 @!p1 $0xAAAAAAAB, s18  }
0x35: {  	s2 =	smov.u32 s16;
	p2 =	sgt.s32 @!p1 s16, $0x29720  }
0x36: {  	s20 =	sshra.s32 @!p1 s16, $0x1F;
	p2 =	por !p2, p1;
	s0 =	sshrl.u32 @!p1 s0, $0x1  }
0x37: {  	s20 =	sand.u32 @!p1 s20, s16;
	s2 =	simm.s32 @p2 $0x29720;
	s0 =	smul.u32 @!p1 $0x3, s0  }
0x38: {  	s2 =	ssub.s32 @!p1 s2, s20  }
0x39: {  	s2 =	sadd.s32 @!p1 $0xFFFD68E0, s2;
	s0 =	ssub.s32 @!p1 s18, s0  }
0x3a: {  	s20 =	sshll.u32 @!p1 s2, $0x2;
	p2 =	sgt.s32 @!p1 s2, $0xEF;
	s0 =	smul.u32 @!p1 $0x3C0, s0  }
0x3b: {  	s21 =	sand.u32 @!p1 $0x7, s16;
	s2 =	ssub.s32 @!p1 $0x3C0, s20;
	p2 =	por !p2, p1  }
0x3c: {  	s20 =	sshrl.u32 @!p1 s16, $0x3;
	s2 =	sshrl.u32 @!p1 s2, $0x2;
	s0 =	sshrl.u32 @!p1 s0, $0x2  }
0x3d: {  	s20 =	sadd.s32 @!p1 s5, s20;
	s2 =	simm.s32 @!p2 $0x0;
	s0 =	sadd.s32 @!p1 $0x10238, s0  }
0x3e: {  	[tilespmem:s0], [sflag:$0x8] =	stream.linear.gather @!p1 [hbm4b:s20+s21], s2, $0x38;
	[tilespmem:$0x1F6E8] =	vst v63  }
0x3f: {  	s0 =	sadd.s32 $0xFFFFFFFF, s18  }
0x40: {  	p1 =	sge.u32 s0, s12  }
0x41: {  	p2 =	sgt.s32 @!p1 s17, $0x29720  }
0x42: {  	s2 =	smov.u32 s17;
	s20 =	sshra.s32 @!p1 s17, $0x1F;
	p2 =	por !p2, p1  }
0x43: {  	s20 =	sand.u32 @!p1 s20, s17;
	s2 =	simm.s32 @p2 $0x29720  }
0x44: {  	s2 =	ssub.s32 @!p1 s2, s20  }
0x45: {  	s2 =	sadd.s32 @!p1 $0xFFFD68E0, s2  }
0x46: {  	s21 =	sand.u32 @!p1 $0x1, s0;
	s20 =	sshll.u32 @!p1 s2, $0x2  }
0x47: {  	p2 =	sgt.s32 @!p1 s2, $0xEF;
	s2 =	ssub.s32 @!p1 $0x3C0, s20;
	s20 =	smulhi.u32 @!p1 $0xAAAAAAAB, s0  }
0x48: {  	s23 =	smul.u32 @!p1 $0x3C0, s21;
	p2 =	por !p2, p1;
	s2 =	sshrl.u32 @!p1 s2, $0x2  }
0x49: {  	s22 =	simm.s32 @!p1 $0x8;
	s2 =	simm.s32 @!p2 $0x0;
	s20 =	sshrl.u32 @!p1 s20, $0x1  }
0x4a: {  	s23 =	sshrl.u32 @!p1 s23, $0x2;
	_ =	swait.ge @!p1 [sflag:s22], s2;
	s20 =	smul.u32 @!p1 $0x3, s20  }
0x4b: {  	s23 =	sor.u32 @!p1 $0x10508, s23;
	s24 =	ssub.s32 @!p1 $0x0, s2;
	[sflag:s22] =	ssyncset.done @!p1 $0x0  }
0x4c: {  	[sflag:s22] =	ssyncadd.s32 @!p1 s24;
	s22 =	sshrl.u32 @!p1 s17, $0x3;
	s0 =	ssub.s32 @!p1 s0, s20  }
0x4d: {  	s24 =	sand.u32 @!p1 $0x7, s17;
	s22 =	sadd.s32 @!p1 s3, s22;
	s0 =	smul.u32 @!p1 $0x3C0, s0  }
0x4e: {  	[tilespmem:s23], [sflag:$0x9] =	stream.linear.gather @!p1 [hbm4b:s22+s24], s2, $0x38;
	[tilespmem:$0x1F6E8] =	vst v63  }
0x4f: {  	s20 =	ssub.s32 @!p1 $0x29810, s17;
	s2 =	smul.u32 @!p1 $0x1E000, s21  }
0x50: {  	p2 =	slt.s32 @!p1 s20, $0xF0  }
0x51: {  	p2 =	por !p2, p1;
	s0 =	sshrl.u32 @!p1 s0, $0x2;
	s2 =	sshrl.u32 @!p1 s2, $0x2  }
0x52: {  	s20 =	simm.s32 @p2 $0xF0;
	s0 =	sadd.s32 @!p1 $0x10238, s0;
	s2 =	sor.u32 @!p1 $0x106E8, s2  }
0x53: {  	[tilespmem:s2], [sflag:$0x7] =	stream.indirect.gather @!p1 [hbm4b:s4+s20], $0x80, s0, s20, $0xb8;
	[tilespmem:$0x1F6E8] =	vst v63  }
0x54: {  	p1 =	slt.u32 s18, $0x2  }
.Ltmp3:
0x55: {  	_ = 	snop;
	(pc) =	sbr.rel @p1 .LBB2_21-.Ltmp3, $1  }
0x56: {  	_ =	sdelay $0x3  }
0x57: {  	p1 =	sgt.s32 s19, $0x29720;
	s0 =	smov.u32 s19  }
0x58: {  	s2 =	sshra.s32 s19, $0x1F;
	s20 =	ssub.s32 $0x29810, s19;
	s0 =	simm.s32 @!p1 $0x29720  }
0x59: {  	s2 =	sand.u32 s2, s19;
	p1 =	slt.s32 s20, $0xF0;
	s21 =	smov.u32 s20  }
0x5a: {  	s0 =	ssub.s32 s0, s2;
	s21 =	simm.s32 @!p1 $0xF0  }
0x5b: {  	s0 =	sadd.s32 $0xFFFD68E0, s0;
	s28 =	sshll.u32 s21, $0x7  }
0x5c: {  	s29 =	sshll.u32 s0, $0x2;
	s2 =	sand.u32 $0x3FFFFF80, s28  }
0x5d: {  	p1 =	sgt.s32 s0, $0xEF;
	s30 =	ssub.s32 $0x3C0, s29;
	_ =	swait.ge [sflag:s9], s2  }
0x5e: {  	s2 =	ssub.s32 $0x0, s2;
	[sflag:s9] =	ssyncset.done $0x0;
	s0 =	sshrl.u32 s30, $0x2  }
0x5f: {  	[sflag:s9] =	ssyncadd.s32 s2;
	s0 =	simm.s32 @p1 $0x0  }
0x60: {  	_ =	swait.ge [sflag:s10], s0  }
0x61: {  	s0 =	ssub.s32 $0x0, s0;
	[sflag:s10] =	ssyncset.done $0x0  }
0x62: {  	[sflag:s10] =	ssyncadd.s32 s0  }
0x63: {  	v1 =	vld [tilespmem:$0xF208];
	_ =	sdelay $0x4  }
0x64: {  	(v2sf) =	vpush v1, $0x0  }
0x65: {  	(v2sf) =	vpush v1, $0x1  }
0x66: {  	(v2sf) =	vpush v1, $0x2;
	_ =	sdelay $0x3  }
0x67: {  	s0 =	sadd.s32 $0xF0, s19  }
0x68: {  	p1 =	slt.s32 s7, s0  }
0x69: {  	s0 =	smov.u32 @p1 s7;
	p1 =	sgt.s32 s20, $0x0  }
0x6a: {  	s23 =	ssub.s32 s0, s19;
	s20 =	simm.s32 @!p1 $0x0  }
0x6b: {  	p1 =	slt.s32 s20, s23  }
0x6c: {  	s23 =	smov.u32 @p1 s20  }
0x6d: {  	s22 =	simm.s32 $0x1;
	p1 =	slt.s32 s23, $0x1  }
.Ltmp4:
0x6e: {  	s22 =	simm.s32 @!p0 $0x0;
	(pc) =	sbr.rel @p1 .LBB2_8-.Ltmp4, $4  }
0x6f: {  	s31 =	smul.u32 $0x3C0, s22  }
0x70: {  	s24 =	spop (v2sf)  }
0x71: {  	s0 =	sshrl.u32 s31, $0x2;
	s26 =	spop (v2sf)  }
0x72: {  	s20 =	sor.u32 $0x10508, s0;
	s19 =	spop (v2sf)  }
0x73: {  	s0 =	smin.u32 s23, $0x10  }
0x74: {  	v1 =	vmov s0  }
0x75: {  	p2 =	sgt.s32 s23, $0x10;
	vm1 =	vgt.u32 v1, v0  }
.Ltmp5:
0x76: {  	_ = 	snop;
	(pc) =	sbr.rel @!p2 .LBB2_7-.Ltmp5, $2  }
0x77: {  	_ =	sdelay $0x2  }
0x78: {  	s25 =	simm.s32 $0x10;
	s28 =	sadd.s32 $0xFFFFFFF0, s23;
	s21 =	smov.u32 s20;
	vm0 =	vmmov vm1  }
.LBB2_6:
0x79: {  	s0 =	smin.u32 s28, $0x10;
	s25 =	sadd.s32 $0x10, s25;
	v1 =	vld.msk [tilespmem:s21+$0x0 ss:$0x1], vm1  }
0x7a: {  	v2 =	vmov s0;
	p2 =	slt.s32 s25, s23  }
0x7b: {  	vm1 =	vgt.u32 v2, v0  }
.Ltmp6:
0x7c: {  	(pc) =	sbr.rel @p2 .LBB2_6-.Ltmp6, $3  }
0x7d: {  	_ =	sdelay $0x1  }
0x7e: {  	v1 =	vshll.u32 v1, $0x4  }
0x7f: {  	s28 =	sadd.s32 $0xFFFFFFF0, s28;
	[tilespmem:s21+$0x0] =	vst.msk vm0, v1;
	s21 =	sadd.s32 $0x10, s21;
	vm0 =	vmmov vm1  }
.LBB2_7:
0x80: {  	_ =	sdelay $0x4  }
0x81: {  	v1 =	vld.msk [tilespmem:s21+$0x0 ss:$0x1], vm1;
	_ =	sdelay $0x4  }
0x82: {  	v1 =	vshll.u32 v1, $0x4  }
0x83: {  	[tilespmem:s21+$0x0] =	vst.msk vm0, v1  }
.LBB2_8:
0x84: {  	s0 =	sand.u32 $0x1, s18  }
0x85: {  	s0 =	smul.u32 $0xF0, s0  }
0x86: {  	p2 =	sne.s32 s26, $0xFFFFFFFF  }
0x87: {  	v1 =	vld.msk @!p2 [tilespmem:s0+$0x10508], $0x1;
	_ =	sdelay $0x4  }
0x88: {  	(v2sf) =	vpush @!p2 v1, $0x0;
	_ =	sdelay $0xc  }
.Ltmp7:
0x89: {  	_ = 	snop;
	(pc) =	sbr.rel @p1 .LBB2_19-.Ltmp7, $4  }
0x8a: {  	_ = 	snop  }
0x8b: {  	s25 =	spop @!p2 (v2sf)  }
0x8c: {  	s19 =	simm.s32 @!p2 $0x0;
	s21 =	smov.u32 s25  }
0x8d: {  	[sflag:s15] =	ssyncpa.u1 $0x0;
	s25 =	smov.u32 @p2 s24;
	s21 =	smov.u32 @p2 s26  }
0x8e: {  	v1 =	vld.msk [tilespmem:s20+$0x0], $0x1;
	_ =	sdelay $0x4  }
0x8f: {  	(v2sf) =	vpush v1, $0x0;
	_ =	sdelay $0xe  }
0x90: {  	s0 =	smul.u32 $0x1E000, s22;
	s29 =	spop (v2sf)  }
0x91: {  	s23 =	ssub.s32 $0x0, s23;
	p1 =	seq.s32 s25, s29  }
0x92: {  	s26 =	sadd.s32 $0x1, s23;
	s0 =	sshrl.u32 s0, $0x2;
	p2 =	sgt.s32 @!p1 s25, $0x0  }
0x93: {  	s22 =	sor.u32 $0x10728, s0;
	s0 =	smov.u32 s25;
	p2 =	por !p2, p1  }
0x94: {  	s0 =	simm.s32 @p2 $0x0;
	p2 =	seq.s32 s26, $0x0  }
.Ltmp8:
0x95: {  	_ = 	snop;
	(pc) =	sbr.rel @p2 .LBB2_11-.Ltmp8, $4  }
0x96: {  	_ = 	snop  }
0x97: {  	s24 =	simm.s32 $0x0;
	s28 =	sadd.s32 $0x1, s20;
	s0 =	smin.u32 @!p1 s0, $0x270F0  }
0x98: {  	s30 =	simm.s32 @!p1 $0x1;
	s31 =	simm.s32 @!p1 $0x7988;
	s2 =	sand.u32 @!p1 $0x3FFF8, s0  }
0x99: {  	s30 =	smov.u32 @p1 s24;
	s0 =	sand.u32 @!p1 $0x7, s0;
	s2 =	sadd.s32 @!p1 s1, s2  }
.LBB2_10:
0x9a: {  	s8 =	smov.u32 s30  }
0x9b: {  	[tilespmem:s31], [sflag:$0x2] =	stream.linear.gather @!p1 [hbm4b:s2+s0], $0x80, $0x38;
	[tilespmem:$0x1F6E8] =	vst v63  }
0x9c: {  	s26 =	sadd.s32 $0x1, s26;
	s0 =	smov.u32 s29;
	v1 =	vld.msk [tilespmem:s28+$0x0], $0x1  }
0x9d: {  	p2 =	seq.s32 s26, $0x0;
	_ =	sdelay $0x3  }
0x9e: {  	(v2sf) =	vpush v1, $0x0;
	_ =	sdelay $0xe  }
0x9f: {  	s29 =	spop (v2sf)  }
0xa0: {  	p1 =	seq.s32 s0, s29  }
0xa1: {  	p3 =	sgt.s32 @!p1 s0, $0x0;
	s2 =	sshll.u32 @!p1 s30, $0x9;
	s30 =	sadd.s32 @!p1 $0x1, s30  }
.Ltmp9:
0xa2: {  	p3 =	por !p3, p1;
	s2 =	sshra.s32 @!p1 s2, $0x2;
	(pc) =	sbr.rel @!p2 .LBB2_10-.Ltmp9, $4  }
0xa3: {  	s30 =	smov.u32 @p1 s8;
	s0 =	simm.s32 @p3 $0x0;
	s31 =	sadd.s32 @!p1 $0x7988, s2  }
0xa4: {  	s0 =	smin.u32 @!p1 s0, $0x270F0  }
0xa5: {  	s2 =	sand.u32 @!p1 $0x3FFF8, s0;
	s0 =	sand.u32 @!p1 $0x7, s0  }
0xa6: {  	s28 =	sadd.s32 $0x1, s28;
	s2 =	sadd.s32 @!p1 s1, s2  }
.LBB2_11:
0xa7: {  	[tilespmem:s31], [sflag:$0x2] =	stream.linear.gather @!p1 [hbm4b:s2+s0], $0x80, $0x38;
	[tilespmem:$0x1F6E8] =	vst v63  }
.Ltmp10:
0xa8: {  	s30 =	sshll.u32 s30, $0x7;
	(pc) =	sbr.rel .LBB2_12-.Ltmp10, $4  }
0xa9: {  	s31 =	simm.s32 $0x2;
	s0 =	sand.u32 $0x3FFFFF80, s30  }
0xaa: {  	_ =	swait.ge [sflag:s31], s0  }
0xab: {  	s0 =	ssub.s32 $0x0, s0;
	[sflag:s31] =	ssyncset.done $0x0  }
0xac: {  	s28 =	simm.s32 $0x0;
	[sflag:s31] =	ssyncadd.s32 s0  }
.LBB2_13:
0xad: {  	v1 =	vld [tilespmem:s22+$0xFFFFFFC0];
	_ =	sdelay $0x3  }
0xae: {  	s0 =	sshra.s32 s0, $0x2  }
0xaf: {  	[tilespmem:s0+$0x108] =	vst.add.f32.msk $0xffff, v1  }
0xb0: {  	v1 =	vld [tilespmem:s22+$0xFFFFFFD0];
	_ =	sdelay $0x4  }
0xb1: {  	[tilespmem:s0+$0x118] =	vst.add.f32.msk $0xffff, v1  }
0xb2: {  	v1 =	vld [tilespmem:s22+$0xFFFFFFE0];
	_ =	sdelay $0x4  }
0xb3: {  	[tilespmem:s0+$0x128] =	vst.add.f32.msk $0xffff, v1  }
0xb4: {  	v1 =	vld [tilespmem:s22+$0xFFFFFFF0];
	_ =	sdelay $0x4  }
0xb5: {  	[tilespmem:s0+$0x138] =	vst.add.f32.msk $0xffff, v1  }
0xb6: {  	v1 =	vld [tilespmem:s22+$0x0];
	_ =	sdelay $0x4  }
0xb7: {  	[tilespmem:s0+$0x148] =	vst.add.f32.msk $0xffff, v1  }
0xb8: {  	v1 =	vld [tilespmem:s22+$0x10];
	_ =	sdelay $0x4  }
0xb9: {  	[tilespmem:s0+$0x158] =	vst.add.f32.msk $0xffff, v1  }
0xba: {  	v1 =	vld [tilespmem:s22+$0x20];
	_ =	sdelay $0x4  }
0xbb: {  	[tilespmem:s0+$0x168] =	vst.add.f32.msk $0xffff, v1  }
0xbc: {  	v1 =	vld [tilespmem:s22+$0x30];
	_ =	sdelay $0x4  }
0xbd: {  	[tilespmem:s0+$0x178] =	vst.add.f32.msk $0xffff, v1  }
.LBB2_17:
0xbe: {  	s23 =	sadd.s32 $0x1, s23  }
0xbf: {  	p1 =	seq.s32 s23, $0x0  }
.Ltmp11:
0xc0: {  	_ = 	snop;
	(pc) =	sbr.rel @p1 .LBB2_18-.Ltmp11, $2  }
0xc1: {  	_ =	sdelay $0x2  }
0xc2: {  	s20 =	sadd.s32 $0x1, s20;
	s22 =	sadd.s32 $0x80, s22;
	s25 =	smov.u32 s26  }
.LBB2_12:
0xc3: {  	v1 =	vld.msk [tilespmem:s20+$0x0], $0x1;
	_ =	sdelay $0x4  }
0xc4: {  	(v2sf) =	vpush v1, $0x0;
	_ =	sdelay $0xe  }
0xc5: {  	s26 =	spop (v2sf)  }
0xc6: {  	p1 =	sne.s32 s25, s26  }
.Ltmp12:
0xc7: {  	_ = 	snop;
	(pc) =	sbr.rel @!p1 .LBB2_13-.Ltmp12, $2  }
0xc8: {  	_ =	sdelay $0x2  }
0xc9: {  	s0 =	sshll.u32 s19, $0x9  }
0xca: {  	p1 =	seq.s32 s25, s21  }
.Ltmp13:
0xcb: {  	_ = 	snop;
	(pc) =	sbr.rel @!p1 .LBB2_15-.Ltmp13, $1  }
0xcc: {  	_ =	sdelay $0x3  }
0xcd: {  	s0 =	sshra.s32 s0, $0x2  }
.Ltmp14:
0xce: {  	s0 =	sadd.s32 $0x108, s0;
	(pc) =	sbr.rel .LBB2_16-.Ltmp14, $4  }
0xcf: {  	[spmem:s13] =	stream.linear.scatter [tilespmem:s0], [sflag:$0x1], $0x80, $0x38;
	[tilespmem:$0x1F6E8] =	vst v63  }
0xd0: {  	_ =	swait.ge [sflag:s11], $0x80  }
0xd1: {  	[sflag:s11] =	ssyncset.done $0x0  }
0xd2: {  	[sflag:s11] =	ssyncadd.s32 $0xFFFFFF80  }
.LBB2_15:
0xd3: {  	s2 =	sshll.u32 s24, $0x9  }
0xd4: {  	s2 =	sshra.s32 s2, $0x2  }
0xd5: {  	v1 =	vld [tilespmem:s2+$0x7988];
	_ =	sdelay $0x3  }
0xd6: {  	s0 =	sshra.s32 s0, $0x2  }
0xd7: {  	[tilespmem:s0+$0x108] =	vst.add.f32.msk $0xffff, v1  }
0xd8: {  	v1 =	vld [tilespmem:s2+$0x7998];
	_ =	sdelay $0x4  }
0xd9: {  	[tilespmem:s0+$0x118] =	vst.add.f32.msk $0xffff, v1  }
0xda: {  	v1 =	vld [tilespmem:s2+$0x79A8];
	_ =	sdelay $0x4  }
0xdb: {  	[tilespmem:s0+$0x128] =	vst.add.f32.msk $0xffff, v1  }
0xdc: {  	v1 =	vld [tilespmem:s2+$0x79B8];
	_ =	sdelay $0x4  }
0xdd: {  	[tilespmem:s0+$0x138] =	vst.add.f32.msk $0xffff, v1  }
0xde: {  	v1 =	vld [tilespmem:s2+$0x79C8];
	_ =	sdelay $0x4  }
0xdf: {  	[tilespmem:s0+$0x148] =	vst.add.f32.msk $0xffff, v1  }
0xe0: {  	v1 =	vld [tilespmem:s2+$0x79D8];
	_ =	sdelay $0x4  }
0xe1: {  	[tilespmem:s0+$0x158] =	vst.add.f32.msk $0xffff, v1  }
0xe2: {  	v1 =	vld [tilespmem:s2+$0x79E8];
	_ =	sdelay $0x4  }
0xe3: {  	[tilespmem:s0+$0x168] =	vst.add.f32.msk $0xffff, v1  }
0xe4: {  	v1 =	vld [tilespmem:s2+$0x79F8];
	_ =	sdelay $0x2  }
0xe5: {  	p1 =	sgt.u32 s25, $0x270F0  }
0xe6: {  	s2 =	sand.u32 @!p1 $0x3FFF8, s25  }
0xe7: {  	s8 =	sadd.s32 $0x108, s0;
	[tilespmem:s0+$0x178] =	vst.add.f32.msk $0xffff, v1;
	s0 =	sadd.s32 @!p1 s1, s2;
	s2 =	sand.u32 @!p1 $0x7, s25  }
0xe8: {  	[hbm4b:s0+s2] =	stream.linear.scatter @!p1 [tilespmem:s8], [sflag:$0xA], $0x80, $0x38;
	[tilespmem:$0x1F6E8] =	vst v63  }
0xe9: {  	s0 =	simm.s32 $0x0  }
0xea: {  	s0 =	simm.s32 @!p1 $0x200  }
0xeb: {  	s28 =	sadd.s32 s0, s28  }
.LBB2_16:
0xec: {  	s0 =	sadd.s32 $0x1, s19  }
0xed: {  	s2 =	smulhi.u32 $0x88888889, s0;
	_ =	sdelay $0x1  }
0xee: {  	v1 =	vld [tilespmem:s22+$0xFFFFFFC0];
	s2 =	sshrl.u32 s2, $0x7  }
0xef: {  	s2 =	smul.u32 $0xF0, s2;
	_ =	sdelay $0x1  }
0xf0: {  	s19 =	ssub.s32 s0, s2  }
0xf1: {  	s0 =	sshll.u32 s19, $0x7  }
0xf2: {  	[tilespmem:s0+$0x108] =	vst v1  }
0xf3: {  	v1 =	vld [tilespmem:s22+$0xFFFFFFD0];
	_ =	sdelay $0x4  }
0xf4: {  	[tilespmem:s0+$0x118] =	vst v1  }
0xf5: {  	v1 =	vld [tilespmem:s22+$0xFFFFFFE0];
	_ =	sdelay $0x4  }
0xf6: {  	[tilespmem:s0+$0x128] =	vst v1  }
0xf7: {  	v1 =	vld [tilespmem:s22+$0xFFFFFFF0];
	_ =	sdelay $0x4  }
0xf8: {  	[tilespmem:s0+$0x138] =	vst v1  }
0xf9: {  	v1 =	vld [tilespmem:s22+$0x0];
	_ =	sdelay $0x4  }
0xfa: {  	[tilespmem:s0+$0x148] =	vst v1  }
0xfb: {  	v1 =	vld [tilespmem:s22+$0x10];
	_ =	sdelay $0x4  }
0xfc: {  	[tilespmem:s0+$0x158] =	vst v1  }
0xfd: {  	v1 =	vld [tilespmem:s22+$0x20];
	_ =	sdelay $0x4  }
0xfe: {  	[tilespmem:s0+$0x168] =	vst v1  }
0xff: {  	v1 =	vld [tilespmem:s22+$0x30]  }
.Ltmp15:
0x100: {  	_ = 	snop;
	(pc) =	sbr.rel .LBB2_17-.Ltmp15, $2  }
0x101: {  	_ =	sdelay $0x2  }
0x102: {  	s24 =	sadd.s32 $0x1, s24;
	[tilespmem:s0+$0x178] =	vst v1  }
.LBB2_19:
.Ltmp16:
0x103: {  	(pc) =	sbr.rel .LBB2_20-.Ltmp16, $4  }
0x104: {  	_ = 	snop  }
0x105: {  	s0 =	simm.s32 $0x2  }
0x106: {  	_ =	swait.ge [sflag:s0], $0x0  }
0x107: {  	s26 =	smov.u32 s25;
	[sflag:s0] =	ssyncset.done $0x0;
	s0 =	simm.s32 $0x0  }
.LBB2_22:
0x108: {  	_ =	sfence.sel $0x180000  }
0x109: {  	s0 =	simm.s32 $0x7;
	[bflag:$0x0] =	sbarrier.arrive $0xFFFF  }
0x10a: {  	s25 =	simm.s32 $0x8;
	[sflag:s0] =	ssyncpa.u1 $0x1  }
0x10b: {  	s26 =	simm.s32 $0x9;
	[sflag:s25] =	ssyncpa.u1 $0x1  }
0x10c: {  	s28 =	simm.s32 $0x2;
	[sflag:s26] =	ssyncpa.u1 $0x1  }
0x10d: {  	[sflag:s28] =	ssyncpa.u1 $0x1  }
0x10e: {  	v0 =	vld [tilespmem:$0xF208];
	_ =	sdelay $0x4  }
0x10f: {  	(v2sf) =	vpush v0, $0x0  }
0x110: {  	(v2sf) =	vpush v0, $0x1;
	_ =	sdelay $0x1  }
0x111: {  	(v2sf) =	vpush v0, $0x2;
	_ =	sdelay $0xb  }
0x112: {  	s0 =	spop (v2sf)  }
0x113: {  	s2 =	spop (v2sf)  }
0x114: {  	s3 =	smov.u32 s0;
	p0 =	sne.s32 s0, s2  }
0x115: {  	s4 =	spop (v2sf);
	s3 =	simm.s32 @!p0 $0xFFFFFFFF  }
0x116: {  	v2 =	vimm.s32 $0x1;
	v3 =	vlaneseq.u32;
	p0 =	seq.s32 s4, $0xFFFFFFFF;
	v1 =	vmov s3  }
0x117: {  	s7 =	stileid.u32;
	v0 =	vperm.xlane v0, v2;
	p1 =	sne.s32 @!p0 s0, s2;
	v1 =	vperm.xlane v1, v3  }
0x118: {  	vm0 =	vcmask $0x3F04;
	s6 =	simm.s32 $0xF208;
	s0 =	simm.s32 @!p0 $0x1;
	p1 =	por !p1, p0  }
0x119: {  	s3 =	sshll.u32 s7, $0x1;
	s2 =	sshll.u32 @!p0 s4, $0x9;
	s0 =	simm.s32 @p1 $0x0;
	v0 =	vsel vm0, v1, v0  }
0x11a: {  	s5 =	sor.u32 $0x1000, s3;
	s2 =	sshra.s32 @!p0 s2, $0x2;
	s0 =	sor.u32 @!p0 s0, s3;
	[tilespmem:$0xF208] =	vst v0  }
0x11b: {  	[spmem:s5] =	stream.linear.scatter [tilespmem:s6], [sflag:$0x1], $0x2, $0x38;
	[tilespmem:$0x1F6E8] =	vst v63  }
0x11c: {  	s2 =	sadd.s32 @!p0 $0x108, s2;
	s0 =	sshll.u32 @!p0 s0, $0x7  }
0x11d: {  	[spmem:s0] =	stream.linear.scatter @!p0 [tilespmem:s2], [sflag:$0x1], $0x80, $0x38;
	[tilespmem:$0x1F6E8] =	vst v63  }
0x11e: {  	s0 =	simm.s32 @!p0 $0x82  }
0x11f: {  	s3 =	simm.s32 $0x1;
	s0 =	simm.s32 @p0 $0x2  }
0x120: {  	_ =	swait.ge [sflag:s3], s0  }
0x121: {  	s0 =	ssub.s32 $0x0, s0;
	[sflag:s3] =	ssyncset.done $0x0  }
0x122: {  	[sflag:s3] =	ssyncadd.s32 s0  }
0x123: {  	_ =	sfence.stream.spmem  }
0x124: {  	s29 =	simm.s32 $0x3;
	[bflag:$0x0] =	sbarrier.arrive $0xFFFF  }
0x125: {  	s30 =	simm.s32 $0x4;
	[sflag:s29] =	ssyncpa.u1 $0x1  }
0x126: {  	s31 =	simm.s32 $0x3C;
	[sflag:s30] =	ssyncpa.u1 $0x1  }
0x127: {  	p0 =	sne.s32 s7, $0x0;
	[sflag:s31] =	ssyncpa.u1 $0x1  }
0x128: {  	_ =	sfence @p0  }
0x129: {  	[sflag:s3] =	ssyncpa.u1 @p0 $0x1  }
0x12a: {  	_ =	strace @p0 $0x90000053  }
0x12b: {  	[bflag:$0x2] =	sbarrier.arrive @p0 $0xFFFF  }
0x12c: {  	_ =	shalt @p0  }
.LBB2_23:
0x12d: {  	_ =	sfence.stream.spmem;
	s0 =	simm.s32 $0x5  }
0x12e: {  	s2 =	simm.s32 $0x1000;
	s3 =	simm.s32 $0xF218;
	[sflag:s0] =	ssyncpa.u1 $0x0  }
0x12f: {  	[tilespmem:s3], [sflag:$0x5] =	stream.linear.gather [spmem:s2], $0x20, $0x38;
	[tilespmem:$0x1F6E8] =	vst v63  }
0x130: {  	s30 =	simm.s32 $0xF238;
	s2 =	simm.s32 $0x0  }
0x131: {  	[tilespmem:s30], [sflag:$0x5] =	stream.linear.gather [spmem:s2], $0x1000, $0x38;
	[tilespmem:$0x1F6E8] =	vst v63  }
.Ltmp17:
0x132: {  	_ = 	snop;
	(pc) =	sbr.rel .LBB2_24-.Ltmp17, $4  }
0x133: {  	_ =	swait.ge [sflag:s0], $0x1020  }
0x134: {  	[sflag:s0] =	ssyncset.done $0x0  }
0x135: {  	s31 =	simm.s32 $0x6;
	[sflag:s0] =	ssyncadd.s32 $0xFFFFEFE0  }
0x136: {  	s3 =	simm.s32 $0x0;
	[sflag:s31] =	ssyncpa.u1 $0x0  }
.LBB2_30:
0x137: {  	p0 =	slt.u32 s4, $0x270F1  }
0x138: {  	s0 =	sand.u32 @p0 $0x3FFF8, s4  }
0x139: {  	s4 =	sand.u32 @p0 $0x7, s4;
	s5 =	simm.s32 @p0 $0xF188;
	s0 =	sadd.s32 @p0 s1, s0  }
0x13a: {  	[tilespmem:s5], [sflag:$0x6] =	stream.linear.gather @p0 [hbm4b:s0+s4], $0x80, $0x38;
	[tilespmem:$0x1F6E8] =	vst v63  }
0x13b: {  	s0 =	simm.s32 @p0 $0x6  }
0x13c: {  	_ =	swait.ge @p0 [sflag:s0], $0x80  }
0x13d: {  	[sflag:s0] =	ssyncset.done @p0 $0x0  }
0x13e: {  	[sflag:s0] =	ssyncadd.s32 @p0 $0xFFFFFF80  }
0x13f: {  	v1 =	vld @p0 [tilespmem:$0xF188];
	_ =	sdelay $0x2  }
0x140: {  	s0 =	sshll.u32 @p0 s3, $0x9  }
0x141: {  	s4 =	sshrl.u32 @p0 s0, $0x2  }
0x142: {  	[tilespmem:s4+$0xF238] =	vst.add.f32.msk @p0 $0xffff, v1  }
0x143: {  	v1 =	vld @p0 [tilespmem:$0xF198];
	_ =	sdelay $0x4  }
0x144: {  	[tilespmem:s4+$0xF248] =	vst.add.f32.msk @p0 $0xffff, v1  }
0x145: {  	v1 =	vld @p0 [tilespmem:$0xF1A8];
	_ =	sdelay $0x4  }
0x146: {  	[tilespmem:s4+$0xF258] =	vst.add.f32.msk @p0 $0xffff, v1  }
0x147: {  	v1 =	vld @p0 [tilespmem:$0xF1B8];
	_ =	sdelay $0x4  }
0x148: {  	[tilespmem:s4+$0xF268] =	vst.add.f32.msk @p0 $0xffff, v1  }
0x149: {  	v1 =	vld @p0 [tilespmem:$0xF1C8];
	_ =	sdelay $0x4  }
0x14a: {  	[tilespmem:s4+$0xF278] =	vst.add.f32.msk @p0 $0xffff, v1  }
0x14b: {  	v1 =	vld @p0 [tilespmem:$0xF1D8];
	_ =	sdelay $0x4  }
0x14c: {  	[tilespmem:s4+$0xF288] =	vst.add.f32.msk @p0 $0xffff, v1  }
0x14d: {  	v1 =	vld @p0 [tilespmem:$0xF1E8];
	_ =	sdelay $0x4  }
0x14e: {  	[tilespmem:s4+$0xF298] =	vst.add.f32.msk @p0 $0xffff, v1  }
0x14f: {  	v1 =	vld @p0 [tilespmem:$0xF1F8];
	_ =	sdelay $0x3  }
0x150: {  	s5 =	sshll.u32 @!p0 s3, $0x9  }
0x151: {  	s5 =	smov.u32 @p0 s0;
	[tilespmem:s4+$0xF2A8] =	vst.add.f32.msk @p0 $0xffff, v1  }
0x152: {  	s0 =	sshrl.u32 s5, $0x2;
	[tilespmem:s2+$0xF218] =	vst.msk $0x1, v0  }
0x153: {  	v0 =	vld [tilespmem:s0+$0xF238];
	_ =	sdelay $0x2  }
0x154: {  	s31 =	sshll.u32 s2, $0x9  }
0x155: {  	s4 =	sshra.s32 s31, $0x2  }
0x156: {  	[tilespmem:s4+$0xF238] =	vst v0  }
0x157: {  	v0 =	vld [tilespmem:s0+$0xF248];
	_ =	sdelay $0x4  }
0x158: {  	[tilespmem:s4+$0xF248] =	vst v0  }
0x159: {  	v0 =	vld [tilespmem:s0+$0xF258];
	_ =	sdelay $0x4  }
0x15a: {  	[tilespmem:s4+$0xF258] =	vst v0  }
0x15b: {  	v0 =	vld [tilespmem:s0+$0xF268];
	_ =	sdelay $0x4  }
0x15c: {  	[tilespmem:s4+$0xF268] =	vst v0  }
0x15d: {  	v0 =	vld [tilespmem:s0+$0xF278];
	_ =	sdelay $0x4  }
0x15e: {  	[tilespmem:s4+$0xF278] =	vst v0  }
0x15f: {  	v0 =	vld [tilespmem:s0+$0xF288];
	_ =	sdelay $0x4  }
0x160: {  	[tilespmem:s4+$0xF288] =	vst v0  }
0x161: {  	v0 =	vld [tilespmem:s0+$0xF298];
	_ =	sdelay $0x4  }
0x162: {  	[tilespmem:s4+$0xF298] =	vst v0  }
0x163: {  	v0 =	vld [tilespmem:s0+$0xF2A8];
	_ =	sdelay $0x4  }
0x164: {  	s2 =	sadd.s32 $0x1, s2;
	[tilespmem:s4+$0xF2A8] =	vst v0  }
.LBB2_31:
0x165: {  	s3 =	sadd.s32 $0x1, s3  }
0x166: {  	p0 =	sne.s32 s3, $0x20  }
.Ltmp18:
0x167: {  	_ = 	snop;
	(pc) =	sbr.rel @!p0 .LBB2_32-.Ltmp18, $1  }
0x168: {  	_ =	sdelay $0x3  }
.LBB2_24:
0x169: {  	v0 =	vld.msk [tilespmem:s3+$0xF218], $0x1;
	_ =	sdelay $0x4  }
0x16a: {  	(v2sf) =	vpush v0, $0x0;
	_ =	sdelay $0xe  }
0x16b: {  	s4 =	spop (v2sf)  }
0x16c: {  	p0 =	seq.s32 s4, $0xFFFFFFFF  }
.Ltmp19:
0x16d: {  	_ = 	snop;
	(pc) =	sbr.rel @p0 .LBB2_31-.Ltmp19, $1  }
0x16e: {  	_ =	sdelay $0x3  }
0x16f: {  	p0 =	slt.s32 s2, $0x1  }
.Ltmp20:
0x170: {  	_ = 	snop;
	(pc) =	sbr.rel @p0 .LBB2_30-.Ltmp20, $1  }
0x171: {  	_ =	sdelay $0x3  }
0x172: {  	s5 =	simm.s32 $0xF218;
	p0 =	por $0x0, $0x0  }
0x173: {  	v1 =	vld.msk @!p0 [tilespmem:s5+$0x0], $0x1;
	_ =	sdelay $0x4  }
0x174: {  	(v2sf) =	vpush @!p0 v1, $0x0;
	_ =	sdelay $0xd  }
0x175: {  	p2 =	sne.s32 s2, $0x1  }
.Ltmp21:
0x176: {  	s0 =	spop @!p0 (v2sf);
	(pc) =	sbr.rel @!p2 .LBB2_28-.Ltmp21, $4  }
0x177: {  	p1 =	seq.s32 @!p0 s4, s0  }
0x178: {  	s6 =	simm.s32 $0x0;
	p1 =	por !p1, p0  }
0x179: {  	s0 =	simm.s32 $0xFFFFFFFF;
	s6 =	simm.s32 @p1 $0xFFFFFFFF  }
0x17a: {  	s7 =	simm.s32 $0x1;
	s6 =	smov.u32 @p0 s0  }
.LBB2_27:
0x17b: {  	s0 =	smov.u32 s6;
	p0 =	sne.s32 s6, $0xFFFFFFFF  }
0x17c: {  	s5 =	sadd.s32 $0x1, s5;
	s6 =	smov.u32 s7;
	s7 =	sadd.s32 $0x1, s7  }
0x17d: {  	p1 =	sne.s32 s2, s7;
	v1 =	vld.msk @!p0 [tilespmem:s5+$0x0], $0x1;
	_ =	sdelay $0x4  }
0x17e: {  	(v2sf) =	vpush @!p0 v1, $0x0;
	_ =	sdelay $0xe  }
.Ltmp22:
0x17f: {  	s8 =	spop @!p0 (v2sf);
	(pc) =	sbr.rel @p1 .LBB2_27-.Ltmp22, $4  }
0x180: {  	p2 =	seq.s32 @!p0 s4, s8  }
0x181: {  	p2 =	por !p2, p0  }
0x182: {  	s6 =	simm.s32 @p2 $0xFFFFFFFF  }
0x183: {  	s6 =	smov.u32 @p0 s0  }
.LBB2_28:
0x184: {  	p0 =	seq.s32 s6, $0xFFFFFFFF  }
.Ltmp23:
0x185: {  	_ = 	snop;
	(pc) =	sbr.rel @p0 .LBB2_30-.Ltmp23, $1  }
0x186: {  	_ =	sdelay $0x3  }
0x187: {  	s0 =	sshll.u32 s3, $0x7  }
0x188: {  	s0 =	sand.u32 $0x3FFFFF80, s0  }
0x189: {  	v0 =	vld [tilespmem:s0+$0xF238];
	_ =	sdelay $0x2  }
0x18a: {  	s4 =	sshll.u32 s6, $0x9  }
0x18b: {  	s4 =	sshra.s32 s4, $0x2  }
0x18c: {  	[tilespmem:s4+$0xF238] =	vst.add.f32.msk $0xffff, v0  }
0x18d: {  	v0 =	vld [tilespmem:s0+$0xF248];
	_ =	sdelay $0x4  }
0x18e: {  	[tilespmem:s4+$0xF248] =	vst.add.f32.msk $0xffff, v0  }
0x18f: {  	v0 =	vld [tilespmem:s0+$0xF258];
	_ =	sdelay $0x4  }
0x190: {  	[tilespmem:s4+$0xF258] =	vst.add.f32.msk $0xffff, v0  }
0x191: {  	v0 =	vld [tilespmem:s0+$0xF268];
	_ =	sdelay $0x4  }
0x192: {  	[tilespmem:s4+$0xF268] =	vst.add.f32.msk $0xffff, v0  }
0x193: {  	v0 =	vld [tilespmem:s0+$0xF278];
	_ =	sdelay $0x4  }
0x194: {  	[tilespmem:s4+$0xF278] =	vst.add.f32.msk $0xffff, v0  }
0x195: {  	v0 =	vld [tilespmem:s0+$0xF288];
	_ =	sdelay $0x4  }
0x196: {  	[tilespmem:s4+$0xF288] =	vst.add.f32.msk $0xffff, v0  }
0x197: {  	v0 =	vld [tilespmem:s0+$0xF298];
	_ =	sdelay $0x4  }
0x198: {  	[tilespmem:s4+$0xF298] =	vst.add.f32.msk $0xffff, v0  }
0x199: {  	v0 =	vld [tilespmem:s0+$0xF2A8]  }
.Ltmp24:
0x19a: {  	_ = 	snop;
	(pc) =	sbr.rel .LBB2_31-.Ltmp24, $2  }
0x19b: {  	_ =	sdelay $0x2  }
0x19c: {  	[tilespmem:s4+$0xF2A8] =	vst.add.f32.msk $0xffff, v0  }
.LBB2_32:
0x19d: {  	p0 =	slt.s32 s2, $0x1  }
.Ltmp25:
0x19e: {  	_ = 	snop;
	(pc) =	sbr.rel @p0 .LBB2_36-.Ltmp25, $3  }
0x19f: {  	_ =	sdelay $0x1  }
0x1a0: {  	s0 =	simm.s32 $0x6  }
0x1a1: {  	s3 =	simm.s32 $0x0;
	[sflag:s0] =	ssyncpa.u1 $0x1  }
0x1a2: {  	s0 =	simm.s32 $0xF218  }
0x1a3: {  	v0 =	vld.msk [tilespmem:s0+$0x0], $0x1;
	_ =	sdelay $0x4  }
0x1a4: {  	(v2sf) =	vpush v0, $0x0;
	_ =	sdelay $0xd  }
0x1a5: {  	s2 =	sadd.s32 $0xFFFFFFFF, s2  }
0x1a6: {  	p1 =	sne.s32 s2, $0x0;
	s0 =	spop (v2sf)  }
.Ltmp26:
0x1a7: {  	p0 =	sgt.u32 s0, $0x270F0;
	(pc) =	sbr.rel @!p1 .LBB2_35-.Ltmp26, $4  }
0x1a8: {  	s4 =	simm.s32 $0xF238;
	s5 =	sand.u32 @!p0 $0x3FFF8, s0  }
0x1a9: {  	s6 =	simm.s32 $0x0;
	s0 =	sand.u32 @!p0 $0x7, s0;
	s5 =	sadd.s32 @!p0 s1, s5  }
0x1aa: {  	[hbm4b:s5+s0] =	stream.linear.scatter @!p0 [tilespmem:s4], [sflag:$0x5], $0x80, $0x38;
	[tilespmem:$0x1F6E8] =	vst v63  }
0x1ab: {  	s6 =	simm.s32 @!p0 $0x200;
	s5 =	simm.s32 $0xF219  }
.LBB2_34:
0x1ac: {  	v0 =	vld.msk [tilespmem:s5+$0x0], $0x1;
	s2 =	sadd.s32 $0xFFFFFFFF, s2;
	s3 =	sadd.s32 s3, s6  }
0x1ad: {  	p0 =	sne.s32 s2, $0x0;
	_ =	sdelay $0x3  }
0x1ae: {  	(v2sf) =	vpush v0, $0x0;
	_ =	sdelay $0xe  }
.Ltmp27:
0x1af: {  	s0 =	spop (v2sf);
	(pc) =	sbr.rel @p0 .LBB2_34-.Ltmp27, $4  }
0x1b0: {  	s6 =	simm.s32 $0x0;
	p1 =	sgt.u32 s0, $0x270F0  }
0x1b1: {  	s4 =	sadd.s32 $0x80, s4;
	s6 =	simm.s32 @!p1 $0x200;
	s7 =	sand.u32 @!p1 $0x3FFF8, s0  }
0x1b2: {  	s5 =	sadd.s32 $0x1, s5;
	s0 =	sand.u32 @!p1 $0x7, s0;
	s7 =	sadd.s32 @!p1 s1, s7  }
0x1b3: {  	[hbm4b:s7+s0] =	stream.linear.scatter @!p1 [tilespmem:s4], [sflag:$0x5], $0x80, $0x38;
	[tilespmem:$0x1F6E8] =	vst v63  }
.LBB2_35:
0x1b4: {  	s0 =	sadd.s32 s3, s6  }
0x1b5: {  	s3 =	sshrl.u32 s0, $0x2  }
.LBB2_36:
0x1b6: {  	s0 =	simm.s32 $0x5  }
0x1b7: {  	_ =	swait.ge [sflag:s0], s3  }
0x1b8: {  	s1 =	ssub.s32 $0x0, s3;
	[sflag:s0] =	ssyncset.done $0x0  }
0x1b9: {  	[sflag:s0] =	ssyncadd.s32 s1  }
0x1ba: {  	[sflag:s0] =	ssyncpa.u1 $0x1  }
0x1bb: {  	s30 =	simm.s32 $0x1;
	_ =	sfence  }
0x1bc: {  	[sflag:s30] =	ssyncpa.u1 $0x1  }
0x1bd: {  	_ =	strace $0x90000053  }
0x1be: {  	[bflag:$0x2] =	sbarrier.arrive $0xFFFF  }
0x1bf: {  	s31 =	rddreg [dreg:$0x1]  }
0x1c0: {  	s0 =	sadd.s32 $0x100000, s31  }
0x1c1: {  	[sflag:s0] =	ssyncadd.tile.s32 $0x1;
	_ =	shalt  }
.Lfunc_end2:
_tile_overlayer_lowered:
.L_overlay_start_2:
0x1c2: {  	(tag) =	ssettag $0x2  }
0x1c3: {  	s0 =	rddreg [dreg:$0x0];
	s2 =	stileid.u32  }
0x1c4: {  	s1 =	rddreg [dreg:$0x1];
	p0 =	sne.s32 s2, $0x0  }
0x1c5: {  	s3 =	rddreg [dreg:$0x2];
	[bflag:$0x3] =	sbarrier.arrive $0xFFFF;
	s2 =	simm.s32 @!p0 $0x1C01  }
0x1c6: {  	[timem:s3], [sflag:s2] =	dma.local @!p0 [hbm:s0], s1  }
0x1c7: {  	s0 =	simm.s32 @!p0 $0x1  }
0x1c8: {  	_ =	swait.ge @!p0 [sflag:s0], s1  }
0x1c9: {  	s1 =	ssub.s32 @!p0 $0x0, s1;
	[sflag:s0] =	ssyncset.done @!p0 $0x0  }
0x1ca: {  	[sflag:s0] =	ssyncadd.s32 @!p0 s1  }
0x1cb: {  	[bflag:$0x3] =	sbarrier.arrive $0xFFFF  }
0x1cc: {  	_ =	shalt  }

// kernel: scatter_offload_async_start.4
scs
__scs_entry_jumppad:
0x0: {  	(pc) =	sbr.rel $0x88, $3  }
0x1: {  	(tag) =	ssettag $0x0;
	lr =	simm.s32 $0x1  }
0x2: {  	[smem:$0x3F94] =	sst lr;
	_ =	strace $0xD0000000  }
0x3: {  	_ = 	snop  }
0x4: {  	_ = 	snop  }
0x5: {  	_ = 	snop  }
0x6: {  	_ = 	snop  }
0x7: {  	_ = 	snop  }
__scs_overlays_trampoline_lowered:
0x8: {  	[smem:$0x3FA3] =	sst s0  }
0x9: {  	[smem:$0x3FA4] =	sst s1  }
0xa: {  	[smem:$0x3FA5] =	sst s2  }
0xb: {  	[smem:$0x3FA6] =	sst s3  }
0xc: {  	[smem:$0x3FA7] =	sst s4  }
0xd: {  	[smem:$0x3FA8] =	sst s5  }
0xe: {  	[smem:$0x3FA9] =	sst s6  }
0xf: {  	[smem:$0x3FAA] =	sst s7  }
0x10: {  	[smem:$0x3FAB] =	sst s8  }
0x11: {  	[smem:$0x3FAC] =	sst s9;
	s0 =	simm.s32 @!p0 $0x0  }
0x12: {  	s1 =	sld [smem:$0x3F92];
	s0 =	simm.s32 @p0 $0x1  }
0x13: {  	[smem:$0x3FAD] =	sst s0;
	s0 =	simm.s32 @!p1 $0x0  }
0x14: {  	s2 =	sld [smem:$0x3F91];
	s0 =	simm.s32 @p1 $0x1  }
0x15: {  	[smem:$0x3FAE] =	sst s0;
	s0 =	simm.s32 @!p2 $0x0  }
0x16: {  	s3 =	sld [smem:$0x3FDB];
	s0 =	simm.s32 @p2 $0x1  }
0x17: {  	s4 =	simm.s32 $0x1BF5;
	[smem:$0x3FB0] =	sst s0  }
0x18: {  	s0 =	sld [smem:$0x3F93];
	_ =	swait.ge [sflag:s4], $0x0  }
0x19: {  	s7 =	sld [smem:$0x3F94]  }
0x1a: {  	s8 =	sadd.s32 $0xFFFFE003, lr  }
0x1b: {  	s9 =	sadd.s32 $0xFFFFFEF7, lr;
	s5 =	simm.s32 $0xFFFFFFFF;
	p2 =	slt.u32 s8, $0xFFFFF086  }
0x1c: {  	p1 =	slt.u32 s9, $0xF7A;
	s5 =	simm.s32 @!p2 $0x0  }
0x1d: {  	s5 =	simm.s32 @p1 $0x1;
	p0 =	seq.s32 s7, s2  }
0x1e: {  	s7 =	smul.u32 @!p0 $0xF7A, s2;
	p2 =	seq.s32 @!p0 s5, $0x0  }
0x1f: {  	s9 =	smul.u32 $0xF7A, s1;
	s8 =	simm.s32 @!p0 $0x1BF5;
	p2 =	por !p2, p0  }
0x20: {  	[sflag:s8] =	ssyncset.s32 @!p0 $0xFFFFF086;
	s6 =	sadd.s32 @!p0 s3, s7;
	s7 =	simm.s32 @!p0 $0x108  }
0x21: {  	s3 =	sadd.s32 s3, s9;
	s6 =	sadd.s32 @!p0 $0x88, s6;
	s7 =	simm.s32 @p2 $0x1082  }
0x22: {  	[simem:s7], [sflag:s8] =	dma.local @!p0 [hbm:s6], $0xF7A  }
0x23: {  	s9 =	sor.u32 $0xD0000000, s2;
	s6 =	simm.s32 $0x108;
	_ =	swait.ge @!p0 [sflag:s8], $0x0  }
0x24: {  	s3 =	sadd.s32 $0x88, s3;
	s6 =	simm.s32 @!p1 $0x1082;
	[sflag:s4] =	ssyncset.s32 $0xFFFFF086  }
0x25: {  	[simem:s6], [sflag:s4] =	dma.local [hbm:s3], $0xF7A  }
0x26: {  	[smem:$0x3F94] =	sst s1;
	(tag) =	ssettag s2;
	_ =	strace s9  }
0x27: {  	s1 =	sld [smem:$0x3FA4]  }
0x28: {  	s2 =	sld [smem:$0x3FA5]  }
0x29: {  	s4 =	sld [smem:$0x3FA7]  }
0x2a: {  	p0 =	seq.s32 s5, $0x0;
	s5 =	sld [smem:$0x3FA8]  }
0x2b: {  	s6 =	sld [smem:$0x3FA9]  }
0x2c: {  	s7 =	sld [smem:$0x3FAA]  }
0x2d: {  	s3 =	simm.s32 $0x108;
	s8 =	sld [smem:$0x3FAB]  }
0x2e: {  	s3 =	simm.s32 @!p0 $0x1082;
	s9 =	sld [smem:$0x3FAC]  }
0x2f: {  	lr =	sadd.s32 s0, s3;
	s0 =	sld [smem:$0x3FA3]  }
0x30: {  	s3 =	sld [smem:$0x3FA6]  }
0x31: {  	[smem:$0x3FAF] =	sst s10  }
0x32: {  	s10 =	sld [smem:$0x3FAD];
	_ =	sdelay $0x3  }
0x33: {  	p0 =	seq.s32 s10, $0x1;
	s10 =	sld [smem:$0x3FAF];
	_ =	sdelay $0x3  }
0x34: {  	[smem:$0x3FAF] =	sst s10  }
0x35: {  	s10 =	sld [smem:$0x3FAE];
	_ =	sdelay $0x3  }
0x36: {  	p1 =	seq.s32 s10, $0x1;
	s10 =	sld [smem:$0x3FAF];
	_ =	sdelay $0x3  }
0x37: {  	[smem:$0x3FAF] =	sst s10  }
0x38: {  	s10 =	sld [smem:$0x3FB0]  }
0x39: {  	_ = 	snop;
	(pc) =	sbr.ind lr, $3  }
0x3a: {  	_ = 	snop  }
0x3b: {  	_ = 	snop  }
0x3c: {  	p2 =	seq.s32 s10, $0x1;
	s10 =	sld [smem:$0x3FAF]  }
0x3d: {  	_ =	shalt  }
0x3e: {  	_ =	shalt  }
0x3f: {  	_ =	shalt  }
0x40: {  	_ =	shalt  }
0x41: {  	_ =	shalt  }
0x42: {  	_ =	shalt  }
0x43: {  	_ =	shalt  }
0x44: {  	_ =	shalt  }
0x45: {  	_ =	shalt  }
0x46: {  	_ =	shalt  }
0x47: {  	_ =	shalt  }
0x48: {  	_ =	shalt  }
0x49: {  	_ =	shalt  }
0x4a: {  	_ =	shalt  }
0x4b: {  	_ =	shalt  }
0x4c: {  	_ =	shalt  }
0x4d: {  	_ =	shalt  }
0x4e: {  	_ =	shalt  }
0x4f: {  	_ =	shalt  }
0x50: {  	_ =	shalt  }
0x51: {  	_ =	shalt  }
0x52: {  	_ =	shalt  }
0x53: {  	_ =	shalt  }
0x54: {  	_ =	shalt  }
0x55: {  	_ =	shalt  }
0x56: {  	_ =	shalt  }
0x57: {  	_ =	shalt  }
0x58: {  	_ =	shalt  }
0x59: {  	_ =	shalt  }
0x5a: {  	_ =	shalt  }
0x5b: {  	_ =	shalt  }
0x5c: {  	_ =	shalt  }
0x5d: {  	_ =	shalt  }
0x5e: {  	_ =	shalt  }
0x5f: {  	_ =	shalt  }
0x60: {  	_ =	shalt  }
0x61: {  	_ =	shalt  }
0x62: {  	_ =	shalt  }
0x63: {  	_ =	shalt  }
0x64: {  	_ =	shalt  }
0x65: {  	_ =	shalt  }
0x66: {  	_ =	shalt  }
0x67: {  	_ =	shalt  }
0x68: {  	_ =	shalt  }
0x69: {  	_ =	shalt  }
0x6a: {  	_ =	shalt  }
0x6b: {  	_ =	shalt  }
0x6c: {  	_ =	shalt  }
0x6d: {  	_ =	shalt  }
0x6e: {  	_ =	shalt  }
0x6f: {  	_ =	shalt  }
0x70: {  	_ =	shalt  }
0x71: {  	_ =	shalt  }
0x72: {  	_ =	shalt  }
0x73: {  	_ =	shalt  }
0x74: {  	_ =	shalt  }
0x75: {  	_ =	shalt  }
0x76: {  	_ =	shalt  }
0x77: {  	_ =	shalt  }
0x78: {  	_ =	shalt  }
0x79: {  	_ =	shalt  }
0x7a: {  	_ =	shalt  }
0x7b: {  	_ =	shalt  }
0x7c: {  	_ =	shalt  }
0x7d: {  	_ =	shalt  }
0x7e: {  	_ =	shalt  }
0x7f: {  	_ =	shalt  }
0x80: {  	_ =	shalt  }
0x81: {  	_ =	shalt  }
0x82: {  	_ =	shalt  }
0x83: {  	_ =	shalt  }
0x84: {  	_ =	shalt  }
0x85: {  	_ =	shalt  }
0x86: {  	_ =	shalt  }
0x87: {  	_ =	shalt  }
.Lfunc_end0:
.L_simem_size_0:
called_computation.4_lowered:
.L_overlay_start_0:
0x88: {  	s0 =	sld [smem:$0x3FD9]  }
0x89: {  	s1 =	sld [smem:$0x3FFE];
	_ =	sdelay $0x3  }
0x8a: {  	s0 =	sadd.s32 s1, s0  }
0x8b: {  	[smem:$0x3FBB] =	sst s0  }
0x8c: {  	_ = 	snop  }
0x8d: {  	s0 =	sld [smem:$0x3FD0];
	_ =	sdelay $0x2  }
0x8e: {  	s12 =	simm.s32 $0xD;
	s2 =	simm.s32 $0x10  }
0x8f: {  	[smem:s2], [sflag:s12] =	dma.local [hbm:s0], $0x1  }
0x90: {  	_ =	swait.eq [sflag:s12], $0x1  }
0x91: {  	[sflag:s12] =	ssyncset.done $0x0  }
0x92: {  	[sflag:s12] =	ssyncadd.s32 $0xFFFFFFFF  }
0x93: {  	s13 =	sld [smem:$0x10];
	(tm) =	ssettm $0x1  }
0x94: {  	s14 =	sld [smem:$0x3FFB];
	_ =	sdelay $0x3  }
0x95: {  	_ =	strace s14  }
0x96: {  	s0 =	sld [smem:$0x3FFC];
	_ =	sdelay $0x3  }
0x97: {  	_ =	strace s0  }
0x98: {  	s0 =	sld [smem:$0x3FFD];
	_ =	sdelay $0x3  }
0x99: {  	_ =	strace s0  }
0x9a: {  	_ =	strace $0x8FFFFFFF  }
0x9b: {  	s15 =	sld [smem:$0x3FDB];
	_ =	sdelay $0x1  }
0x9c: {  	s16 =	simm.s32 $_scs_section_size  }
0x9d: {  	s3 =	simm.s32 $_size__tile_overlayer_lowered;
	s4 =	simm.s32 $_tile_overlayer_lowered  }
0x9e: {  	s5 =	simm.s32 $0x1BFF;
	s17 =	sshll.u32 s4, $0x1;
	s2 =	sadd.s32 s16, s15  }
0x9f: {  	s18 =	simm.s32 $0x0;
	s3 =	sshll.u32 s3, $0x1;
	s4 =	sadd.s32 s17, s2  }
0xa0: {  	[timem:s18], [sflag:s5] =	dma.local [hbm:s4], s3  }
0xa1: {  	_ =	swait.ge [sflag:s5], s3  }
0xa2: {  	s3 =	ssub.s32 $0x0, s3;
	[sflag:s5] =	ssyncset.done $0x0  }
0xa3: {  	[sflag:s5] =	ssyncadd.s32 s3;
	_ =	sdelay $0x1  }
0xa4: {  	s19 =	simm.s32 $0x1B8B  }
0xa5: {  	_ =	swait.ge [sflag:s19], $0x1  }
0xa6: {  	[sflag:s19] =	ssyncset.done $0x0  }
0xa7: {  	s21 =	simm.s32 $0x1B8E;
	s20 =	sld [smem:$0x3FFE];
	[sflag:s19] =	ssyncadd.s32 $0xFFFFFFFF  }
0xa8: {  	s22 =	simm.s32 $execute0_lowered;
	[smem:$0x3FD2] =	sst s21  }
0xa9: {  	s4 =	sshll.u32 s22, $0x1;
	_ =	strace $0x80000055;
	[dreg:$0x1] =	wrdreg $0xFFFFFFFF  }
0xaa: {  	s23 =	simm.s32 $_size_execute0_lowered;
	s4 =	sadd.s32 s2, s4;
	[dreg:$0x0] =	wrdreg $0x0  }
0xab: {  	s5 =	sshll.u32 s23, $0x1;
	[dreg:$0x2] =	wrdreg s4  }
0xac: {  	[dreg:$0x3] =	wrdreg s5  }
0xad: {  	[dreg:$0x4] =	wrdreg $0xC0  }
0xae: {  	s24 =	simm.s32 $execute1_lowered;
	_ =	task [dreg:s18], $0x5FFFF  }
0xaf: {  	s4 =	sshll.u32 s24, $0x1;
	[dreg:$0x1] =	wrdreg $0xFFFFFFFF  }
0xb0: {  	s2 =	sadd.s32 s2, s4;
	[dreg:$0x0] =	wrdreg $0x60  }
0xb1: {  	[dreg:$0x2] =	wrdreg s2  }
0xb2: {  	[dreg:$0x3] =	wrdreg s13  }
0xb3: {  	[dreg:$0x4] =	wrdreg s20  }
0xb4: {  	[dreg:$0x5] =	wrdreg $0x9  }
0xb5: {  	_ =	task.clear_ibuf [dreg:s18], $0x6FFFF;
	_ =	strace $0x90000055  }
0xb6: {  	s25 =	simm.s32 $0x9;
	_ =	strace $0x80000057  }
0xb7: {  	_ =	swait.ge [sflag:s25], $0x1  }
0xb8: {  	[sflag:s25] =	ssyncadd.s32 $0xFFFFFFFF  }
0xb9: {  	_ =	strace $0x90000057  }
0xba: {  	_ =	strace $0x80000058;
	[dreg:$0x1] =	wrdreg $0xFFFFFFFF  }
0xbb: {  	[dreg:$0x0] =	wrdreg $0x2030  }
0xbc: {  	[dreg:$0x2] =	wrdreg s20  }
0xbd: {  	[dreg:$0x3] =	wrdreg $0xA  }
0xbe: {  	_ =	task.clear_ibuf [dreg:s18], $0x4FFFF;
	_ =	strace $0x90000058  }
0xbf: {  	s26 =	simm.s32 $0xA;
	_ =	strace $0x8000005A  }
0xc0: {  	_ =	swait.ge [sflag:s26], $0x1  }
0xc1: {  	[sflag:s26] =	ssyncadd.s32 $0xFFFFFFFF  }
0xc2: {  	_ =	strace $0x9000005A  }
0xc3: {  	_ =	sfence  }
0xc4: {  	s28 =	sld [smem:$0x0];
	_ =	sdelay $0x1  }
0xc5: {  	s29 =	srdreg.scid  }
0xc6: {  	s30 =	sshll.u32 s29, $0xD;
	s31 =	sshrl.u32 s29, $0x2  }
0xc7: {  	s3 =	sand.u32 $0x4000, s30;
	s2 =	sand.u32 $0x1, s29;
	s1 =	sadd.s32 s31, s28  }
0xc8: {  	s2 =	sor.u32 s3, s2;
	s1 =	sshll.u32 s1, $0x11  }
0xc9: {  	s1 =	sor.u32 s1, s2  }
0xca: {  	s1 =	sadd.s32 $0x8F2B, s1  }
0xcb: {  	[sflag:s1] =	ssyncadd.remote.s32 $0x1  }
0xcc: {  	_ =	sfence.sel $0xFFFF  }
0xcd: {  	[dreg:$0x0] =	wrdreg $0xFFFFFFFF;
	(pc) =	sbr.abs _section_cstart, $3  }
0xce: {  	[dreg:$0x1] =	wrdreg $0xFFFFFFFF  }
0xcf: {  	_ =	task.clear_ibuf [dreg:s18], $0x2FFFF;
	_ =	strace $0x9FFFFFFF  }
0xd0: {  	(tm) =	ssettm $0x7FFFFFFF  }
0xd1: {  	_ =	shalt  }
tec
execute0_lowered:
.L_overlay_start_1:
0x0: {  	(tag) =	ssettag $0x1  }
0x1: {  	s2 =	rddreg [dreg:$0x0]  }
0x2: {  	s5 =	rddreg [dreg:$0x1]  }
0x3: {  	s4 =	rddreg [dreg:$0x2]  }
0x4: {  	s0 =	rddreg [dreg:$0x3];
	s3 =	stileid.u32  }
0x5: {  	[bflag:$0x3] =	sbarrier.arrive $0xFFFF;
	s1 =	simm.s32 $_size_execute1_lowered;
	p0 =	sne.s32 s3, $0x0  }
0x6: {  	s1 =	sshll.u32 s1, $0x1;
	s6 =	simm.s32 @!p0 $0x1C3F;
	s7 =	simm.s32 @!p0 $0x4060  }
0x7: {  	[timem:s7], [sflag:s6] =	dma.local @!p0 [hbm:s2], s1  }
.Ltmp0:
0x8: {  	s30 =	simm.s32 $0x2;
	s8 =	simm.s32 $0x780;
	(pc) =	sbr.rel .LBB2_1-.Ltmp0, $4  }
0x9: {  	s10 =	simm.s32 $0x0;
	s9 =	simm.s32 $0x0;
	s2 =	smul.u32 $0x280, s3  }
0xa: {  	s4 =	sadd.s32 $0x5400, s4;
	s3 =	simm.s32 $0x1;
	_ =	strace $0x80000056  }
0xb: {  	s6 =	simm.s32 $0x0;
	[sflag:s3] =	ssyncpa.u1 $0x0;
	s31 =	sshrl.u32 s2, $0x3  }
0xc: {  	s7 =	simm.s32 $0x280;
	[sflag:s30] =	ssyncpa.u1 $0x0;
	s5 =	sadd.s32 s31, s5  }
.LBB2_8:
0xd: {  	p1 =	seq.s32 s9, $0x2  }
.Ltmp1:
0xe: {  	_ = 	snop;
	(pc) =	sbr.rel @p1 .LBB2_10-.Ltmp1, $1  }
0xf: {  	_ =	sdelay $0x3  }
.LBB2_9:
0x10: {  	s9 =	sadd.s32 $0x1, s9;
	s10 =	smov.u32 s2  }
.LBB2_1:
0x11: {  	p1 =	sne.s32 s9, $0x0  }
.Ltmp2:
0x12: {  	_ = 	snop;
	(pc) =	sbr.rel @!p1 .LBB2_2-.Ltmp2, $1  }
0x13: {  	_ =	sdelay $0x3  }
0x14: {  	s11 =	sand.u32 $0x1, s9  }
0x15: {  	p1 =	seq.s32 s11, $0x0  }
.Ltmp3:
0x16: {  	_ = 	snop;
	(pc) =	sbr.rel @p1 .LBB2_8-.Ltmp3, $1  }
0x17: {  	_ =	sdelay $0x3  }
0x18: {  	_ =	swait.ge [sflag:s3], $0x280  }
0x19: {  	[sflag:s3] =	ssyncset.done $0x0  }
0x1a: {  	s11 =	simm.s32 $0x0;
	p1 =	por $0x1, $0x1;
	[sflag:s3] =	ssyncadd.s32 $0xFFFFFD80  }
.LBB2_5:
0x1b: {  	v0 =	vld [tilespmem:s11+$0x280]  }
0x1c: {  	v1 =	vld [tilespmem:s11+$0x290]  }
0x1d: {  	v2 =	vld [tilespmem:s11+$0x2A0]  }
0x1e: {  	v3 =	vld [tilespmem:s11+$0x2B0]  }
0x1f: {  	v4 =	vld [tilespmem:s11+$0x2C0]  }
0x20: {  	v53 =	vld [tilespmem:s11+$0x2D0];
	[tilespmem:s11+$0x780] =	vst v0  }
0x21: {  	v54 =	vld [tilespmem:s11+$0x2E0];
	[tilespmem:s11+$0x790] =	vst v1  }
0x22: {  	v55 =	vld [tilespmem:s11+$0x2F0];
	[tilespmem:s11+$0x7A0] =	vst v2  }
0x23: {  	v56 =	vld [tilespmem:s11+$0x300];
	[tilespmem:s11+$0x7B0] =	vst v3  }
0x24: {  	v57 =	vld [tilespmem:s11+$0x310];
	[tilespmem:s11+$0x7C0] =	vst v4  }
0x25: {  	v58 =	vld [tilespmem:s11+$0x320];
	[tilespmem:s11+$0x7D0] =	vst v53  }
0x26: {  	v59 =	vld [tilespmem:s11+$0x330];
	[tilespmem:s11+$0x7E0] =	vst v54  }
0x27: {  	v60 =	vld [tilespmem:s11+$0x340];
	[tilespmem:s11+$0x7F0] =	vst v55  }
0x28: {  	v61 =	vld [tilespmem:s11+$0x350];
	[tilespmem:s11+$0x800] =	vst v56  }
0x29: {  	v62 =	vld [tilespmem:s11+$0x360];
	[tilespmem:s11+$0x810] =	vst v57  }
0x2a: {  	v63 =	vld [tilespmem:s11+$0x370];
	p2 =	por p1, p1;
	[tilespmem:s11+$0x820] =	vst v58  }
.Ltmp4:
0x2b: {  	[tilespmem:s11+$0x830] =	vst v59;
	(pc) =	sbr.rel @p2 .LBB2_5-.Ltmp4, $4  }
0x2c: {  	[tilespmem:s11+$0x840] =	vst v60  }
0x2d: {  	[tilespmem:s11+$0x850] =	vst v61  }
0x2e: {  	s12 =	simm.s32 $0x1F0;
	s13 =	simm.s32 $0x980;
	[tilespmem:s11+$0x860] =	vst v62  }
0x2f: {  	s14 =	simm.s32 $0x480;
	p1 =	por $0x0, $0x0;
	[tilespmem:s11+$0x870] =	vst v63;
	s11 =	simm.s32 $0x100  }
.LBB2_6:
0x30: {  	s12 =	sadd.s32 $0x10, s12  }
0x31: {  	v0 =	vld [tilespmem:s14+$0x0];
	p1 =	slt.u32 s12, $0x270  }
.Ltmp5:
0x32: {  	_ = 	snop;
	(pc) =	sbr.rel @p1 .LBB2_6-.Ltmp5, $2  }
0x33: {  	_ =	sdelay $0x2  }
0x34: {  	s14 =	sadd.s32 $0x10, s14;
	[tilespmem:s13+$0x0] =	vst v0;
	s13 =	sadd.s32 $0x10, s13  }
.Ltmp6:
0x35: {  	(pc) =	sbr.rel .LBB2_8-.Ltmp6, $4  }
0x36: {  	_ = 	snop  }
0x37: {  	s10 =	sshrl.u32 s10, $0x3  }
0x38: {  	s10 =	sadd.s32 s4, s10  }
0x39: {  	[hbm4b:s10+s6] =	stream.linear.scatter [tilespmem:s8], [sflag:$0x2], $0x280, $0x38;
	[tilespmem:$0xA00] =	vst v63  }
.LBB2_2:
.Ltmp7:
0x3a: {  	(pc) =	sbr.rel .LBB2_9-.Ltmp7, $2  }
0x3b: {  	_ =	sdelay $0x2  }
0x3c: {  	[tilespmem:s7], [sflag:$0x1] =	stream.linear.gather [hbm4b:s5+s6], $0x280, $0x38;
	[tilespmem:$0xA00] =	vst v63  }
.LBB2_10:
0x3d: {  	s2 =	simm.s32 $0x2  }
0x3e: {  	_ =	swait.ge [sflag:s2], $0x280  }
0x3f: {  	[sflag:s2] =	ssyncset.done $0x0  }
0x40: {  	[sflag:s2] =	ssyncadd.s32 $0xFFFFFD80  }
0x41: {  	_ =	sfence.sel $0x180000  }
0x42: {  	s3 =	simm.s32 $0x1;
	[bflag:$0x0] =	sbarrier.arrive $0xFFFF  }
0x43: {  	[sflag:s3] =	ssyncpa.u1 $0x1  }
0x44: {  	[sflag:s2] =	ssyncpa.u1 $0x1  }
0x45: {  	_ =	strace $0x90000056  }
0x46: {  	s0 =	sadd.s32 @!p0 $0x100000, s0;
	[bflag:$0x2] =	sbarrier.arrive $0xFFFF  }
0x47: {  	[sflag:s0] =	ssyncadd.tile.s32 @!p0 $0x1;
	s0 =	simm.s32 @!p0 $0x3F  }
0x48: {  	_ =	swait.ge @!p0 [sflag:s0], s1  }
0x49: {  	s1 =	ssub.s32 @!p0 $0x0, s1;
	[sflag:s0] =	ssyncset.done @!p0 $0x0  }
0x4a: {  	[sflag:s0] =	ssyncadd.s32 @!p0 s1  }
0x4b: {  	[bflag:$0x3] =	sbarrier.arrive $0xFFFF  }
0x4c: {  	_ =	shalt  }
.Lfunc_end2:
execute1_lowered:
.L_overlay_start_2:
0x4d: {  	(tag) =	ssettag $0x2  }
0x4e: {  	s0 =	rddreg [dreg:$0x0]  }
0x4f: {  	s6 =	stileid.u32;
	_ =	strace $0x80000059;
	s2 =	simm.s32 $0x1  }
0x50: {  	v1 =	vimm.s32 $0xFFFFFFFF;
	s1 =	smin.u32 s6, $0x9;
	[sflag:s2] =	ssyncpa.u1 $0x0  }
0x51: {  	s1 =	sadd.s32 s6, s1;
	[tilespmem:$0x10] =	vst v1  }
0x52: {  	v0 =	vimm.f32 $0.0e+00;
	p0 =	slt.u32 s6, $0x9;
	[tilespmem:$0x20] =	vst v1;
	s3 =	smul.u32 $0x1A90, s1;
	s1 =	simm.s32 $0x3520  }
0x53: {  	[tilespmem:$0x30] =	vst v0;
	s1 =	simm.s32 @!p0 $0x1A90  }
0x54: {  	[tilespmem:$0x40] =	vst v0;
	s1 =	sadd.s32 s1, s3  }
0x55: {  	[tilespmem:$0x50] =	vst v0;
	s4 =	smin.u32 s1, $0x29810  }
0x56: {  	s7 =	simm.s32 $0x2;
	[tilespmem:$0x60] =	vst v1;
	s9 =	ssub.s32 s4, s3  }
0x57: {  	s8 =	simm.s32 $0x8;
	s31 =	simm.s32 $0x9;
	[tilespmem:$0x70] =	vst v1;
	p0 =	sgt.s32 s9, $0x0  }
0x58: {  	s16 =	simm.s32 $0x0;
	s17 =	simm.s32 $0xF0;
	[tilespmem:$0x80] =	vst v1;
	s9 =	simm.s32 @!p0 $0x0  }
0x59: {  	s18 =	simm.s32 $0xFFFFFFFF;
	s19 =	simm.s32 $0xFFFFCBE0;
	v1 =	vimm.s32 $0x0;
	[tilespmem:$0xB0] =	vst v0;
	s5 =	smulhi.u32 $0x134679AD, s9  }
0x5a: {  	s20 =	simm.s32 $0xFFFFFFFE;
	s21 =	simm.s32 $0xF;
	s25 =	simm.s32 $0x0;
	[tilespmem:$0x90] =	vst v1  }
0x5b: {  	[tilespmem:$0xA0] =	vst v1;
	[sflag:s7] =	ssyncpa.u1 $0x0;
	s7 =	simm.s32 $0x7;
	s10 =	sshrl.u32 s5, $0x9  }
0x5c: {  	s24 =	simm.s32 $0x0;
	[sflag:s7] =	ssyncpa.u1 $0x0;
	s11 =	smul.u32 $0x1A90, s10  }
0x5d: {  	s14 =	sshllo.u32 s6, $0x1;
	[sflag:s8] =	ssyncpa.u1 $0x0;
	s23 =	smov.u32 s3  }
.Ltmp8:
0x5e: {  	s1 =	sadd.s32 $0x5400, s0;
	p0 =	sne.s32 s9, s11;
	(pc) =	sbr.rel .LBB3_1-.Ltmp8, $4  }
0x5f: {  	s5 =	sadd.s32 $0x2E4000, s0;
	s0 =	sadd.s32 $0x2E9400, s0;
	s2 =	simm.s32 @!p0 $0x0  }
0x60: {  	[sflag:s31] =	ssyncpa.u1 $0x0;
	[dreg:$0x2] =	wrdreg s0;
	s9 =	sadd.s32 s2, s10  }
0x61: {  	vm0 =	vmmov $0xffff;
	v2 =	vlaneseq.u32;
	p0 =	por $0x0, $0x0;
	s10 =	sshll.u32 s6, $0x1;
	s11 =	sadd.s32 $0x1, s9  }
0x62: {  	vm1 =	vmxor vm1, vm1;
	vm2 =	vmmov $0x1;
	vm3 =	vcmask $0x3F3C;
	s12 =	sadd.s32 $0x2, s9;
	s13 =	sor.u32 $0x81, s10;
	s15 =	sor.u32 $0x80, s10  }
.LBB3_9:
0x63: {  	p1 =	slt.u32 s24, $0x3  }
0x64: {  	s0 =	simm.s32 @!p1 $0x2  }
0x65: {  	_ =	swait.ge @!p1 [sflag:s0], $0x1A90  }
0x66: {  	[sflag:s0] =	ssyncset.done @!p1 $0x0  }
0x67: {  	[sflag:s0] =	ssyncadd.s32 @!p1 $0xFFFFE570;
	s0 =	simm.s32 @!p1 $0x9  }
0x68: {  	_ =	swait.ge @!p1 [sflag:s0], $0x10  }
0x69: {  	[sflag:s0] =	ssyncset.done @!p1 $0x0  }
0x6a: {  	[sflag:s0] =	ssyncadd.s32 @!p1 $0xFFFFFFF0;
	p1 =	sne.s32 s24, s12  }
.Ltmp9:
0x6b: {  	s2 =	sadd.s32 $0x1A90, s23;
	(pc) =	sbr.rel @!p1 .LBB3_10-.Ltmp9, $4  }
0x6c: {  	s6 =	smov.u32 s3;
	s31 =	sadd.s32 $0x1, s24;
	s17 =	sadd.s32 $0x1A90, s17  }
0x6d: {  	s18 =	sadd.s32 $0x1, s18;
	s25 =	smov.u32 s23;
	p2 =	slt.s32 s2, s4  }
0x6e: {  	p0 =	por !p0, !p0;
	s19 =	sadd.s32 $0x1A90, s19;
	s6 =	smov.u32 @p2 s2  }
0x6f: {  	s20 =	sadd.s32 $0x1, s20;
	s23 =	smov.u32 s6;
	s24 =	smov.u32 s31  }
.LBB3_1:
0x70: {  	p1 =	sge.u32 s24, s9  }
0x71: {  	s0 =	smulhi.u32 @!p1 $0xAAAAAAAB, s24;
	_ =	sdelay $0x1  }
0x72: {  	s0 =	sshrl.u32 @!p1 s0, $0x1  }
0x73: {  	s0 =	smul.u32 @!p1 $0x3, s0;
	_ =	sdelay $0x1  }
0x74: {  	s0 =	ssub.s32 @!p1 s24, s0  }
0x75: {  	s0 =	smul.u32 @!p1 $0x6A40, s0;
	_ =	sdelay $0x1  }
0x76: {  	s2 =	sshrl.u32 @!p1 s23, $0x3;
	s0 =	sshrl.u32 @!p1 s0, $0x2  }
0x77: {  	s22 =	sand.u32 @!p1 $0x7, s23;
	s2 =	sadd.s32 @!p1 s5, s2;
	s0 =	sadd.s32 @!p1 $0x100, s0  }
0x78: {  	[tilespmem:s0], [sflag:$0x7] =	stream.linear.gather @!p1 [hbm4b:s2+s22], $0x1A90, $0x38;
	[tilespmem:$0xF030] =	vst v63  }
0x79: {  	s0 =	sadd.s32 $0xFFFFFFFF, s24  }
0x7a: {  	p1 =	sge.u32 s0, s9  }
.Ltmp10:
0x7b: {  	_ = 	snop;
	(pc) =	sbr.rel @p1 .LBB3_5-.Ltmp10, $1  }
0x7c: {  	_ =	sdelay $0x3  }
0x7d: {  	s2 =	smulhi.u32 $0xAAAAAAAB, s0;
	_ =	sdelay $0x1  }
0x7e: {  	s2 =	sshrl.u32 s2, $0x1  }
0x7f: {  	s2 =	smul.u32 $0x3, s2;
	_ =	sdelay $0x1  }
0x80: {  	s2 =	ssub.s32 s0, s2  }
0x81: {  	s2 =	smul.u32 $0x6A40, s2  }
0x82: {  	_ =	swait.ge [sflag:s7], $0x1A90  }
0x83: {  	[sflag:s7] =	ssyncset.done $0x0;
	s2 =	sshrl.u32 s2, $0x2  }
0x84: {  	[sflag:s7] =	ssyncadd.s32 $0xFFFFE570;
	(ifvalue) =	ssetifvalue $0xFFFFFFFF;
	v3 =	vld.msk [tilespmem:s2+$0x100 ss:$0x1], $0xffff;
	_ =	sdelay $0x2  }
0x85: {  	s30 =	smulhi.u32 $0xAAAAAAAB, s18;
	p1 =	sne.s32 s24, $0x1  }
0x86: {  	v4 =	vimm.s32 @!p1 $0x0  }
0x87: {  	s2 =	sshrl.u32 s30, $0x1;
	v4 =	vperm.xlane @!p1 v3, v4  }
0x88: {  	s22 =	sshll.u32 s24, $0x4;
	s2 =	smul.u32 $0xFFFEC140, s2;
	vm4 =	vlt.u32 v3, $0x2800  }
0x89: {  	s22 =	sand.u32 $0x10, s22;
	v3 =	vnsel vm4, $0xFFFFFFFE, v3;
	vm4 =	vlt.u32 @!p1 v4, $0x2800  }
0x8a: {  	s2 =	sshra.s32 s2, $0x2;
	[tilespmem:s22+$0x60] =	vst v3;
	v3 =	vnsel @!p1 vm4, $0xFFFFFFFE, v4  }
0x8b: {  	s28 =	sadd.s32 s2, s17;
	[tilespmem:$0x80] =	vst @!p1 v3  }
0x8c: {  	v3 =	vld.msk [tilespmem:s28+$0x0 ss:$0x1], $0xffff;
	_ =	sdelay $0x4  }
0x8d: {  	(xrf1) =	vunique.msk.u32 $0xffff, v3;
	_ =	sdelay $0xd  }
0x8e: {  	v4 =	vimm.s32 $0xFFFFFFFF;
	v5, _, _ =	vpop (xrf1)  }
0x8f: {  	vm5 =	vne.s32 v3, v4;
	vm4 =	veq.s32 v5, v2  }
0x90: {  	vm6 =	vlt.u32 v3, $0x2800;
	vm4 =	vmand vm5, vm4  }
0x91: {  	vm4 =	vmand vm6, vm4  }
0x92: {  	v4 =	vnsel vm4, $0xFFFFFFFF, v3  }
0x93: {  	s31 =	sand.u32 $0x1, s0  }
0x94: {  	s0 =	simm.s32 $0x1A90;
	p1 =	seq.s32 s31, $0x1  }
0x95: {  	s0 =	simm.s32 @!p1 $0x0  }
0x96: {  	s26 =	sadd.s32 $0x6B30, s0;
	(ifvalue) =	ssetifvalue $0xFFFFFFFF  }
0x97: {  	v3 =	vperm.xlane v3, v1;
	[tilespmem:s26], [sflag:$0x8] =	stream.indirect_vreg.gather [hbm4b:s1+s16], $0x1, v4, vm0, $0x4038;
	v4 =	vnsel vm6, $0xFFFFFFFE, v4;
	[tilespmem:$0xF030] =	vst v63  }
0x98: {  	s2 =	simm.s32 $0x0;
	s22 =	sadd.s32 $0xFFFFFFF0, s28;
	[tilespmem:s28+$0x0] =	vst v4  }
.LBB3_3:
0x99: {  	v4 =	vld.msk [tilespmem:s22+$0x0 ss:$0x1], $0xffff;
	s2 =	sadd.s32 $0x10, s2;
	v5 =	vmov v3;
	s28 =	smov.u32 s22  }
0x9a: {  	p1 =	slt.u32 s2, $0x1A80;
	_ =	sdelay $0x4  }
0x9b: {  	v3 =	vperm.xlane v4, v1;
	(xrf1) =	vunique.msk.u32 $0xffff, v4;
	_ =	sdelay $0xd  }
0x9c: {  	v6, _, _ =	vpop (xrf1)  }
0x9d: {  	vm5 =	vne.s32 v4, v5;
	vm4 =	veq.s32 v6, v2  }
0x9e: {  	vm6 =	vlt.u32 v4, $0x2800;
	vm4 =	vmand vm5, vm4  }
0x9f: {  	vm4 =	vmand vm6, vm4  }
0xa0: {  	v4 =	vnsel vm4, $0xFFFFFFFF, v4  }
.Ltmp11:
0xa1: {  	v5 =	vnsel vm6, $0xFFFFFFFE, v4;
	(pc) =	sbr.rel @p1 .LBB3_3-.Ltmp11, $3  }
0xa2: {  	_ =	sdelay $0x1  }
0xa3: {  	s22 =	sadd.s32 $0xFFFFFFF0, s22;
	s26 =	sadd.s32 $0xFFFFFFF0, s26;
	(ifvalue) =	ssetifvalue $0xFFFFFFFF  }
0xa4: {  	[tilespmem:s26], [sflag:$0x8] =	stream.indirect_vreg.gather [hbm4b:s1+s16], $0x1, v4, vm0, $0x4038;
	[tilespmem:s28+$0x0] =	vst v5  }
0xa5: {  	s2 =	sshrl.u32 s25, $0x3;
	s6 =	rddreg [dreg:$0x2]  }
0xa6: {  	s0 =	sadd.s32 $0x85D0, s0;
	s2 =	sadd.s32 s6, s2  }
0xa7: {  	[tilespmem:s0], [sflag:$0x8] =	stream.linear.gather [hbm:s2], $0x1A90, $0x38;
	[tilespmem:$0xF030] =	vst v63  }
.LBB3_5:
0xa8: {  	p1 =	slt.u32 s24, $0x2  }
0xa9: {  	p2 =	sge.u32 @!p1 s24, s12  }
0xaa: {  	p1 =	por p1, p2  }
.Ltmp12:
0xab: {  	_ = 	snop;
	(pc) =	sbr.rel @p1 .LBB3_9-.Ltmp12, $1  }
0xac: {  	_ =	sdelay $0x3  }
0xad: {  	s0 =	sadd.s32 $0xFFFFFFFE, s24  }
0xae: {  	s2 =	smulhi.u32 $0xAAAAAAAB, s0;
	_ =	sdelay $0x1  }
0xaf: {  	s2 =	sshrl.u32 s2, $0x1  }
0xb0: {  	s2 =	smul.u32 $0x3, s2;
	_ =	sdelay $0x1  }
0xb1: {  	s0 =	ssub.s32 s0, s2  }
0xb2: {  	_ =	swait.ge [sflag:s8], $0x3520;
	s0 =	smul.u32 $0x1A90, s0  }
0xb3: {  	p1 =	sne.s32 s24, s11;
	[sflag:s8] =	ssyncset.done $0x0  }
0xb4: {  	[sflag:s8] =	ssyncadd.s32 $0xFFFFCAE0;
	s2 =	sadd.s32 @!p1 $0x1B8F, s0  }
0xb5: {  	[spmem:s13] =	stream.linear.scatter @!p1 [tilespmem:s2], [sflag:$0x1], $0x1, $0x38;
	[tilespmem:$0xF030] =	vst v63  }
0xb6: {  	s2 =	simm.s32 @!p1 $0x1  }
0xb7: {  	_ =	swait.ge @!p1 [sflag:s2], $0x1  }
0xb8: {  	s22 =	sshll.u32 s24, $0x4;
	[sflag:s2] =	ssyncset.done @!p1 $0x0  }
0xb9: {  	s25 =	sand.u32 $0x10, s22;
	[sflag:s2] =	ssyncadd.s32 @!p1 $0xFFFFFFFF  }
0xba: {  	s2 =	sxor.u32 $0x10, s25;
	v4 =	vld [tilespmem:s25+$0x10]  }
0xbb: {  	v5 =	vld [tilespmem:s2+$0x60]  }
0xbc: {  	v3 =	vld [tilespmem:$0x80];
	_ =	sdelay $0x2  }
0xbd: {  	(v2sf) =	vpush v4, $0x0  }
0xbe: {  	(v2sf) =	vpush v5, $0x0  }
0xbf: {  	(v2sf) =	vpush v3, $0x0;
	_ =	sdelay $0xc  }
0xc0: {  	s6 =	spop (v2sf)  }
0xc1: {  	s28 =	spop (v2sf)  }
0xc2: {  	s26 =	spop (v2sf)  }
0xc3: {  	p2 =	seq.s32 s6, s28;
	p3 =	seq.s32 s26, s6  }
0xc4: {  	p3 =	por p2, p3  }
0xc5: {  	s6 =	sand.u32 $0x1, s24;
	v4 =	vpsel p3, $0xFFFFFFFF, v4  }
0xc6: {  	s28 =	smul.u32 $0x1A90, s6;
	[tilespmem:s25+$0x10] =	vst.msk $0x1, v4  }
0xc7: {  	v4 =	vld [tilespmem:$0x30]  }
0xc8: {  	v5 =	vld [tilespmem:s28+$0x85D0]  }
0xc9: {  	v6 =	vld [tilespmem:s25+$0x40];
	_ =	sdelay $0x3  }
0xca: {  	vm4 =	vmmov vm1;
	v5 =	vadd.f32 v5, v4  }
0xcb: {  	vm5 =	vmmov vm2;
	vm4 =	vmmov @p2 vm2;
	v4 =	vadd.f32 v6, v4  }
0xcc: {  	s22 =	sshll.u32 s6, $0x4;
	vm5 =	vmmov @p3 vm1;
	[tilespmem:s28+$0x85D0] =	vst.msk vm4, v5  }
0xcd: {  	[tilespmem:s22+$0xF010] =	vst.msk vm5, v4  }
0xce: {  	v4 =	vld [tilespmem:s28+$0x6B30];
	_ =	sdelay $0x3  }
0xcf: {  	v5 =	vimm.f32 $0.0e+00  }
0xd0: {  	v4 =	vshift.insert v4, v5, s21  }
0xd1: {  	s29 =	sor.u32 $0x40, s2  }
0xd2: {  	[tilespmem:s29+$0x0] =	vst.msk $0x1, v4  }
0xd3: {  	[tilespmem:s28+$0x6B3F] =	vst.msk $0x1, v5  }
0xd4: {  	v4 =	vld [tilespmem:s0+$0x1B80];
	_ =	sdelay $0x1  }
0xd5: {  	s29 =	smulhi.u32 $0xAAAAAAAB, s20;
	s0 =	simm.s32 $0x1  }
0xd6: {  	s0 =	simm.s32 @!p0 $0x0  }
0xd7: {  	s29 =	sshrl.u32 s29, $0x1;
	s0 =	smul.u32 $0x6A40, s0  }
0xd8: {  	s29 =	smul.u32 $0xFFFEC140, s29;
	v4 =	vshift.insert v4, v1, s21  }
0xd9: {  	s0 =	sshrl.u32 s0, $0x2  }
0xda: {  	s29 =	sshra.s32 s29, $0x2;
	s30 =	sadd.s32 $0x85D0, s0;
	[tilespmem:s2+$0x10] =	vst.msk $0x1, v4  }
0xdb: {  	s6 =	sadd.s32 s29, s19;
	v6 =	vld [tilespmem:s30+$0x0]  }
0xdc: {  	v7 =	vld [tilespmem:s6+$0x0];
	_ =	sdelay $0x3  }
0xdd: {  	v5 =	vadd.f32 v6, v5  }
0xde: {  	vm4 =	vne.s32 v7, $0xFFFFFFFF  }
0xdf: {  	(xrf2) =	vadd.seg.scan.f32 vm4, v5;
	_ =	sdelay $0x3  }
0xe0: {  	s31 =	sadd.s32 $0x50B0, s0;
	v5 =	vperm.xlane v4, v1  }
0xe1: {  	v6 =	vld [tilespmem:s31+$0x0]  }
0xe2: {  	vm5 =	veq.s32 v7, v3;
	vm6 =	veq.s32 v7, v5  }
0xe3: {  	vm7 =	vgt.u32 v7, $0xFFFFFFFD;
	vm6 =	vmor vm6, vm5  }
0xe4: {  	vm6 =	vmor vm6, vm7  }
0xe5: {  	v9 =	vld [tilespmem:$0xA0];
	v7 =	vsel vm6, $0xFFFFFFFF, v7  }
0xe6: {  	v10 =	vld [tilespmem:$0x90];
	v6 =	vsel vm5, $0x0, v6;
	v8, _, _ =	vpop (xrf2)  }
0xe7: {  	v6 =	vadd.f32 v8, v6  }
0xe8: {  	s0 =	sadd.s32 $0xBAF0, s0  }
0xe9: {  	vm4 =	vmand vm4, vm3;
	[tilespmem:s0+$0x0] =	vst v6;
	(ifvalue) =	ssetifvalue $0xFFFFFFFF  }
0xea: {  	vm6 =	veq.s32 v9, $0x1;
	[hbm4b:s1+s16] =	stream.indirect_vreg.scatter [tilespmem:s0], [sflag:$0x2], $0x1, v7, vm0, $0x4038;
	v7 =	vsel vm4, $0x0, v8;
	[tilespmem:$0xF030] =	vst v63  }
0xeb: {  	s29 =	sadd.s32 $0xF010, s22;
	s22 =	sadd.s32 $0x10, s6;
	s2 =	simm.s32 $0x0;
	vm4 =	vmor vm6, vm5;
	v6 =	vsel vm5, v8, v10;
	v7 =	vshift.insert v7, v0, s21  }
.LBB3_7:
0xec: {  	v8 =	vld [tilespmem:s22+$0x0];
	s30 =	sadd.s32 $0x10, s30  }
0xed: {  	s31 =	sadd.s32 $0x10, s31;
	v9 =	vld [tilespmem:s30+$0x0]  }
0xee: {  	s2 =	sadd.s32 $0x10, s2;
	v10 =	vld [tilespmem:s31+$0x0]  }
0xef: {  	p2 =	slt.u32 s2, $0x1A80;
	_ =	sdelay $0x2  }
0xf0: {  	v7 =	vadd.f32 v9, v7  }
0xf1: {  	vm5 =	vne.s32 v8, $0xFFFFFFFF  }
0xf2: {  	vm6 =	vmand vm5, vm3;
	(xrf2) =	vadd.seg.scan.f32 vm5, v7;
	_ =	sdelay $0x5  }
0xf3: {  	vm7 =	veq.s32 v8, v5;
	vm5 =	veq.s32 v8, v3  }
0xf4: {  	vm8 =	vgt.u32 v8, $0xFFFFFFFD;
	vm4 =	vmor vm4, vm5;
	vm7 =	vmor vm7, vm5  }
0xf5: {  	vm7 =	vmor vm7, vm8  }
0xf6: {  	v8 =	vsel vm7, $0xFFFFFFFF, v8  }
.Ltmp13:
0xf7: {  	v7 =	vsel vm5, $0x0, v10;
	v9, _, _ =	vpop (xrf2);
	(pc) =	sbr.rel @p2 .LBB3_7-.Ltmp13, $4  }
0xf8: {  	v6 =	vsel vm5, v9, v6;
	v10 =	vadd.f32 v9, v7;
	v7 =	vsel vm6, $0x0, v9  }
0xf9: {  	s0 =	sadd.s32 $0x10, s0;
	v7 =	vshift.insert v7, v0, s21  }
0xfa: {  	s22 =	sadd.s32 $0x10, s22;
	[tilespmem:s0+$0x0] =	vst v10;
	(ifvalue) =	ssetifvalue $0xFFFFFFFF  }
0xfb: {  	[hbm4b:s1+s16] =	stream.indirect_vreg.scatter [tilespmem:s0], [sflag:$0x2], $0x1, v8, vm0, $0x4038;
	[tilespmem:$0xF030] =	vst v63  }
0xfc: {  	v3 =	vld [tilespmem:s28+$0xD570];
	_ =	sdelay $0x4  }
0xfd: {  	v3 =	vshift.insert v3, v0, s21  }
0xfe: {  	s0 =	simm.s32 $0x30  }
0xff: {  	[tilespmem:s0+$0x0] =	vst.msk $0x1, v3  }
0x100: {  	v3 =	vsel vm4, $0x1, v1;
	[tilespmem:$0x90] =	vst v6  }
0x101: {  	s0 =	sadd.s32 @!p1 $0xD57F, s28;
	[tilespmem:$0xA0] =	vst v3  }
0x102: {  	[spmem:s14] =	stream.linear.scatter @!p1 [tilespmem:s0], [sflag:$0x1], $0x1, $0x38;
	[tilespmem:$0xF030] =	vst v63  }
0x103: {  	s0 =	simm.s32 @!p1 $0x1  }
0x104: {  	v3 =	vmctz.xlane @!p1 vm4;
	_ =	swait.ge @!p1 [sflag:s0], $0x1  }
0x105: {  	(v2sf) =	vpush @!p1 v4, $0x0  }
0x106: {  	(v2sf) =	vpush @!p1 v3, $0x0;
	_ =	sdelay $0xd  }
0x107: {  	s2 =	spop @!p1 (v2sf)  }
0x108: {  	s6 =	spop @!p1 (v2sf)  }
0x109: {  	p2 =	sne.s32 @!p1 s26, s2;
	p3 =	slt.s32 @!p1 s6, $0xF  }
0x10a: {  	[sflag:s0] =	ssyncset.done @!p1 $0x0;
	p2 =	por p2, p1;
	p3 =	por !p3, p1  }
0x10b: {  	[sflag:s0] =	ssyncadd.s32 @!p1 $0xFFFFFFFF;
	v3 =	vimm.s32 @!p2 $0xFFFFFFFF;
	s6 =	simm.s32 @p3 $0xF  }
0x10c: {  	[tilespmem:$0x80] =	vst @!p2 v3;
	s2 =	sadd.s32 @!p1 $0x90, s6  }
0x10d: {  	[spmem:s10] =	stream.linear.scatter @!p1 [tilespmem:s2], [sflag:$0x1], $0x1, $0x38;
	[tilespmem:$0xF030] =	vst v63  }
0x10e: {  	_ =	swait.ge @!p1 [sflag:s0], $0x1  }
0x10f: {  	[sflag:s0] =	ssyncset.done @!p1 $0x0  }
0x110: {  	s2 =	simm.s32 @!p1 $0x80;
	[sflag:s0] =	ssyncadd.s32 @!p1 $0xFFFFFFFF  }
0x111: {  	[spmem:s15] =	stream.linear.scatter @!p1 [tilespmem:s2], [sflag:$0x1], $0x1, $0x38;
	[tilespmem:$0xF030] =	vst v63  }
0x112: {  	_ =	swait.ge @!p1 [sflag:s0], $0x1  }
0x113: {  	[sflag:s0] =	ssyncset.done @!p1 $0x0  }
0x114: {  	[sflag:s0] =	ssyncadd.s32 @!p1 $0xFFFFFFFF;
	(ifvalue) =	ssetifvalue $0xFFFFFFFF;
	v3 =	vld [tilespmem:s25+$0x10];
	_ =	sdelay $0x3  }
.Ltmp14:
0x115: {  	_ = 	snop;
	(pc) =	sbr.rel .LBB3_9-.Ltmp14, $3  }
0x116: {  	_ =	sdelay $0x1  }
0x117: {  	(ifvalue) =	ssetifvalue $0xFFFFFFFF  }
0x118: {  	[hbm4b:s1+s16] =	stream.indirect_vreg.scatter [tilespmem:s29], [sflag:$0x9], $0x1, v3, vm0, $0x4038;
	[tilespmem:$0xF030] =	vst v63  }
.LBB3_10:
0x119: {  	_ =	sfence.sel $0x180000  }
0x11a: {  	s0 =	simm.s32 $0x7;
	[bflag:$0x0] =	sbarrier.arrive $0xFFFF  }
0x11b: {  	s26 =	simm.s32 $0x8;
	[sflag:s0] =	ssyncpa.u1 $0x1  }
0x11c: {  	s28 =	simm.s32 $0x9;
	[sflag:s26] =	ssyncpa.u1 $0x1  }
0x11d: {  	[sflag:s28] =	ssyncpa.u1 $0x1  }
0x11e: {  	_ =	sfence.stream.spmem  }
0x11f: {  	s29 =	simm.s32 $0x3;
	[bflag:$0x0] =	sbarrier.arrive $0xFFFF  }
0x120: {  	s30 =	simm.s32 $0x4;
	[sflag:s29] =	ssyncpa.u1 $0x1  }
0x121: {  	s31 =	simm.s32 $0x3C;
	s2 =	stileid.u32;
	[sflag:s30] =	ssyncpa.u1 $0x1  }
0x122: {  	p0 =	sne.s32 s2, $0x0;
	[sflag:s31] =	ssyncpa.u1 $0x1  }
0x123: {  	s0 =	simm.s32 @p0 $0x1;
	_ =	sfence @p0  }
0x124: {  	[sflag:s0] =	ssyncpa.u1 @p0 $0x1;
	s0 =	simm.s32 @p0 $0x2  }
0x125: {  	[sflag:s0] =	ssyncpa.u1 @p0 $0x1  }
0x126: {  	_ =	strace @p0 $0x90000059  }
0x127: {  	[bflag:$0x2] =	sbarrier.arrive @p0 $0xFFFF  }
0x128: {  	_ =	shalt @p0  }
.LBB3_11:
0x129: {  	_ =	sfence.stream.spmem;
	s0 =	simm.s32 $0x5  }
0x12a: {  	s2 =	simm.s32 $0x80;
	s3 =	simm.s32 $0xC0;
	[sflag:s0] =	ssyncpa.u1 $0x0  }
0x12b: {  	[tilespmem:s3], [sflag:$0x5] =	stream.linear.gather [spmem:s2], $0x20, $0x38;
	[tilespmem:$0xF030] =	vst v63  }
0x12c: {  	s2 =	simm.s32 $0x0;
	s3 =	simm.s32 $0xE0  }
0x12d: {  	[tilespmem:s3], [sflag:$0x5] =	stream.linear.gather [spmem:s2], $0x20, $0x38;
	[tilespmem:$0xF030] =	vst v63  }
.Ltmp15:
0x12e: {  	_ = 	snop;
	(pc) =	sbr.rel .LBB3_12-.Ltmp15, $4  }
0x12f: {  	_ =	swait.ge [sflag:s0], $0x40  }
0x130: {  	[sflag:s0] =	ssyncset.done $0x0  }
0x131: {  	s31 =	simm.s32 $0x6;
	[sflag:s0] =	ssyncadd.s32 $0xFFFFFFC0  }
0x132: {  	s4 =	simm.s32 $0x0;
	[sflag:s31] =	ssyncpa.u1 $0x0  }
.LBB3_17:
0x133: {  	p0 =	sgt.u32 s5, $0x27FF  }
0x134: {  	s0 =	sshrl.u32 @!p0 s5, $0x3  }
0x135: {  	s5 =	sand.u32 @!p0 $0x7, s5;
	s6 =	simm.s32 @!p0 $0xB0;
	s0 =	sadd.s32 @!p0 s1, s0  }
0x136: {  	[tilespmem:s6], [sflag:$0x6] =	stream.linear.gather @!p0 [hbm4b:s0+s5], $0x1, $0x38;
	[tilespmem:$0xF030] =	vst v63  }
0x137: {  	s0 =	simm.s32 @!p0 $0x6  }
0x138: {  	_ =	swait.ge @!p0 [sflag:s0], $0x1  }
0x139: {  	[sflag:s0] =	ssyncset.done @!p0 $0x0  }
0x13a: {  	[sflag:s0] =	ssyncadd.s32 @!p0 $0xFFFFFFFF  }
0x13b: {  	v2 =	vmov @!p0 s4;
	v1 =	vld.msk @!p0 [tilespmem:$0xB0], $0x1;
	_ =	sdelay $0x3  }
0x13c: {  	s0 =	simm.s32 @!p0 $0xE0  }
0x13d: {  	[tilespmem:v2+s0+$0x0], v1 =	vst.idx.ret.add.f32.msk @!p0 $0x1, v1  }
0x13e: {  	[tilespmem:s2+$0xC0] =	vst.msk $0x1, v0  }
0x13f: {  	v0 =	vld.msk [tilespmem:s4+$0xE0], $0x1;
	_ =	sdelay $0x4  }
0x140: {  	[tilespmem:s2+$0xE0] =	vst.msk $0x1, v0;
	s2 =	sadd.s32 $0x1, s2  }
.LBB3_19:
0x141: {  	s4 =	sadd.s32 $0x1, s4  }
0x142: {  	p0 =	sne.s32 s4, $0x20  }
.Ltmp16:
0x143: {  	_ = 	snop;
	(pc) =	sbr.rel @!p0 .LBB3_20-.Ltmp16, $1  }
0x144: {  	_ =	sdelay $0x3  }
.LBB3_12:
0x145: {  	v0 =	vld.msk [tilespmem:s4+$0xC0], $0x1;
	_ =	sdelay $0x4  }
0x146: {  	(v2sf) =	vpush v0, $0x0;
	_ =	sdelay $0xe  }
0x147: {  	s5 =	spop (v2sf)  }
0x148: {  	p0 =	seq.s32 s5, $0xFFFFFFFF  }
.Ltmp17:
0x149: {  	_ = 	snop;
	(pc) =	sbr.rel @p0 .LBB3_19-.Ltmp17, $1  }
0x14a: {  	_ =	sdelay $0x3  }
0x14b: {  	p0 =	slt.s32 s2, $0x1  }
.Ltmp18:
0x14c: {  	_ = 	snop;
	(pc) =	sbr.rel @p0 .LBB3_17-.Ltmp18, $1  }
0x14d: {  	_ =	sdelay $0x3  }
0x14e: {  	s0 =	simm.s32 $0xC0;
	p0 =	por $0x0, $0x0  }
0x14f: {  	v1 =	vld.msk @!p0 [tilespmem:s0+$0x0], $0x1;
	_ =	sdelay $0x4  }
0x150: {  	(v2sf) =	vpush @!p0 v1, $0x0;
	_ =	sdelay $0xd  }
0x151: {  	p2 =	sne.s32 s2, $0x1  }
.Ltmp19:
0x152: {  	s6 =	spop @!p0 (v2sf);
	(pc) =	sbr.rel @!p2 .LBB3_16-.Ltmp19, $4  }
0x153: {  	p1 =	seq.s32 @!p0 s5, s6  }
0x154: {  	s6 =	simm.s32 $0x0;
	p1 =	por !p1, p0  }
0x155: {  	s8 =	simm.s32 $0xFFFFFFFF;
	s6 =	simm.s32 @p1 $0xFFFFFFFF  }
0x156: {  	s7 =	simm.s32 $0x1;
	s6 =	smov.u32 @p0 s8  }
.LBB3_15:
0x157: {  	s8 =	smov.u32 s6;
	p0 =	sne.s32 s6, $0xFFFFFFFF  }
0x158: {  	s0 =	sadd.s32 $0x1, s0;
	s6 =	smov.u32 s7;
	s7 =	sadd.s32 $0x1, s7  }
0x159: {  	p1 =	sne.s32 s2, s7;
	v1 =	vld.msk @!p0 [tilespmem:s0+$0x0], $0x1;
	_ =	sdelay $0x4  }
0x15a: {  	(v2sf) =	vpush @!p0 v1, $0x0;
	_ =	sdelay $0xe  }
.Ltmp20:
0x15b: {  	s9 =	spop @!p0 (v2sf);
	(pc) =	sbr.rel @p1 .LBB3_15-.Ltmp20, $4  }
0x15c: {  	p2 =	seq.s32 @!p0 s5, s9  }
0x15d: {  	p2 =	por !p2, p0  }
0x15e: {  	s6 =	simm.s32 @p2 $0xFFFFFFFF  }
0x15f: {  	s6 =	smov.u32 @p0 s8  }
.LBB3_16:
0x160: {  	p0 =	sne.s32 s6, $0xFFFFFFFF  }
.Ltmp21:
0x161: {  	_ = 	snop;
	(pc) =	sbr.rel @!p0 .LBB3_17-.Ltmp21, $1  }
0x162: {  	_ =	sdelay $0x3  }
0x163: {  	v0 =	vld.msk [tilespmem:s4+$0xE0], $0x1;
	v1 =	vmov s6  }
.Ltmp22:
0x164: {  	_ = 	snop;
	(pc) =	sbr.rel .LBB3_19-.Ltmp22, $2  }
0x165: {  	_ =	sdelay $0x2  }
0x166: {  	[tilespmem:v1+s3+$0x0], v0 =	vst.idx.ret.add.f32.msk $0x1, v0  }
.LBB3_20:
0x167: {  	p0 =	slt.s32 s2, $0x1  }
.Ltmp23:
0x168: {  	_ = 	snop;
	(pc) =	sbr.rel @p0 .LBB3_24-.Ltmp23, $3  }
0x169: {  	_ =	sdelay $0x1  }
0x16a: {  	s0 =	simm.s32 $0x6  }
0x16b: {  	s3 =	simm.s32 $0x0;
	[sflag:s0] =	ssyncpa.u1 $0x1  }
0x16c: {  	s0 =	simm.s32 $0xC0  }
0x16d: {  	v0 =	vld.msk [tilespmem:s0+$0x0], $0x1;
	_ =	sdelay $0x4  }
0x16e: {  	(v2sf) =	vpush v0, $0x0;
	_ =	sdelay $0xe  }
0x16f: {  	s2 =	sadd.s32 $0xFFFFFFFF, s2;
	s4 =	spop (v2sf)  }
0x170: {  	p1 =	sne.s32 s2, $0x0;
	p0 =	sgt.u32 s4, $0x27FF  }
.Ltmp24:
0x171: {  	s5 =	sshrl.u32 @!p0 s4, $0x3;
	(pc) =	sbr.rel @!p1 .LBB3_23-.Ltmp24, $4  }
0x172: {  	s0 =	simm.s32 $0xE0;
	s4 =	sand.u32 @!p0 $0x7, s4;
	s5 =	sadd.s32 @!p0 s1, s5  }
0x173: {  	[hbm4b:s5+s4] =	stream.linear.scatter @!p0 [tilespmem:s0], [sflag:$0x5], $0x1, $0x38;
	[tilespmem:$0xF030] =	vst v63  }
0x174: {  	s5 =	simm.s32 $0x0  }
0x175: {  	s4 =	simm.s32 $0xC1;
	s5 =	simm.s32 @!p0 $0x4  }
.LBB3_22:
0x176: {  	v0 =	vld.msk [tilespmem:s4+$0x0], $0x1;
	s2 =	sadd.s32 $0xFFFFFFFF, s2;
	s3 =	sadd.s32 s3, s5  }
0x177: {  	p0 =	sne.s32 s2, $0x0;
	_ =	sdelay $0x3  }
0x178: {  	(v2sf) =	vpush v0, $0x0;
	_ =	sdelay $0xe  }
.Ltmp25:
0x179: {  	s6 =	spop (v2sf);
	(pc) =	sbr.rel @p0 .LBB3_22-.Ltmp25, $4  }
0x17a: {  	s5 =	simm.s32 $0x0;
	p1 =	sgt.u32 s6, $0x27FF  }
0x17b: {  	s0 =	sadd.s32 $0x1, s0;
	s5 =	simm.s32 @!p1 $0x4;
	s7 =	sshrl.u32 @!p1 s6, $0x3  }
0x17c: {  	s4 =	sadd.s32 $0x1, s4;
	s6 =	sand.u32 @!p1 $0x7, s6;
	s7 =	sadd.s32 @!p1 s1, s7  }
0x17d: {  	[hbm4b:s7+s6] =	stream.linear.scatter @!p1 [tilespmem:s0], [sflag:$0x5], $0x1, $0x38;
	[tilespmem:$0xF030] =	vst v63  }
.LBB3_23:
0x17e: {  	s0 =	sadd.s32 s3, s5  }
0x17f: {  	s3 =	sshrl.u32 s0, $0x2  }
.LBB3_24:
0x180: {  	s0 =	simm.s32 $0x5  }
0x181: {  	_ =	swait.ge [sflag:s0], s3  }
0x182: {  	s1 =	ssub.s32 $0x0, s3;
	[sflag:s0] =	ssyncset.done $0x0  }
0x183: {  	[sflag:s0] =	ssyncadd.s32 s1  }
0x184: {  	[sflag:s0] =	ssyncpa.u1 $0x1  }
0x185: {  	s29 =	simm.s32 $0x1;
	_ =	sfence  }
0x186: {  	s30 =	simm.s32 $0x2;
	[sflag:s29] =	ssyncpa.u1 $0x1  }
0x187: {  	[sflag:s30] =	ssyncpa.u1 $0x1  }
0x188: {  	_ =	strace $0x90000059  }
0x189: {  	[bflag:$0x2] =	sbarrier.arrive $0xFFFF  }
0x18a: {  	s31 =	rddreg [dreg:$0x1]  }
0x18b: {  	s0 =	sadd.s32 $0x100000, s31  }
0x18c: {  	[sflag:s0] =	ssyncadd.tile.s32 $0x1;
	_ =	shalt  }
.Lfunc_end3:
_tile_overlayer_lowered:
.L_overlay_start_3:
0x18d: {  	(tag) =	ssettag $0x3  }
0x18e: {  	s0 =	rddreg [dreg:$0x0];
	s2 =	stileid.u32  }
0x18f: {  	s1 =	rddreg [dreg:$0x1];
	p0 =	sne.s32 s2, $0x0  }
0x190: {  	s3 =	rddreg [dreg:$0x2];
	[bflag:$0x3] =	sbarrier.arrive $0xFFFF;
	s2 =	simm.s32 @!p0 $0x1C01  }
0x191: {  	[timem:s3], [sflag:s2] =	dma.local @!p0 [hbm:s0], s1  }
0x192: {  	s0 =	simm.s32 @!p0 $0x1  }
0x193: {  	_ =	swait.ge @!p0 [sflag:s0], s1  }
0x194: {  	s1 =	ssub.s32 @!p0 $0x0, s1;
	[sflag:s0] =	ssyncset.done @!p0 $0x0  }
0x195: {  	[sflag:s0] =	ssyncadd.s32 @!p0 s1  }
0x196: {  	[bflag:$0x3] =	sbarrier.arrive $0xFFFF  }
0x197: {  	_ =	shalt  }

// kernel: scatter_offload_async_start.5
scs
__scs_entry_jumppad:
0x0: {  	(pc) =	sbr.rel $0x88, $3  }
0x1: {  	(tag) =	ssettag $0x0;
	lr =	simm.s32 $0x1  }
0x2: {  	[smem:$0x3F94] =	sst lr;
	_ =	strace $0xD0000000  }
0x3: {  	_ = 	snop  }
0x4: {  	_ = 	snop  }
0x5: {  	_ = 	snop  }
0x6: {  	_ = 	snop  }
0x7: {  	_ = 	snop  }
__scs_overlays_trampoline_lowered:
0x8: {  	[smem:$0x3FA3] =	sst s0  }
0x9: {  	[smem:$0x3FA4] =	sst s1  }
0xa: {  	[smem:$0x3FA5] =	sst s2  }
0xb: {  	[smem:$0x3FA6] =	sst s3  }
0xc: {  	[smem:$0x3FA7] =	sst s4  }
0xd: {  	[smem:$0x3FA8] =	sst s5  }
0xe: {  	[smem:$0x3FA9] =	sst s6  }
0xf: {  	[smem:$0x3FAA] =	sst s7  }
0x10: {  	[smem:$0x3FAB] =	sst s8  }
0x11: {  	[smem:$0x3FAC] =	sst s9;
	s0 =	simm.s32 @!p0 $0x0  }
0x12: {  	s1 =	sld [smem:$0x3F92];
	s0 =	simm.s32 @p0 $0x1  }
0x13: {  	[smem:$0x3FAD] =	sst s0;
	s0 =	simm.s32 @!p1 $0x0  }
0x14: {  	s2 =	sld [smem:$0x3F91];
	s0 =	simm.s32 @p1 $0x1  }
0x15: {  	[smem:$0x3FAE] =	sst s0;
	s0 =	simm.s32 @!p2 $0x0  }
0x16: {  	s3 =	sld [smem:$0x3FDB];
	s0 =	simm.s32 @p2 $0x1  }
0x17: {  	s4 =	simm.s32 $0x1BF5;
	[smem:$0x3FB0] =	sst s0  }
0x18: {  	s0 =	sld [smem:$0x3F93];
	_ =	swait.ge [sflag:s4], $0x0  }
0x19: {  	s7 =	sld [smem:$0x3F94]  }
0x1a: {  	s8 =	sadd.s32 $0xFFFFE003, lr  }
0x1b: {  	s9 =	sadd.s32 $0xFFFFFEF7, lr;
	s5 =	simm.s32 $0xFFFFFFFF;
	p2 =	slt.u32 s8, $0xFFFFF086  }
0x1c: {  	p1 =	slt.u32 s9, $0xF7A;
	s5 =	simm.s32 @!p2 $0x0  }
0x1d: {  	s5 =	simm.s32 @p1 $0x1;
	p0 =	seq.s32 s7, s2  }
0x1e: {  	s7 =	smul.u32 @!p0 $0xF7A, s2;
	p2 =	seq.s32 @!p0 s5, $0x0  }
0x1f: {  	s9 =	smul.u32 $0xF7A, s1;
	s8 =	simm.s32 @!p0 $0x1BF5;
	p2 =	por !p2, p0  }
0x20: {  	[sflag:s8] =	ssyncset.s32 @!p0 $0xFFFFF086;
	s6 =	sadd.s32 @!p0 s3, s7;
	s7 =	simm.s32 @!p0 $0x108  }
0x21: {  	s3 =	sadd.s32 s3, s9;
	s6 =	sadd.s32 @!p0 $0x88, s6;
	s7 =	simm.s32 @p2 $0x1082  }
0x22: {  	[simem:s7], [sflag:s8] =	dma.local @!p0 [hbm:s6], $0xF7A  }
0x23: {  	s9 =	sor.u32 $0xD0000000, s2;
	s6 =	simm.s32 $0x108;
	_ =	swait.ge @!p0 [sflag:s8], $0x0  }
0x24: {  	s3 =	sadd.s32 $0x88, s3;
	s6 =	simm.s32 @!p1 $0x1082;
	[sflag:s4] =	ssyncset.s32 $0xFFFFF086  }
0x25: {  	[simem:s6], [sflag:s4] =	dma.local [hbm:s3], $0xF7A  }
0x26: {  	[smem:$0x3F94] =	sst s1;
	(tag) =	ssettag s2;
	_ =	strace s9  }
0x27: {  	s1 =	sld [smem:$0x3FA4]  }
0x28: {  	s2 =	sld [smem:$0x3FA5]  }
0x29: {  	s4 =	sld [smem:$0x3FA7]  }
0x2a: {  	p0 =	seq.s32 s5, $0x0;
	s5 =	sld [smem:$0x3FA8]  }
0x2b: {  	s6 =	sld [smem:$0x3FA9]  }
0x2c: {  	s7 =	sld [smem:$0x3FAA]  }
0x2d: {  	s3 =	simm.s32 $0x108;
	s8 =	sld [smem:$0x3FAB]  }
0x2e: {  	s3 =	simm.s32 @!p0 $0x1082;
	s9 =	sld [smem:$0x3FAC]  }
0x2f: {  	lr =	sadd.s32 s0, s3;
	s0 =	sld [smem:$0x3FA3]  }
0x30: {  	s3 =	sld [smem:$0x3FA6]  }
0x31: {  	[smem:$0x3FAF] =	sst s10  }
0x32: {  	s10 =	sld [smem:$0x3FAD];
	_ =	sdelay $0x3  }
0x33: {  	p0 =	seq.s32 s10, $0x1;
	s10 =	sld [smem:$0x3FAF];
	_ =	sdelay $0x3  }
0x34: {  	[smem:$0x3FAF] =	sst s10  }
0x35: {  	s10 =	sld [smem:$0x3FAE];
	_ =	sdelay $0x3  }
0x36: {  	p1 =	seq.s32 s10, $0x1;
	s10 =	sld [smem:$0x3FAF];
	_ =	sdelay $0x3  }
0x37: {  	[smem:$0x3FAF] =	sst s10  }
0x38: {  	s10 =	sld [smem:$0x3FB0]  }
0x39: {  	_ = 	snop;
	(pc) =	sbr.ind lr, $3  }
0x3a: {  	_ = 	snop  }
0x3b: {  	_ = 	snop  }
0x3c: {  	p2 =	seq.s32 s10, $0x1;
	s10 =	sld [smem:$0x3FAF]  }
0x3d: {  	_ =	shalt  }
0x3e: {  	_ =	shalt  }
0x3f: {  	_ =	shalt  }
0x40: {  	_ =	shalt  }
0x41: {  	_ =	shalt  }
0x42: {  	_ =	shalt  }
0x43: {  	_ =	shalt  }
0x44: {  	_ =	shalt  }
0x45: {  	_ =	shalt  }
0x46: {  	_ =	shalt  }
0x47: {  	_ =	shalt  }
0x48: {  	_ =	shalt  }
0x49: {  	_ =	shalt  }
0x4a: {  	_ =	shalt  }
0x4b: {  	_ =	shalt  }
0x4c: {  	_ =	shalt  }
0x4d: {  	_ =	shalt  }
0x4e: {  	_ =	shalt  }
0x4f: {  	_ =	shalt  }
0x50: {  	_ =	shalt  }
0x51: {  	_ =	shalt  }
0x52: {  	_ =	shalt  }
0x53: {  	_ =	shalt  }
0x54: {  	_ =	shalt  }
0x55: {  	_ =	shalt  }
0x56: {  	_ =	shalt  }
0x57: {  	_ =	shalt  }
0x58: {  	_ =	shalt  }
0x59: {  	_ =	shalt  }
0x5a: {  	_ =	shalt  }
0x5b: {  	_ =	shalt  }
0x5c: {  	_ =	shalt  }
0x5d: {  	_ =	shalt  }
0x5e: {  	_ =	shalt  }
0x5f: {  	_ =	shalt  }
0x60: {  	_ =	shalt  }
0x61: {  	_ =	shalt  }
0x62: {  	_ =	shalt  }
0x63: {  	_ =	shalt  }
0x64: {  	_ =	shalt  }
0x65: {  	_ =	shalt  }
0x66: {  	_ =	shalt  }
0x67: {  	_ =	shalt  }
0x68: {  	_ =	shalt  }
0x69: {  	_ =	shalt  }
0x6a: {  	_ =	shalt  }
0x6b: {  	_ =	shalt  }
0x6c: {  	_ =	shalt  }
0x6d: {  	_ =	shalt  }
0x6e: {  	_ =	shalt  }
0x6f: {  	_ =	shalt  }
0x70: {  	_ =	shalt  }
0x71: {  	_ =	shalt  }
0x72: {  	_ =	shalt  }
0x73: {  	_ =	shalt  }
0x74: {  	_ =	shalt  }
0x75: {  	_ =	shalt  }
0x76: {  	_ =	shalt  }
0x77: {  	_ =	shalt  }
0x78: {  	_ =	shalt  }
0x79: {  	_ =	shalt  }
0x7a: {  	_ =	shalt  }
0x7b: {  	_ =	shalt  }
0x7c: {  	_ =	shalt  }
0x7d: {  	_ =	shalt  }
0x7e: {  	_ =	shalt  }
0x7f: {  	_ =	shalt  }
0x80: {  	_ =	shalt  }
0x81: {  	_ =	shalt  }
0x82: {  	_ =	shalt  }
0x83: {  	_ =	shalt  }
0x84: {  	_ =	shalt  }
0x85: {  	_ =	shalt  }
0x86: {  	_ =	shalt  }
0x87: {  	_ =	shalt  }
.Lfunc_end0:
.L_simem_size_0:
called_computation.5_lowered:
.L_overlay_start_0:
0x88: {  	s0 =	sld [smem:$0x3FD9]  }
0x89: {  	s1 =	sld [smem:$0x3FFE];
	_ =	sdelay $0x3  }
0x8a: {  	s0 =	sadd.s32 s1, s0  }
0x8b: {  	[smem:$0x3FBB] =	sst s0  }
0x8c: {  	_ = 	snop  }
0x8d: {  	s0 =	sld [smem:$0x3FD0];
	_ =	sdelay $0x2  }
0x8e: {  	s12 =	simm.s32 $0xD;
	s2 =	simm.s32 $0x10  }
0x8f: {  	[smem:s2], [sflag:s12] =	dma.local [hbm:s0], $0x1  }
0x90: {  	_ =	swait.eq [sflag:s12], $0x1  }
0x91: {  	[sflag:s12] =	ssyncset.done $0x0  }
0x92: {  	[sflag:s12] =	ssyncadd.s32 $0xFFFFFFFF  }
0x93: {  	s13 =	sld [smem:$0x10];
	(tm) =	ssettm $0x1  }
0x94: {  	s14 =	sld [smem:$0x3FFB];
	_ =	sdelay $0x3  }
0x95: {  	_ =	strace s14  }
0x96: {  	s0 =	sld [smem:$0x3FFC];
	_ =	sdelay $0x3  }
0x97: {  	_ =	strace s0  }
0x98: {  	s0 =	sld [smem:$0x3FFD];
	_ =	sdelay $0x3  }
0x99: {  	_ =	strace s0  }
0x9a: {  	_ =	strace $0x8FFFFFFF  }
0x9b: {  	s15 =	sld [smem:$0x3FDB];
	_ =	sdelay $0x1  }
0x9c: {  	s16 =	simm.s32 $_scs_section_size  }
0x9d: {  	s3 =	simm.s32 $_size__tile_overlayer_lowered;
	s4 =	simm.s32 $_tile_overlayer_lowered  }
0x9e: {  	s5 =	simm.s32 $0x1BFF;
	s17 =	sshll.u32 s4, $0x1;
	s2 =	sadd.s32 s16, s15  }
0x9f: {  	s18 =	simm.s32 $0x0;
	s3 =	sshll.u32 s3, $0x1;
	s4 =	sadd.s32 s17, s2  }
0xa0: {  	[timem:s18], [sflag:s5] =	dma.local [hbm:s4], s3  }
0xa1: {  	_ =	swait.ge [sflag:s5], s3  }
0xa2: {  	s3 =	ssub.s32 $0x0, s3;
	[sflag:s5] =	ssyncset.done $0x0  }
0xa3: {  	[sflag:s5] =	ssyncadd.s32 s3;
	_ =	sdelay $0x1  }
0xa4: {  	s19 =	simm.s32 $0x1B8B  }
0xa5: {  	_ =	swait.ge [sflag:s19], $0x1  }
0xa6: {  	[sflag:s19] =	ssyncset.done $0x0  }
0xa7: {  	s21 =	simm.s32 $0x1B8E;
	s20 =	sld [smem:$0x3FFE];
	[sflag:s19] =	ssyncadd.s32 $0xFFFFFFFF  }
0xa8: {  	s22 =	simm.s32 $execute0_lowered;
	[smem:$0x3FD2] =	sst s21  }
0xa9: {  	s4 =	sshll.u32 s22, $0x1;
	_ =	strace $0x8000005B;
	[dreg:$0x1] =	wrdreg $0xFFFFFFFF  }
0xaa: {  	s23 =	simm.s32 $_size_execute0_lowered;
	s4 =	sadd.s32 s2, s4;
	[dreg:$0x0] =	wrdreg $0x0  }
0xab: {  	s5 =	sshll.u32 s23, $0x1;
	[dreg:$0x2] =	wrdreg s4  }
0xac: {  	[dreg:$0x3] =	wrdreg s5  }
0xad: {  	[dreg:$0x4] =	wrdreg $0xC0  }
0xae: {  	s24 =	simm.s32 $execute1_lowered;
	_ =	task [dreg:s18], $0x5FFFF  }
0xaf: {  	s4 =	sshll.u32 s24, $0x1;
	[dreg:$0x1] =	wrdreg $0xFFFFFFFF  }
0xb0: {  	s2 =	sadd.s32 s2, s4;
	[dreg:$0x0] =	wrdreg $0x60  }
0xb1: {  	[dreg:$0x2] =	wrdreg s2  }
0xb2: {  	[dreg:$0x3] =	wrdreg s13  }
0xb3: {  	[dreg:$0x4] =	wrdreg s20  }
0xb4: {  	[dreg:$0x5] =	wrdreg $0xB  }
0xb5: {  	_ =	task.clear_ibuf [dreg:s18], $0x6FFFF;
	_ =	strace $0x9000005B  }
0xb6: {  	s25 =	simm.s32 $0xB;
	_ =	strace $0x8000005D  }
0xb7: {  	_ =	swait.ge [sflag:s25], $0x1  }
0xb8: {  	[sflag:s25] =	ssyncadd.s32 $0xFFFFFFFF  }
0xb9: {  	_ =	strace $0x9000005D  }
0xba: {  	_ =	strace $0x8000005E;
	[dreg:$0x1] =	wrdreg $0xFFFFFFFF  }
0xbb: {  	[dreg:$0x0] =	wrdreg $0x2030  }
0xbc: {  	[dreg:$0x2] =	wrdreg s20  }
0xbd: {  	[dreg:$0x3] =	wrdreg $0xC  }
0xbe: {  	_ =	task.clear_ibuf [dreg:s18], $0x4FFFF;
	_ =	strace $0x9000005E  }
0xbf: {  	s26 =	simm.s32 $0xC;
	_ =	strace $0x80000060  }
0xc0: {  	_ =	swait.ge [sflag:s26], $0x1  }
0xc1: {  	[sflag:s26] =	ssyncadd.s32 $0xFFFFFFFF  }
0xc2: {  	_ =	strace $0x90000060  }
0xc3: {  	_ =	sfence  }
0xc4: {  	s28 =	sld [smem:$0x0];
	_ =	sdelay $0x1  }
0xc5: {  	s29 =	srdreg.scid  }
0xc6: {  	s30 =	sshll.u32 s29, $0xD;
	s31 =	sshrl.u32 s29, $0x2  }
0xc7: {  	s3 =	sand.u32 $0x4000, s30;
	s2 =	sand.u32 $0x1, s29;
	s1 =	sadd.s32 s31, s28  }
0xc8: {  	s2 =	sor.u32 s3, s2;
	s1 =	sshll.u32 s1, $0x11  }
0xc9: {  	s1 =	sor.u32 s1, s2  }
0xca: {  	s1 =	sadd.s32 $0x8F2B, s1  }
0xcb: {  	[sflag:s1] =	ssyncadd.remote.s32 $0x1  }
0xcc: {  	_ =	sfence.sel $0xFFFF  }
0xcd: {  	[dreg:$0x0] =	wrdreg $0xFFFFFFFF;
	(pc) =	sbr.abs _section_cstart, $3  }
0xce: {  	[dreg:$0x1] =	wrdreg $0xFFFFFFFF  }
0xcf: {  	_ =	task.clear_ibuf [dreg:s18], $0x2FFFF;
	_ =	strace $0x9FFFFFFF  }
0xd0: {  	(tm) =	ssettm $0x7FFFFFFF  }
0xd1: {  	_ =	shalt  }
tec
execute0_lowered:
.L_overlay_start_1:
0x0: {  	(tag) =	ssettag $0x1  }
0x1: {  	s2 =	rddreg [dreg:$0x0]  }
0x2: {  	s5 =	rddreg [dreg:$0x1]  }
0x3: {  	s4 =	rddreg [dreg:$0x2]  }
0x4: {  	s0 =	rddreg [dreg:$0x3];
	s3 =	stileid.u32  }
0x5: {  	[bflag:$0x3] =	sbarrier.arrive $0xFFFF;
	s1 =	simm.s32 $_size_execute1_lowered;
	p0 =	sne.s32 s3, $0x0  }
0x6: {  	s1 =	sshll.u32 s1, $0x1;
	s6 =	simm.s32 @!p0 $0x1C3F;
	s7 =	simm.s32 @!p0 $0x4060  }
0x7: {  	[timem:s7], [sflag:s6] =	dma.local @!p0 [hbm:s2], s1  }
.Ltmp0:
0x8: {  	s30 =	simm.s32 $0x2;
	s8 =	simm.s32 $0x780;
	(pc) =	sbr.rel .LBB2_1-.Ltmp0, $4  }
0x9: {  	s10 =	simm.s32 $0x0;
	s9 =	simm.s32 $0x0;
	s2 =	smul.u32 $0x280, s3  }
0xa: {  	s4 =	sadd.s32 $0xBA00, s4;
	s3 =	simm.s32 $0x1;
	_ =	strace $0x8000005C  }
0xb: {  	s6 =	simm.s32 $0x0;
	[sflag:s3] =	ssyncpa.u1 $0x0;
	s31 =	sshrl.u32 s2, $0x3  }
0xc: {  	s7 =	simm.s32 $0x280;
	[sflag:s30] =	ssyncpa.u1 $0x0;
	s5 =	sadd.s32 s31, s5  }
.LBB2_8:
0xd: {  	p1 =	seq.s32 s9, $0x2  }
.Ltmp1:
0xe: {  	_ = 	snop;
	(pc) =	sbr.rel @p1 .LBB2_10-.Ltmp1, $1  }
0xf: {  	_ =	sdelay $0x3  }
.LBB2_9:
0x10: {  	s9 =	sadd.s32 $0x1, s9;
	s10 =	smov.u32 s2  }
.LBB2_1:
0x11: {  	p1 =	sne.s32 s9, $0x0  }
.Ltmp2:
0x12: {  	_ = 	snop;
	(pc) =	sbr.rel @!p1 .LBB2_2-.Ltmp2, $1  }
0x13: {  	_ =	sdelay $0x3  }
0x14: {  	s11 =	sand.u32 $0x1, s9  }
0x15: {  	p1 =	seq.s32 s11, $0x0  }
.Ltmp3:
0x16: {  	_ = 	snop;
	(pc) =	sbr.rel @p1 .LBB2_8-.Ltmp3, $1  }
0x17: {  	_ =	sdelay $0x3  }
0x18: {  	_ =	swait.ge [sflag:s3], $0x280  }
0x19: {  	[sflag:s3] =	ssyncset.done $0x0  }
0x1a: {  	s11 =	simm.s32 $0x0;
	p1 =	por $0x1, $0x1;
	[sflag:s3] =	ssyncadd.s32 $0xFFFFFD80  }
.LBB2_5:
0x1b: {  	v0 =	vld [tilespmem:s11+$0x280]  }
0x1c: {  	v1 =	vld [tilespmem:s11+$0x290]  }
0x1d: {  	v2 =	vld [tilespmem:s11+$0x2A0]  }
0x1e: {  	v3 =	vld [tilespmem:s11+$0x2B0]  }
0x1f: {  	v4 =	vld [tilespmem:s11+$0x2C0]  }
0x20: {  	v53 =	vld [tilespmem:s11+$0x2D0];
	[tilespmem:s11+$0x780] =	vst v0  }
0x21: {  	v54 =	vld [tilespmem:s11+$0x2E0];
	[tilespmem:s11+$0x790] =	vst v1  }
0x22: {  	v55 =	vld [tilespmem:s11+$0x2F0];
	[tilespmem:s11+$0x7A0] =	vst v2  }
0x23: {  	v56 =	vld [tilespmem:s11+$0x300];
	[tilespmem:s11+$0x7B0] =	vst v3  }
0x24: {  	v57 =	vld [tilespmem:s11+$0x310];
	[tilespmem:s11+$0x7C0] =	vst v4  }
0x25: {  	v58 =	vld [tilespmem:s11+$0x320];
	[tilespmem:s11+$0x7D0] =	vst v53  }
0x26: {  	v59 =	vld [tilespmem:s11+$0x330];
	[tilespmem:s11+$0x7E0] =	vst v54  }
0x27: {  	v60 =	vld [tilespmem:s11+$0x340];
	[tilespmem:s11+$0x7F0] =	vst v55  }
0x28: {  	v61 =	vld [tilespmem:s11+$0x350];
	[tilespmem:s11+$0x800] =	vst v56  }
0x29: {  	v62 =	vld [tilespmem:s11+$0x360];
	[tilespmem:s11+$0x810] =	vst v57  }
0x2a: {  	v63 =	vld [tilespmem:s11+$0x370];
	p2 =	por p1, p1;
	[tilespmem:s11+$0x820] =	vst v58  }
.Ltmp4:
0x2b: {  	[tilespmem:s11+$0x830] =	vst v59;
	(pc) =	sbr.rel @p2 .LBB2_5-.Ltmp4, $4  }
0x2c: {  	[tilespmem:s11+$0x840] =	vst v60  }
0x2d: {  	[tilespmem:s11+$0x850] =	vst v61  }
0x2e: {  	s12 =	simm.s32 $0x1F0;
	s13 =	simm.s32 $0x980;
	[tilespmem:s11+$0x860] =	vst v62  }
0x2f: {  	s14 =	simm.s32 $0x480;
	p1 =	por $0x0, $0x0;
	[tilespmem:s11+$0x870] =	vst v63;
	s11 =	simm.s32 $0x100  }
.LBB2_6:
0x30: {  	s12 =	sadd.s32 $0x10, s12  }
0x31: {  	v0 =	vld [tilespmem:s14+$0x0];
	p1 =	slt.u32 s12, $0x270  }
.Ltmp5:
0x32: {  	_ = 	snop;
	(pc) =	sbr.rel @p1 .LBB2_6-.Ltmp5, $2  }
0x33: {  	_ =	sdelay $0x2  }
0x34: {  	s14 =	sadd.s32 $0x10, s14;
	[tilespmem:s13+$0x0] =	vst v0;
	s13 =	sadd.s32 $0x10, s13  }
.Ltmp6:
0x35: {  	(pc) =	sbr.rel .LBB2_8-.Ltmp6, $4  }
0x36: {  	_ = 	snop  }
0x37: {  	s10 =	sshrl.u32 s10, $0x3  }
0x38: {  	s10 =	sadd.s32 s4, s10  }
0x39: {  	[hbm4b:s10+s6] =	stream.linear.scatter [tilespmem:s8], [sflag:$0x2], $0x280, $0x38;
	[tilespmem:$0xA00] =	vst v63  }
.LBB2_2:
.Ltmp7:
0x3a: {  	(pc) =	sbr.rel .LBB2_9-.Ltmp7, $2  }
0x3b: {  	_ =	sdelay $0x2  }
0x3c: {  	[tilespmem:s7], [sflag:$0x1] =	stream.linear.gather [hbm4b:s5+s6], $0x280, $0x38;
	[tilespmem:$0xA00] =	vst v63  }
.LBB2_10:
0x3d: {  	s2 =	simm.s32 $0x2  }
0x3e: {  	_ =	swait.ge [sflag:s2], $0x280  }
0x3f: {  	[sflag:s2] =	ssyncset.done $0x0  }
0x40: {  	[sflag:s2] =	ssyncadd.s32 $0xFFFFFD80  }
0x41: {  	_ =	sfence.sel $0x180000  }
0x42: {  	s3 =	simm.s32 $0x1;
	[bflag:$0x0] =	sbarrier.arrive $0xFFFF  }
0x43: {  	[sflag:s3] =	ssyncpa.u1 $0x1  }
0x44: {  	[sflag:s2] =	ssyncpa.u1 $0x1  }
0x45: {  	_ =	strace $0x9000005C  }
0x46: {  	s0 =	sadd.s32 @!p0 $0x100000, s0;
	[bflag:$0x2] =	sbarrier.arrive $0xFFFF  }
0x47: {  	[sflag:s0] =	ssyncadd.tile.s32 @!p0 $0x1;
	s0 =	simm.s32 @!p0 $0x3F  }
0x48: {  	_ =	swait.ge @!p0 [sflag:s0], s1  }
0x49: {  	s1 =	ssub.s32 @!p0 $0x0, s1;
	[sflag:s0] =	ssyncset.done @!p0 $0x0  }
0x4a: {  	[sflag:s0] =	ssyncadd.s32 @!p0 s1  }
0x4b: {  	[bflag:$0x3] =	sbarrier.arrive $0xFFFF  }
0x4c: {  	_ =	shalt  }
.Lfunc_end2:
execute1_lowered:
.L_overlay_start_2:
0x4d: {  	(tag) =	ssettag $0x2  }
0x4e: {  	s6 =	rddreg [dreg:$0x0]  }
0x4f: {  	s3 =	stileid.u32;
	_ =	strace $0x8000005F;
	s0 =	simm.s32 $0x1  }
0x50: {  	v1 =	vimm.s32 $0xFFFFFFFF;
	s1 =	smin.u32 s3, $0x9;
	[sflag:s0] =	ssyncpa.u1 $0x0  }
0x51: {  	s1 =	sadd.s32 s3, s1;
	[tilespmem:$0x10] =	vst v1  }
0x52: {  	v0 =	vimm.f32 $0.0e+00;
	p0 =	slt.u32 s3, $0x9;
	[tilespmem:$0x20] =	vst v1;
	s4 =	smul.u32 $0x1A90, s1;
	s1 =	simm.s32 $0x3520  }
0x53: {  	[tilespmem:$0x30] =	vst v0;
	s1 =	simm.s32 @!p0 $0x1A90  }
0x54: {  	[tilespmem:$0x40] =	vst v0;
	s1 =	sadd.s32 s1, s4  }
0x55: {  	[tilespmem:$0x50] =	vst v0;
	s5 =	smin.u32 s1, $0x29810  }
0x56: {  	s7 =	simm.s32 $0x2;
	s8 =	simm.s32 $0x8;
	[tilespmem:$0x60] =	vst v1;
	s2 =	ssub.s32 s5, s4  }
0x57: {  	s31 =	simm.s32 $0x9;
	s16 =	simm.s32 $0x0;
	[tilespmem:$0x70] =	vst v1;
	p0 =	sgt.s32 s2, $0x0  }
0x58: {  	s17 =	simm.s32 $0xF0;
	s18 =	simm.s32 $0xFFFFFFFF;
	[tilespmem:$0x80] =	vst v1;
	s2 =	simm.s32 @!p0 $0x0  }
0x59: {  	s19 =	simm.s32 $0xFFFFCBE0;
	s20 =	simm.s32 $0xFFFFFFFE;
	v1 =	vimm.s32 $0x0;
	[tilespmem:$0xB0] =	vst v0;
	s30 =	smulhi.u32 $0x134679AD, s2  }
0x5a: {  	s21 =	simm.s32 $0xF;
	s25 =	simm.s32 $0x0;
	s24 =	simm.s32 $0x0;
	[tilespmem:$0x90] =	vst v1  }
0x5b: {  	[tilespmem:$0xA0] =	vst v1;
	[sflag:s7] =	ssyncpa.u1 $0x0;
	s7 =	simm.s32 $0x7;
	s9 =	sshrl.u32 s30, $0x9  }
0x5c: {  	s14 =	sshllo.u32 s3, $0x1;
	[sflag:s7] =	ssyncpa.u1 $0x0;
	s10 =	smul.u32 $0x1A90, s9  }
.Ltmp8:
0x5d: {  	[sflag:s8] =	ssyncpa.u1 $0x0;
	s23 =	smov.u32 s4;
	(pc) =	sbr.rel .LBB3_1-.Ltmp8, $4  }
0x5e: {  	s1 =	sadd.s32 $0xBA00, s6;
	s6 =	sadd.s32 $0x6600, s6;
	p0 =	sne.s32 s2, s10  }
0x5f: {  	[sflag:s31] =	ssyncpa.u1 $0x0;
	s10 =	sshll.u32 s3, $0x1;
	s0 =	simm.s32 @!p0 $0x0  }
0x60: {  	vm0 =	vmmov $0xffff;
	v2 =	vlaneseq.u32;
	s13 =	sor.u32 $0x81, s10;
	s15 =	sor.u32 $0x80, s10;
	s9 =	sadd.s32 s0, s9  }
0x61: {  	vm1 =	vmxor vm1, vm1;
	vm2 =	vmmov $0x1;
	vm3 =	vcmask $0x3F3C;
	p0 =	por $0x0, $0x0;
	s11 =	sadd.s32 $0x1, s9;
	s12 =	sadd.s32 $0x2, s9  }
.LBB3_9:
0x62: {  	p1 =	slt.u32 s24, $0x3  }
0x63: {  	s0 =	simm.s32 @!p1 $0x2  }
0x64: {  	_ =	swait.ge @!p1 [sflag:s0], $0x1A90  }
0x65: {  	[sflag:s0] =	ssyncset.done @!p1 $0x0  }
0x66: {  	[sflag:s0] =	ssyncadd.s32 @!p1 $0xFFFFE570;
	s0 =	simm.s32 @!p1 $0x9  }
0x67: {  	_ =	swait.ge @!p1 [sflag:s0], $0x10  }
0x68: {  	[sflag:s0] =	ssyncset.done @!p1 $0x0  }
0x69: {  	[sflag:s0] =	ssyncadd.s32 @!p1 $0xFFFFFFF0;
	p1 =	sne.s32 s24, s12  }
.Ltmp9:
0x6a: {  	s2 =	sadd.s32 $0x1A90, s23;
	(pc) =	sbr.rel @!p1 .LBB3_10-.Ltmp9, $4  }
0x6b: {  	s3 =	smov.u32 s4;
	s31 =	sadd.s32 $0x1, s24;
	s17 =	sadd.s32 $0x1A90, s17  }
0x6c: {  	s18 =	sadd.s32 $0x1, s18;
	s25 =	smov.u32 s23;
	p2 =	slt.s32 s2, s5  }
0x6d: {  	p0 =	por !p0, !p0;
	s19 =	sadd.s32 $0x1A90, s19;
	s3 =	smov.u32 @p2 s2  }
0x6e: {  	s20 =	sadd.s32 $0x1, s20;
	s23 =	smov.u32 s3;
	s24 =	smov.u32 s31  }
.LBB3_1:
0x6f: {  	p1 =	sge.u32 s24, s9  }
0x70: {  	s0 =	smulhi.u32 @!p1 $0xAAAAAAAB, s24;
	_ =	sdelay $0x1  }
0x71: {  	s0 =	sshrl.u32 @!p1 s0, $0x1  }
0x72: {  	s0 =	smul.u32 @!p1 $0x3, s0;
	_ =	sdelay $0x1  }
0x73: {  	s0 =	ssub.s32 @!p1 s24, s0  }
0x74: {  	s0 =	smul.u32 @!p1 $0x6A40, s0;
	_ =	sdelay $0x1  }
0x75: {  	s3 =	rddreg [dreg:$0x0];
	s2 =	sshrl.u32 @!p1 s23, $0x3;
	s0 =	sshrl.u32 @!p1 s0, $0x2  }
0x76: {  	s22 =	sand.u32 @!p1 $0x7, s23;
	s2 =	sadd.s32 @!p1 s3, s2;
	s0 =	sadd.s32 @!p1 $0x100, s0  }
0x77: {  	[tilespmem:s0], [sflag:$0x7] =	stream.linear.gather @!p1 [hbm4b:s2+s22], $0x1A90, $0x38;
	[tilespmem:$0xF030] =	vst v63  }
0x78: {  	s0 =	sadd.s32 $0xFFFFFFFF, s24  }
0x79: {  	p1 =	sge.u32 s0, s9  }
.Ltmp10:
0x7a: {  	_ = 	snop;
	(pc) =	sbr.rel @p1 .LBB3_5-.Ltmp10, $1  }
0x7b: {  	_ =	sdelay $0x3  }
0x7c: {  	s2 =	smulhi.u32 $0xAAAAAAAB, s0;
	_ =	sdelay $0x1  }
0x7d: {  	s2 =	sshrl.u32 s2, $0x1  }
0x7e: {  	s2 =	smul.u32 $0x3, s2;
	_ =	sdelay $0x1  }
0x7f: {  	s2 =	ssub.s32 s0, s2  }
0x80: {  	s2 =	smul.u32 $0x6A40, s2  }
0x81: {  	_ =	swait.ge [sflag:s7], $0x1A90  }
0x82: {  	[sflag:s7] =	ssyncset.done $0x0;
	s2 =	sshrl.u32 s2, $0x2  }
0x83: {  	[sflag:s7] =	ssyncadd.s32 $0xFFFFE570;
	(ifvalue) =	ssetifvalue $0xFFFFFFFF;
	v3 =	vld.msk [tilespmem:s2+$0x100 ss:$0x1], $0xffff;
	_ =	sdelay $0x2  }
0x84: {  	s30 =	smulhi.u32 $0xAAAAAAAB, s18;
	p1 =	sne.s32 s24, $0x1  }
0x85: {  	v4 =	vimm.s32 @!p1 $0x0  }
0x86: {  	s2 =	sshrl.u32 s30, $0x1;
	v4 =	vperm.xlane @!p1 v3, v4  }
0x87: {  	s22 =	sshll.u32 s24, $0x4;
	s2 =	smul.u32 $0xFFFEC140, s2;
	vm4 =	vlt.u32 v3, $0x2800  }
0x88: {  	s22 =	sand.u32 $0x10, s22;
	v3 =	vnsel vm4, $0xFFFFFFFE, v3;
	vm4 =	vlt.u32 @!p1 v4, $0x2800  }
0x89: {  	s2 =	sshra.s32 s2, $0x2;
	[tilespmem:s22+$0x60] =	vst v3;
	v3 =	vnsel @!p1 vm4, $0xFFFFFFFE, v4  }
0x8a: {  	s28 =	sadd.s32 s2, s17;
	[tilespmem:$0x80] =	vst @!p1 v3  }
0x8b: {  	v3 =	vld.msk [tilespmem:s28+$0x0 ss:$0x1], $0xffff;
	_ =	sdelay $0x4  }
0x8c: {  	(xrf1) =	vunique.msk.u32 $0xffff, v3;
	_ =	sdelay $0xd  }
0x8d: {  	v4 =	vimm.s32 $0xFFFFFFFF;
	v5, _, _ =	vpop (xrf1)  }
0x8e: {  	vm5 =	vne.s32 v3, v4;
	vm4 =	veq.s32 v5, v2  }
0x8f: {  	vm6 =	vlt.u32 v3, $0x2800;
	vm4 =	vmand vm5, vm4  }
0x90: {  	vm4 =	vmand vm6, vm4  }
0x91: {  	v4 =	vnsel vm4, $0xFFFFFFFF, v3  }
0x92: {  	s31 =	sand.u32 $0x1, s0  }
0x93: {  	s0 =	simm.s32 $0x1A90;
	p1 =	seq.s32 s31, $0x1  }
0x94: {  	s0 =	simm.s32 @!p1 $0x0  }
0x95: {  	s26 =	sadd.s32 $0x6B30, s0;
	(ifvalue) =	ssetifvalue $0xFFFFFFFF  }
0x96: {  	v3 =	vperm.xlane v3, v1;
	[tilespmem:s26], [sflag:$0x8] =	stream.indirect_vreg.gather [hbm4b:s1+s16], $0x1, v4, vm0, $0x4038;
	v4 =	vnsel vm6, $0xFFFFFFFE, v4;
	[tilespmem:$0xF030] =	vst v63  }
0x97: {  	s2 =	simm.s32 $0x0;
	s22 =	sadd.s32 $0xFFFFFFF0, s28;
	[tilespmem:s28+$0x0] =	vst v4  }
.LBB3_3:
0x98: {  	v4 =	vld.msk [tilespmem:s22+$0x0 ss:$0x1], $0xffff;
	s2 =	sadd.s32 $0x10, s2;
	v5 =	vmov v3;
	s28 =	smov.u32 s22  }
0x99: {  	p1 =	slt.u32 s2, $0x1A80;
	_ =	sdelay $0x4  }
0x9a: {  	v3 =	vperm.xlane v4, v1;
	(xrf1) =	vunique.msk.u32 $0xffff, v4;
	_ =	sdelay $0xd  }
0x9b: {  	v6, _, _ =	vpop (xrf1)  }
0x9c: {  	vm5 =	vne.s32 v4, v5;
	vm4 =	veq.s32 v6, v2  }
0x9d: {  	vm6 =	vlt.u32 v4, $0x2800;
	vm4 =	vmand vm5, vm4  }
0x9e: {  	vm4 =	vmand vm6, vm4  }
0x9f: {  	v4 =	vnsel vm4, $0xFFFFFFFF, v4  }
.Ltmp11:
0xa0: {  	v5 =	vnsel vm6, $0xFFFFFFFE, v4;
	(pc) =	sbr.rel @p1 .LBB3_3-.Ltmp11, $3  }
0xa1: {  	_ =	sdelay $0x1  }
0xa2: {  	s22 =	sadd.s32 $0xFFFFFFF0, s22;
	s26 =	sadd.s32 $0xFFFFFFF0, s26;
	(ifvalue) =	ssetifvalue $0xFFFFFFFF  }
0xa3: {  	[tilespmem:s26], [sflag:$0x8] =	stream.indirect_vreg.gather [hbm4b:s1+s16], $0x1, v4, vm0, $0x4038;
	[tilespmem:s28+$0x0] =	vst v5  }
0xa4: {  	s2 =	sshrl.u32 s25, $0x3  }
0xa5: {  	s0 =	sadd.s32 $0x85D0, s0;
	s2 =	sadd.s32 s6, s2  }
0xa6: {  	[tilespmem:s0], [sflag:$0x8] =	stream.linear.gather [hbm:s2], $0x1A90, $0x38;
	[tilespmem:$0xF030] =	vst v63  }
.LBB3_5:
0xa7: {  	p1 =	slt.u32 s24, $0x2  }
0xa8: {  	p2 =	sge.u32 @!p1 s24, s12  }
0xa9: {  	p1 =	por p1, p2  }
.Ltmp12:
0xaa: {  	_ = 	snop;
	(pc) =	sbr.rel @p1 .LBB3_9-.Ltmp12, $1  }
0xab: {  	_ =	sdelay $0x3  }
0xac: {  	s0 =	sadd.s32 $0xFFFFFFFE, s24  }
0xad: {  	s2 =	smulhi.u32 $0xAAAAAAAB, s0;
	_ =	sdelay $0x1  }
0xae: {  	s2 =	sshrl.u32 s2, $0x1  }
0xaf: {  	s2 =	smul.u32 $0x3, s2;
	_ =	sdelay $0x1  }
0xb0: {  	s0 =	ssub.s32 s0, s2  }
0xb1: {  	_ =	swait.ge [sflag:s8], $0x3520;
	s0 =	smul.u32 $0x1A90, s0  }
0xb2: {  	p1 =	sne.s32 s24, s11;
	[sflag:s8] =	ssyncset.done $0x0  }
0xb3: {  	[sflag:s8] =	ssyncadd.s32 $0xFFFFCAE0;
	s2 =	sadd.s32 @!p1 $0x1B8F, s0  }
0xb4: {  	[spmem:s13] =	stream.linear.scatter @!p1 [tilespmem:s2], [sflag:$0x1], $0x1, $0x38;
	[tilespmem:$0xF030] =	vst v63  }
0xb5: {  	s2 =	simm.s32 @!p1 $0x1  }
0xb6: {  	_ =	swait.ge @!p1 [sflag:s2], $0x1  }
0xb7: {  	s22 =	sshll.u32 s24, $0x4;
	[sflag:s2] =	ssyncset.done @!p1 $0x0  }
0xb8: {  	s25 =	sand.u32 $0x10, s22;
	[sflag:s2] =	ssyncadd.s32 @!p1 $0xFFFFFFFF  }
0xb9: {  	s2 =	sxor.u32 $0x10, s25;
	v4 =	vld [tilespmem:s25+$0x10]  }
0xba: {  	v5 =	vld [tilespmem:s2+$0x60]  }
0xbb: {  	v3 =	vld [tilespmem:$0x80];
	_ =	sdelay $0x2  }
0xbc: {  	(v2sf) =	vpush v4, $0x0  }
0xbd: {  	(v2sf) =	vpush v5, $0x0  }
0xbe: {  	(v2sf) =	vpush v3, $0x0;
	_ =	sdelay $0xc  }
0xbf: {  	s3 =	spop (v2sf)  }
0xc0: {  	s28 =	spop (v2sf)  }
0xc1: {  	s26 =	spop (v2sf)  }
0xc2: {  	p2 =	seq.s32 s3, s28;
	p3 =	seq.s32 s26, s3  }
0xc3: {  	p3 =	por p2, p3  }
0xc4: {  	s3 =	sand.u32 $0x1, s24;
	v4 =	vpsel p3, $0xFFFFFFFF, v4  }
0xc5: {  	s28 =	smul.u32 $0x1A90, s3;
	[tilespmem:s25+$0x10] =	vst.msk $0x1, v4  }
0xc6: {  	v4 =	vld [tilespmem:$0x30]  }
0xc7: {  	v5 =	vld [tilespmem:s28+$0x85D0]  }
0xc8: {  	v6 =	vld [tilespmem:s25+$0x40];
	_ =	sdelay $0x3  }
0xc9: {  	vm4 =	vmmov vm1;
	v5 =	vadd.f32 v5, v4  }
0xca: {  	vm5 =	vmmov vm2;
	vm4 =	vmmov @p2 vm2;
	v4 =	vadd.f32 v6, v4  }
0xcb: {  	s22 =	sshll.u32 s3, $0x4;
	vm5 =	vmmov @p3 vm1;
	[tilespmem:s28+$0x85D0] =	vst.msk vm4, v5  }
0xcc: {  	[tilespmem:s22+$0xF010] =	vst.msk vm5, v4  }
0xcd: {  	v4 =	vld [tilespmem:s28+$0x6B30];
	_ =	sdelay $0x3  }
0xce: {  	v5 =	vimm.f32 $0.0e+00  }
0xcf: {  	v4 =	vshift.insert v4, v5, s21  }
0xd0: {  	s29 =	sor.u32 $0x40, s2  }
0xd1: {  	[tilespmem:s29+$0x0] =	vst.msk $0x1, v4  }
0xd2: {  	[tilespmem:s28+$0x6B3F] =	vst.msk $0x1, v5  }
0xd3: {  	v4 =	vld [tilespmem:s0+$0x1B80];
	_ =	sdelay $0x1  }
0xd4: {  	s29 =	smulhi.u32 $0xAAAAAAAB, s20;
	s0 =	simm.s32 $0x1  }
0xd5: {  	s0 =	simm.s32 @!p0 $0x0  }
0xd6: {  	s29 =	sshrl.u32 s29, $0x1;
	s0 =	smul.u32 $0x6A40, s0  }
0xd7: {  	s29 =	smul.u32 $0xFFFEC140, s29;
	v4 =	vshift.insert v4, v1, s21  }
0xd8: {  	s0 =	sshrl.u32 s0, $0x2  }
0xd9: {  	s29 =	sshra.s32 s29, $0x2;
	s30 =	sadd.s32 $0x85D0, s0;
	[tilespmem:s2+$0x10] =	vst.msk $0x1, v4  }
0xda: {  	s3 =	sadd.s32 s29, s19;
	v6 =	vld [tilespmem:s30+$0x0]  }
0xdb: {  	v7 =	vld [tilespmem:s3+$0x0];
	_ =	sdelay $0x3  }
0xdc: {  	v5 =	vadd.f32 v6, v5  }
0xdd: {  	vm4 =	vne.s32 v7, $0xFFFFFFFF  }
0xde: {  	(xrf2) =	vadd.seg.scan.f32 vm4, v5;
	_ =	sdelay $0x3  }
0xdf: {  	s31 =	sadd.s32 $0x50B0, s0;
	v5 =	vperm.xlane v4, v1  }
0xe0: {  	v6 =	vld [tilespmem:s31+$0x0]  }
0xe1: {  	vm5 =	veq.s32 v7, v3;
	vm6 =	veq.s32 v7, v5  }
0xe2: {  	vm7 =	vgt.u32 v7, $0xFFFFFFFD;
	vm6 =	vmor vm6, vm5  }
0xe3: {  	vm6 =	vmor vm6, vm7  }
0xe4: {  	v9 =	vld [tilespmem:$0xA0];
	v7 =	vsel vm6, $0xFFFFFFFF, v7  }
0xe5: {  	v10 =	vld [tilespmem:$0x90];
	v6 =	vsel vm5, $0x0, v6;
	v8, _, _ =	vpop (xrf2)  }
0xe6: {  	v6 =	vadd.f32 v8, v6  }
0xe7: {  	s0 =	sadd.s32 $0xBAF0, s0  }
0xe8: {  	vm4 =	vmand vm4, vm3;
	[tilespmem:s0+$0x0] =	vst v6;
	(ifvalue) =	ssetifvalue $0xFFFFFFFF  }
0xe9: {  	vm6 =	veq.s32 v9, $0x1;
	[hbm4b:s1+s16] =	stream.indirect_vreg.scatter [tilespmem:s0], [sflag:$0x2], $0x1, v7, vm0, $0x4038;
	v7 =	vsel vm4, $0x0, v8;
	[tilespmem:$0xF030] =	vst v63  }
0xea: {  	s29 =	sadd.s32 $0xF010, s22;
	s22 =	sadd.s32 $0x10, s3;
	s2 =	simm.s32 $0x0;
	vm4 =	vmor vm6, vm5;
	v6 =	vsel vm5, v8, v10;
	v7 =	vshift.insert v7, v0, s21  }
.LBB3_7:
0xeb: {  	v8 =	vld [tilespmem:s22+$0x0];
	s30 =	sadd.s32 $0x10, s30  }
0xec: {  	s31 =	sadd.s32 $0x10, s31;
	v9 =	vld [tilespmem:s30+$0x0]  }
0xed: {  	s2 =	sadd.s32 $0x10, s2;
	v10 =	vld [tilespmem:s31+$0x0]  }
0xee: {  	p2 =	slt.u32 s2, $0x1A80;
	_ =	sdelay $0x2  }
0xef: {  	v7 =	vadd.f32 v9, v7  }
0xf0: {  	vm5 =	vne.s32 v8, $0xFFFFFFFF  }
0xf1: {  	vm6 =	vmand vm5, vm3;
	(xrf2) =	vadd.seg.scan.f32 vm5, v7;
	_ =	sdelay $0x5  }
0xf2: {  	vm7 =	veq.s32 v8, v5;
	vm5 =	veq.s32 v8, v3  }
0xf3: {  	vm8 =	vgt.u32 v8, $0xFFFFFFFD;
	vm4 =	vmor vm4, vm5;
	vm7 =	vmor vm7, vm5  }
0xf4: {  	vm7 =	vmor vm7, vm8  }
0xf5: {  	v8 =	vsel vm7, $0xFFFFFFFF, v8  }
.Ltmp13:
0xf6: {  	v7 =	vsel vm5, $0x0, v10;
	v9, _, _ =	vpop (xrf2);
	(pc) =	sbr.rel @p2 .LBB3_7-.Ltmp13, $4  }
0xf7: {  	v6 =	vsel vm5, v9, v6;
	v10 =	vadd.f32 v9, v7;
	v7 =	vsel vm6, $0x0, v9  }
0xf8: {  	s0 =	sadd.s32 $0x10, s0;
	v7 =	vshift.insert v7, v0, s21  }
0xf9: {  	s22 =	sadd.s32 $0x10, s22;
	[tilespmem:s0+$0x0] =	vst v10;
	(ifvalue) =	ssetifvalue $0xFFFFFFFF  }
0xfa: {  	[hbm4b:s1+s16] =	stream.indirect_vreg.scatter [tilespmem:s0], [sflag:$0x2], $0x1, v8, vm0, $0x4038;
	[tilespmem:$0xF030] =	vst v63  }
0xfb: {  	v3 =	vld [tilespmem:s28+$0xD570];
	_ =	sdelay $0x4  }
0xfc: {  	v3 =	vshift.insert v3, v0, s21  }
0xfd: {  	s0 =	simm.s32 $0x30  }
0xfe: {  	[tilespmem:s0+$0x0] =	vst.msk $0x1, v3  }
0xff: {  	v3 =	vsel vm4, $0x1, v1;
	[tilespmem:$0x90] =	vst v6  }
0x100: {  	s0 =	sadd.s32 @!p1 $0xD57F, s28;
	[tilespmem:$0xA0] =	vst v3  }
0x101: {  	[spmem:s14] =	stream.linear.scatter @!p1 [tilespmem:s0], [sflag:$0x1], $0x1, $0x38;
	[tilespmem:$0xF030] =	vst v63  }
0x102: {  	s0 =	simm.s32 @!p1 $0x1  }
0x103: {  	v3 =	vmctz.xlane @!p1 vm4;
	_ =	swait.ge @!p1 [sflag:s0], $0x1  }
0x104: {  	(v2sf) =	vpush @!p1 v4, $0x0  }
0x105: {  	(v2sf) =	vpush @!p1 v3, $0x0;
	_ =	sdelay $0xd  }
0x106: {  	s2 =	spop @!p1 (v2sf)  }
0x107: {  	s3 =	spop @!p1 (v2sf)  }
0x108: {  	p2 =	sne.s32 @!p1 s26, s2;
	p3 =	slt.s32 @!p1 s3, $0xF  }
0x109: {  	[sflag:s0] =	ssyncset.done @!p1 $0x0;
	p2 =	por p2, p1;
	p3 =	por !p3, p1  }
0x10a: {  	[sflag:s0] =	ssyncadd.s32 @!p1 $0xFFFFFFFF;
	v3 =	vimm.s32 @!p2 $0xFFFFFFFF;
	s3 =	simm.s32 @p3 $0xF  }
0x10b: {  	[tilespmem:$0x80] =	vst @!p2 v3;
	s2 =	sadd.s32 @!p1 $0x90, s3  }
0x10c: {  	[spmem:s10] =	stream.linear.scatter @!p1 [tilespmem:s2], [sflag:$0x1], $0x1, $0x38;
	[tilespmem:$0xF030] =	vst v63  }
0x10d: {  	_ =	swait.ge @!p1 [sflag:s0], $0x1  }
0x10e: {  	[sflag:s0] =	ssyncset.done @!p1 $0x0  }
0x10f: {  	s2 =	simm.s32 @!p1 $0x80;
	[sflag:s0] =	ssyncadd.s32 @!p1 $0xFFFFFFFF  }
0x110: {  	[spmem:s15] =	stream.linear.scatter @!p1 [tilespmem:s2], [sflag:$0x1], $0x1, $0x38;
	[tilespmem:$0xF030] =	vst v63  }
0x111: {  	_ =	swait.ge @!p1 [sflag:s0], $0x1  }
0x112: {  	[sflag:s0] =	ssyncset.done @!p1 $0x0  }
0x113: {  	[sflag:s0] =	ssyncadd.s32 @!p1 $0xFFFFFFFF;
	(ifvalue) =	ssetifvalue $0xFFFFFFFF;
	v3 =	vld [tilespmem:s25+$0x10];
	_ =	sdelay $0x3  }
.Ltmp14:
0x114: {  	_ = 	snop;
	(pc) =	sbr.rel .LBB3_9-.Ltmp14, $3  }
0x115: {  	_ =	sdelay $0x1  }
0x116: {  	(ifvalue) =	ssetifvalue $0xFFFFFFFF  }
0x117: {  	[hbm4b:s1+s16] =	stream.indirect_vreg.scatter [tilespmem:s29], [sflag:$0x9], $0x1, v3, vm0, $0x4038;
	[tilespmem:$0xF030] =	vst v63  }
.LBB3_10:
0x118: {  	_ =	sfence.sel $0x180000  }
0x119: {  	s0 =	simm.s32 $0x7;
	[bflag:$0x0] =	sbarrier.arrive $0xFFFF  }
0x11a: {  	s26 =	simm.s32 $0x8;
	[sflag:s0] =	ssyncpa.u1 $0x1  }
0x11b: {  	s28 =	simm.s32 $0x9;
	[sflag:s26] =	ssyncpa.u1 $0x1  }
0x11c: {  	[sflag:s28] =	ssyncpa.u1 $0x1  }
0x11d: {  	_ =	sfence.stream.spmem  }
0x11e: {  	s29 =	simm.s32 $0x3;
	[bflag:$0x0] =	sbarrier.arrive $0xFFFF  }
0x11f: {  	s30 =	simm.s32 $0x4;
	[sflag:s29] =	ssyncpa.u1 $0x1  }
0x120: {  	s31 =	simm.s32 $0x3C;
	s2 =	stileid.u32;
	[sflag:s30] =	ssyncpa.u1 $0x1  }
0x121: {  	p0 =	sne.s32 s2, $0x0;
	[sflag:s31] =	ssyncpa.u1 $0x1  }
0x122: {  	s0 =	simm.s32 @p0 $0x1;
	_ =	sfence @p0  }
0x123: {  	[sflag:s0] =	ssyncpa.u1 @p0 $0x1;
	s0 =	simm.s32 @p0 $0x2  }
0x124: {  	[sflag:s0] =	ssyncpa.u1 @p0 $0x1  }
0x125: {  	_ =	strace @p0 $0x9000005F  }
0x126: {  	[bflag:$0x2] =	sbarrier.arrive @p0 $0xFFFF  }
0x127: {  	_ =	shalt @p0  }
.LBB3_11:
0x128: {  	_ =	sfence.stream.spmem;
	s0 =	simm.s32 $0x5  }
0x129: {  	s2 =	simm.s32 $0x80;
	s3 =	simm.s32 $0xC0;
	[sflag:s0] =	ssyncpa.u1 $0x0  }
0x12a: {  	[tilespmem:s3], [sflag:$0x5] =	stream.linear.gather [spmem:s2], $0x20, $0x38;
	[tilespmem:$0xF030] =	vst v63  }
0x12b: {  	s2 =	simm.s32 $0x0;
	s3 =	simm.s32 $0xE0  }
0x12c: {  	[tilespmem:s3], [sflag:$0x5] =	stream.linear.gather [spmem:s2], $0x20, $0x38;
	[tilespmem:$0xF030] =	vst v63  }
.Ltmp15:
0x12d: {  	_ = 	snop;
	(pc) =	sbr.rel .LBB3_12-.Ltmp15, $4  }
0x12e: {  	_ =	swait.ge [sflag:s0], $0x40  }
0x12f: {  	[sflag:s0] =	ssyncset.done $0x0  }
0x130: {  	s31 =	simm.s32 $0x6;
	[sflag:s0] =	ssyncadd.s32 $0xFFFFFFC0  }
0x131: {  	s4 =	simm.s32 $0x0;
	[sflag:s31] =	ssyncpa.u1 $0x0  }
.LBB3_17:
0x132: {  	p0 =	sgt.u32 s5, $0x27FF  }
0x133: {  	s0 =	sshrl.u32 @!p0 s5, $0x3  }
0x134: {  	s5 =	sand.u32 @!p0 $0x7, s5;
	s6 =	simm.s32 @!p0 $0xB0;
	s0 =	sadd.s32 @!p0 s1, s0  }
0x135: {  	[tilespmem:s6], [sflag:$0x6] =	stream.linear.gather @!p0 [hbm4b:s0+s5], $0x1, $0x38;
	[tilespmem:$0xF030] =	vst v63  }
0x136: {  	s0 =	simm.s32 @!p0 $0x6  }
0x137: {  	_ =	swait.ge @!p0 [sflag:s0], $0x1  }
0x138: {  	[sflag:s0] =	ssyncset.done @!p0 $0x0  }
0x139: {  	[sflag:s0] =	ssyncadd.s32 @!p0 $0xFFFFFFFF  }
0x13a: {  	v2 =	vmov @!p0 s4;
	v1 =	vld.msk @!p0 [tilespmem:$0xB0], $0x1;
	_ =	sdelay $0x3  }
0x13b: {  	s0 =	simm.s32 @!p0 $0xE0  }
0x13c: {  	[tilespmem:v2+s0+$0x0], v1 =	vst.idx.ret.add.f32.msk @!p0 $0x1, v1  }
0x13d: {  	[tilespmem:s2+$0xC0] =	vst.msk $0x1, v0  }
0x13e: {  	v0 =	vld.msk [tilespmem:s4+$0xE0], $0x1;
	_ =	sdelay $0x4  }
0x13f: {  	[tilespmem:s2+$0xE0] =	vst.msk $0x1, v0;
	s2 =	sadd.s32 $0x1, s2  }
.LBB3_19:
0x140: {  	s4 =	sadd.s32 $0x1, s4  }
0x141: {  	p0 =	sne.s32 s4, $0x20  }
.Ltmp16:
0x142: {  	_ = 	snop;
	(pc) =	sbr.rel @!p0 .LBB3_20-.Ltmp16, $1  }
0x143: {  	_ =	sdelay $0x3  }
.LBB3_12:
0x144: {  	v0 =	vld.msk [tilespmem:s4+$0xC0], $0x1;
	_ =	sdelay $0x4  }
0x145: {  	(v2sf) =	vpush v0, $0x0;
	_ =	sdelay $0xe  }
0x146: {  	s5 =	spop (v2sf)  }
0x147: {  	p0 =	seq.s32 s5, $0xFFFFFFFF  }
.Ltmp17:
0x148: {  	_ = 	snop;
	(pc) =	sbr.rel @p0 .LBB3_19-.Ltmp17, $1  }
0x149: {  	_ =	sdelay $0x3  }
0x14a: {  	p0 =	slt.s32 s2, $0x1  }
.Ltmp18:
0x14b: {  	_ = 	snop;
	(pc) =	sbr.rel @p0 .LBB3_17-.Ltmp18, $1  }
0x14c: {  	_ =	sdelay $0x3  }
0x14d: {  	s0 =	simm.s32 $0xC0;
	p0 =	por $0x0, $0x0  }
0x14e: {  	v1 =	vld.msk @!p0 [tilespmem:s0+$0x0], $0x1;
	_ =	sdelay $0x4  }
0x14f: {  	(v2sf) =	vpush @!p0 v1, $0x0;
	_ =	sdelay $0xd  }
0x150: {  	p2 =	sne.s32 s2, $0x1  }
.Ltmp19:
0x151: {  	s6 =	spop @!p0 (v2sf);
	(pc) =	sbr.rel @!p2 .LBB3_16-.Ltmp19, $4  }
0x152: {  	p1 =	seq.s32 @!p0 s5, s6  }
0x153: {  	s6 =	simm.s32 $0x0;
	p1 =	por !p1, p0  }
0x154: {  	s8 =	simm.s32 $0xFFFFFFFF;
	s6 =	simm.s32 @p1 $0xFFFFFFFF  }
0x155: {  	s7 =	simm.s32 $0x1;
	s6 =	smov.u32 @p0 s8  }
.LBB3_15:
0x156: {  	s8 =	smov.u32 s6;
	p0 =	sne.s32 s6, $0xFFFFFFFF  }
0x157: {  	s0 =	sadd.s32 $0x1, s0;
	s6 =	smov.u32 s7;
	s7 =	sadd.s32 $0x1, s7  }
0x158: {  	p1 =	sne.s32 s2, s7;
	v1 =	vld.msk @!p0 [tilespmem:s0+$0x0], $0x1;
	_ =	sdelay $0x4  }
0x159: {  	(v2sf) =	vpush @!p0 v1, $0x0;
	_ =	sdelay $0xe  }
.Ltmp20:
0x15a: {  	s9 =	spop @!p0 (v2sf);
	(pc) =	sbr.rel @p1 .LBB3_15-.Ltmp20, $4  }
0x15b: {  	p2 =	seq.s32 @!p0 s5, s9  }
0x15c: {  	p2 =	por !p2, p0  }
0x15d: {  	s6 =	simm.s32 @p2 $0xFFFFFFFF  }
0x15e: {  	s6 =	smov.u32 @p0 s8  }
.LBB3_16:
0x15f: {  	p0 =	sne.s32 s6, $0xFFFFFFFF  }
.Ltmp21:
0x160: {  	_ = 	snop;
	(pc) =	sbr.rel @!p0 .LBB3_17-.Ltmp21, $1  }
0x161: {  	_ =	sdelay $0x3  }
0x162: {  	v0 =	vld.msk [tilespmem:s4+$0xE0], $0x1;
	v1 =	vmov s6  }
.Ltmp22:
0x163: {  	_ = 	snop;
	(pc) =	sbr.rel .LBB3_19-.Ltmp22, $2  }
0x164: {  	_ =	sdelay $0x2  }
0x165: {  	[tilespmem:v1+s3+$0x0], v0 =	vst.idx.ret.add.f32.msk $0x1, v0  }
.LBB3_20:
0x166: {  	p0 =	slt.s32 s2, $0x1  }
.Ltmp23:
0x167: {  	_ = 	snop;
	(pc) =	sbr.rel @p0 .LBB3_24-.Ltmp23, $3  }
0x168: {  	_ =	sdelay $0x1  }
0x169: {  	s0 =	simm.s32 $0x6  }
0x16a: {  	s3 =	simm.s32 $0x0;
	[sflag:s0] =	ssyncpa.u1 $0x1  }
0x16b: {  	s0 =	simm.s32 $0xC0  }
0x16c: {  	v0 =	vld.msk [tilespmem:s0+$0x0], $0x1;
	_ =	sdelay $0x4  }
0x16d: {  	(v2sf) =	vpush v0, $0x0;
	_ =	sdelay $0xe  }
0x16e: {  	s2 =	sadd.s32 $0xFFFFFFFF, s2;
	s4 =	spop (v2sf)  }
0x16f: {  	p1 =	sne.s32 s2, $0x0;
	p0 =	sgt.u32 s4, $0x27FF  }
.Ltmp24:
0x170: {  	s5 =	sshrl.u32 @!p0 s4, $0x3;
	(pc) =	sbr.rel @!p1 .LBB3_23-.Ltmp24, $4  }
0x171: {  	s0 =	simm.s32 $0xE0;
	s4 =	sand.u32 @!p0 $0x7, s4;
	s5 =	sadd.s32 @!p0 s1, s5  }
0x172: {  	[hbm4b:s5+s4] =	stream.linear.scatter @!p0 [tilespmem:s0], [sflag:$0x5], $0x1, $0x38;
	[tilespmem:$0xF030] =	vst v63  }
0x173: {  	s5 =	simm.s32 $0x0  }
0x174: {  	s4 =	simm.s32 $0xC1;
	s5 =	simm.s32 @!p0 $0x4  }
.LBB3_22:
0x175: {  	v0 =	vld.msk [tilespmem:s4+$0x0], $0x1;
	s2 =	sadd.s32 $0xFFFFFFFF, s2;
	s3 =	sadd.s32 s3, s5  }
0x176: {  	p0 =	sne.s32 s2, $0x0;
	_ =	sdelay $0x3  }
0x177: {  	(v2sf) =	vpush v0, $0x0;
	_ =	sdelay $0xe  }
.Ltmp25:
0x178: {  	s6 =	spop (v2sf);
	(pc) =	sbr.rel @p0 .LBB3_22-.Ltmp25, $4  }
0x179: {  	s5 =	simm.s32 $0x0;
	p1 =	sgt.u32 s6, $0x27FF  }
0x17a: {  	s0 =	sadd.s32 $0x1, s0;
	s5 =	simm.s32 @!p1 $0x4;
	s7 =	sshrl.u32 @!p1 s6, $0x3  }
0x17b: {  	s4 =	sadd.s32 $0x1, s4;
	s6 =	sand.u32 @!p1 $0x7, s6;
	s7 =	sadd.s32 @!p1 s1, s7  }
0x17c: {  	[hbm4b:s7+s6] =	stream.linear.scatter @!p1 [tilespmem:s0], [sflag:$0x5], $0x1, $0x38;
	[tilespmem:$0xF030] =	vst v63  }
.LBB3_23:
0x17d: {  	s0 =	sadd.s32 s3, s5  }
0x17e: {  	s3 =	sshrl.u32 s0, $0x2  }
.LBB3_24:
0x17f: {  	s0 =	simm.s32 $0x5  }
0x180: {  	_ =	swait.ge [sflag:s0], s3  }
0x181: {  	s1 =	ssub.s32 $0x0, s3;
	[sflag:s0] =	ssyncset.done $0x0  }
0x182: {  	[sflag:s0] =	ssyncadd.s32 s1  }
0x183: {  	[sflag:s0] =	ssyncpa.u1 $0x1  }
0x184: {  	s29 =	simm.s32 $0x1;
	_ =	sfence  }
0x185: {  	s30 =	simm.s32 $0x2;
	[sflag:s29] =	ssyncpa.u1 $0x1  }
0x186: {  	[sflag:s30] =	ssyncpa.u1 $0x1  }
0x187: {  	_ =	strace $0x9000005F  }
0x188: {  	[bflag:$0x2] =	sbarrier.arrive $0xFFFF  }
0x189: {  	s31 =	rddreg [dreg:$0x1]  }
0x18a: {  	s0 =	sadd.s32 $0x100000, s31  }
0x18b: {  	[sflag:s0] =	ssyncadd.tile.s32 $0x1;
	_ =	shalt  }
.Lfunc_end3:
_tile_overlayer_lowered:
.L_overlay_start_3:
0x18c: {  	(tag) =	ssettag $0x3  }
0x18d: {  	s0 =	rddreg [dreg:$0x0];
	s2 =	stileid.u32  }
0x18e: {  	s1 =	rddreg [dreg:$0x1];
	p0 =	sne.s32 s2, $0x0  }
0x18f: {  	s3 =	rddreg [dreg:$0x2];
	[bflag:$0x3] =	sbarrier.arrive $0xFFFF;
	s2 =	simm.s32 @!p0 $0x1C01  }
0x190: {  	[timem:s3], [sflag:s2] =	dma.local @!p0 [hbm:s0], s1  }
0x191: {  	s0 =	simm.s32 @!p0 $0x1  }
0x192: {  	_ =	swait.ge @!p0 [sflag:s0], s1  }
0x193: {  	s1 =	ssub.s32 @!p0 $0x0, s1;
	[sflag:s0] =	ssyncset.done @!p0 $0x0  }
0x194: {  	[sflag:s0] =	ssyncadd.s32 @!p0 s1  }
0x195: {  	[bflag:$0x3] =	sbarrier.arrive $0xFFFF  }
0x196: {  	_ =	shalt  }

// kernel: scatter_offload_async_start.6
scs
__scs_entry_jumppad:
0x0: {  	(pc) =	sbr.rel $0x88, $3  }
0x1: {  	(tag) =	ssettag $0x0;
	lr =	simm.s32 $0x1  }
0x2: {  	[smem:$0x3F94] =	sst lr;
	_ =	strace $0xD0000000  }
0x3: {  	_ = 	snop  }
0x4: {  	_ = 	snop  }
0x5: {  	_ = 	snop  }
0x6: {  	_ = 	snop  }
0x7: {  	_ = 	snop  }
__scs_overlays_trampoline_lowered:
0x8: {  	[smem:$0x3FA3] =	sst s0  }
0x9: {  	[smem:$0x3FA4] =	sst s1  }
0xa: {  	[smem:$0x3FA5] =	sst s2  }
0xb: {  	[smem:$0x3FA6] =	sst s3  }
0xc: {  	[smem:$0x3FA7] =	sst s4  }
0xd: {  	[smem:$0x3FA8] =	sst s5  }
0xe: {  	[smem:$0x3FA9] =	sst s6  }
0xf: {  	[smem:$0x3FAA] =	sst s7  }
0x10: {  	[smem:$0x3FAB] =	sst s8  }
0x11: {  	[smem:$0x3FAC] =	sst s9;
	s0 =	simm.s32 @!p0 $0x0  }
0x12: {  	s1 =	sld [smem:$0x3F92];
	s0 =	simm.s32 @p0 $0x1  }
0x13: {  	[smem:$0x3FAD] =	sst s0;
	s0 =	simm.s32 @!p1 $0x0  }
0x14: {  	s2 =	sld [smem:$0x3F91];
	s0 =	simm.s32 @p1 $0x1  }
0x15: {  	[smem:$0x3FAE] =	sst s0;
	s0 =	simm.s32 @!p2 $0x0  }
0x16: {  	s3 =	sld [smem:$0x3FDB];
	s0 =	simm.s32 @p2 $0x1  }
0x17: {  	s4 =	simm.s32 $0x1BF5;
	[smem:$0x3FB0] =	sst s0  }
0x18: {  	s0 =	sld [smem:$0x3F93];
	_ =	swait.ge [sflag:s4], $0x0  }
0x19: {  	s7 =	sld [smem:$0x3F94]  }
0x1a: {  	s8 =	sadd.s32 $0xFFFFE003, lr  }
0x1b: {  	s9 =	sadd.s32 $0xFFFFFEF7, lr;
	s5 =	simm.s32 $0xFFFFFFFF;
	p2 =	slt.u32 s8, $0xFFFFF086  }
0x1c: {  	p1 =	slt.u32 s9, $0xF7A;
	s5 =	simm.s32 @!p2 $0x0  }
0x1d: {  	s5 =	simm.s32 @p1 $0x1;
	p0 =	seq.s32 s7, s2  }
0x1e: {  	s7 =	smul.u32 @!p0 $0xF7A, s2;
	p2 =	seq.s32 @!p0 s5, $0x0  }
0x1f: {  	s9 =	smul.u32 $0xF7A, s1;
	s8 =	simm.s32 @!p0 $0x1BF5;
	p2 =	por !p2, p0  }
0x20: {  	[sflag:s8] =	ssyncset.s32 @!p0 $0xFFFFF086;
	s6 =	sadd.s32 @!p0 s3, s7;
	s7 =	simm.s32 @!p0 $0x108  }
0x21: {  	s3 =	sadd.s32 s3, s9;
	s6 =	sadd.s32 @!p0 $0x88, s6;
	s7 =	simm.s32 @p2 $0x1082  }
0x22: {  	[simem:s7], [sflag:s8] =	dma.local @!p0 [hbm:s6], $0xF7A  }
0x23: {  	s9 =	sor.u32 $0xD0000000, s2;
	s6 =	simm.s32 $0x108;
	_ =	swait.ge @!p0 [sflag:s8], $0x0  }
0x24: {  	s3 =	sadd.s32 $0x88, s3;
	s6 =	simm.s32 @!p1 $0x1082;
	[sflag:s4] =	ssyncset.s32 $0xFFFFF086  }
0x25: {  	[simem:s6], [sflag:s4] =	dma.local [hbm:s3], $0xF7A  }
0x26: {  	[smem:$0x3F94] =	sst s1;
	(tag) =	ssettag s2;
	_ =	strace s9  }
0x27: {  	s1 =	sld [smem:$0x3FA4]  }
0x28: {  	s2 =	sld [smem:$0x3FA5]  }
0x29: {  	s4 =	sld [smem:$0x3FA7]  }
0x2a: {  	p0 =	seq.s32 s5, $0x0;
	s5 =	sld [smem:$0x3FA8]  }
0x2b: {  	s6 =	sld [smem:$0x3FA9]  }
0x2c: {  	s7 =	sld [smem:$0x3FAA]  }
0x2d: {  	s3 =	simm.s32 $0x108;
	s8 =	sld [smem:$0x3FAB]  }
0x2e: {  	s3 =	simm.s32 @!p0 $0x1082;
	s9 =	sld [smem:$0x3FAC]  }
0x2f: {  	lr =	sadd.s32 s0, s3;
	s0 =	sld [smem:$0x3FA3]  }
0x30: {  	s3 =	sld [smem:$0x3FA6]  }
0x31: {  	[smem:$0x3FAF] =	sst s10  }
0x32: {  	s10 =	sld [smem:$0x3FAD];
	_ =	sdelay $0x3  }
0x33: {  	p0 =	seq.s32 s10, $0x1;
	s10 =	sld [smem:$0x3FAF];
	_ =	sdelay $0x3  }
0x34: {  	[smem:$0x3FAF] =	sst s10  }
0x35: {  	s10 =	sld [smem:$0x3FAE];
	_ =	sdelay $0x3  }
0x36: {  	p1 =	seq.s32 s10, $0x1;
	s10 =	sld [smem:$0x3FAF];
	_ =	sdelay $0x3  }
0x37: {  	[smem:$0x3FAF] =	sst s10  }
0x38: {  	s10 =	sld [smem:$0x3FB0]  }
0x39: {  	_ = 	snop;
	(pc) =	sbr.ind lr, $3  }
0x3a: {  	_ = 	snop  }
0x3b: {  	_ = 	snop  }
0x3c: {  	p2 =	seq.s32 s10, $0x1;
	s10 =	sld [smem:$0x3FAF]  }
0x3d: {  	_ =	shalt  }
0x3e: {  	_ =	shalt  }
0x3f: {  	_ =	shalt  }
0x40: {  	_ =	shalt  }
0x41: {  	_ =	shalt  }
0x42: {  	_ =	shalt  }
0x43: {  	_ =	shalt  }
0x44: {  	_ =	shalt  }
0x45: {  	_ =	shalt  }
0x46: {  	_ =	shalt  }
0x47: {  	_ =	shalt  }
0x48: {  	_ =	shalt  }
0x49: {  	_ =	shalt  }
0x4a: {  	_ =	shalt  }
0x4b: {  	_ =	shalt  }
0x4c: {  	_ =	shalt  }
0x4d: {  	_ =	shalt  }
0x4e: {  	_ =	shalt  }
0x4f: {  	_ =	shalt  }
0x50: {  	_ =	shalt  }
0x51: {  	_ =	shalt  }
0x52: {  	_ =	shalt  }
0x53: {  	_ =	shalt  }
0x54: {  	_ =	shalt  }
0x55: {  	_ =	shalt  }
0x56: {  	_ =	shalt  }
0x57: {  	_ =	shalt  }
0x58: {  	_ =	shalt  }
0x59: {  	_ =	shalt  }
0x5a: {  	_ =	shalt  }
0x5b: {  	_ =	shalt  }
0x5c: {  	_ =	shalt  }
0x5d: {  	_ =	shalt  }
0x5e: {  	_ =	shalt  }
0x5f: {  	_ =	shalt  }
0x60: {  	_ =	shalt  }
0x61: {  	_ =	shalt  }
0x62: {  	_ =	shalt  }
0x63: {  	_ =	shalt  }
0x64: {  	_ =	shalt  }
0x65: {  	_ =	shalt  }
0x66: {  	_ =	shalt  }
0x67: {  	_ =	shalt  }
0x68: {  	_ =	shalt  }
0x69: {  	_ =	shalt  }
0x6a: {  	_ =	shalt  }
0x6b: {  	_ =	shalt  }
0x6c: {  	_ =	shalt  }
0x6d: {  	_ =	shalt  }
0x6e: {  	_ =	shalt  }
0x6f: {  	_ =	shalt  }
0x70: {  	_ =	shalt  }
0x71: {  	_ =	shalt  }
0x72: {  	_ =	shalt  }
0x73: {  	_ =	shalt  }
0x74: {  	_ =	shalt  }
0x75: {  	_ =	shalt  }
0x76: {  	_ =	shalt  }
0x77: {  	_ =	shalt  }
0x78: {  	_ =	shalt  }
0x79: {  	_ =	shalt  }
0x7a: {  	_ =	shalt  }
0x7b: {  	_ =	shalt  }
0x7c: {  	_ =	shalt  }
0x7d: {  	_ =	shalt  }
0x7e: {  	_ =	shalt  }
0x7f: {  	_ =	shalt  }
0x80: {  	_ =	shalt  }
0x81: {  	_ =	shalt  }
0x82: {  	_ =	shalt  }
0x83: {  	_ =	shalt  }
0x84: {  	_ =	shalt  }
0x85: {  	_ =	shalt  }
0x86: {  	_ =	shalt  }
0x87: {  	_ =	shalt  }
.Lfunc_end0:
.L_simem_size_0:
called_computation.6_lowered:
.L_overlay_start_0:
0x88: {  	s0 =	sld [smem:$0x3FD9]  }
0x89: {  	s1 =	sld [smem:$0x3FFE];
	_ =	sdelay $0x3  }
0x8a: {  	s0 =	sadd.s32 s1, s0  }
0x8b: {  	[smem:$0x3FBB] =	sst s0  }
0x8c: {  	_ = 	snop  }
0x8d: {  	(tm) =	ssettm $0x1  }
0x8e: {  	s15 =	sld [smem:$0x3FFB];
	_ =	sdelay $0x3  }
0x8f: {  	_ =	strace s15  }
0x90: {  	s0 =	sld [smem:$0x3FFC];
	_ =	sdelay $0x3  }
0x91: {  	_ =	strace s0  }
0x92: {  	s0 =	sld [smem:$0x3FFD];
	_ =	sdelay $0x3  }
0x93: {  	_ =	strace s0  }
0x94: {  	_ =	strace $0x8FFFFFFF  }
0x95: {  	s16 =	sld [smem:$0x3FDB];
	_ =	sdelay $0x1  }
0x96: {  	s17 =	simm.s32 $_scs_section_size  }
0x97: {  	s2 =	simm.s32 $_size__tile_overlayer_lowered;
	s3 =	simm.s32 $_tile_overlayer_lowered  }
0x98: {  	s20 =	simm.s32 $0x1BFF;
	s19 =	sshll.u32 s3, $0x1;
	s0 =	sadd.s32 s17, s16  }
0x99: {  	s4 =	simm.s32 $0x0;
	s18 =	sshll.u32 s2, $0x1;
	s2 =	sadd.s32 s19, s0  }
0x9a: {  	[timem:s4], [sflag:s20] =	dma.local [hbm:s2], s18  }
0x9b: {  	_ =	swait.ge [sflag:s20], s18  }
0x9c: {  	s1 =	ssub.s32 $0x0, s18;
	[sflag:s20] =	ssyncset.done $0x0  }
0x9d: {  	[sflag:s20] =	ssyncadd.s32 s1;
	_ =	sdelay $0x1  }
0x9e: {  	s21 =	simm.s32 $0x1B8B  }
0x9f: {  	_ =	swait.ge [sflag:s21], $0x1  }
0xa0: {  	[sflag:s21] =	ssyncset.done $0x0  }
0xa1: {  	s23 =	simm.s32 $0x1B8E;
	s22 =	sld [smem:$0x3FFE];
	[sflag:s21] =	ssyncadd.s32 $0xFFFFFFFF  }
0xa2: {  	s24 =	simm.s32 $execute0_lowered;
	[smem:$0x3FD2] =	sst s23  }
0xa3: {  	s2 =	sshll.u32 s24, $0x1;
	_ =	strace $0x80000064;
	[dreg:$0x1] =	wrdreg $0xFFFFFFFF  }
0xa4: {  	s25 =	simm.s32 $_size_execute0_lowered;
	s0 =	sadd.s32 s0, s2;
	[dreg:$0x0] =	wrdreg $0x0  }
0xa5: {  	s2 =	sshll.u32 s25, $0x1;
	[dreg:$0x2] =	wrdreg s0  }
0xa6: {  	[dreg:$0x3] =	wrdreg s2  }
0xa7: {  	[dreg:$0x4] =	wrdreg $0xC0  }
0xa8: {  	_ =	task [dreg:s4], $0x5FFFF  }
0xa9: {  	[dreg:$0x1] =	wrdreg $0xFFFFFFFF  }
0xaa: {  	[dreg:$0x0] =	wrdreg $0x60  }
0xab: {  	[dreg:$0x2] =	wrdreg s22  }
0xac: {  	[dreg:$0x3] =	wrdreg $0x9  }
0xad: {  	_ =	task.clear_ibuf [dreg:s4], $0x4FFFF;
	_ =	strace $0x90000064  }
0xae: {  	s26 =	simm.s32 $0x9;
	_ =	strace $0x80000066  }
0xaf: {  	_ =	swait.ge [sflag:s26], $0x1  }
0xb0: {  	[sflag:s26] =	ssyncadd.s32 $0xFFFFFFFF  }
0xb1: {  	_ =	strace $0x90000066  }
0xb2: {  	_ =	sfence  }
0xb3: {  	s28 =	sld [smem:$0x0];
	_ =	sdelay $0x1  }
0xb4: {  	s29 =	srdreg.scid  }
0xb5: {  	s30 =	sshll.u32 s29, $0xD;
	s31 =	sshrl.u32 s29, $0x2  }
0xb6: {  	s1 =	sand.u32 $0x1, s29;
	s2 =	sand.u32 $0x4000, s30;
	s0 =	sadd.s32 s31, s28  }
0xb7: {  	s1 =	sor.u32 s2, s1;
	s0 =	sshll.u32 s0, $0x11  }
0xb8: {  	s0 =	sor.u32 s0, s1  }
0xb9: {  	s0 =	sadd.s32 $0x8F2B, s0  }
0xba: {  	[sflag:s0] =	ssyncadd.remote.s32 $0x1  }
0xbb: {  	_ =	sfence.sel $0xFFFF  }
0xbc: {  	[dreg:$0x0] =	wrdreg $0xFFFFFFFF;
	(pc) =	sbr.abs _section_cstart, $3  }
0xbd: {  	[dreg:$0x1] =	wrdreg $0xFFFFFFFF  }
0xbe: {  	_ =	task.clear_ibuf [dreg:s4], $0x2FFFF;
	_ =	strace $0x9FFFFFFF  }
0xbf: {  	(tm) =	ssettm $0x7FFFFFFF  }
tec
execute0_lowered:
.L_overlay_start_1:
0x0: {  	(tag) =	ssettag $0x1  }
0x1: {  	s2 =	rddreg [dreg:$0x0];
	_ =	strace $0x80000065;
	s0 =	simm.s32 $0x1  }
0x2: {  	v0 =	vimm.s32 $0x0;
	[sflag:s0] =	ssyncpa.u1 $0x0;
	s0 =	simm.s32 $0x408  }
0x3: {  	[tilespmem:s0+$0x70] =	vst v0  }
0x4: {  	[tilespmem:s0+$0x60] =	vst v0  }
0x5: {  	[tilespmem:s0+$0x50] =	vst v0  }
0x6: {  	[tilespmem:s0+$0x40] =	vst v0  }
0x7: {  	[tilespmem:s0+$0x30] =	vst v0  }
0x8: {  	s1 =	sadd.s32 $0x2F400, s2;
	s10 =	sadd.s32 $0x24C00, s2;
	[tilespmem:s0+$0x20] =	vst v0  }
0x9: {  	s4 =	sadd.s32 $0x2E4000, s2;
	s7 =	sadd.s32 $0x2A000, s2;
	s2 =	simm.s32 $0x40;
	[tilespmem:s0+$0x10] =	vst v0  }
.LBB2_1:
0xa: {  	s2 =	sadd.s32 $0x40, s2;
	[tilespmem:s0+$0x0] =	vst v0;
	s0 =	sadd.s32 $0x80, s0  }
0xb: {  	p0 =	slt.u32 s2, $0x3100;
	[tilespmem:s0+$0x70] =	vst v0  }
0xc: {  	[tilespmem:s0+$0x60] =	vst v0  }
.Ltmp0:
0xd: {  	[tilespmem:s0+$0x50] =	vst v0;
	(pc) =	sbr.rel @p0 .LBB2_1-.Ltmp0, $4  }
0xe: {  	[tilespmem:s0+$0x40] =	vst v0  }
0xf: {  	[tilespmem:s0+$0x30] =	vst v0  }
0x10: {  	[tilespmem:s0+$0x20] =	vst v0  }
0x11: {  	[tilespmem:s0+$0x10] =	vst v0  }
0x12: {  	s3 =	stileid.u32  }
0x13: {  	s2 =	smul.u32 $0xDD, s3  }
0x14: {  	s6 =	smin.u32 s3, $0x6  }
0x15: {  	s2 =	sadd.s32 s6, s2  }
0x16: {  	p0 =	slt.u32 s3, $0x6;
	s6 =	smul.u32 $0x30, s2;
	s2 =	simm.s32 $0x29A0  }
0x17: {  	s2 =	simm.s32 @!p0 $0x2970  }
0x18: {  	s2 =	sadd.s32 s2, s6  }
0x19: {  	s12 =	smin.u32 s2, $0x29810  }
0x1a: {  	s2 =	ssub.s32 s12, s6  }
0x1b: {  	p0 =	sgt.s32 s2, $0x0  }
0x1c: {  	s5 =	simm.s32 $0x2;
	s30 =	simm.s32 $0x7;
	s2 =	simm.s32 @!p0 $0x0  }
0x1d: {  	s8 =	simm.s32 $0x8;
	s31 =	simm.s32 $0x9;
	s29 =	smulhi.u32 $0x2AAAAAAB, s2  }
0x1e: {  	s11 =	simm.s32 $0x1;
	s21 =	simm.s32 $0x0;
	p1 =	por $0x0, $0x0  }
0x1f: {  	[tilespmem:s0+$0x0] =	vst v0;
	s15 =	simm.s32 $0x80;
	s16 =	simm.s32 $0x400;
	s0 =	sshrl.u32 s29, $0x3  }
0x20: {  	s18 =	simm.s32 $0x0;
	s20 =	simm.s32 $0x0;
	s9 =	smul.u32 $0x30, s0  }
0x21: {  	[sflag:s5] =	ssyncpa.u1 $0x0;
	s13 =	sshll.u32 s3, $0xA;
	s5 =	simm.s32 $0xA  }
.Ltmp1:
0x22: {  	v0 =	vimm.s32 $0xFFFFFFFF;
	p0 =	sne.s32 s2, s9;
	s2 =	simm.s32 $0x1;
	(pc) =	sbr.rel .LBB2_3-.Ltmp1, $4  }
0x23: {  	[tilespmem:$0xC808] =	vst v0;
	[sflag:s30] =	ssyncpa.u1 $0x0;
	[dreg:$0x2] =	wrdreg s6;
	s2 =	simm.s32 @!p0 $0x0  }
0x24: {  	[sflag:s8] =	ssyncpa.u1 $0x0;
	[dreg:$0x3] =	wrdreg s12;
	s14 =	sadd.s32 s2, s0  }
0x25: {  	[sflag:s31] =	ssyncpa.u1 $0x0;
	s17 =	sadd.s32 $0x1, s14;
	[dreg:$0x4] =	wrdreg s14  }
0x26: {  	v0 =	vlaneseq.u32;
	s19 =	smov.u32 s6;
	p0 =	por $0x1, $0x1;
	[dreg:$0x5] =	wrdreg s17  }
.LBB2_30:
0x27: {  	s0 =	sshrl.u32 s29, $0x2;
	s5 =	simm.s32 $0xA  }
.LBB2_32:
0x28: {  	_ =	swait.ge [sflag:s5], s0  }
0x29: {  	s31 =	ssub.s32 $0x0, s0;
	v1 =	vmov s23;
	vm0 =	veq.s32 v0, $0x0;
	[sflag:s5] =	ssyncset.done $0x0  }
0x2a: {  	vm15 =	veq.s32 v0, $0x2;
	v1 =	vsel vm0, s28, v1;
	[sflag:s5] =	ssyncadd.s32 s31  }
0x2b: {  	v1 =	vsel vm15, s21, v1;
	[sflag:s5] =	ssyncpa.u1 $0x1  }
0x2c: {  	[tilespmem:$0xC808] =	vst v1  }
.LBB2_33:
0x2d: {  	s0 =	sadd.s32 $0x30, s19  }
0x2e: {  	s2 =	smov.u32 s6;
	p2 =	slt.s32 s0, s12  }
0x2f: {  	s2 =	smov.u32 @p2 s0;
	p2 =	sne.s32 s20, s17  }
.Ltmp2:
0x30: {  	_ = 	snop;
	(pc) =	sbr.rel @!p2 .LBB2_34-.Ltmp2, $4  }
0x31: {  	_ = 	snop  }
0x32: {  	s21 =	smov.u32 s18  }
0x33: {  	s31 =	sadd.s32 $0x1, s20;
	s18 =	smov.u32 s19;
	p0 =	por !p0, !p0  }
0x34: {  	p1 =	por !p1, !p1;
	s20 =	smov.u32 s31;
	s19 =	smov.u32 s2  }
.LBB2_3:
0x35: {  	p2 =	sge.u32 s20, s14  }
0x36: {  	s0 =	smulhi.u32 @!p2 $0xAAAAAAAB, s20  }
0x37: {  	s2 =	smov.u32 s19;
	p3 =	sgt.s32 @!p2 s19, $0x297E0  }
0x38: {  	s8 =	sshra.s32 @!p2 s19, $0x1F;
	p3 =	por !p3, p2;
	s0 =	sshrl.u32 @!p2 s0, $0x1  }
0x39: {  	s8 =	sand.u32 @!p2 s8, s19;
	s2 =	simm.s32 @p3 $0x297E0;
	s0 =	smul.u32 @!p2 $0x3, s0  }
0x3a: {  	s2 =	ssub.s32 @!p2 s2, s8  }
0x3b: {  	s2 =	sadd.s32 @!p2 $0xFFFD6820, s2;
	s0 =	ssub.s32 @!p2 s20, s0  }
0x3c: {  	s8 =	sshll.u32 @!p2 s2, $0x2;
	p3 =	sgt.s32 @!p2 s2, $0x2F;
	s0 =	smul.u32 @!p2 $0xC0, s0  }
0x3d: {  	s9 =	sand.u32 @!p2 $0x7, s19;
	s2 =	ssub.s32 @!p2 $0xC0, s8;
	p3 =	por !p3, p2  }
0x3e: {  	s8 =	sshrl.u32 @!p2 s19, $0x3;
	s2 =	sshrl.u32 @!p2 s2, $0x2;
	s0 =	sshrl.u32 @!p2 s0, $0x2  }
0x3f: {  	s8 =	sadd.s32 @!p2 s7, s8;
	s2 =	simm.s32 @!p3 $0x0;
	s0 =	sadd.s32 @!p2 $0x10838, s0  }
0x40: {  	[tilespmem:s0], [sflag:$0x8] =	stream.linear.gather @!p2 [hbm4b:s8+s9], s2, $0x38;
	[tilespmem:$0x1C928] =	vst v63  }
0x41: {  	s2 =	sadd.s32 $0xFFFFFFFF, s20  }
0x42: {  	p2 =	sge.u32 s2, s14  }
0x43: {  	p3 =	sgt.s32 @!p2 s18, $0x297E0  }
0x44: {  	s0 =	smov.u32 s18;
	s8 =	sshra.s32 @!p2 s18, $0x1F;
	p3 =	por !p3, p2  }
0x45: {  	s8 =	sand.u32 @!p2 s8, s18;
	s0 =	simm.s32 @p3 $0x297E0  }
0x46: {  	s0 =	ssub.s32 @!p2 s0, s8  }
0x47: {  	s0 =	sadd.s32 @!p2 $0xFFFD6820, s0  }
0x48: {  	s8 =	sshll.u32 @!p2 s0, $0x2  }
0x49: {  	p3 =	sgt.s32 @!p2 s0, $0x2F;
	s0 =	ssub.s32 @!p2 $0xC0, s8  }
0x4a: {  	p3 =	por !p3, p2;
	s0 =	sshrl.u32 @!p2 s0, $0x2  }
0x4b: {  	s9 =	simm.s32 @!p2 $0x8;
	s8 =	sand.u32 @!p2 $0x1, s2;
	s0 =	simm.s32 @!p3 $0x0  }
0x4c: {  	s8 =	smul.u32 @!p2 $0xC0, s8;
	_ =	swait.ge @!p2 [sflag:s9], s0  }
0x4d: {  	s22 =	ssub.s32 @!p2 $0x0, s0;
	[sflag:s9] =	ssyncset.done @!p2 $0x0  }
0x4e: {  	s8 =	sshrl.u32 @!p2 s8, $0x2;
	[sflag:s9] =	ssyncadd.s32 @!p2 s22;
	s9 =	sshrl.u32 @!p2 s18, $0x3  }
0x4f: {  	s8 =	sor.u32 @!p2 $0x108C8, s8;
	s22 =	sand.u32 @!p2 $0x7, s18;
	s9 =	sadd.s32 @!p2 s10, s9  }
0x50: {  	[tilespmem:s8], [sflag:$0x9] =	stream.linear.gather @!p2 [hbm4b:s9+s22], s0, $0x38;
	[tilespmem:$0x1C928] =	vst v63  }
0x51: {  	s0 =	ssub.s32 @!p2 $0x29810, s18  }
0x52: {  	p3 =	slt.s32 @!p2 s0, $0x1  }
0x53: {  	p3 =	por p2, p3  }
.Ltmp3:
0x54: {  	_ = 	snop;
	(pc) =	sbr.rel @p3 .LBB2_9-.Ltmp3, $1  }
0x55: {  	_ =	sdelay $0x3  }
0x56: {  	s8 =	smulhi.u32 $0xAAAAAAAB, s2;
	_ =	sdelay $0x1  }
0x57: {  	s8 =	sshrl.u32 s8, $0x1  }
0x58: {  	s8 =	smul.u32 $0x3, s8;
	_ =	sdelay $0x1  }
0x59: {  	s29 =	ssub.s32 s2, s8  }
0x5a: {  	s9 =	simm.s32 $0x1;
	s2 =	smul.u32 $0xC0, s29  }
.Ltmp4:
0x5b: {  	s9 =	simm.s32 @!p0 $0x0;
	(pc) =	sbr.rel .LBB2_6-.Ltmp4, $4  }
0x5c: {  	s30 =	smul.u32 $0x18000, s9  }
0x5d: {  	p3 =	slt.s32 @!p2 s0, $0x30;
	s2 =	sshrl.u32 s2, $0x2  }
0x5e: {  	p2 =	por !p3, p2;
	s8 =	sshrl.u32 s30, $0x2;
	s31 =	sadd.s32 $0x10838, s2  }
0x5f: {  	s0 =	simm.s32 @p2 $0x30;
	s22 =	sor.u32 $0x10928, s8;
	s2 =	simm.s32 $0x0;
	v1 =	vmov s31  }
.LBB2_5:
0x60: {  	p2 =	sge.s32 s2, s0  }
.Ltmp5:
0x61: {  	_ = 	snop;
	(pc) =	sbr.rel @p2 .LBB2_9-.Ltmp5, $2  }
0x62: {  	_ =	sdelay $0x2  }
0x63: {  	s22 =	sadd.s32 $0x2000, s22  }
.LBB2_6:
0x64: {  	p2 =	sle.s32 s0, s2  }
.Ltmp6:
0x65: {  	_ = 	snop;
	(pc) =	sbr.rel @p2 .LBB2_5-.Ltmp6, $2  }
0x66: {  	_ =	sdelay $0x2  }
0x67: {  	s8 =	smov.u32 s2;
	s2 =	sadd.s32 $0x10, s2  }
0x68: {  	s9 =	ssub.s32 s0, s8  }
0x69: {  	p2 =	slt.s32 s9, $0x10  }
0x6a: {  	s9 =	simm.s32 @!p2 $0x10  }
0x6b: {  	v2 =	vmov s9  }
0x6c: {  	vm0 =	vgt.s32 v2, v0;
	_ =	sdelay $0x5  }
0x6d: {  	v2 =	vld.idx.msk [tilespmem:v1+s8+$0x0 ss:$0x1], vm0;
	_ =	sdelay $0x2  }
0x6e: {  	s23 =	smov.u32 s0;
	p2 =	slt.s32 s2, s0  }
0x6f: {  	s24 =	smov.u32 s22;
	s25 =	simm.s32 $0x0;
	s23 =	smov.u32 @p2 s2  }
.LBB2_8:
0x70: {  	(v2sf) =	vpush v2, s25;
	_ =	sdelay $0xe  }
0x71: {  	s25 =	sadd.s32 $0x1, s25;
	s9 =	spop (v2sf)  }
0x72: {  	s31 =	sadd.s32 s25, s8;
	s26 =	sshll.u32 s9, $0x9;
	s9 =	sshll.u32 s9, $0x7  }
0x73: {  	p2 =	slt.s32 s31, s23;
	s26 =	sand.u32 $0xFFFFF000, s26;
	s9 =	sand.u32 $0x380, s9  }
.Ltmp7:
0x74: {  	s9 =	sor.u32 s9, s26;
	(pc) =	sbr.rel @p2 .LBB2_8-.Ltmp7, $4  }
0x75: {  	s9 =	sshrl.u32 s9, $0x3  }
0x76: {  	s9 =	sadd.s32 s4, s9  }
0x77: {  	[tilespmem:s24], [sflag:$0x7] =	stream.strided.gather [hbm4b:s9+s15], $0x200, s16, s15, $0x38;
	[tilespmem:$0x1C928] =	vst v63  }
0x78: {  	s24 =	sadd.s32 $0x200, s24  }
.Ltmp8:
0x79: {  	_ = 	snop;
	(pc) =	sbr.rel .LBB2_5-.Ltmp8, $1  }
0x7a: {  	_ =	sdelay $0x3  }
.LBB2_9:
0x7b: {  	p2 =	slt.u32 s20, $0x2  }
.Ltmp9:
0x7c: {  	_ = 	snop;
	(pc) =	sbr.rel @p2 .LBB2_33-.Ltmp9, $1  }
0x7d: {  	_ =	sdelay $0x3  }
0x7e: {  	p2 =	sgt.s32 s21, $0x297E0;
	s0 =	smov.u32 s21  }
0x7f: {  	s2 =	sshra.s32 s21, $0x1F;
	s8 =	ssub.s32 $0x29810, s21;
	s0 =	simm.s32 @!p2 $0x297E0  }
0x80: {  	s2 =	sand.u32 s2, s21;
	p2 =	slt.s32 s8, $0x30;
	s9 =	smov.u32 s8  }
0x81: {  	s0 =	ssub.s32 s0, s2;
	s9 =	simm.s32 @!p2 $0x30  }
0x82: {  	s0 =	sadd.s32 $0xFFFD6820, s0;
	s25 =	sshll.u32 s9, $0x9  }
0x83: {  	s3 =	simm.s32 $0x7;
	s26 =	sshll.u32 s0, $0x2;
	s2 =	sand.u32 $0x3FFFFE00, s25  }
0x84: {  	p2 =	sgt.s32 s0, $0x2F;
	s28 =	ssub.s32 $0xC0, s26;
	_ =	swait.ge [sflag:s3], s2  }
0x85: {  	s2 =	ssub.s32 $0x0, s2;
	[sflag:s3] =	ssyncset.done $0x0;
	s0 =	sshrl.u32 s28, $0x2  }
0x86: {  	s30 =	simm.s32 $0x9;
	[sflag:s3] =	ssyncadd.s32 s2;
	s0 =	simm.s32 @p2 $0x0  }
0x87: {  	_ =	swait.ge [sflag:s30], s0  }
0x88: {  	s0 =	ssub.s32 $0x0, s0;
	[sflag:s30] =	ssyncset.done $0x0  }
0x89: {  	[sflag:s30] =	ssyncadd.s32 s0  }
0x8a: {  	v1 =	vld [tilespmem:$0xC808];
	_ =	sdelay $0x4  }
0x8b: {  	(v2sf) =	vpush v1, $0x0  }
0x8c: {  	(v2sf) =	vpush v1, $0x1  }
0x8d: {  	(v2sf) =	vpush v1, $0x2;
	_ =	sdelay $0x3  }
0x8e: {  	s0 =	sadd.s32 $0x30, s21  }
0x8f: {  	p2 =	slt.s32 s12, s0  }
0x90: {  	s0 =	smov.u32 @p2 s12;
	p2 =	sgt.s32 s8, $0x0  }
0x91: {  	s22 =	ssub.s32 s0, s21;
	s8 =	simm.s32 @!p2 $0x0  }
0x92: {  	p2 =	slt.s32 s8, s22  }
0x93: {  	s22 =	smov.u32 @p2 s8  }
0x94: {  	s24 =	simm.s32 $0x1;
	p2 =	slt.s32 s22, $0x1  }
.Ltmp10:
0x95: {  	s24 =	simm.s32 @!p1 $0x0;
	(pc) =	sbr.rel @p2 .LBB2_14-.Ltmp10, $4  }
0x96: {  	s31 =	smul.u32 $0xC0, s24  }
0x97: {  	s0 =	spop (v2sf)  }
0x98: {  	s2 =	sshrl.u32 s31, $0x2;
	s25 =	spop (v2sf)  }
0x99: {  	s29 =	sor.u32 $0x108C8, s2;
	s21 =	spop (v2sf)  }
0x9a: {  	s2 =	smin.u32 s22, $0x10  }
0x9b: {  	v1 =	vmov s2  }
0x9c: {  	vm1 =	vgt.u32 v1, v0  }
0x9d: {  	p3 =	sgt.s32 s22, $0x10  }
.Ltmp11:
0x9e: {  	_ = 	snop;
	(pc) =	sbr.rel @!p3 .LBB2_13-.Ltmp11, $2  }
0x9f: {  	_ =	sdelay $0x2  }
0xa0: {  	s8 =	simm.s32 $0x10;
	s23 =	sadd.s32 $0xFFFFFFF0, s22;
	s2 =	smov.u32 s29;
	vm0 =	vmmov vm1;
	v1 =	vld.msk [tilespmem:s29+$0x0 ss:$0x1], vm1  }
.LBB2_12:
0xa1: {  	s9 =	smin.u32 s23, $0x10;
	s8 =	sadd.s32 $0x10, s8  }
0xa2: {  	v2 =	vmov s9;
	p3 =	slt.s32 s8, s22  }
0xa3: {  	vm1 =	vgt.u32 v2, v0;
	_ =	sdelay $0x1  }
0xa4: {  	v2 =	vshll.u32 v1, $0x6;
	v1 =	vshll.u32 v1, $0x4  }
.Ltmp12:
0xa5: {  	v2 =	vand.u32 $0xFFFFFE00, v2;
	v1 =	vand.u32 $0x70, v1;
	(pc) =	sbr.rel @p3 .LBB2_12-.Ltmp12, $4  }
0xa6: {  	v1 =	vor.u32 v1, v2  }
0xa7: {  	[tilespmem:s2+$0x0] =	vst.msk vm0, v1;
	s2 =	sadd.s32 $0x10, s2;
	vm0 =	vmmov vm1  }
0xa8: {  	v1 =	vld.msk [tilespmem:s2+$0x0 ss:$0x1], vm1  }
0xa9: {  	s23 =	sadd.s32 $0xFFFFFFF0, s23  }
.LBB2_13:
0xaa: {  	_ =	sdelay $0x3  }
0xab: {  	v2 =	vshll.u32 v1, $0x6;
	v1 =	vshll.u32 v1, $0x4  }
0xac: {  	v2 =	vand.u32 $0xFFFFFE00, v2;
	v1 =	vand.u32 $0x70, v1  }
0xad: {  	v1 =	vor.u32 v1, v2  }
0xae: {  	[tilespmem:s2+$0x0] =	vst.msk vm0, v1  }
.LBB2_14:
0xaf: {  	s2 =	sand.u32 $0x1, s20  }
0xb0: {  	s2 =	smul.u32 $0x30, s2  }
0xb1: {  	p3 =	sne.s32 s25, $0xFFFFFFFF  }
0xb2: {  	v1 =	vld.msk @!p3 [tilespmem:s2+$0x108C8], $0x1;
	_ =	sdelay $0x4  }
0xb3: {  	(v2sf) =	vpush @!p3 v1, $0x0;
	_ =	sdelay $0xc  }
.Ltmp13:
0xb4: {  	_ = 	snop;
	(pc) =	sbr.rel @p2 .LBB2_31-.Ltmp13, $4  }
0xb5: {  	_ = 	snop  }
0xb6: {  	s26 =	spop @!p3 (v2sf)  }
0xb7: {  	s21 =	simm.s32 @!p3 $0x0;
	s23 =	smov.u32 s26  }
0xb8: {  	[sflag:s5] =	ssyncpa.u1 $0x0;
	s26 =	smov.u32 @p3 s0;
	s23 =	smov.u32 @p3 s25  }
0xb9: {  	v1 =	vld.msk [tilespmem:s29+$0x0], $0x1;
	_ =	sdelay $0x4  }
0xba: {  	(v2sf) =	vpush v1, $0x0;
	_ =	sdelay $0xe  }
0xbb: {  	s31 =	spop (v2sf)  }
0xbc: {  	s12 =	smov.u32 s7;
	s7 =	smov.u32 s10;
	p2 =	seq.s32 s26, s31  }
0xbd: {  	s0 =	smul.u32 $0x18000, s24;
	s28 =	sadd.s32 $0x108C8, s2;
	p3 =	sgt.s32 @!p2 s26, $0x0  }
0xbe: {  	s17 =	ssub.s32 $0x0, s22;
	s2 =	smov.u32 s26;
	p3 =	por !p3, p2  }
0xbf: {  	s25 =	simm.s32 $0x0;
	s29 =	sadd.s32 $0x1, s29;
	s2 =	simm.s32 @p3 $0x0  }
0xc0: {  	s30 =	sadd.s32 $0x1, s17;
	s8 =	simm.s32 @!p2 $0x6608;
	s9 =	smin.u32 @!p2 s2, $0x9C270  }
0xc1: {  	p3 =	seq.s32 s30, $0x0;
	s2 =	sand.u32 @!p2 $0xFFFF8, s9;
	s10 =	sadd.s32 @!p2 $0x80, s9  }
0xc2: {  	s5 =	sadd.s32 @!p2 s1, s2;
	s2 =	sand.u32 @!p2 $0x7, s9;
	s10 =	sand.u32 @!p2 $0x1FFFF8, s10  }
0xc3: {  	[tilespmem:s8], [sflag:$0x2] =	stream.linear.gather @!p2 [hbm4b:s5+s2], $0x80, $0x38;
	[tilespmem:$0x1C928] =	vst v63  }
0xc4: {  	s3 =	sadd.s32 @!p2 $0x100, s9;
	s5 =	simm.s32 @!p2 $0x6688;
	s8 =	sadd.s32 @!p2 s1, s10  }
0xc5: {  	[tilespmem:s5], [sflag:$0x2] =	stream.linear.gather @!p2 [hbm4b:s8+s2], $0x80, $0x38;
	[tilespmem:$0x1C928] =	vst v63  }
.Ltmp14:
0xc6: {  	s0 =	sshrl.u32 s0, $0x2;
	s3 =	sand.u32 @!p2 $0x1FFFF8, s3;
	(pc) =	sbr.rel @p3 .LBB2_17-.Ltmp14, $4  }
0xc7: {  	s3 =	sadd.s32 @!p2 s1, s3;
	s5 =	simm.s32 @!p2 $0x6708;
	s8 =	sadd.s32 @!p2 $0x180, s9  }
0xc8: {  	[tilespmem:s5], [sflag:$0x2] =	stream.linear.gather @!p2 [hbm4b:s3+s2], $0x80, $0x38;
	[tilespmem:$0x1C928] =	vst v63  }
0xc9: {  	s24 =	sor.u32 $0x10928, s0;
	s0 =	simm.s32 @!p2 $0x1;
	s3 =	sand.u32 @!p2 $0x1FFFF8, s8  }
0xca: {  	s0 =	smov.u32 @p2 s25;
	s8 =	simm.s32 @!p2 $0x6788;
	s9 =	sadd.s32 @!p2 s1, s3  }
.LBB2_16:
0xcb: {  	s3 =	smov.u32 s0  }
0xcc: {  	[tilespmem:s8], [sflag:$0x2] =	stream.linear.gather @!p2 [hbm4b:s9+s2], $0x80, $0x38;
	[tilespmem:$0x1C928] =	vst v63  }
0xcd: {  	s30 =	sadd.s32 $0x1, s30;
	s2 =	smov.u32 s31  }
0xce: {  	p3 =	seq.s32 s30, $0x0;
	v1 =	vld.msk [tilespmem:s29+$0x0], $0x1;
	_ =	sdelay $0x4  }
0xcf: {  	(v2sf) =	vpush v1, $0x0;
	_ =	sdelay $0xe  }
0xd0: {  	s31 =	spop (v2sf)  }
0xd1: {  	p2 =	seq.s32 s2, s31  }
0xd2: {  	p4 =	sgt.s32 @!p2 s2, $0x0;
	s5 =	sshll.u32 @!p2 s0, $0xB;
	s0 =	sadd.s32 @!p2 $0x1, s0  }
0xd3: {  	p4 =	por !p4, p2;
	s5 =	sshra.s32 @!p2 s5, $0x2;
	s0 =	smov.u32 @p2 s3  }
0xd4: {  	s2 =	simm.s32 @p4 $0x0;
	s3 =	sadd.s32 @!p2 $0x6608, s5;
	s9 =	sadd.s32 @!p2 $0x6688, s5  }
0xd5: {  	s14 =	sadd.s32 @!p2 $0x6708, s5;
	s8 =	sadd.s32 @!p2 $0x6788, s5;
	s10 =	smin.u32 @!p2 s2, $0x9C270  }
0xd6: {  	s2 =	sand.u32 @!p2 $0xFFFF8, s10;
	s5 =	sadd.s32 @!p2 $0x80, s10;
	s6 =	sadd.s32 @!p2 $0x100, s10  }
0xd7: {  	s17 =	sadd.s32 @!p2 s1, s2;
	s2 =	sand.u32 @!p2 $0x7, s10;
	s5 =	sand.u32 @!p2 $0x1FFFF8, s5  }
0xd8: {  	[tilespmem:s3], [sflag:$0x2] =	stream.linear.gather @!p2 [hbm4b:s17+s2], $0x80, $0x38;
	[tilespmem:$0x1C928] =	vst v63  }
0xd9: {  	s3 =	sadd.s32 @!p2 s1, s5  }
.Ltmp15:
0xda: {  	s5 =	sand.u32 @!p2 $0x1FFFF8, s6;
	s6 =	sadd.s32 @!p2 $0x180, s10;
	(pc) =	sbr.rel @!p3 .LBB2_16-.Ltmp15, $4  }
0xdb: {  	[tilespmem:s9], [sflag:$0x2] =	stream.linear.gather @!p2 [hbm4b:s3+s2], $0x80, $0x38;
	[tilespmem:$0x1C928] =	vst v63  }
0xdc: {  	s3 =	sadd.s32 @!p2 s1, s5;
	s5 =	sand.u32 @!p2 $0x1FFFF8, s6  }
0xdd: {  	[tilespmem:s14], [sflag:$0x2] =	stream.linear.gather @!p2 [hbm4b:s3+s2], $0x80, $0x38;
	[tilespmem:$0x1C928] =	vst v63  }
0xde: {  	s29 =	sadd.s32 $0x1, s29;
	s9 =	sadd.s32 @!p2 s1, s5  }
.LBB2_17:
0xdf: {  	[tilespmem:s8], [sflag:$0x2] =	stream.linear.gather @!p2 [hbm4b:s9+s2], $0x80, $0x38;
	[tilespmem:$0x1C928] =	vst v63  }
0xe0: {  	s0 =	sshll.u32 s0, $0x9  }
0xe1: {  	s31 =	simm.s32 $0x2;
	s0 =	sand.u32 $0x3FFFFE00, s0  }
.Ltmp16:
0xe2: {  	_ =	swait.ge [sflag:s31], s0;
	(pc) =	sbr.rel .LBB2_18-.Ltmp16, $4  }
0xe3: {  	s29 =	simm.s32 $0x0;
	s6 =	rddreg [dreg:$0x2]  }
0xe4: {  	s10 =	smov.u32 s7;
	s7 =	smov.u32 s12;
	s12 =	rddreg [dreg:$0x3]  }
0xe5: {  	s0 =	ssub.s32 $0x0, s0;
	[sflag:s31] =	ssyncset.done $0x0;
	s14 =	rddreg [dreg:$0x4]  }
0xe6: {  	v1 =	vmov s28;
	s30 =	simm.s32 $0x0;
	s17 =	rddreg [dreg:$0x5];
	[sflag:s31] =	ssyncadd.s32 s0  }
.LBB2_28:
0xe7: {  	[tilespmem:s0+$0x0] =	vst v2;
	s25 =	sadd.s32 $0x1, s25  }
.LBB2_29:
0xe8: {  	s30 =	sadd.s32 $0x1, s30  }
0xe9: {  	p2 =	sne.s32 s30, s22  }
.Ltmp17:
0xea: {  	_ = 	snop;
	(pc) =	sbr.rel @!p2 .LBB2_30-.Ltmp17, $2  }
0xeb: {  	_ =	sdelay $0x2  }
0xec: {  	s24 =	sadd.s32 $0x200, s24;
	s26 =	smov.u32 s28  }
.LBB2_18:
0xed: {  	_ =	sdelay $0x3  }
0xee: {  	v2 =	vld.idx.msk [tilespmem:v1+s30+$0x0 ss:$0x1], $0x1;
	_ =	sdelay $0x4  }
0xef: {  	(v2sf) =	vpush v2, $0x0;
	_ =	sdelay $0xe  }
0xf0: {  	s28 =	spop (v2sf)  }
0xf1: {  	p2 =	sne.s32 s26, s28  }
.Ltmp18:
0xf2: {  	_ = 	snop;
	(pc) =	sbr.rel @p2 .LBB2_22-.Ltmp18, $3  }
0xf3: {  	_ =	sdelay $0x1  }
0xf4: {  	s0 =	sshll.u32 s21, $0xB  }
0xf5: {  	s0 =	sshra.s32 s0, $0x2  }
0xf6: {  	s0 =	sadd.s32 $0x408, s0;
	s2 =	simm.s32 $0x0;
	v2 =	vld [tilespmem:s24+$0x0];
	s8 =	smov.u32 s24  }
.LBB2_20:
0xf7: {  	s2 =	sadd.s32 $0x10, s2  }
0xf8: {  	p2 =	slt.u32 s2, $0x1F0  }
.Ltmp19:
0xf9: {  	_ = 	snop;
	(pc) =	sbr.rel @p2 .LBB2_20-.Ltmp19, $3  }
0xfa: {  	_ =	sdelay $0x1  }
0xfb: {  	s8 =	sadd.s32 $0x10, s8;
	[tilespmem:s0+$0x0] =	vst.add.f32.msk $0xffff, v2;
	s0 =	sadd.s32 $0x10, s0  }
0xfc: {  	v2 =	vld [tilespmem:s8+$0x0]  }
.Ltmp20:
0xfd: {  	_ = 	snop;
	(pc) =	sbr.rel .LBB2_29-.Ltmp20, $2  }
0xfe: {  	_ =	sdelay $0x2  }
0xff: {  	[tilespmem:s0+$0x0] =	vst.add.f32.msk $0xffff, v2  }
.LBB2_22:
0x100: {  	p2 =	seq.s32 s26, s23  }
.Ltmp21:
0x101: {  	_ = 	snop;
	(pc) =	sbr.rel @!p2 .LBB2_23-.Ltmp21, $1  }
0x102: {  	_ =	sdelay $0x3  }
.Ltmp22:
0x103: {  	s0 =	sadd.s32 $0x408, s0;
	(pc) =	sbr.rel .LBB2_26-.Ltmp22, $4  }
0x104: {  	[spmem:s13] =	stream.linear.scatter [tilespmem:s0], [sflag:$0x1], $0x200, $0x38;
	[tilespmem:$0x1C928] =	vst v63  }
0x105: {  	_ =	swait.ge [sflag:s11], $0x200  }
0x106: {  	[sflag:s11] =	ssyncset.done $0x0  }
0x107: {  	[sflag:s11] =	ssyncadd.s32 $0xFFFFFE00  }
.LBB2_23:
0x108: {  	s2 =	sshll.u32 s25, $0xB  }
0x109: {  	s2 =	sshra.s32 s2, $0x2  }
0x10a: {  	s8 =	sadd.s32 $0x6608, s2;
	s2 =	sadd.s32 $0x408, s0  }
0x10b: {  	s9 =	simm.s32 $0x0;
	v2 =	vld [tilespmem:s8+$0x0];
	s31 =	smov.u32 s2  }
.LBB2_24:
0x10c: {  	s9 =	sadd.s32 $0x10, s9  }
0x10d: {  	p2 =	slt.u32 s9, $0x1F0  }
.Ltmp23:
0x10e: {  	_ = 	snop;
	(pc) =	sbr.rel @p2 .LBB2_24-.Ltmp23, $3  }
0x10f: {  	_ =	sdelay $0x1  }
0x110: {  	s8 =	sadd.s32 $0x10, s8;
	[tilespmem:s31+$0x0] =	vst.add.f32.msk $0xffff, v2;
	s31 =	sadd.s32 $0x10, s31  }
0x111: {  	v2 =	vld [tilespmem:s8+$0x0]  }
0x112: {  	_ =	sdelay $0x1  }
0x113: {  	p2 =	sgt.u32 s26, $0x9C270  }
0x114: {  	s3 =	sand.u32 @!p2 $0xFFFF8, s26  }
0x115: {  	s5 =	sand.u32 @!p2 $0x7, s26;
	s3 =	sadd.s32 @!p2 s1, s3;
	[tilespmem:s31+$0x0] =	vst.add.f32.msk $0xffff, v2  }
0x116: {  	[hbm4b:s3+s5] =	stream.linear.scatter @!p2 [tilespmem:s2], [sflag:$0xA], $0x80, $0x38;
	[tilespmem:$0x1C928] =	vst v63  }
0x117: {  	s2 =	sadd.s32 @!p2 $0x80, s26  }
0x118: {  	s2 =	sand.u32 @!p2 $0x1FFFF8, s2  }
0x119: {  	s3 =	sadd.s32 @!p2 $0x488, s0;
	s2 =	sadd.s32 @!p2 s1, s2  }
0x11a: {  	[hbm4b:s2+s5] =	stream.linear.scatter @!p2 [tilespmem:s3], [sflag:$0xA], $0x80, $0x38;
	[tilespmem:$0x1C928] =	vst v63  }
0x11b: {  	s2 =	sadd.s32 @!p2 $0x100, s26  }
0x11c: {  	s2 =	sand.u32 @!p2 $0x1FFFF8, s2  }
0x11d: {  	s3 =	sadd.s32 @!p2 $0x508, s0;
	s2 =	sadd.s32 @!p2 s1, s2  }
0x11e: {  	[hbm4b:s2+s5] =	stream.linear.scatter @!p2 [tilespmem:s3], [sflag:$0xA], $0x80, $0x38;
	[tilespmem:$0x1C928] =	vst v63  }
0x11f: {  	s2 =	sadd.s32 @!p2 $0x180, s26;
	s3 =	simm.s32 $0x0  }
0x120: {  	s2 =	sand.u32 @!p2 $0x1FFFF8, s2;
	s3 =	simm.s32 @!p2 $0x800  }
0x121: {  	s0 =	sadd.s32 @!p2 $0x588, s0;
	s2 =	sadd.s32 @!p2 s1, s2;
	s29 =	sadd.s32 s3, s29  }
0x122: {  	[hbm4b:s2+s5] =	stream.linear.scatter @!p2 [tilespmem:s0], [sflag:$0xA], $0x80, $0x38;
	[tilespmem:$0x1C928] =	vst v63  }
.LBB2_26:
0x123: {  	s0 =	sadd.s32 $0x1, s21  }
0x124: {  	s2 =	smulhi.u32 $0xAAAAAAAB, s0;
	_ =	sdelay $0x1  }
0x125: {  	s2 =	sshrl.u32 s2, $0x5  }
0x126: {  	s2 =	smul.u32 $0x30, s2;
	_ =	sdelay $0x1  }
0x127: {  	s21 =	ssub.s32 s0, s2  }
0x128: {  	s0 =	sshll.u32 s21, $0x9  }
0x129: {  	v2 =	vld [tilespmem:s24+$0x0];
	s8 =	smov.u32 s24;
	s2 =	simm.s32 $0x0;
	s0 =	sadd.s32 $0x408, s0  }
.LBB2_27:
0x12a: {  	s2 =	sadd.s32 $0x10, s2  }
0x12b: {  	p2 =	slt.u32 s2, $0x1F0  }
.Ltmp24:
0x12c: {  	_ = 	snop;
	(pc) =	sbr.rel @p2 .LBB2_27-.Ltmp24, $3  }
0x12d: {  	_ =	sdelay $0x1  }
0x12e: {  	[tilespmem:s0+$0x0] =	vst v2;
	s0 =	sadd.s32 $0x10, s0;
	s8 =	sadd.s32 $0x10, s8  }
0x12f: {  	v2 =	vld [tilespmem:s8+$0x0]  }
.Ltmp25:
0x130: {  	_ = 	snop;
	(pc) =	sbr.rel .LBB2_28-.Ltmp25, $1  }
0x131: {  	_ =	sdelay $0x3  }
.LBB2_31:
.Ltmp26:
0x132: {  	(pc) =	sbr.rel .LBB2_32-.Ltmp26, $4  }
0x133: {  	_ = 	snop  }
0x134: {  	s0 =	simm.s32 $0x2  }
0x135: {  	_ =	swait.ge [sflag:s0], $0x0  }
0x136: {  	s28 =	smov.u32 s26;
	[sflag:s0] =	ssyncset.done $0x0;
	s0 =	simm.s32 $0x0  }
.LBB2_34:
0x137: {  	_ =	sfence.sel $0x180000  }
0x138: {  	s0 =	simm.s32 $0x7;
	[bflag:$0x0] =	sbarrier.arrive $0xFFFF  }
0x139: {  	s25 =	simm.s32 $0x8;
	[sflag:s0] =	ssyncpa.u1 $0x1  }
0x13a: {  	s26 =	simm.s32 $0x9;
	[sflag:s25] =	ssyncpa.u1 $0x1  }
0x13b: {  	s28 =	simm.s32 $0x2;
	[sflag:s26] =	ssyncpa.u1 $0x1  }
0x13c: {  	[sflag:s28] =	ssyncpa.u1 $0x1  }
0x13d: {  	v0 =	vld [tilespmem:$0xC808];
	_ =	sdelay $0x4  }
0x13e: {  	(v2sf) =	vpush v0, $0x0  }
0x13f: {  	(v2sf) =	vpush v0, $0x1;
	_ =	sdelay $0x1  }
0x140: {  	(v2sf) =	vpush v0, $0x2;
	_ =	sdelay $0xb  }
0x141: {  	s0 =	spop (v2sf)  }
0x142: {  	s2 =	spop (v2sf)  }
0x143: {  	s3 =	smov.u32 s0;
	p0 =	sne.s32 s0, s2  }
0x144: {  	s4 =	spop (v2sf);
	s3 =	simm.s32 @!p0 $0xFFFFFFFF  }
0x145: {  	v2 =	vimm.s32 $0x1;
	v3 =	vlaneseq.u32;
	p0 =	seq.s32 s4, $0xFFFFFFFF;
	v1 =	vmov s3  }
0x146: {  	s7 =	stileid.u32;
	v0 =	vperm.xlane v0, v2;
	p1 =	sne.s32 @!p0 s0, s2;
	v1 =	vperm.xlane v1, v3  }
0x147: {  	vm0 =	vcmask $0x3F04;
	s6 =	simm.s32 $0xC808;
	s0 =	simm.s32 @!p0 $0x1;
	p1 =	por !p1, p0  }
0x148: {  	s3 =	sshll.u32 s7, $0x1;
	s2 =	sshll.u32 @!p0 s4, $0xB;
	s0 =	simm.s32 @p1 $0x0;
	v0 =	vsel vm0, v1, v0  }
0x149: {  	s5 =	sor.u32 $0x4000, s3;
	s2 =	sshra.s32 @!p0 s2, $0x2;
	s0 =	sor.u32 @!p0 s0, s3;
	[tilespmem:$0xC808] =	vst v0  }
0x14a: {  	[spmem:s5] =	stream.linear.scatter [tilespmem:s6], [sflag:$0x1], $0x2, $0x38;
	[tilespmem:$0x1C928] =	vst v63  }
0x14b: {  	s2 =	sadd.s32 @!p0 $0x408, s2;
	s0 =	sshll.u32 @!p0 s0, $0x9  }
0x14c: {  	[spmem:s0] =	stream.linear.scatter @!p0 [tilespmem:s2], [sflag:$0x1], $0x200, $0x38;
	[tilespmem:$0x1C928] =	vst v63  }
0x14d: {  	s2 =	simm.s32 @!p0 $0x202  }
0x14e: {  	s0 =	simm.s32 $0x1;
	s2 =	simm.s32 @p0 $0x2  }
0x14f: {  	_ =	swait.ge [sflag:s0], s2  }
0x150: {  	s2 =	ssub.s32 $0x0, s2;
	[sflag:s0] =	ssyncset.done $0x0  }
0x151: {  	[sflag:s0] =	ssyncadd.s32 s2  }
0x152: {  	_ =	sfence.stream.spmem  }
0x153: {  	s29 =	simm.s32 $0x3;
	[bflag:$0x0] =	sbarrier.arrive $0xFFFF  }
0x154: {  	s30 =	simm.s32 $0x4;
	[sflag:s29] =	ssyncpa.u1 $0x1  }
0x155: {  	s31 =	simm.s32 $0x3C;
	[sflag:s30] =	ssyncpa.u1 $0x1  }
0x156: {  	p0 =	sne.s32 s7, $0x0;
	[sflag:s31] =	ssyncpa.u1 $0x1  }
0x157: {  	_ =	sfence @p0  }
0x158: {  	[sflag:s0] =	ssyncpa.u1 @p0 $0x1  }
0x159: {  	_ =	strace @p0 $0x90000065  }
0x15a: {  	[bflag:$0x2] =	sbarrier.arrive @p0 $0xFFFF  }
0x15b: {  	_ =	shalt @p0  }
.LBB2_35:
0x15c: {  	_ =	sfence.stream.spmem;
	s0 =	simm.s32 $0x5  }
0x15d: {  	s2 =	simm.s32 $0x4000;
	s3 =	simm.s32 $0xC818;
	[sflag:s0] =	ssyncpa.u1 $0x0  }
0x15e: {  	[tilespmem:s3], [sflag:$0x5] =	stream.linear.gather [spmem:s2], $0x20, $0x38;
	[tilespmem:$0x1C928] =	vst v63  }
0x15f: {  	s2 =	simm.s32 $0x0;
	s3 =	simm.s32 $0xC838  }
0x160: {  	[tilespmem:s3], [sflag:$0x5] =	stream.linear.gather [spmem:s2], $0x4000, $0x38;
	[tilespmem:$0x1C928] =	vst v63  }
.Ltmp27:
0x161: {  	_ = 	snop;
	(pc) =	sbr.rel .LBB2_36-.Ltmp27, $4  }
0x162: {  	_ =	swait.ge [sflag:s0], $0x4020  }
0x163: {  	s4 =	simm.s32 $0x6;
	[sflag:s0] =	ssyncset.done $0x0  }
0x164: {  	s5 =	simm.s32 $0xC688;
	s6 =	simm.s32 $0xC708;
	[sflag:s0] =	ssyncadd.s32 $0xFFFFBFE0  }
0x165: {  	s7 =	simm.s32 $0xC788;
	s8 =	simm.s32 $0x0;
	[sflag:s4] =	ssyncpa.u1 $0x0  }
.LBB2_51:
0x166: {  	s8 =	sadd.s32 $0x1, s8  }
0x167: {  	p0 =	sne.s32 s8, $0x20  }
.Ltmp28:
0x168: {  	_ = 	snop;
	(pc) =	sbr.rel @!p0 .LBB2_52-.Ltmp28, $2  }
0x169: {  	_ =	sdelay $0x2  }
0x16a: {  	s3 =	sadd.s32 $0x200, s3  }
.LBB2_36:
0x16b: {  	v0 =	vld.msk [tilespmem:s8+$0xC818], $0x1;
	_ =	sdelay $0x4  }
0x16c: {  	(v2sf) =	vpush v0, $0x0;
	_ =	sdelay $0xe  }
0x16d: {  	s9 =	spop (v2sf)  }
0x16e: {  	p0 =	seq.s32 s9, $0xFFFFFFFF  }
.Ltmp29:
0x16f: {  	_ = 	snop;
	(pc) =	sbr.rel @p0 .LBB2_51-.Ltmp29, $1  }
0x170: {  	_ =	sdelay $0x3  }
0x171: {  	p0 =	slt.s32 s2, $0x1  }
.Ltmp30:
0x172: {  	_ = 	snop;
	(pc) =	sbr.rel @p0 .LBB2_44-.Ltmp30, $1  }
0x173: {  	_ =	sdelay $0x3  }
0x174: {  	s0 =	simm.s32 $0xC818;
	p0 =	por $0x0, $0x0  }
0x175: {  	v1 =	vld.msk @!p0 [tilespmem:s0+$0x0], $0x1;
	_ =	sdelay $0x4  }
0x176: {  	(v2sf) =	vpush @!p0 v1, $0x0;
	_ =	sdelay $0xd  }
0x177: {  	p2 =	sne.s32 s2, $0x1  }
.Ltmp31:
0x178: {  	s10 =	spop @!p0 (v2sf);
	(pc) =	sbr.rel @!p2 .LBB2_40-.Ltmp31, $4  }
0x179: {  	p1 =	seq.s32 @!p0 s9, s10  }
0x17a: {  	s10 =	simm.s32 $0x0;
	p1 =	por !p1, p0  }
0x17b: {  	s12 =	simm.s32 $0xFFFFFFFF;
	s10 =	simm.s32 @p1 $0xFFFFFFFF  }
0x17c: {  	s11 =	simm.s32 $0x1;
	s10 =	smov.u32 @p0 s12  }
.LBB2_39:
0x17d: {  	s12 =	smov.u32 s10;
	p0 =	sne.s32 s10, $0xFFFFFFFF  }
0x17e: {  	s0 =	sadd.s32 $0x1, s0;
	s10 =	smov.u32 s11;
	s11 =	sadd.s32 $0x1, s11  }
0x17f: {  	p1 =	sne.s32 s2, s11;
	v1 =	vld.msk @!p0 [tilespmem:s0+$0x0], $0x1;
	_ =	sdelay $0x4  }
0x180: {  	(v2sf) =	vpush @!p0 v1, $0x0;
	_ =	sdelay $0xe  }
.Ltmp32:
0x181: {  	s13 =	spop @!p0 (v2sf);
	(pc) =	sbr.rel @p1 .LBB2_39-.Ltmp32, $4  }
0x182: {  	p2 =	seq.s32 @!p0 s9, s13  }
0x183: {  	p2 =	por !p2, p0  }
0x184: {  	s10 =	simm.s32 @p2 $0xFFFFFFFF  }
0x185: {  	s10 =	smov.u32 @p0 s12  }
.LBB2_40:
0x186: {  	p0 =	seq.s32 s10, $0xFFFFFFFF  }
.Ltmp33:
0x187: {  	_ = 	snop;
	(pc) =	sbr.rel @p0 .LBB2_44-.Ltmp33, $1  }
0x188: {  	_ =	sdelay $0x3  }
0x189: {  	s0 =	sshll.u32 s10, $0xB  }
0x18a: {  	s0 =	sshra.s32 s0, $0x2  }
0x18b: {  	s9 =	simm.s32 $0x0;
	v0 =	vld [tilespmem:s3+$0x0];
	s10 =	smov.u32 s3;
	s0 =	sadd.s32 $0xC838, s0  }
.LBB2_42:
0x18c: {  	s9 =	sadd.s32 $0x10, s9  }
0x18d: {  	p0 =	slt.u32 s9, $0x1F0  }
.Ltmp34:
0x18e: {  	_ = 	snop;
	(pc) =	sbr.rel @p0 .LBB2_42-.Ltmp34, $3  }
0x18f: {  	_ =	sdelay $0x1  }
0x190: {  	s10 =	sadd.s32 $0x10, s10;
	[tilespmem:s0+$0x0] =	vst.add.f32.msk $0xffff, v0;
	s0 =	sadd.s32 $0x10, s0  }
0x191: {  	v0 =	vld [tilespmem:s10+$0x0]  }
.Ltmp35:
0x192: {  	_ = 	snop;
	(pc) =	sbr.rel .LBB2_51-.Ltmp35, $2  }
0x193: {  	_ =	sdelay $0x2  }
0x194: {  	[tilespmem:s0+$0x0] =	vst.add.f32.msk $0xffff, v0  }
.LBB2_44:
0x195: {  	p0 =	sgt.u32 s9, $0x9C270  }
.Ltmp36:
0x196: {  	_ = 	snop;
	(pc) =	sbr.rel @p0 .LBB2_48-.Ltmp36, $1  }
0x197: {  	_ =	sdelay $0x3  }
0x198: {  	s0 =	sand.u32 $0xFFFF8, s9;
	s11 =	sand.u32 $0x7, s9  }
0x199: {  	s29 =	sadd.s32 $0x80, s9;
	s10 =	sadd.s32 s1, s0;
	s0 =	simm.s32 $0xC608  }
0x19a: {  	[tilespmem:s0], [sflag:$0x6] =	stream.linear.gather [hbm4b:s10+s11], $0x80, $0x38;
	[tilespmem:$0x1C928] =	vst v63  }
0x19b: {  	s10 =	sand.u32 $0x1FFFF8, s29  }
0x19c: {  	s30 =	sadd.s32 $0x100, s9;
	s10 =	sadd.s32 s1, s10  }
0x19d: {  	[tilespmem:s5], [sflag:$0x6] =	stream.linear.gather [hbm4b:s10+s11], $0x80, $0x38;
	[tilespmem:$0x1C928] =	vst v63  }
0x19e: {  	s31 =	sadd.s32 $0x180, s9;
	s10 =	sand.u32 $0x1FFFF8, s30  }
0x19f: {  	s9 =	sand.u32 $0x1FFFF8, s31;
	s10 =	sadd.s32 s1, s10  }
0x1a0: {  	[tilespmem:s6], [sflag:$0x6] =	stream.linear.gather [hbm4b:s10+s11], $0x80, $0x38;
	[tilespmem:$0x1C928] =	vst v63  }
0x1a1: {  	s9 =	sadd.s32 s1, s9  }
0x1a2: {  	[tilespmem:s7], [sflag:$0x6] =	stream.linear.gather [hbm4b:s9+s11], $0x80, $0x38;
	[tilespmem:$0x1C928] =	vst v63  }
0x1a3: {  	_ =	swait.ge [sflag:s4], $0x200  }
0x1a4: {  	[sflag:s4] =	ssyncset.done $0x0  }
0x1a5: {  	[sflag:s4] =	ssyncadd.s32 $0xFFFFFE00  }
0x1a6: {  	s10 =	smov.u32 s3;
	s9 =	simm.s32 $0x0;
	v1 =	vld [tilespmem:s0+$0x0]  }
.LBB2_46:
0x1a7: {  	s9 =	sadd.s32 $0x10, s9  }
0x1a8: {  	p0 =	slt.u32 s9, $0x1F0  }
.Ltmp37:
0x1a9: {  	_ = 	snop;
	(pc) =	sbr.rel @p0 .LBB2_46-.Ltmp37, $3  }
0x1aa: {  	_ =	sdelay $0x1  }
0x1ab: {  	s0 =	sadd.s32 $0x10, s0;
	[tilespmem:s10+$0x0] =	vst.add.f32.msk $0xffff, v1;
	s10 =	sadd.s32 $0x10, s10  }
0x1ac: {  	v1 =	vld [tilespmem:s0+$0x0]  }
0x1ad: {  	_ =	sdelay $0x3  }
0x1ae: {  	[tilespmem:s10+$0x0] =	vst.add.f32.msk $0xffff, v1  }
.LBB2_48:
0x1af: {  	s0 =	sshll.u32 s2, $0xB  }
0x1b0: {  	[tilespmem:s2+$0xC818] =	vst.msk $0x1, v0;
	s0 =	sshra.s32 s0, $0x2  }
0x1b1: {  	s9 =	simm.s32 $0x0;
	s10 =	smov.u32 s3;
	v0 =	vld [tilespmem:s3+$0x0];
	s0 =	sadd.s32 $0xC838, s0  }
.LBB2_49:
0x1b2: {  	s9 =	sadd.s32 $0x10, s9  }
0x1b3: {  	p0 =	slt.u32 s9, $0x1F0  }
.Ltmp38:
0x1b4: {  	_ = 	snop;
	(pc) =	sbr.rel @p0 .LBB2_49-.Ltmp38, $3  }
0x1b5: {  	_ =	sdelay $0x1  }
0x1b6: {  	s10 =	sadd.s32 $0x10, s10;
	[tilespmem:s0+$0x0] =	vst v0;
	s0 =	sadd.s32 $0x10, s0  }
0x1b7: {  	v0 =	vld [tilespmem:s10+$0x0]  }
.Ltmp39:
0x1b8: {  	_ = 	snop;
	(pc) =	sbr.rel .LBB2_51-.Ltmp39, $2  }
0x1b9: {  	_ =	sdelay $0x2  }
0x1ba: {  	s2 =	sadd.s32 $0x1, s2;
	[tilespmem:s0+$0x0] =	vst v0  }
.LBB2_52:
0x1bb: {  	p0 =	slt.s32 s2, $0x1  }
.Ltmp40:
0x1bc: {  	_ = 	snop;
	(pc) =	sbr.rel @p0 .LBB2_56-.Ltmp40, $3  }
0x1bd: {  	_ =	sdelay $0x1  }
0x1be: {  	s0 =	simm.s32 $0x6  }
0x1bf: {  	s3 =	simm.s32 $0x0;
	[sflag:s0] =	ssyncpa.u1 $0x1  }
0x1c0: {  	s0 =	simm.s32 $0xC818  }
0x1c1: {  	v0 =	vld.msk [tilespmem:s0+$0x0], $0x1;
	_ =	sdelay $0x4  }
0x1c2: {  	(v2sf) =	vpush v0, $0x0;
	_ =	sdelay $0xe  }
0x1c3: {  	s7 =	spop (v2sf)  }
0x1c4: {  	s4 =	simm.s32 $0xC838;
	p0 =	sgt.u32 s7, $0x9C270  }
0x1c5: {  	s2 =	sadd.s32 $0xFFFFFFFF, s2;
	s0 =	sand.u32 @!p0 $0xFFFF8, s7;
	s5 =	sadd.s32 @!p0 $0x80, s7  }
0x1c6: {  	s9 =	sadd.s32 @!p0 s1, s0;
	s0 =	sand.u32 @!p0 $0x7, s7;
	s5 =	sand.u32 @!p0 $0x1FFFF8, s5  }
0x1c7: {  	[hbm4b:s9+s0] =	stream.linear.scatter @!p0 [tilespmem:s4], [sflag:$0x5], $0x80, $0x38;
	[tilespmem:$0x1C928] =	vst v63  }
0x1c8: {  	p1 =	sne.s32 s2, $0x0;
	s4 =	simm.s32 @!p0 $0xC8B8;
	s5 =	sadd.s32 @!p0 s1, s5  }
0x1c9: {  	[hbm4b:s5+s0] =	stream.linear.scatter @!p0 [tilespmem:s4], [sflag:$0x5], $0x80, $0x38;
	[tilespmem:$0x1C928] =	vst v63  }
.Ltmp41:
0x1ca: {  	s6 =	simm.s32 $0x0;
	s8 =	sadd.s32 @!p0 $0x100, s7;
	(pc) =	sbr.rel @!p1 .LBB2_55-.Ltmp41, $4  }
0x1cb: {  	s6 =	simm.s32 @!p0 $0x800;
	s8 =	sand.u32 @!p0 $0x1FFFF8, s8;
	s4 =	simm.s32 @!p0 $0xC938  }
0x1cc: {  	s5 =	sadd.s32 @!p0 s1, s8;
	s8 =	sadd.s32 @!p0 $0x180, s7;
	s7 =	simm.s32 @!p0 $0xC9B8  }
0x1cd: {  	[hbm4b:s5+s0] =	stream.linear.scatter @!p0 [tilespmem:s4], [sflag:$0x5], $0x80, $0x38;
	[tilespmem:$0x1C928] =	vst v63  }
0x1ce: {  	s8 =	sand.u32 @!p0 $0x1FFFF8, s8;
	s4 =	simm.s32 $0xC819;
	s5 =	simm.s32 $0xCA38  }
.LBB2_54:
0x1cf: {  	s2 =	sadd.s32 $0xFFFFFFFF, s2;
	s8 =	sadd.s32 @!p0 s1, s8;
	s3 =	sadd.s32 s3, s6  }
0x1d0: {  	[hbm4b:s8+s0] =	stream.linear.scatter @!p0 [tilespmem:s7], [sflag:$0x5], $0x80, $0x38;
	[tilespmem:$0x1C928] =	vst v63  }
0x1d1: {  	p1 =	sne.s32 s2, $0x0;
	s7 =	smov.u32 s5;
	v0 =	vld.msk [tilespmem:s4+$0x0], $0x1;
	_ =	sdelay $0x4  }
0x1d2: {  	(v2sf) =	vpush v0, $0x0;
	_ =	sdelay $0xe  }
0x1d3: {  	s6 =	spop (v2sf)  }
0x1d4: {  	s5 =	sadd.s32 $0x200, s5;
	s4 =	sadd.s32 $0x1, s4;
	p0 =	sgt.u32 s6, $0x9C270  }
0x1d5: {  	s0 =	sand.u32 @!p0 $0xFFFF8, s6;
	s8 =	sadd.s32 @!p0 $0x80, s6;
	s9 =	sadd.s32 @!p0 $0x100, s6  }
0x1d6: {  	s10 =	sadd.s32 @!p0 s1, s0;
	s0 =	sand.u32 @!p0 $0x7, s6;
	s8 =	sand.u32 @!p0 $0x1FFFF8, s8  }
0x1d7: {  	[hbm4b:s10+s0] =	stream.linear.scatter @!p0 [tilespmem:s7], [sflag:$0x5], $0x80, $0x38;
	[tilespmem:$0x1C928] =	vst v63  }
0x1d8: {  	s9 =	sand.u32 @!p0 $0x1FFFF8, s9;
	s10 =	sadd.s32 @!p0 $0x80, s7  }
.Ltmp42:
0x1d9: {  	s8 =	sadd.s32 @!p0 s1, s8;
	s9 =	sadd.s32 @!p0 s1, s9;
	(pc) =	sbr.rel @p1 .LBB2_54-.Ltmp42, $4  }
0x1da: {  	[hbm4b:s8+s0] =	stream.linear.scatter @!p0 [tilespmem:s10], [sflag:$0x5], $0x80, $0x38;
	[tilespmem:$0x1C928] =	vst v63  }
0x1db: {  	s8 =	sadd.s32 @!p0 $0x100, s7;
	s10 =	sadd.s32 @!p0 $0x180, s6;
	s6 =	simm.s32 $0x0  }
0x1dc: {  	[hbm4b:s9+s0] =	stream.linear.scatter @!p0 [tilespmem:s8], [sflag:$0x5], $0x80, $0x38;
	[tilespmem:$0x1C928] =	vst v63  }
0x1dd: {  	s7 =	sadd.s32 @!p0 $0x180, s7;
	s6 =	simm.s32 @!p0 $0x800;
	s8 =	sand.u32 @!p0 $0x1FFFF8, s10  }
.LBB2_55:
0x1de: {  	s1 =	sadd.s32 @!p0 s1, s8;
	s31 =	sadd.s32 s3, s6  }
0x1df: {  	[hbm4b:s1+s0] =	stream.linear.scatter @!p0 [tilespmem:s7], [sflag:$0x5], $0x80, $0x38;
	[tilespmem:$0x1C928] =	vst v63  }
0x1e0: {  	s3 =	sshrl.u32 s31, $0x2  }
.LBB2_56:
0x1e1: {  	s0 =	simm.s32 $0x5  }
0x1e2: {  	_ =	swait.ge [sflag:s0], s3  }
0x1e3: {  	s1 =	ssub.s32 $0x0, s3;
	[sflag:s0] =	ssyncset.done $0x0  }
0x1e4: {  	[sflag:s0] =	ssyncadd.s32 s1  }
0x1e5: {  	[sflag:s0] =	ssyncpa.u1 $0x1  }
0x1e6: {  	s30 =	simm.s32 $0x1;
	_ =	sfence  }
0x1e7: {  	[sflag:s30] =	ssyncpa.u1 $0x1  }
0x1e8: {  	_ =	strace $0x90000065  }
0x1e9: {  	[bflag:$0x2] =	sbarrier.arrive $0xFFFF  }
0x1ea: {  	s31 =	rddreg [dreg:$0x1]  }
0x1eb: {  	s0 =	sadd.s32 $0x100000, s31  }
0x1ec: {  	[sflag:s0] =	ssyncadd.tile.s32 $0x1;
	_ =	shalt  }
.Lfunc_end2:
_tile_overlayer_lowered:
.L_overlay_start_2:
0x1ed: {  	(tag) =	ssettag $0x2  }
0x1ee: {  	s0 =	rddreg [dreg:$0x0];
	s2 =	stileid.u32  }
0x1ef: {  	s1 =	rddreg [dreg:$0x1];
	p0 =	sne.s32 s2, $0x0  }
0x1f0: {  	s3 =	rddreg [dreg:$0x2];
	[bflag:$0x3] =	sbarrier.arrive $0xFFFF;
	s2 =	simm.s32 @!p0 $0x1C01  }
0x1f1: {  	[timem:s3], [sflag:s2] =	dma.local @!p0 [hbm:s0], s1  }
0x1f2: {  	s0 =	simm.s32 @!p0 $0x1  }
0x1f3: {  	_ =	swait.ge @!p0 [sflag:s0], s1  }
0x1f4: {  	s1 =	ssub.s32 @!p0 $0x0, s1;
	[sflag:s0] =	ssyncset.done @!p0 $0x0  }
0x1f5: {  	[sflag:s0] =	ssyncadd.s32 @!p0 s1  }
0x1f6: {  	[bflag:$0x3] =	sbarrier.arrive $0xFFFF  }
0x1f7: {  	_ =	shalt  }

// kernel: scatter_offload_async_start.7
scs
__scs_entry_jumppad:
0x0: {  	(pc) =	sbr.rel $0x88, $3  }
0x1: {  	(tag) =	ssettag $0x0;
	lr =	simm.s32 $0x1  }
0x2: {  	[smem:$0x3F94] =	sst lr;
	_ =	strace $0xD0000000  }
0x3: {  	_ = 	snop  }
0x4: {  	_ = 	snop  }
0x5: {  	_ = 	snop  }
0x6: {  	_ = 	snop  }
0x7: {  	_ = 	snop  }
__scs_overlays_trampoline_lowered:
0x8: {  	[smem:$0x3FA3] =	sst s0  }
0x9: {  	[smem:$0x3FA4] =	sst s1  }
0xa: {  	[smem:$0x3FA5] =	sst s2  }
0xb: {  	[smem:$0x3FA6] =	sst s3  }
0xc: {  	[smem:$0x3FA7] =	sst s4  }
0xd: {  	[smem:$0x3FA8] =	sst s5  }
0xe: {  	[smem:$0x3FA9] =	sst s6  }
0xf: {  	[smem:$0x3FAA] =	sst s7  }
0x10: {  	[smem:$0x3FAB] =	sst s8  }
0x11: {  	[smem:$0x3FAC] =	sst s9;
	s0 =	simm.s32 @!p0 $0x0  }
0x12: {  	s1 =	sld [smem:$0x3F92];
	s0 =	simm.s32 @p0 $0x1  }
0x13: {  	[smem:$0x3FAD] =	sst s0;
	s0 =	simm.s32 @!p1 $0x0  }
0x14: {  	s2 =	sld [smem:$0x3F91];
	s0 =	simm.s32 @p1 $0x1  }
0x15: {  	[smem:$0x3FAE] =	sst s0;
	s0 =	simm.s32 @!p2 $0x0  }
0x16: {  	s3 =	sld [smem:$0x3FDB];
	s0 =	simm.s32 @p2 $0x1  }
0x17: {  	s4 =	simm.s32 $0x1BF5;
	[smem:$0x3FB0] =	sst s0  }
0x18: {  	s0 =	sld [smem:$0x3F93];
	_ =	swait.ge [sflag:s4], $0x0  }
0x19: {  	s7 =	sld [smem:$0x3F94]  }
0x1a: {  	s8 =	sadd.s32 $0xFFFFE003, lr  }
0x1b: {  	s9 =	sadd.s32 $0xFFFFFEF7, lr;
	s5 =	simm.s32 $0xFFFFFFFF;
	p2 =	slt.u32 s8, $0xFFFFF086  }
0x1c: {  	p1 =	slt.u32 s9, $0xF7A;
	s5 =	simm.s32 @!p2 $0x0  }
0x1d: {  	s5 =	simm.s32 @p1 $0x1;
	p0 =	seq.s32 s7, s2  }
0x1e: {  	s7 =	smul.u32 @!p0 $0xF7A, s2;
	p2 =	seq.s32 @!p0 s5, $0x0  }
0x1f: {  	s9 =	smul.u32 $0xF7A, s1;
	s8 =	simm.s32 @!p0 $0x1BF5;
	p2 =	por !p2, p0  }
0x20: {  	[sflag:s8] =	ssyncset.s32 @!p0 $0xFFFFF086;
	s6 =	sadd.s32 @!p0 s3, s7;
	s7 =	simm.s32 @!p0 $0x108  }
0x21: {  	s3 =	sadd.s32 s3, s9;
	s6 =	sadd.s32 @!p0 $0x88, s6;
	s7 =	simm.s32 @p2 $0x1082  }
0x22: {  	[simem:s7], [sflag:s8] =	dma.local @!p0 [hbm:s6], $0xF7A  }
0x23: {  	s9 =	sor.u32 $0xD0000000, s2;
	s6 =	simm.s32 $0x108;
	_ =	swait.ge @!p0 [sflag:s8], $0x0  }
0x24: {  	s3 =	sadd.s32 $0x88, s3;
	s6 =	simm.s32 @!p1 $0x1082;
	[sflag:s4] =	ssyncset.s32 $0xFFFFF086  }
0x25: {  	[simem:s6], [sflag:s4] =	dma.local [hbm:s3], $0xF7A  }
0x26: {  	[smem:$0x3F94] =	sst s1;
	(tag) =	ssettag s2;
	_ =	strace s9  }
0x27: {  	s1 =	sld [smem:$0x3FA4]  }
0x28: {  	s2 =	sld [smem:$0x3FA5]  }
0x29: {  	s4 =	sld [smem:$0x3FA7]  }
0x2a: {  	p0 =	seq.s32 s5, $0x0;
	s5 =	sld [smem:$0x3FA8]  }
0x2b: {  	s6 =	sld [smem:$0x3FA9]  }
0x2c: {  	s7 =	sld [smem:$0x3FAA]  }
0x2d: {  	s3 =	simm.s32 $0x108;
	s8 =	sld [smem:$0x3FAB]  }
0x2e: {  	s3 =	simm.s32 @!p0 $0x1082;
	s9 =	sld [smem:$0x3FAC]  }
0x2f: {  	lr =	sadd.s32 s0, s3;
	s0 =	sld [smem:$0x3FA3]  }
0x30: {  	s3 =	sld [smem:$0x3FA6]  }
0x31: {  	[smem:$0x3FAF] =	sst s10  }
0x32: {  	s10 =	sld [smem:$0x3FAD];
	_ =	sdelay $0x3  }
0x33: {  	p0 =	seq.s32 s10, $0x1;
	s10 =	sld [smem:$0x3FAF];
	_ =	sdelay $0x3  }
0x34: {  	[smem:$0x3FAF] =	sst s10  }
0x35: {  	s10 =	sld [smem:$0x3FAE];
	_ =	sdelay $0x3  }
0x36: {  	p1 =	seq.s32 s10, $0x1;
	s10 =	sld [smem:$0x3FAF];
	_ =	sdelay $0x3  }
0x37: {  	[smem:$0x3FAF] =	sst s10  }
0x38: {  	s10 =	sld [smem:$0x3FB0]  }
0x39: {  	_ = 	snop;
	(pc) =	sbr.ind lr, $3  }
0x3a: {  	_ = 	snop  }
0x3b: {  	_ = 	snop  }
0x3c: {  	p2 =	seq.s32 s10, $0x1;
	s10 =	sld [smem:$0x3FAF]  }
0x3d: {  	_ =	shalt  }
0x3e: {  	_ =	shalt  }
0x3f: {  	_ =	shalt  }
0x40: {  	_ =	shalt  }
0x41: {  	_ =	shalt  }
0x42: {  	_ =	shalt  }
0x43: {  	_ =	shalt  }
0x44: {  	_ =	shalt  }
0x45: {  	_ =	shalt  }
0x46: {  	_ =	shalt  }
0x47: {  	_ =	shalt  }
0x48: {  	_ =	shalt  }
0x49: {  	_ =	shalt  }
0x4a: {  	_ =	shalt  }
0x4b: {  	_ =	shalt  }
0x4c: {  	_ =	shalt  }
0x4d: {  	_ =	shalt  }
0x4e: {  	_ =	shalt  }
0x4f: {  	_ =	shalt  }
0x50: {  	_ =	shalt  }
0x51: {  	_ =	shalt  }
0x52: {  	_ =	shalt  }
0x53: {  	_ =	shalt  }
0x54: {  	_ =	shalt  }
0x55: {  	_ =	shalt  }
0x56: {  	_ =	shalt  }
0x57: {  	_ =	shalt  }
0x58: {  	_ =	shalt  }
0x59: {  	_ =	shalt  }
0x5a: {  	_ =	shalt  }
0x5b: {  	_ =	shalt  }
0x5c: {  	_ =	shalt  }
0x5d: {  	_ =	shalt  }
0x5e: {  	_ =	shalt  }
0x5f: {  	_ =	shalt  }
0x60: {  	_ =	shalt  }
0x61: {  	_ =	shalt  }
0x62: {  	_ =	shalt  }
0x63: {  	_ =	shalt  }
0x64: {  	_ =	shalt  }
0x65: {  	_ =	shalt  }
0x66: {  	_ =	shalt  }
0x67: {  	_ =	shalt  }
0x68: {  	_ =	shalt  }
0x69: {  	_ =	shalt  }
0x6a: {  	_ =	shalt  }
0x6b: {  	_ =	shalt  }
0x6c: {  	_ =	shalt  }
0x6d: {  	_ =	shalt  }
0x6e: {  	_ =	shalt  }
0x6f: {  	_ =	shalt  }
0x70: {  	_ =	shalt  }
0x71: {  	_ =	shalt  }
0x72: {  	_ =	shalt  }
0x73: {  	_ =	shalt  }
0x74: {  	_ =	shalt  }
0x75: {  	_ =	shalt  }
0x76: {  	_ =	shalt  }
0x77: {  	_ =	shalt  }
0x78: {  	_ =	shalt  }
0x79: {  	_ =	shalt  }
0x7a: {  	_ =	shalt  }
0x7b: {  	_ =	shalt  }
0x7c: {  	_ =	shalt  }
0x7d: {  	_ =	shalt  }
0x7e: {  	_ =	shalt  }
0x7f: {  	_ =	shalt  }
0x80: {  	_ =	shalt  }
0x81: {  	_ =	shalt  }
0x82: {  	_ =	shalt  }
0x83: {  	_ =	shalt  }
0x84: {  	_ =	shalt  }
0x85: {  	_ =	shalt  }
0x86: {  	_ =	shalt  }
0x87: {  	_ =	shalt  }
.Lfunc_end0:
.L_simem_size_0:
called_computation.7_lowered:
.L_overlay_start_0:
0x88: {  	s0 =	sld [smem:$0x3FD9]  }
0x89: {  	s1 =	sld [smem:$0x3FFE];
	_ =	sdelay $0x3  }
0x8a: {  	s0 =	sadd.s32 s1, s0  }
0x8b: {  	[smem:$0x3FBB] =	sst s0  }
0x8c: {  	_ = 	snop  }
0x8d: {  	s0 =	sld [smem:$0x3FD0];
	_ =	sdelay $0x2  }
0x8e: {  	s13 =	simm.s32 $0xD;
	s2 =	simm.s32 $0x10  }
0x8f: {  	[smem:s2], [sflag:s13] =	dma.local [hbm:s0], $0x1  }
0x90: {  	_ =	swait.eq [sflag:s13], $0x1  }
0x91: {  	[sflag:s13] =	ssyncset.done $0x0  }
0x92: {  	[sflag:s13] =	ssyncadd.s32 $0xFFFFFFFF  }
0x93: {  	s14 =	sld [smem:$0x11];
	(tm) =	ssettm $0x1  }
0x94: {  	s15 =	sld [smem:$0x3FFB];
	_ =	sdelay $0x3  }
0x95: {  	_ =	strace s15  }
0x96: {  	s1 =	sld [smem:$0x3FFC];
	_ =	sdelay $0x3  }
0x97: {  	_ =	strace s1  }
0x98: {  	s1 =	sld [smem:$0x3FFD];
	_ =	sdelay $0x3  }
0x99: {  	_ =	strace s1  }
0x9a: {  	_ =	strace $0x8FFFFFFF  }
0x9b: {  	s16 =	sld [smem:$0x3FDB];
	_ =	sdelay $0x1  }
0x9c: {  	s17 =	simm.s32 $_scs_section_size  }
0x9d: {  	s3 =	simm.s32 $_size__tile_overlayer_lowered;
	s4 =	simm.s32 $_tile_overlayer_lowered  }
0x9e: {  	s20 =	simm.s32 $0x1BFF;
	s19 =	sshll.u32 s4, $0x1;
	s1 =	sadd.s32 s17, s16  }
0x9f: {  	s5 =	simm.s32 $0x0;
	s18 =	sshll.u32 s3, $0x1;
	s3 =	sadd.s32 s19, s1  }
0xa0: {  	[timem:s5], [sflag:s20] =	dma.local [hbm:s3], s18  }
0xa1: {  	_ =	swait.ge [sflag:s20], s18  }
0xa2: {  	s2 =	ssub.s32 $0x0, s18;
	[sflag:s20] =	ssyncset.done $0x0  }
0xa3: {  	[sflag:s20] =	ssyncadd.s32 s2;
	_ =	sdelay $0x1  }
0xa4: {  	s21 =	simm.s32 $0x1B8B  }
0xa5: {  	_ =	swait.ge [sflag:s21], $0x1  }
0xa6: {  	[sflag:s21] =	ssyncset.done $0x0  }
0xa7: {  	s23 =	simm.s32 $0x1B8E;
	s22 =	sld [smem:$0x3FFE];
	[sflag:s21] =	ssyncadd.s32 $0xFFFFFFFF  }
0xa8: {  	s24 =	simm.s32 $execute0_lowered;
	[smem:$0x3FD2] =	sst s23  }
0xa9: {  	s3 =	sshll.u32 s24, $0x1;
	_ =	strace $0x80000067;
	[dreg:$0x1] =	wrdreg $0xFFFFFFFF  }
0xaa: {  	s25 =	simm.s32 $_size_execute0_lowered;
	s1 =	sadd.s32 s1, s3;
	[dreg:$0x0] =	wrdreg $0x0  }
0xab: {  	s3 =	sshll.u32 s25, $0x1;
	[dreg:$0x2] =	wrdreg s1  }
0xac: {  	[dreg:$0x3] =	wrdreg s3  }
0xad: {  	[dreg:$0x4] =	wrdreg $0xC0  }
0xae: {  	_ =	task [dreg:s5], $0x5FFFF  }
0xaf: {  	[dreg:$0x1] =	wrdreg $0xFFFFFFFF  }
0xb0: {  	[dreg:$0x0] =	wrdreg $0x60  }
0xb1: {  	[dreg:$0x2] =	wrdreg s22  }
0xb2: {  	[dreg:$0x3] =	wrdreg s14  }
0xb3: {  	[dreg:$0x4] =	wrdreg $0x9  }
0xb4: {  	_ =	task.clear_ibuf [dreg:s5], $0x5FFFF;
	_ =	strace $0x90000067  }
0xb5: {  	s26 =	simm.s32 $0x9;
	_ =	strace $0x80000069  }
0xb6: {  	_ =	swait.ge [sflag:s26], $0x1  }
0xb7: {  	[sflag:s26] =	ssyncadd.s32 $0xFFFFFFFF  }
0xb8: {  	_ =	strace $0x90000069  }
0xb9: {  	_ =	sfence  }
0xba: {  	s28 =	sld [smem:$0x0];
	_ =	sdelay $0x1  }
0xbb: {  	s29 =	srdreg.scid  }
0xbc: {  	s30 =	sshll.u32 s29, $0xD;
	s31 =	sshrl.u32 s29, $0x2  }
0xbd: {  	s2 =	sand.u32 $0x4000, s30;
	s1 =	sand.u32 $0x1, s29;
	s0 =	sadd.s32 s31, s28  }
0xbe: {  	s1 =	sor.u32 s2, s1;
	s0 =	sshll.u32 s0, $0x11  }
0xbf: {  	s0 =	sor.u32 s0, s1  }
0xc0: {  	s0 =	sadd.s32 $0x8F2B, s0  }
0xc1: {  	[sflag:s0] =	ssyncadd.remote.s32 $0x1  }
0xc2: {  	_ =	sfence.sel $0xFFFF  }
0xc3: {  	[dreg:$0x0] =	wrdreg $0xFFFFFFFF;
	(pc) =	sbr.abs _section_cstart, $3  }
0xc4: {  	[dreg:$0x1] =	wrdreg $0xFFFFFFFF  }
0xc5: {  	_ =	task.clear_ibuf [dreg:s5], $0x2FFFF;
	_ =	strace $0x9FFFFFFF  }
0xc6: {  	(tm) =	ssettm $0x7FFFFFFF  }
0xc7: {  	_ =	shalt  }
tec
execute0_lowered:
.L_overlay_start_1:
0x0: {  	(tag) =	ssettag $0x1  }
0x1: {  	s2 =	rddreg [dreg:$0x0]  }
0x2: {  	s6 =	rddreg [dreg:$0x1];
	_ =	strace $0x80000068;
	s0 =	simm.s32 $0x1  }
0x3: {  	v0 =	vimm.s32 $0x0;
	[sflag:s0] =	ssyncpa.u1 $0x0;
	s0 =	simm.s32 $0x408  }
0x4: {  	[tilespmem:s0+$0x70] =	vst v0  }
0x5: {  	[tilespmem:s0+$0x60] =	vst v0  }
0x6: {  	[tilespmem:s0+$0x50] =	vst v0  }
0x7: {  	[tilespmem:s0+$0x40] =	vst v0  }
0x8: {  	[tilespmem:s0+$0x30] =	vst v0  }
0x9: {  	s1 =	sadd.s32 $0x600, s2;
	[tilespmem:s0+$0x20] =	vst v0  }
0xa: {  	s4 =	sadd.s32 $0x2E4000, s2;
	s7 =	sadd.s32 $0x1F800, s2;
	s2 =	simm.s32 $0x40;
	[tilespmem:s0+$0x10] =	vst v0  }
.LBB2_1:
0xb: {  	s2 =	sadd.s32 $0x40, s2;
	[tilespmem:s0+$0x0] =	vst v0;
	s0 =	sadd.s32 $0x80, s0  }
0xc: {  	p0 =	slt.u32 s2, $0x3100;
	[tilespmem:s0+$0x70] =	vst v0  }
0xd: {  	[tilespmem:s0+$0x60] =	vst v0  }
.Ltmp0:
0xe: {  	[tilespmem:s0+$0x50] =	vst v0;
	(pc) =	sbr.rel @p0 .LBB2_1-.Ltmp0, $4  }
0xf: {  	[tilespmem:s0+$0x40] =	vst v0  }
0x10: {  	[tilespmem:s0+$0x30] =	vst v0  }
0x11: {  	[tilespmem:s0+$0x20] =	vst v0  }
0x12: {  	[tilespmem:s0+$0x10] =	vst v0  }
0x13: {  	s5 =	stileid.u32  }
0x14: {  	s2 =	smul.u32 $0xDD, s5  }
0x15: {  	s3 =	smin.u32 s5, $0x6  }
0x16: {  	s2 =	sadd.s32 s3, s2  }
0x17: {  	p0 =	slt.u32 s5, $0x6;
	s9 =	smul.u32 $0x30, s2;
	s2 =	simm.s32 $0x29A0  }
0x18: {  	s2 =	simm.s32 @!p0 $0x2970  }
0x19: {  	s2 =	sadd.s32 s2, s9  }
0x1a: {  	s10 =	smin.u32 s2, $0x29810  }
0x1b: {  	s2 =	ssub.s32 s10, s9  }
0x1c: {  	p0 =	sgt.s32 s2, $0x0  }
0x1d: {  	s26 =	simm.s32 $0x2;
	s29 =	simm.s32 $0x7;
	s2 =	simm.s32 @!p0 $0x0  }
0x1e: {  	s30 =	simm.s32 $0x8;
	s31 =	simm.s32 $0x9;
	s28 =	smulhi.u32 $0x2AAAAAAB, s2  }
0x1f: {  	s11 =	simm.s32 $0x1;
	s21 =	simm.s32 $0x0;
	p1 =	por $0x0, $0x0  }
0x20: {  	[tilespmem:s0+$0x0] =	vst v0;
	s15 =	simm.s32 $0x80;
	s16 =	simm.s32 $0x400;
	s0 =	sshrl.u32 s28, $0x3  }
0x21: {  	s17 =	simm.s32 $0xA;
	s18 =	simm.s32 $0x0;
	s8 =	smul.u32 $0x30, s0  }
0x22: {  	s20 =	simm.s32 $0x0;
	[sflag:s26] =	ssyncpa.u1 $0x0;
	s13 =	sshll.u32 s5, $0xA  }
.Ltmp1:
0x23: {  	v0 =	vimm.s32 $0xFFFFFFFF;
	p0 =	sne.s32 s2, s8;
	s2 =	simm.s32 $0x1;
	(pc) =	sbr.rel .LBB2_3-.Ltmp1, $4  }
0x24: {  	[tilespmem:$0xC808] =	vst v0;
	[sflag:s29] =	ssyncpa.u1 $0x0;
	[dreg:$0x3] =	wrdreg s9;
	s2 =	simm.s32 @!p0 $0x0  }
0x25: {  	[sflag:s30] =	ssyncpa.u1 $0x0;
	[dreg:$0x4] =	wrdreg s10;
	s12 =	sadd.s32 s2, s0  }
0x26: {  	[sflag:s31] =	ssyncpa.u1 $0x0;
	s14 =	sadd.s32 $0x1, s12;
	[dreg:$0x5] =	wrdreg s12  }
0x27: {  	v0 =	vlaneseq.u32;
	s19 =	smov.u32 s9;
	p0 =	por $0x1, $0x1;
	[dreg:$0x6] =	wrdreg s14  }
.LBB2_30:
0x28: {  	s0 =	sshrl.u32 s29, $0x2  }
.LBB2_32:
0x29: {  	_ =	swait.ge [sflag:s17], s0  }
0x2a: {  	s31 =	ssub.s32 $0x0, s0;
	v1 =	vmov s23;
	vm0 =	veq.s32 v0, $0x0;
	[sflag:s17] =	ssyncset.done $0x0  }
0x2b: {  	vm15 =	veq.s32 v0, $0x2;
	v1 =	vsel vm0, s28, v1;
	[sflag:s17] =	ssyncadd.s32 s31  }
0x2c: {  	v1 =	vsel vm15, s21, v1;
	[sflag:s17] =	ssyncpa.u1 $0x1  }
0x2d: {  	[tilespmem:$0xC808] =	vst v1  }
.LBB2_33:
0x2e: {  	s0 =	sadd.s32 $0x30, s19  }
0x2f: {  	s2 =	smov.u32 s9;
	p2 =	slt.s32 s0, s10  }
0x30: {  	s2 =	smov.u32 @p2 s0;
	p2 =	sne.s32 s20, s14  }
.Ltmp2:
0x31: {  	_ = 	snop;
	(pc) =	sbr.rel @!p2 .LBB2_34-.Ltmp2, $4  }
0x32: {  	_ = 	snop  }
0x33: {  	s21 =	smov.u32 s18  }
0x34: {  	s31 =	sadd.s32 $0x1, s20;
	s18 =	smov.u32 s19;
	p0 =	por !p0, !p0  }
0x35: {  	p1 =	por !p1, !p1;
	s20 =	smov.u32 s31;
	s19 =	smov.u32 s2  }
.LBB2_3:
0x36: {  	p2 =	sge.u32 s20, s12  }
0x37: {  	s0 =	smulhi.u32 @!p2 $0xAAAAAAAB, s20  }
0x38: {  	s2 =	smov.u32 s19;
	p3 =	sgt.s32 @!p2 s19, $0x297E0  }
0x39: {  	s3 =	sshra.s32 @!p2 s19, $0x1F;
	p3 =	por !p3, p2;
	s0 =	sshrl.u32 @!p2 s0, $0x1  }
0x3a: {  	s3 =	sand.u32 @!p2 s3, s19;
	s2 =	simm.s32 @p3 $0x297E0;
	s0 =	smul.u32 @!p2 $0x3, s0  }
0x3b: {  	s2 =	ssub.s32 @!p2 s2, s3  }
0x3c: {  	s2 =	sadd.s32 @!p2 $0xFFFD6820, s2;
	s0 =	ssub.s32 @!p2 s20, s0  }
0x3d: {  	s3 =	sshll.u32 @!p2 s2, $0x2;
	p3 =	sgt.s32 @!p2 s2, $0x2F;
	s0 =	smul.u32 @!p2 $0xC0, s0  }
0x3e: {  	s8 =	sand.u32 @!p2 $0x7, s19;
	s2 =	ssub.s32 @!p2 $0xC0, s3;
	p3 =	por !p3, p2  }
0x3f: {  	s3 =	sshrl.u32 @!p2 s19, $0x3;
	s2 =	sshrl.u32 @!p2 s2, $0x2;
	s0 =	sshrl.u32 @!p2 s0, $0x2  }
0x40: {  	s3 =	sadd.s32 @!p2 s7, s3;
	s2 =	simm.s32 @!p3 $0x0;
	s0 =	sadd.s32 @!p2 $0x10838, s0  }
0x41: {  	[tilespmem:s0], [sflag:$0x8] =	stream.linear.gather @!p2 [hbm4b:s3+s8], s2, $0x38;
	[tilespmem:$0x1C928] =	vst v63  }
0x42: {  	s2 =	sadd.s32 $0xFFFFFFFF, s20  }
0x43: {  	p2 =	sge.u32 s2, s12  }
0x44: {  	p3 =	sgt.s32 @!p2 s18, $0x297E0  }
0x45: {  	s0 =	smov.u32 s18;
	s3 =	sshra.s32 @!p2 s18, $0x1F;
	p3 =	por !p3, p2  }
0x46: {  	s3 =	sand.u32 @!p2 s3, s18;
	s0 =	simm.s32 @p3 $0x297E0  }
0x47: {  	s0 =	ssub.s32 @!p2 s0, s3  }
0x48: {  	s0 =	sadd.s32 @!p2 $0xFFFD6820, s0  }
0x49: {  	s3 =	sshll.u32 @!p2 s0, $0x2  }
0x4a: {  	p3 =	sgt.s32 @!p2 s0, $0x2F;
	s0 =	ssub.s32 @!p2 $0xC0, s3  }
0x4b: {  	p3 =	por !p3, p2;
	s0 =	sshrl.u32 @!p2 s0, $0x2  }
0x4c: {  	s8 =	simm.s32 @!p2 $0x8;
	s3 =	sand.u32 @!p2 $0x1, s2;
	s0 =	simm.s32 @!p3 $0x0  }
0x4d: {  	s3 =	smul.u32 @!p2 $0xC0, s3;
	_ =	swait.ge @!p2 [sflag:s8], s0  }
0x4e: {  	s22 =	ssub.s32 @!p2 $0x0, s0;
	[sflag:s8] =	ssyncset.done @!p2 $0x0  }
0x4f: {  	s3 =	sshrl.u32 @!p2 s3, $0x2;
	[sflag:s8] =	ssyncadd.s32 @!p2 s22;
	s8 =	sshrl.u32 @!p2 s18, $0x3  }
0x50: {  	s3 =	sor.u32 @!p2 $0x108C8, s3;
	s22 =	sand.u32 @!p2 $0x7, s18;
	s8 =	sadd.s32 @!p2 s6, s8  }
0x51: {  	[tilespmem:s3], [sflag:$0x9] =	stream.linear.gather @!p2 [hbm4b:s8+s22], s0, $0x38;
	[tilespmem:$0x1C928] =	vst v63  }
0x52: {  	s0 =	ssub.s32 @!p2 $0x29810, s18  }
0x53: {  	p3 =	slt.s32 @!p2 s0, $0x1  }
0x54: {  	p3 =	por p2, p3  }
.Ltmp3:
0x55: {  	_ = 	snop;
	(pc) =	sbr.rel @p3 .LBB2_9-.Ltmp3, $1  }
0x56: {  	_ =	sdelay $0x3  }
0x57: {  	s3 =	smulhi.u32 $0xAAAAAAAB, s2;
	_ =	sdelay $0x1  }
0x58: {  	s3 =	sshrl.u32 s3, $0x1  }
0x59: {  	s3 =	smul.u32 $0x3, s3;
	_ =	sdelay $0x1  }
0x5a: {  	s29 =	ssub.s32 s2, s3  }
0x5b: {  	s8 =	simm.s32 $0x1;
	s2 =	smul.u32 $0xC0, s29  }
.Ltmp4:
0x5c: {  	s8 =	simm.s32 @!p0 $0x0;
	(pc) =	sbr.rel .LBB2_6-.Ltmp4, $4  }
0x5d: {  	s30 =	smul.u32 $0x18000, s8  }
0x5e: {  	p3 =	slt.s32 @!p2 s0, $0x30;
	s2 =	sshrl.u32 s2, $0x2  }
0x5f: {  	p2 =	por !p3, p2;
	s3 =	sshrl.u32 s30, $0x2;
	s31 =	sadd.s32 $0x10838, s2  }
0x60: {  	s0 =	simm.s32 @p2 $0x30;
	s22 =	sor.u32 $0x10928, s3;
	s2 =	simm.s32 $0x0;
	v1 =	vmov s31  }
.LBB2_5:
0x61: {  	p2 =	sge.s32 s2, s0  }
.Ltmp5:
0x62: {  	_ = 	snop;
	(pc) =	sbr.rel @p2 .LBB2_9-.Ltmp5, $2  }
0x63: {  	_ =	sdelay $0x2  }
0x64: {  	s22 =	sadd.s32 $0x2000, s22  }
.LBB2_6:
0x65: {  	p2 =	sle.s32 s0, s2  }
.Ltmp6:
0x66: {  	_ = 	snop;
	(pc) =	sbr.rel @p2 .LBB2_5-.Ltmp6, $2  }
0x67: {  	_ =	sdelay $0x2  }
0x68: {  	s3 =	smov.u32 s2;
	s2 =	sadd.s32 $0x10, s2  }
0x69: {  	s8 =	ssub.s32 s0, s3  }
0x6a: {  	p2 =	slt.s32 s8, $0x10  }
0x6b: {  	s8 =	simm.s32 @!p2 $0x10  }
0x6c: {  	v2 =	vmov s8  }
0x6d: {  	vm0 =	vgt.s32 v2, v0;
	_ =	sdelay $0x5  }
0x6e: {  	v2 =	vld.idx.msk [tilespmem:v1+s3+$0x0 ss:$0x1], vm0;
	_ =	sdelay $0x2  }
0x6f: {  	s23 =	smov.u32 s0;
	p2 =	slt.s32 s2, s0  }
0x70: {  	s24 =	smov.u32 s22;
	s25 =	simm.s32 $0x0;
	s23 =	smov.u32 @p2 s2  }
.LBB2_8:
0x71: {  	(v2sf) =	vpush v2, s25;
	_ =	sdelay $0xe  }
0x72: {  	s25 =	sadd.s32 $0x1, s25;
	s8 =	spop (v2sf)  }
0x73: {  	s31 =	sadd.s32 s25, s3;
	s26 =	sshll.u32 s8, $0x9;
	s8 =	sshll.u32 s8, $0x7  }
0x74: {  	p2 =	slt.s32 s31, s23;
	s26 =	sand.u32 $0xFFFFF000, s26;
	s8 =	sand.u32 $0x380, s8  }
.Ltmp7:
0x75: {  	s8 =	sor.u32 s8, s26;
	(pc) =	sbr.rel @p2 .LBB2_8-.Ltmp7, $4  }
0x76: {  	s8 =	sshrl.u32 s8, $0x3  }
0x77: {  	s8 =	sadd.s32 s4, s8  }
0x78: {  	[tilespmem:s24], [sflag:$0x7] =	stream.strided.gather [hbm4b:s8+s15], $0x200, s16, s15, $0x38;
	[tilespmem:$0x1C928] =	vst v63  }
0x79: {  	s24 =	sadd.s32 $0x200, s24  }
.Ltmp8:
0x7a: {  	_ = 	snop;
	(pc) =	sbr.rel .LBB2_5-.Ltmp8, $1  }
0x7b: {  	_ =	sdelay $0x3  }
.LBB2_9:
0x7c: {  	p2 =	slt.u32 s20, $0x2  }
.Ltmp9:
0x7d: {  	_ = 	snop;
	(pc) =	sbr.rel @p2 .LBB2_33-.Ltmp9, $1  }
0x7e: {  	_ =	sdelay $0x3  }
0x7f: {  	p2 =	sgt.s32 s21, $0x297E0;
	s0 =	smov.u32 s21  }
0x80: {  	s2 =	sshra.s32 s21, $0x1F;
	s3 =	ssub.s32 $0x29810, s21;
	s0 =	simm.s32 @!p2 $0x297E0  }
0x81: {  	s2 =	sand.u32 s2, s21;
	p2 =	slt.s32 s3, $0x30;
	s8 =	smov.u32 s3  }
0x82: {  	s0 =	ssub.s32 s0, s2;
	s8 =	simm.s32 @!p2 $0x30  }
0x83: {  	s0 =	sadd.s32 $0xFFFD6820, s0;
	s25 =	sshll.u32 s8, $0x9  }
0x84: {  	s5 =	simm.s32 $0x7;
	s26 =	sshll.u32 s0, $0x2;
	s2 =	sand.u32 $0x3FFFFE00, s25  }
0x85: {  	p2 =	sgt.s32 s0, $0x2F;
	s28 =	ssub.s32 $0xC0, s26;
	_ =	swait.ge [sflag:s5], s2  }
0x86: {  	s2 =	ssub.s32 $0x0, s2;
	[sflag:s5] =	ssyncset.done $0x0;
	s0 =	sshrl.u32 s28, $0x2  }
0x87: {  	s30 =	simm.s32 $0x9;
	[sflag:s5] =	ssyncadd.s32 s2;
	s0 =	simm.s32 @p2 $0x0  }
0x88: {  	_ =	swait.ge [sflag:s30], s0  }
0x89: {  	s0 =	ssub.s32 $0x0, s0;
	[sflag:s30] =	ssyncset.done $0x0  }
0x8a: {  	[sflag:s30] =	ssyncadd.s32 s0  }
0x8b: {  	v1 =	vld [tilespmem:$0xC808];
	_ =	sdelay $0x4  }
0x8c: {  	(v2sf) =	vpush v1, $0x0  }
0x8d: {  	(v2sf) =	vpush v1, $0x1  }
0x8e: {  	(v2sf) =	vpush v1, $0x2;
	_ =	sdelay $0x3  }
0x8f: {  	s0 =	sadd.s32 $0x30, s21  }
0x90: {  	p2 =	slt.s32 s10, s0  }
0x91: {  	s0 =	smov.u32 @p2 s10;
	p2 =	sgt.s32 s3, $0x0  }
0x92: {  	s22 =	ssub.s32 s0, s21;
	s3 =	simm.s32 @!p2 $0x0  }
0x93: {  	p2 =	slt.s32 s3, s22  }
0x94: {  	s22 =	smov.u32 @p2 s3  }
0x95: {  	s24 =	simm.s32 $0x1;
	p2 =	slt.s32 s22, $0x1  }
.Ltmp10:
0x96: {  	s24 =	simm.s32 @!p1 $0x0;
	(pc) =	sbr.rel @p2 .LBB2_14-.Ltmp10, $4  }
0x97: {  	s31 =	smul.u32 $0xC0, s24  }
0x98: {  	s0 =	spop (v2sf)  }
0x99: {  	s2 =	sshrl.u32 s31, $0x2;
	s25 =	spop (v2sf)  }
0x9a: {  	s29 =	sor.u32 $0x108C8, s2;
	s21 =	spop (v2sf)  }
0x9b: {  	s2 =	smin.u32 s22, $0x10  }
0x9c: {  	v1 =	vmov s2  }
0x9d: {  	vm1 =	vgt.u32 v1, v0  }
0x9e: {  	p3 =	sgt.s32 s22, $0x10  }
.Ltmp11:
0x9f: {  	_ = 	snop;
	(pc) =	sbr.rel @!p3 .LBB2_13-.Ltmp11, $2  }
0xa0: {  	_ =	sdelay $0x2  }
0xa1: {  	s3 =	simm.s32 $0x10;
	s23 =	sadd.s32 $0xFFFFFFF0, s22;
	s2 =	smov.u32 s29;
	vm0 =	vmmov vm1;
	v1 =	vld.msk [tilespmem:s29+$0x0 ss:$0x1], vm1  }
.LBB2_12:
0xa2: {  	s8 =	smin.u32 s23, $0x10;
	s3 =	sadd.s32 $0x10, s3  }
0xa3: {  	v2 =	vmov s8;
	p3 =	slt.s32 s3, s22  }
0xa4: {  	vm1 =	vgt.u32 v2, v0;
	_ =	sdelay $0x1  }
0xa5: {  	v2 =	vshll.u32 v1, $0x6;
	v1 =	vshll.u32 v1, $0x4  }
.Ltmp12:
0xa6: {  	v2 =	vand.u32 $0xFFFFFE00, v2;
	v1 =	vand.u32 $0x70, v1;
	(pc) =	sbr.rel @p3 .LBB2_12-.Ltmp12, $4  }
0xa7: {  	v1 =	vor.u32 v1, v2  }
0xa8: {  	[tilespmem:s2+$0x0] =	vst.msk vm0, v1;
	s2 =	sadd.s32 $0x10, s2;
	vm0 =	vmmov vm1  }
0xa9: {  	v1 =	vld.msk [tilespmem:s2+$0x0 ss:$0x1], vm1  }
0xaa: {  	s23 =	sadd.s32 $0xFFFFFFF0, s23  }
.LBB2_13:
0xab: {  	_ =	sdelay $0x3  }
0xac: {  	v2 =	vshll.u32 v1, $0x6;
	v1 =	vshll.u32 v1, $0x4  }
0xad: {  	v2 =	vand.u32 $0xFFFFFE00, v2;
	v1 =	vand.u32 $0x70, v1  }
0xae: {  	v1 =	vor.u32 v1, v2  }
0xaf: {  	[tilespmem:s2+$0x0] =	vst.msk vm0, v1  }
.LBB2_14:
0xb0: {  	s2 =	sand.u32 $0x1, s20  }
0xb1: {  	s2 =	smul.u32 $0x30, s2  }
0xb2: {  	p3 =	sne.s32 s25, $0xFFFFFFFF  }
0xb3: {  	v1 =	vld.msk @!p3 [tilespmem:s2+$0x108C8], $0x1;
	_ =	sdelay $0x4  }
0xb4: {  	(v2sf) =	vpush @!p3 v1, $0x0;
	_ =	sdelay $0xc  }
.Ltmp13:
0xb5: {  	_ = 	snop;
	(pc) =	sbr.rel @p2 .LBB2_31-.Ltmp13, $4  }
0xb6: {  	_ = 	snop  }
0xb7: {  	s26 =	spop @!p3 (v2sf)  }
0xb8: {  	s21 =	simm.s32 @!p3 $0x0;
	s23 =	smov.u32 s26  }
0xb9: {  	[sflag:s17] =	ssyncpa.u1 $0x0;
	s26 =	smov.u32 @p3 s0;
	s23 =	smov.u32 @p3 s25  }
0xba: {  	v1 =	vld.msk [tilespmem:s29+$0x0], $0x1;
	_ =	sdelay $0x4  }
0xbb: {  	(v2sf) =	vpush v1, $0x0;
	_ =	sdelay $0xe  }
0xbc: {  	s31 =	spop (v2sf)  }
0xbd: {  	s12 =	smov.u32 s7;
	s7 =	smov.u32 s6;
	p2 =	seq.s32 s26, s31  }
0xbe: {  	s0 =	smul.u32 $0x18000, s24;
	s28 =	sadd.s32 $0x108C8, s2;
	p3 =	sgt.s32 @!p2 s26, $0x0  }
0xbf: {  	s17 =	ssub.s32 $0x0, s22;
	s2 =	smov.u32 s26;
	p3 =	por !p3, p2  }
0xc0: {  	s25 =	simm.s32 $0x0;
	s29 =	sadd.s32 $0x1, s29;
	s2 =	simm.s32 @p3 $0x0  }
0xc1: {  	s30 =	sadd.s32 $0x1, s17;
	s0 =	sshrl.u32 s0, $0x2;
	s8 =	smin.u32 @!p2 s2, $0x8070  }
0xc2: {  	s3 =	simm.s32 @!p2 $0x6608;
	s2 =	sand.u32 @!p2 $0xFFF8, s8;
	s9 =	sadd.s32 @!p2 $0x80, s8  }
0xc3: {  	s5 =	sadd.s32 @!p2 s1, s2;
	s2 =	sand.u32 @!p2 $0x7, s8;
	s9 =	sand.u32 @!p2 $0x1FFF8, s9  }
0xc4: {  	[tilespmem:s3], [sflag:$0x2] =	stream.linear.gather @!p2 [hbm4b:s5+s2], $0x80, $0x38;
	[tilespmem:$0x1C928] =	vst v63  }
0xc5: {  	p3 =	seq.s32 s30, $0x0;
	s3 =	simm.s32 @!p2 $0x6688;
	s5 =	sadd.s32 @!p2 s1, s9  }
0xc6: {  	[tilespmem:s3], [sflag:$0x2] =	stream.linear.gather @!p2 [hbm4b:s5+s2], $0x80, $0x38;
	[tilespmem:$0x1C928] =	vst v63  }
.Ltmp14:
0xc7: {  	s24 =	sor.u32 $0x10928, s0;
	s10 =	sadd.s32 @!p2 $0x100, s8;
	(pc) =	sbr.rel @p3 .LBB2_17-.Ltmp14, $4  }
0xc8: {  	s0 =	simm.s32 @!p2 $0x1;
	s9 =	sand.u32 @!p2 $0x1FFF8, s10;
	s5 =	sadd.s32 @!p2 $0x180, s8  }
0xc9: {  	s3 =	simm.s32 @!p2 $0x6708;
	s8 =	sadd.s32 @!p2 s1, s9;
	s5 =	sand.u32 @!p2 $0x1FFF8, s5  }
0xca: {  	[tilespmem:s3], [sflag:$0x2] =	stream.linear.gather @!p2 [hbm4b:s8+s2], $0x80, $0x38;
	[tilespmem:$0x1C928] =	vst v63  }
0xcb: {  	s0 =	smov.u32 @p2 s25;
	s3 =	simm.s32 @!p2 $0x6788;
	s8 =	sadd.s32 @!p2 s1, s5  }
.LBB2_16:
0xcc: {  	s5 =	smov.u32 s0  }
0xcd: {  	[tilespmem:s3], [sflag:$0x2] =	stream.linear.gather @!p2 [hbm4b:s8+s2], $0x80, $0x38;
	[tilespmem:$0x1C928] =	vst v63  }
0xce: {  	s30 =	sadd.s32 $0x1, s30;
	s2 =	smov.u32 s31  }
0xcf: {  	p3 =	seq.s32 s30, $0x0;
	v1 =	vld.msk [tilespmem:s29+$0x0], $0x1;
	_ =	sdelay $0x4  }
0xd0: {  	(v2sf) =	vpush v1, $0x0;
	_ =	sdelay $0xe  }
0xd1: {  	s31 =	spop (v2sf)  }
0xd2: {  	p2 =	seq.s32 s2, s31  }
0xd3: {  	p4 =	sgt.s32 @!p2 s2, $0x0  }
0xd4: {  	s3 =	sshll.u32 @!p2 s0, $0xB;
	s0 =	sadd.s32 @!p2 $0x1, s0;
	p4 =	por !p4, p2  }
0xd5: {  	s3 =	sshra.s32 @!p2 s3, $0x2;
	s0 =	smov.u32 @p2 s5;
	s2 =	simm.s32 @p4 $0x0  }
0xd6: {  	s5 =	sadd.s32 @!p2 $0x6608, s3;
	s8 =	sadd.s32 @!p2 $0x6688, s3;
	s9 =	smin.u32 @!p2 s2, $0x8070  }
0xd7: {  	s10 =	sadd.s32 @!p2 $0x6708, s3;
	s3 =	sadd.s32 @!p2 $0x6788, s3;
	s2 =	sand.u32 @!p2 $0xFFF8, s9  }
0xd8: {  	s14 =	sadd.s32 @!p2 $0x80, s9;
	s6 =	sadd.s32 @!p2 $0x100, s9;
	s17 =	sadd.s32 @!p2 s1, s2  }
0xd9: {  	s2 =	sand.u32 @!p2 $0x7, s9;
	s14 =	sand.u32 @!p2 $0x1FFF8, s14;
	s6 =	sand.u32 @!p2 $0x1FFF8, s6  }
0xda: {  	[tilespmem:s5], [sflag:$0x2] =	stream.linear.gather @!p2 [hbm4b:s17+s2], $0x80, $0x38;
	[tilespmem:$0x1C928] =	vst v63  }
.Ltmp15:
0xdb: {  	s9 =	sadd.s32 @!p2 $0x180, s9;
	s5 =	sadd.s32 @!p2 s1, s14;
	(pc) =	sbr.rel @!p3 .LBB2_16-.Ltmp15, $4  }
0xdc: {  	[tilespmem:s8], [sflag:$0x2] =	stream.linear.gather @!p2 [hbm4b:s5+s2], $0x80, $0x38;
	[tilespmem:$0x1C928] =	vst v63  }
0xdd: {  	s5 =	sadd.s32 @!p2 s1, s6;
	s6 =	sand.u32 @!p2 $0x1FFF8, s9  }
0xde: {  	[tilespmem:s10], [sflag:$0x2] =	stream.linear.gather @!p2 [hbm4b:s5+s2], $0x80, $0x38;
	[tilespmem:$0x1C928] =	vst v63  }
0xdf: {  	s29 =	sadd.s32 $0x1, s29;
	s8 =	sadd.s32 @!p2 s1, s6  }
.LBB2_17:
0xe0: {  	[tilespmem:s3], [sflag:$0x2] =	stream.linear.gather @!p2 [hbm4b:s8+s2], $0x80, $0x38;
	[tilespmem:$0x1C928] =	vst v63  }
0xe1: {  	s0 =	sshll.u32 s0, $0x9  }
0xe2: {  	s31 =	simm.s32 $0x2;
	s0 =	sand.u32 $0x3FFFFE00, s0  }
.Ltmp16:
0xe3: {  	_ =	swait.ge [sflag:s31], s0;
	(pc) =	sbr.rel .LBB2_18-.Ltmp16, $4  }
0xe4: {  	s29 =	simm.s32 $0x0;
	s30 =	simm.s32 $0x0;
	s9 =	rddreg [dreg:$0x3]  }
0xe5: {  	s6 =	smov.u32 s7;
	s7 =	smov.u32 s12;
	s10 =	rddreg [dreg:$0x4]  }
0xe6: {  	s0 =	ssub.s32 $0x0, s0;
	[sflag:s31] =	ssyncset.done $0x0;
	s12 =	rddreg [dreg:$0x5]  }
0xe7: {  	v1 =	vmov s28;
	s17 =	simm.s32 $0xA;
	s14 =	rddreg [dreg:$0x6];
	[sflag:s31] =	ssyncadd.s32 s0  }
.LBB2_28:
0xe8: {  	[tilespmem:s0+$0x0] =	vst v2;
	s25 =	sadd.s32 $0x1, s25  }
.LBB2_29:
0xe9: {  	s30 =	sadd.s32 $0x1, s30  }
0xea: {  	p2 =	sne.s32 s30, s22  }
.Ltmp17:
0xeb: {  	_ = 	snop;
	(pc) =	sbr.rel @!p2 .LBB2_30-.Ltmp17, $2  }
0xec: {  	_ =	sdelay $0x2  }
0xed: {  	s24 =	sadd.s32 $0x200, s24;
	s26 =	smov.u32 s28  }
.LBB2_18:
0xee: {  	_ =	sdelay $0x3  }
0xef: {  	v2 =	vld.idx.msk [tilespmem:v1+s30+$0x0 ss:$0x1], $0x1;
	_ =	sdelay $0x4  }
0xf0: {  	(v2sf) =	vpush v2, $0x0;
	_ =	sdelay $0xe  }
0xf1: {  	s28 =	spop (v2sf)  }
0xf2: {  	p2 =	sne.s32 s26, s28  }
.Ltmp18:
0xf3: {  	_ = 	snop;
	(pc) =	sbr.rel @p2 .LBB2_22-.Ltmp18, $3  }
0xf4: {  	_ =	sdelay $0x1  }
0xf5: {  	s0 =	sshll.u32 s21, $0xB  }
0xf6: {  	s0 =	sshra.s32 s0, $0x2  }
0xf7: {  	s0 =	sadd.s32 $0x408, s0;
	s2 =	simm.s32 $0x0;
	v2 =	vld [tilespmem:s24+$0x0];
	s3 =	smov.u32 s24  }
.LBB2_20:
0xf8: {  	s2 =	sadd.s32 $0x10, s2  }
0xf9: {  	p2 =	slt.u32 s2, $0x1F0  }
.Ltmp19:
0xfa: {  	_ = 	snop;
	(pc) =	sbr.rel @p2 .LBB2_20-.Ltmp19, $3  }
0xfb: {  	_ =	sdelay $0x1  }
0xfc: {  	s3 =	sadd.s32 $0x10, s3;
	[tilespmem:s0+$0x0] =	vst.add.f32.msk $0xffff, v2;
	s0 =	sadd.s32 $0x10, s0  }
0xfd: {  	v2 =	vld [tilespmem:s3+$0x0]  }
.Ltmp20:
0xfe: {  	_ = 	snop;
	(pc) =	sbr.rel .LBB2_29-.Ltmp20, $2  }
0xff: {  	_ =	sdelay $0x2  }
0x100: {  	[tilespmem:s0+$0x0] =	vst.add.f32.msk $0xffff, v2  }
.LBB2_22:
0x101: {  	p2 =	seq.s32 s26, s23  }
.Ltmp21:
0x102: {  	_ = 	snop;
	(pc) =	sbr.rel @!p2 .LBB2_23-.Ltmp21, $1  }
0x103: {  	_ =	sdelay $0x3  }
.Ltmp22:
0x104: {  	s0 =	sadd.s32 $0x408, s0;
	(pc) =	sbr.rel .LBB2_26-.Ltmp22, $4  }
0x105: {  	[spmem:s13] =	stream.linear.scatter [tilespmem:s0], [sflag:$0x1], $0x200, $0x38;
	[tilespmem:$0x1C928] =	vst v63  }
0x106: {  	_ =	swait.ge [sflag:s11], $0x200  }
0x107: {  	[sflag:s11] =	ssyncset.done $0x0  }
0x108: {  	[sflag:s11] =	ssyncadd.s32 $0xFFFFFE00  }
.LBB2_23:
0x109: {  	s2 =	sshll.u32 s25, $0xB  }
0x10a: {  	s2 =	sshra.s32 s2, $0x2  }
0x10b: {  	s3 =	sadd.s32 $0x6608, s2;
	s2 =	sadd.s32 $0x408, s0  }
0x10c: {  	s8 =	simm.s32 $0x0;
	v2 =	vld [tilespmem:s3+$0x0];
	s31 =	smov.u32 s2  }
.LBB2_24:
0x10d: {  	s8 =	sadd.s32 $0x10, s8  }
0x10e: {  	p2 =	slt.u32 s8, $0x1F0  }
.Ltmp23:
0x10f: {  	_ = 	snop;
	(pc) =	sbr.rel @p2 .LBB2_24-.Ltmp23, $3  }
0x110: {  	_ =	sdelay $0x1  }
0x111: {  	s3 =	sadd.s32 $0x10, s3;
	[tilespmem:s31+$0x0] =	vst.add.f32.msk $0xffff, v2;
	s31 =	sadd.s32 $0x10, s31  }
0x112: {  	v2 =	vld [tilespmem:s3+$0x0]  }
0x113: {  	_ =	sdelay $0x1  }
0x114: {  	p2 =	sgt.u32 s26, $0x8070  }
0x115: {  	s3 =	sand.u32 @!p2 $0xFFF8, s26  }
0x116: {  	s5 =	sand.u32 @!p2 $0x7, s26;
	s3 =	sadd.s32 @!p2 s1, s3;
	[tilespmem:s31+$0x0] =	vst.add.f32.msk $0xffff, v2  }
0x117: {  	[hbm4b:s3+s5] =	stream.linear.scatter @!p2 [tilespmem:s2], [sflag:$0xA], $0x80, $0x38;
	[tilespmem:$0x1C928] =	vst v63  }
0x118: {  	s2 =	sadd.s32 @!p2 $0x80, s26  }
0x119: {  	s2 =	sand.u32 @!p2 $0x1FFF8, s2  }
0x11a: {  	s3 =	sadd.s32 @!p2 $0x488, s0;
	s2 =	sadd.s32 @!p2 s1, s2  }
0x11b: {  	[hbm4b:s2+s5] =	stream.linear.scatter @!p2 [tilespmem:s3], [sflag:$0xA], $0x80, $0x38;
	[tilespmem:$0x1C928] =	vst v63  }
0x11c: {  	s2 =	sadd.s32 @!p2 $0x100, s26  }
0x11d: {  	s2 =	sand.u32 @!p2 $0x1FFF8, s2  }
0x11e: {  	s3 =	sadd.s32 @!p2 $0x508, s0;
	s2 =	sadd.s32 @!p2 s1, s2  }
0x11f: {  	[hbm4b:s2+s5] =	stream.linear.scatter @!p2 [tilespmem:s3], [sflag:$0xA], $0x80, $0x38;
	[tilespmem:$0x1C928] =	vst v63  }
0x120: {  	s2 =	sadd.s32 @!p2 $0x180, s26;
	s3 =	simm.s32 $0x0  }
0x121: {  	s2 =	sand.u32 @!p2 $0x1FFF8, s2;
	s3 =	simm.s32 @!p2 $0x800  }
0x122: {  	s0 =	sadd.s32 @!p2 $0x588, s0;
	s2 =	sadd.s32 @!p2 s1, s2;
	s29 =	sadd.s32 s3, s29  }
0x123: {  	[hbm4b:s2+s5] =	stream.linear.scatter @!p2 [tilespmem:s0], [sflag:$0xA], $0x80, $0x38;
	[tilespmem:$0x1C928] =	vst v63  }
.LBB2_26:
0x124: {  	s0 =	sadd.s32 $0x1, s21  }
0x125: {  	s2 =	smulhi.u32 $0xAAAAAAAB, s0;
	_ =	sdelay $0x1  }
0x126: {  	s2 =	sshrl.u32 s2, $0x5  }
0x127: {  	s2 =	smul.u32 $0x30, s2;
	_ =	sdelay $0x1  }
0x128: {  	s21 =	ssub.s32 s0, s2  }
0x129: {  	s0 =	sshll.u32 s21, $0x9  }
0x12a: {  	v2 =	vld [tilespmem:s24+$0x0];
	s3 =	smov.u32 s24;
	s2 =	simm.s32 $0x0;
	s0 =	sadd.s32 $0x408, s0  }
.LBB2_27:
0x12b: {  	s2 =	sadd.s32 $0x10, s2  }
0x12c: {  	p2 =	slt.u32 s2, $0x1F0  }
.Ltmp24:
0x12d: {  	_ = 	snop;
	(pc) =	sbr.rel @p2 .LBB2_27-.Ltmp24, $3  }
0x12e: {  	_ =	sdelay $0x1  }
0x12f: {  	[tilespmem:s0+$0x0] =	vst v2;
	s0 =	sadd.s32 $0x10, s0;
	s3 =	sadd.s32 $0x10, s3  }
0x130: {  	v2 =	vld [tilespmem:s3+$0x0]  }
.Ltmp25:
0x131: {  	_ = 	snop;
	(pc) =	sbr.rel .LBB2_28-.Ltmp25, $1  }
0x132: {  	_ =	sdelay $0x3  }
.LBB2_31:
.Ltmp26:
0x133: {  	(pc) =	sbr.rel .LBB2_32-.Ltmp26, $4  }
0x134: {  	_ = 	snop  }
0x135: {  	s0 =	simm.s32 $0x2  }
0x136: {  	_ =	swait.ge [sflag:s0], $0x0  }
0x137: {  	s28 =	smov.u32 s26;
	[sflag:s0] =	ssyncset.done $0x0;
	s0 =	simm.s32 $0x0  }
.LBB2_34:
0x138: {  	_ =	sfence.sel $0x180000  }
0x139: {  	s0 =	simm.s32 $0x7;
	[bflag:$0x0] =	sbarrier.arrive $0xFFFF  }
0x13a: {  	s25 =	simm.s32 $0x8;
	[sflag:s0] =	ssyncpa.u1 $0x1  }
0x13b: {  	s26 =	simm.s32 $0x9;
	[sflag:s25] =	ssyncpa.u1 $0x1  }
0x13c: {  	s28 =	simm.s32 $0x2;
	[sflag:s26] =	ssyncpa.u1 $0x1  }
0x13d: {  	[sflag:s28] =	ssyncpa.u1 $0x1  }
0x13e: {  	v0 =	vld [tilespmem:$0xC808];
	_ =	sdelay $0x4  }
0x13f: {  	(v2sf) =	vpush v0, $0x0  }
0x140: {  	(v2sf) =	vpush v0, $0x1;
	_ =	sdelay $0x1  }
0x141: {  	(v2sf) =	vpush v0, $0x2;
	_ =	sdelay $0xb  }
0x142: {  	s0 =	spop (v2sf)  }
0x143: {  	s2 =	spop (v2sf)  }
0x144: {  	s3 =	smov.u32 s0;
	p0 =	sne.s32 s0, s2  }
0x145: {  	s4 =	spop (v2sf);
	s3 =	simm.s32 @!p0 $0xFFFFFFFF  }
0x146: {  	v2 =	vimm.s32 $0x1;
	v3 =	vlaneseq.u32;
	p0 =	seq.s32 s4, $0xFFFFFFFF;
	v1 =	vmov s3  }
0x147: {  	s7 =	stileid.u32;
	v0 =	vperm.xlane v0, v2;
	p1 =	sne.s32 @!p0 s0, s2;
	v1 =	vperm.xlane v1, v3  }
0x148: {  	vm0 =	vcmask $0x3F04;
	s6 =	simm.s32 $0xC808;
	s0 =	simm.s32 @!p0 $0x1;
	p1 =	por !p1, p0  }
0x149: {  	s3 =	sshll.u32 s7, $0x1;
	s2 =	sshll.u32 @!p0 s4, $0xB;
	s0 =	simm.s32 @p1 $0x0;
	v0 =	vsel vm0, v1, v0  }
0x14a: {  	s5 =	sor.u32 $0x4000, s3;
	s2 =	sshra.s32 @!p0 s2, $0x2;
	s0 =	sor.u32 @!p0 s0, s3;
	[tilespmem:$0xC808] =	vst v0  }
0x14b: {  	[spmem:s5] =	stream.linear.scatter [tilespmem:s6], [sflag:$0x1], $0x2, $0x38;
	[tilespmem:$0x1C928] =	vst v63  }
0x14c: {  	s2 =	sadd.s32 @!p0 $0x408, s2;
	s0 =	sshll.u32 @!p0 s0, $0x9  }
0x14d: {  	[spmem:s0] =	stream.linear.scatter @!p0 [tilespmem:s2], [sflag:$0x1], $0x200, $0x38;
	[tilespmem:$0x1C928] =	vst v63  }
0x14e: {  	s2 =	simm.s32 @!p0 $0x202  }
0x14f: {  	s0 =	simm.s32 $0x1;
	s2 =	simm.s32 @p0 $0x2  }
0x150: {  	_ =	swait.ge [sflag:s0], s2  }
0x151: {  	s2 =	ssub.s32 $0x0, s2;
	[sflag:s0] =	ssyncset.done $0x0  }
0x152: {  	[sflag:s0] =	ssyncadd.s32 s2  }
0x153: {  	_ =	sfence.stream.spmem  }
0x154: {  	s29 =	simm.s32 $0x3;
	[bflag:$0x0] =	sbarrier.arrive $0xFFFF  }
0x155: {  	s30 =	simm.s32 $0x4;
	[sflag:s29] =	ssyncpa.u1 $0x1  }
0x156: {  	s31 =	simm.s32 $0x3C;
	[sflag:s30] =	ssyncpa.u1 $0x1  }
0x157: {  	p0 =	sne.s32 s7, $0x0;
	[sflag:s31] =	ssyncpa.u1 $0x1  }
0x158: {  	_ =	sfence @p0  }
0x159: {  	[sflag:s0] =	ssyncpa.u1 @p0 $0x1  }
0x15a: {  	_ =	strace @p0 $0x90000068  }
0x15b: {  	[bflag:$0x2] =	sbarrier.arrive @p0 $0xFFFF  }
0x15c: {  	_ =	shalt @p0  }
.LBB2_35:
0x15d: {  	_ =	sfence.stream.spmem;
	s0 =	simm.s32 $0x5  }
0x15e: {  	s2 =	simm.s32 $0x4000;
	s3 =	simm.s32 $0xC818;
	[sflag:s0] =	ssyncpa.u1 $0x0  }
0x15f: {  	[tilespmem:s3], [sflag:$0x5] =	stream.linear.gather [spmem:s2], $0x20, $0x38;
	[tilespmem:$0x1C928] =	vst v63  }
0x160: {  	s2 =	simm.s32 $0x0;
	s3 =	simm.s32 $0xC838  }
0x161: {  	[tilespmem:s3], [sflag:$0x5] =	stream.linear.gather [spmem:s2], $0x4000, $0x38;
	[tilespmem:$0x1C928] =	vst v63  }
.Ltmp27:
0x162: {  	_ = 	snop;
	(pc) =	sbr.rel .LBB2_36-.Ltmp27, $4  }
0x163: {  	_ =	swait.ge [sflag:s0], $0x4020  }
0x164: {  	s4 =	simm.s32 $0x6;
	[sflag:s0] =	ssyncset.done $0x0  }
0x165: {  	s5 =	simm.s32 $0xC688;
	s6 =	simm.s32 $0xC708;
	[sflag:s0] =	ssyncadd.s32 $0xFFFFBFE0  }
0x166: {  	s7 =	simm.s32 $0xC788;
	s8 =	simm.s32 $0x0;
	[sflag:s4] =	ssyncpa.u1 $0x0  }
.LBB2_51:
0x167: {  	s8 =	sadd.s32 $0x1, s8  }
0x168: {  	p0 =	sne.s32 s8, $0x20  }
.Ltmp28:
0x169: {  	_ = 	snop;
	(pc) =	sbr.rel @!p0 .LBB2_52-.Ltmp28, $2  }
0x16a: {  	_ =	sdelay $0x2  }
0x16b: {  	s3 =	sadd.s32 $0x200, s3  }
.LBB2_36:
0x16c: {  	v0 =	vld.msk [tilespmem:s8+$0xC818], $0x1;
	_ =	sdelay $0x4  }
0x16d: {  	(v2sf) =	vpush v0, $0x0;
	_ =	sdelay $0xe  }
0x16e: {  	s9 =	spop (v2sf)  }
0x16f: {  	p0 =	seq.s32 s9, $0xFFFFFFFF  }
.Ltmp29:
0x170: {  	_ = 	snop;
	(pc) =	sbr.rel @p0 .LBB2_51-.Ltmp29, $1  }
0x171: {  	_ =	sdelay $0x3  }
0x172: {  	p0 =	slt.s32 s2, $0x1  }
.Ltmp30:
0x173: {  	_ = 	snop;
	(pc) =	sbr.rel @p0 .LBB2_44-.Ltmp30, $1  }
0x174: {  	_ =	sdelay $0x3  }
0x175: {  	s0 =	simm.s32 $0xC818;
	p0 =	por $0x0, $0x0  }
0x176: {  	v1 =	vld.msk @!p0 [tilespmem:s0+$0x0], $0x1;
	_ =	sdelay $0x4  }
0x177: {  	(v2sf) =	vpush @!p0 v1, $0x0;
	_ =	sdelay $0xd  }
0x178: {  	p2 =	sne.s32 s2, $0x1  }
.Ltmp31:
0x179: {  	s10 =	spop @!p0 (v2sf);
	(pc) =	sbr.rel @!p2 .LBB2_40-.Ltmp31, $4  }
0x17a: {  	p1 =	seq.s32 @!p0 s9, s10  }
0x17b: {  	s10 =	simm.s32 $0x0;
	p1 =	por !p1, p0  }
0x17c: {  	s12 =	simm.s32 $0xFFFFFFFF;
	s10 =	simm.s32 @p1 $0xFFFFFFFF  }
0x17d: {  	s11 =	simm.s32 $0x1;
	s10 =	smov.u32 @p0 s12  }
.LBB2_39:
0x17e: {  	s12 =	smov.u32 s10;
	p0 =	sne.s32 s10, $0xFFFFFFFF  }
0x17f: {  	s0 =	sadd.s32 $0x1, s0;
	s10 =	smov.u32 s11;
	s11 =	sadd.s32 $0x1, s11  }
0x180: {  	p1 =	sne.s32 s2, s11;
	v1 =	vld.msk @!p0 [tilespmem:s0+$0x0], $0x1;
	_ =	sdelay $0x4  }
0x181: {  	(v2sf) =	vpush @!p0 v1, $0x0;
	_ =	sdelay $0xe  }
.Ltmp32:
0x182: {  	s13 =	spop @!p0 (v2sf);
	(pc) =	sbr.rel @p1 .LBB2_39-.Ltmp32, $4  }
0x183: {  	p2 =	seq.s32 @!p0 s9, s13  }
0x184: {  	p2 =	por !p2, p0  }
0x185: {  	s10 =	simm.s32 @p2 $0xFFFFFFFF  }
0x186: {  	s10 =	smov.u32 @p0 s12  }
.LBB2_40:
0x187: {  	p0 =	seq.s32 s10, $0xFFFFFFFF  }
.Ltmp33:
0x188: {  	_ = 	snop;
	(pc) =	sbr.rel @p0 .LBB2_44-.Ltmp33, $1  }
0x189: {  	_ =	sdelay $0x3  }
0x18a: {  	s0 =	sshll.u32 s10, $0xB  }
0x18b: {  	s0 =	sshra.s32 s0, $0x2  }
0x18c: {  	s9 =	simm.s32 $0x0;
	v0 =	vld [tilespmem:s3+$0x0];
	s10 =	smov.u32 s3;
	s0 =	sadd.s32 $0xC838, s0  }
.LBB2_42:
0x18d: {  	s9 =	sadd.s32 $0x10, s9  }
0x18e: {  	p0 =	slt.u32 s9, $0x1F0  }
.Ltmp34:
0x18f: {  	_ = 	snop;
	(pc) =	sbr.rel @p0 .LBB2_42-.Ltmp34, $3  }
0x190: {  	_ =	sdelay $0x1  }
0x191: {  	s10 =	sadd.s32 $0x10, s10;
	[tilespmem:s0+$0x0] =	vst.add.f32.msk $0xffff, v0;
	s0 =	sadd.s32 $0x10, s0  }
0x192: {  	v0 =	vld [tilespmem:s10+$0x0]  }
.Ltmp35:
0x193: {  	_ = 	snop;
	(pc) =	sbr.rel .LBB2_51-.Ltmp35, $2  }
0x194: {  	_ =	sdelay $0x2  }
0x195: {  	[tilespmem:s0+$0x0] =	vst.add.f32.msk $0xffff, v0  }
.LBB2_44:
0x196: {  	p0 =	sgt.u32 s9, $0x8070  }
.Ltmp36:
0x197: {  	_ = 	snop;
	(pc) =	sbr.rel @p0 .LBB2_48-.Ltmp36, $1  }
0x198: {  	_ =	sdelay $0x3  }
0x199: {  	s0 =	sand.u32 $0xFFF8, s9;
	s11 =	sand.u32 $0x7, s9  }
0x19a: {  	s29 =	sadd.s32 $0x80, s9;
	s10 =	sadd.s32 s1, s0;
	s0 =	simm.s32 $0xC608  }
0x19b: {  	[tilespmem:s0], [sflag:$0x6] =	stream.linear.gather [hbm4b:s10+s11], $0x80, $0x38;
	[tilespmem:$0x1C928] =	vst v63  }
0x19c: {  	s10 =	sand.u32 $0x1FFF8, s29  }
0x19d: {  	s30 =	sadd.s32 $0x100, s9;
	s10 =	sadd.s32 s1, s10  }
0x19e: {  	[tilespmem:s5], [sflag:$0x6] =	stream.linear.gather [hbm4b:s10+s11], $0x80, $0x38;
	[tilespmem:$0x1C928] =	vst v63  }
0x19f: {  	s31 =	sadd.s32 $0x180, s9;
	s10 =	sand.u32 $0x1FFF8, s30  }
0x1a0: {  	s9 =	sand.u32 $0x1FFF8, s31;
	s10 =	sadd.s32 s1, s10  }
0x1a1: {  	[tilespmem:s6], [sflag:$0x6] =	stream.linear.gather [hbm4b:s10+s11], $0x80, $0x38;
	[tilespmem:$0x1C928] =	vst v63  }
0x1a2: {  	s9 =	sadd.s32 s1, s9  }
0x1a3: {  	[tilespmem:s7], [sflag:$0x6] =	stream.linear.gather [hbm4b:s9+s11], $0x80, $0x38;
	[tilespmem:$0x1C928] =	vst v63  }
0x1a4: {  	_ =	swait.ge [sflag:s4], $0x200  }
0x1a5: {  	[sflag:s4] =	ssyncset.done $0x0  }
0x1a6: {  	[sflag:s4] =	ssyncadd.s32 $0xFFFFFE00  }
0x1a7: {  	s10 =	smov.u32 s3;
	s9 =	simm.s32 $0x0;
	v1 =	vld [tilespmem:s0+$0x0]  }
.LBB2_46:
0x1a8: {  	s9 =	sadd.s32 $0x10, s9  }
0x1a9: {  	p0 =	slt.u32 s9, $0x1F0  }
.Ltmp37:
0x1aa: {  	_ = 	snop;
	(pc) =	sbr.rel @p0 .LBB2_46-.Ltmp37, $3  }
0x1ab: {  	_ =	sdelay $0x1  }
0x1ac: {  	s0 =	sadd.s32 $0x10, s0;
	[tilespmem:s10+$0x0] =	vst.add.f32.msk $0xffff, v1;
	s10 =	sadd.s32 $0x10, s10  }
0x1ad: {  	v1 =	vld [tilespmem:s0+$0x0]  }
0x1ae: {  	_ =	sdelay $0x3  }
0x1af: {  	[tilespmem:s10+$0x0] =	vst.add.f32.msk $0xffff, v1  }
.LBB2_48:
0x1b0: {  	s0 =	sshll.u32 s2, $0xB  }
0x1b1: {  	[tilespmem:s2+$0xC818] =	vst.msk $0x1, v0;
	s0 =	sshra.s32 s0, $0x2  }
0x1b2: {  	s9 =	simm.s32 $0x0;
	s10 =	smov.u32 s3;
	v0 =	vld [tilespmem:s3+$0x0];
	s0 =	sadd.s32 $0xC838, s0  }
.LBB2_49:
0x1b3: {  	s9 =	sadd.s32 $0x10, s9  }
0x1b4: {  	p0 =	slt.u32 s9, $0x1F0  }
.Ltmp38:
0x1b5: {  	_ = 	snop;
	(pc) =	sbr.rel @p0 .LBB2_49-.Ltmp38, $3  }
0x1b6: {  	_ =	sdelay $0x1  }
0x1b7: {  	s10 =	sadd.s32 $0x10, s10;
	[tilespmem:s0+$0x0] =	vst v0;
	s0 =	sadd.s32 $0x10, s0  }
0x1b8: {  	v0 =	vld [tilespmem:s10+$0x0]  }
.Ltmp39:
0x1b9: {  	_ = 	snop;
	(pc) =	sbr.rel .LBB2_51-.Ltmp39, $2  }
0x1ba: {  	_ =	sdelay $0x2  }
0x1bb: {  	s2 =	sadd.s32 $0x1, s2;
	[tilespmem:s0+$0x0] =	vst v0  }
.LBB2_52:
0x1bc: {  	p0 =	slt.s32 s2, $0x1  }
.Ltmp40:
0x1bd: {  	_ = 	snop;
	(pc) =	sbr.rel @p0 .LBB2_56-.Ltmp40, $3  }
0x1be: {  	_ =	sdelay $0x1  }
0x1bf: {  	s0 =	simm.s32 $0x6  }
0x1c0: {  	s3 =	simm.s32 $0x0;
	[sflag:s0] =	ssyncpa.u1 $0x1  }
0x1c1: {  	s0 =	simm.s32 $0xC818  }
0x1c2: {  	v0 =	vld.msk [tilespmem:s0+$0x0], $0x1;
	_ =	sdelay $0x4  }
0x1c3: {  	(v2sf) =	vpush v0, $0x0;
	_ =	sdelay $0xe  }
0x1c4: {  	s7 =	spop (v2sf)  }
0x1c5: {  	s4 =	simm.s32 $0xC838;
	p0 =	sgt.u32 s7, $0x8070  }
0x1c6: {  	s2 =	sadd.s32 $0xFFFFFFFF, s2;
	s0 =	sand.u32 @!p0 $0xFFF8, s7;
	s5 =	sadd.s32 @!p0 $0x80, s7  }
0x1c7: {  	s9 =	sadd.s32 @!p0 s1, s0;
	s0 =	sand.u32 @!p0 $0x7, s7;
	s5 =	sand.u32 @!p0 $0x1FFF8, s5  }
0x1c8: {  	[hbm4b:s9+s0] =	stream.linear.scatter @!p0 [tilespmem:s4], [sflag:$0x5], $0x80, $0x38;
	[tilespmem:$0x1C928] =	vst v63  }
0x1c9: {  	p1 =	sne.s32 s2, $0x0;
	s4 =	simm.s32 @!p0 $0xC8B8;
	s5 =	sadd.s32 @!p0 s1, s5  }
0x1ca: {  	[hbm4b:s5+s0] =	stream.linear.scatter @!p0 [tilespmem:s4], [sflag:$0x5], $0x80, $0x38;
	[tilespmem:$0x1C928] =	vst v63  }
.Ltmp41:
0x1cb: {  	s6 =	simm.s32 $0x0;
	s8 =	sadd.s32 @!p0 $0x100, s7;
	(pc) =	sbr.rel @!p1 .LBB2_55-.Ltmp41, $4  }
0x1cc: {  	s6 =	simm.s32 @!p0 $0x800;
	s8 =	sand.u32 @!p0 $0x1FFF8, s8;
	s4 =	simm.s32 @!p0 $0xC938  }
0x1cd: {  	s5 =	sadd.s32 @!p0 s1, s8;
	s8 =	sadd.s32 @!p0 $0x180, s7;
	s7 =	simm.s32 @!p0 $0xC9B8  }
0x1ce: {  	[hbm4b:s5+s0] =	stream.linear.scatter @!p0 [tilespmem:s4], [sflag:$0x5], $0x80, $0x38;
	[tilespmem:$0x1C928] =	vst v63  }
0x1cf: {  	s8 =	sand.u32 @!p0 $0x1FFF8, s8;
	s4 =	simm.s32 $0xC819;
	s5 =	simm.s32 $0xCA38  }
.LBB2_54:
0x1d0: {  	s2 =	sadd.s32 $0xFFFFFFFF, s2;
	s8 =	sadd.s32 @!p0 s1, s8;
	s3 =	sadd.s32 s3, s6  }
0x1d1: {  	[hbm4b:s8+s0] =	stream.linear.scatter @!p0 [tilespmem:s7], [sflag:$0x5], $0x80, $0x38;
	[tilespmem:$0x1C928] =	vst v63  }
0x1d2: {  	p1 =	sne.s32 s2, $0x0;
	s7 =	smov.u32 s5;
	v0 =	vld.msk [tilespmem:s4+$0x0], $0x1;
	_ =	sdelay $0x4  }
0x1d3: {  	(v2sf) =	vpush v0, $0x0;
	_ =	sdelay $0xe  }
0x1d4: {  	s6 =	spop (v2sf)  }
0x1d5: {  	s5 =	sadd.s32 $0x200, s5;
	s4 =	sadd.s32 $0x1, s4;
	p0 =	sgt.u32 s6, $0x8070  }
0x1d6: {  	s0 =	sand.u32 @!p0 $0xFFF8, s6;
	s8 =	sadd.s32 @!p0 $0x80, s6;
	s9 =	sadd.s32 @!p0 $0x100, s6  }
0x1d7: {  	s10 =	sadd.s32 @!p0 s1, s0;
	s0 =	sand.u32 @!p0 $0x7, s6;
	s8 =	sand.u32 @!p0 $0x1FFF8, s8  }
0x1d8: {  	[hbm4b:s10+s0] =	stream.linear.scatter @!p0 [tilespmem:s7], [sflag:$0x5], $0x80, $0x38;
	[tilespmem:$0x1C928] =	vst v63  }
0x1d9: {  	s9 =	sand.u32 @!p0 $0x1FFF8, s9;
	s10 =	sadd.s32 @!p0 $0x80, s7  }
.Ltmp42:
0x1da: {  	s8 =	sadd.s32 @!p0 s1, s8;
	s9 =	sadd.s32 @!p0 s1, s9;
	(pc) =	sbr.rel @p1 .LBB2_54-.Ltmp42, $4  }
0x1db: {  	[hbm4b:s8+s0] =	stream.linear.scatter @!p0 [tilespmem:s10], [sflag:$0x5], $0x80, $0x38;
	[tilespmem:$0x1C928] =	vst v63  }
0x1dc: {  	s8 =	sadd.s32 @!p0 $0x100, s7;
	s10 =	sadd.s32 @!p0 $0x180, s6;
	s6 =	simm.s32 $0x0  }
0x1dd: {  	[hbm4b:s9+s0] =	stream.linear.scatter @!p0 [tilespmem:s8], [sflag:$0x5], $0x80, $0x38;
	[tilespmem:$0x1C928] =	vst v63  }
0x1de: {  	s7 =	sadd.s32 @!p0 $0x180, s7;
	s6 =	simm.s32 @!p0 $0x800;
	s8 =	sand.u32 @!p0 $0x1FFF8, s10  }
.LBB2_55:
0x1df: {  	s1 =	sadd.s32 @!p0 s1, s8;
	s31 =	sadd.s32 s3, s6  }
0x1e0: {  	[hbm4b:s1+s0] =	stream.linear.scatter @!p0 [tilespmem:s7], [sflag:$0x5], $0x80, $0x38;
	[tilespmem:$0x1C928] =	vst v63  }
0x1e1: {  	s3 =	sshrl.u32 s31, $0x2  }
.LBB2_56:
0x1e2: {  	s0 =	simm.s32 $0x5  }
0x1e3: {  	_ =	swait.ge [sflag:s0], s3  }
0x1e4: {  	s1 =	ssub.s32 $0x0, s3;
	[sflag:s0] =	ssyncset.done $0x0  }
0x1e5: {  	[sflag:s0] =	ssyncadd.s32 s1  }
0x1e6: {  	[sflag:s0] =	ssyncpa.u1 $0x1  }
0x1e7: {  	s30 =	simm.s32 $0x1;
	_ =	sfence  }
0x1e8: {  	[sflag:s30] =	ssyncpa.u1 $0x1  }
0x1e9: {  	_ =	strace $0x90000068  }
0x1ea: {  	[bflag:$0x2] =	sbarrier.arrive $0xFFFF  }
0x1eb: {  	s31 =	rddreg [dreg:$0x2]  }
0x1ec: {  	s0 =	sadd.s32 $0x100000, s31  }
0x1ed: {  	[sflag:s0] =	ssyncadd.tile.s32 $0x1;
	_ =	shalt  }
.Lfunc_end2:
_tile_overlayer_lowered:
.L_overlay_start_2:
0x1ee: {  	(tag) =	ssettag $0x2  }
0x1ef: {  	s0 =	rddreg [dreg:$0x0];
	s2 =	stileid.u32  }
0x1f0: {  	s1 =	rddreg [dreg:$0x1];
	p0 =	sne.s32 s2, $0x0  }
0x1f1: {  	s3 =	rddreg [dreg:$0x2];
	[bflag:$0x3] =	sbarrier.arrive $0xFFFF;
	s2 =	simm.s32 @!p0 $0x1C01  }
0x1f2: {  	[timem:s3], [sflag:s2] =	dma.local @!p0 [hbm:s0], s1  }
0x1f3: {  	s0 =	simm.s32 @!p0 $0x1  }
0x1f4: {  	_ =	swait.ge @!p0 [sflag:s0], s1  }
0x1f5: {  	s1 =	ssub.s32 @!p0 $0x0, s1;
	[sflag:s0] =	ssyncset.done @!p0 $0x0  }
0x1f6: {  	[sflag:s0] =	ssyncadd.s32 @!p0 s1  }
0x1f7: {  	[bflag:$0x3] =	sbarrier.arrive $0xFFFF  }
0x1f8: {  	_ =	shalt  }

// kernel: scatter_offload_async_start.8
scs
__scs_entry_jumppad:
0x0: {  	(pc) =	sbr.rel $0x88, $3  }
0x1: {  	(tag) =	ssettag $0x0;
	lr =	simm.s32 $0x1  }
0x2: {  	[smem:$0x3F94] =	sst lr;
	_ =	strace $0xD0000000  }
0x3: {  	_ = 	snop  }
0x4: {  	_ = 	snop  }
0x5: {  	_ = 	snop  }
0x6: {  	_ = 	snop  }
0x7: {  	_ = 	snop  }
__scs_overlays_trampoline_lowered:
0x8: {  	[smem:$0x3FA3] =	sst s0  }
0x9: {  	[smem:$0x3FA4] =	sst s1  }
0xa: {  	[smem:$0x3FA5] =	sst s2  }
0xb: {  	[smem:$0x3FA6] =	sst s3  }
0xc: {  	[smem:$0x3FA7] =	sst s4  }
0xd: {  	[smem:$0x3FA8] =	sst s5  }
0xe: {  	[smem:$0x3FA9] =	sst s6  }
0xf: {  	[smem:$0x3FAA] =	sst s7  }
0x10: {  	[smem:$0x3FAB] =	sst s8  }
0x11: {  	[smem:$0x3FAC] =	sst s9;
	s0 =	simm.s32 @!p0 $0x0  }
0x12: {  	s1 =	sld [smem:$0x3F92];
	s0 =	simm.s32 @p0 $0x1  }
0x13: {  	[smem:$0x3FAD] =	sst s0;
	s0 =	simm.s32 @!p1 $0x0  }
0x14: {  	s2 =	sld [smem:$0x3F91];
	s0 =	simm.s32 @p1 $0x1  }
0x15: {  	[smem:$0x3FAE] =	sst s0;
	s0 =	simm.s32 @!p2 $0x0  }
0x16: {  	s3 =	sld [smem:$0x3FDB];
	s0 =	simm.s32 @p2 $0x1  }
0x17: {  	s4 =	simm.s32 $0x1BF5;
	[smem:$0x3FB0] =	sst s0  }
0x18: {  	s0 =	sld [smem:$0x3F93];
	_ =	swait.ge [sflag:s4], $0x0  }
0x19: {  	s7 =	sld [smem:$0x3F94]  }
0x1a: {  	s8 =	sadd.s32 $0xFFFFE003, lr  }
0x1b: {  	s9 =	sadd.s32 $0xFFFFFEF7, lr;
	s5 =	simm.s32 $0xFFFFFFFF;
	p2 =	slt.u32 s8, $0xFFFFF086  }
0x1c: {  	p1 =	slt.u32 s9, $0xF7A;
	s5 =	simm.s32 @!p2 $0x0  }
0x1d: {  	s5 =	simm.s32 @p1 $0x1;
	p0 =	seq.s32 s7, s2  }
0x1e: {  	s7 =	smul.u32 @!p0 $0xF7A, s2;
	p2 =	seq.s32 @!p0 s5, $0x0  }
0x1f: {  	s9 =	smul.u32 $0xF7A, s1;
	s8 =	simm.s32 @!p0 $0x1BF5;
	p2 =	por !p2, p0  }
0x20: {  	[sflag:s8] =	ssyncset.s32 @!p0 $0xFFFFF086;
	s6 =	sadd.s32 @!p0 s3, s7;
	s7 =	simm.s32 @!p0 $0x108  }
0x21: {  	s3 =	sadd.s32 s3, s9;
	s6 =	sadd.s32 @!p0 $0x88, s6;
	s7 =	simm.s32 @p2 $0x1082  }
0x22: {  	[simem:s7], [sflag:s8] =	dma.local @!p0 [hbm:s6], $0xF7A  }
0x23: {  	s9 =	sor.u32 $0xD0000000, s2;
	s6 =	simm.s32 $0x108;
	_ =	swait.ge @!p0 [sflag:s8], $0x0  }
0x24: {  	s3 =	sadd.s32 $0x88, s3;
	s6 =	simm.s32 @!p1 $0x1082;
	[sflag:s4] =	ssyncset.s32 $0xFFFFF086  }
0x25: {  	[simem:s6], [sflag:s4] =	dma.local [hbm:s3], $0xF7A  }
0x26: {  	[smem:$0x3F94] =	sst s1;
	(tag) =	ssettag s2;
	_ =	strace s9  }
0x27: {  	s1 =	sld [smem:$0x3FA4]  }
0x28: {  	s2 =	sld [smem:$0x3FA5]  }
0x29: {  	s4 =	sld [smem:$0x3FA7]  }
0x2a: {  	p0 =	seq.s32 s5, $0x0;
	s5 =	sld [smem:$0x3FA8]  }
0x2b: {  	s6 =	sld [smem:$0x3FA9]  }
0x2c: {  	s7 =	sld [smem:$0x3FAA]  }
0x2d: {  	s3 =	simm.s32 $0x108;
	s8 =	sld [smem:$0x3FAB]  }
0x2e: {  	s3 =	simm.s32 @!p0 $0x1082;
	s9 =	sld [smem:$0x3FAC]  }
0x2f: {  	lr =	sadd.s32 s0, s3;
	s0 =	sld [smem:$0x3FA3]  }
0x30: {  	s3 =	sld [smem:$0x3FA6]  }
0x31: {  	[smem:$0x3FAF] =	sst s10  }
0x32: {  	s10 =	sld [smem:$0x3FAD];
	_ =	sdelay $0x3  }
0x33: {  	p0 =	seq.s32 s10, $0x1;
	s10 =	sld [smem:$0x3FAF];
	_ =	sdelay $0x3  }
0x34: {  	[smem:$0x3FAF] =	sst s10  }
0x35: {  	s10 =	sld [smem:$0x3FAE];
	_ =	sdelay $0x3  }
0x36: {  	p1 =	seq.s32 s10, $0x1;
	s10 =	sld [smem:$0x3FAF];
	_ =	sdelay $0x3  }
0x37: {  	[smem:$0x3FAF] =	sst s10  }
0x38: {  	s10 =	sld [smem:$0x3FB0]  }
0x39: {  	_ = 	snop;
	(pc) =	sbr.ind lr, $3  }
0x3a: {  	_ = 	snop  }
0x3b: {  	_ = 	snop  }
0x3c: {  	p2 =	seq.s32 s10, $0x1;
	s10 =	sld [smem:$0x3FAF]  }
0x3d: {  	_ =	shalt  }
0x3e: {  	_ =	shalt  }
0x3f: {  	_ =	shalt  }
0x40: {  	_ =	shalt  }
0x41: {  	_ =	shalt  }
0x42: {  	_ =	shalt  }
0x43: {  	_ =	shalt  }
0x44: {  	_ =	shalt  }
0x45: {  	_ =	shalt  }
0x46: {  	_ =	shalt  }
0x47: {  	_ =	shalt  }
0x48: {  	_ =	shalt  }
0x49: {  	_ =	shalt  }
0x4a: {  	_ =	shalt  }
0x4b: {  	_ =	shalt  }
0x4c: {  	_ =	shalt  }
0x4d: {  	_ =	shalt  }
0x4e: {  	_ =	shalt  }
0x4f: {  	_ =	shalt  }
0x50: {  	_ =	shalt  }
0x51: {  	_ =	shalt  }
0x52: {  	_ =	shalt  }
0x53: {  	_ =	shalt  }
0x54: {  	_ =	shalt  }
0x55: {  	_ =	shalt  }
0x56: {  	_ =	shalt  }
0x57: {  	_ =	shalt  }
0x58: {  	_ =	shalt  }
0x59: {  	_ =	shalt  }
0x5a: {  	_ =	shalt  }
0x5b: {  	_ =	shalt  }
0x5c: {  	_ =	shalt  }
0x5d: {  	_ =	shalt  }
0x5e: {  	_ =	shalt  }
0x5f: {  	_ =	shalt  }
0x60: {  	_ =	shalt  }
0x61: {  	_ =	shalt  }
0x62: {  	_ =	shalt  }
0x63: {  	_ =	shalt  }
0x64: {  	_ =	shalt  }
0x65: {  	_ =	shalt  }
0x66: {  	_ =	shalt  }
0x67: {  	_ =	shalt  }
0x68: {  	_ =	shalt  }
0x69: {  	_ =	shalt  }
0x6a: {  	_ =	shalt  }
0x6b: {  	_ =	shalt  }
0x6c: {  	_ =	shalt  }
0x6d: {  	_ =	shalt  }
0x6e: {  	_ =	shalt  }
0x6f: {  	_ =	shalt  }
0x70: {  	_ =	shalt  }
0x71: {  	_ =	shalt  }
0x72: {  	_ =	shalt  }
0x73: {  	_ =	shalt  }
0x74: {  	_ =	shalt  }
0x75: {  	_ =	shalt  }
0x76: {  	_ =	shalt  }
0x77: {  	_ =	shalt  }
0x78: {  	_ =	shalt  }
0x79: {  	_ =	shalt  }
0x7a: {  	_ =	shalt  }
0x7b: {  	_ =	shalt  }
0x7c: {  	_ =	shalt  }
0x7d: {  	_ =	shalt  }
0x7e: {  	_ =	shalt  }
0x7f: {  	_ =	shalt  }
0x80: {  	_ =	shalt  }
0x81: {  	_ =	shalt  }
0x82: {  	_ =	shalt  }
0x83: {  	_ =	shalt  }
0x84: {  	_ =	shalt  }
0x85: {  	_ =	shalt  }
0x86: {  	_ =	shalt  }
0x87: {  	_ =	shalt  }
.Lfunc_end0:
.L_simem_size_0:
called_computation.8_lowered:
.L_overlay_start_0:
0x88: {  	s0 =	sld [smem:$0x3FD9]  }
0x89: {  	s1 =	sld [smem:$0x3FFE];
	_ =	sdelay $0x3  }
0x8a: {  	s0 =	sadd.s32 s1, s0  }
0x8b: {  	[smem:$0x3FBB] =	sst s0  }
0x8c: {  	_ = 	snop  }
0x8d: {  	(tm) =	ssettm $0x1  }
0x8e: {  	s15 =	sld [smem:$0x3FFB];
	_ =	sdelay $0x3  }
0x8f: {  	_ =	strace s15  }
0x90: {  	s0 =	sld [smem:$0x3FFC];
	_ =	sdelay $0x3  }
0x91: {  	_ =	strace s0  }
0x92: {  	s0 =	sld [smem:$0x3FFD];
	_ =	sdelay $0x3  }
0x93: {  	_ =	strace s0  }
0x94: {  	_ =	strace $0x8FFFFFFF  }
0x95: {  	s16 =	sld [smem:$0x3FDB];
	_ =	sdelay $0x1  }
0x96: {  	s17 =	simm.s32 $_scs_section_size  }
0x97: {  	s2 =	simm.s32 $_size__tile_overlayer_lowered;
	s3 =	simm.s32 $_tile_overlayer_lowered  }
0x98: {  	s20 =	simm.s32 $0x1BFF;
	s19 =	sshll.u32 s3, $0x1;
	s0 =	sadd.s32 s17, s16  }
0x99: {  	s4 =	simm.s32 $0x0;
	s18 =	sshll.u32 s2, $0x1;
	s2 =	sadd.s32 s19, s0  }
0x9a: {  	[timem:s4], [sflag:s20] =	dma.local [hbm:s2], s18  }
0x9b: {  	_ =	swait.ge [sflag:s20], s18  }
0x9c: {  	s1 =	ssub.s32 $0x0, s18;
	[sflag:s20] =	ssyncset.done $0x0  }
0x9d: {  	[sflag:s20] =	ssyncadd.s32 s1;
	_ =	sdelay $0x1  }
0x9e: {  	s21 =	simm.s32 $0x1B8B  }
0x9f: {  	_ =	swait.ge [sflag:s21], $0x1  }
0xa0: {  	[sflag:s21] =	ssyncset.done $0x0  }
0xa1: {  	s23 =	simm.s32 $0x1B8E;
	s22 =	sld [smem:$0x3FFE];
	[sflag:s21] =	ssyncadd.s32 $0xFFFFFFFF  }
0xa2: {  	s24 =	simm.s32 $execute0_lowered;
	[smem:$0x3FD2] =	sst s23  }
0xa3: {  	s2 =	sshll.u32 s24, $0x1;
	_ =	strace $0x80000061;
	[dreg:$0x1] =	wrdreg $0xFFFFFFFF  }
0xa4: {  	s25 =	simm.s32 $_size_execute0_lowered;
	s0 =	sadd.s32 s0, s2;
	[dreg:$0x0] =	wrdreg $0x0  }
0xa5: {  	s2 =	sshll.u32 s25, $0x1;
	[dreg:$0x2] =	wrdreg s0  }
0xa6: {  	[dreg:$0x3] =	wrdreg s2  }
0xa7: {  	[dreg:$0x4] =	wrdreg $0xC0  }
0xa8: {  	_ =	task [dreg:s4], $0x5FFFF  }
0xa9: {  	[dreg:$0x1] =	wrdreg $0xFFFFFFFF  }
0xaa: {  	[dreg:$0x0] =	wrdreg $0x60  }
0xab: {  	[dreg:$0x2] =	wrdreg s22  }
0xac: {  	[dreg:$0x3] =	wrdreg $0x9  }
0xad: {  	_ =	task.clear_ibuf [dreg:s4], $0x4FFFF;
	_ =	strace $0x90000061  }
0xae: {  	s26 =	simm.s32 $0x9;
	_ =	strace $0x80000063  }
0xaf: {  	_ =	swait.ge [sflag:s26], $0x1  }
0xb0: {  	[sflag:s26] =	ssyncadd.s32 $0xFFFFFFFF  }
0xb1: {  	_ =	strace $0x90000063  }
0xb2: {  	_ =	sfence  }
0xb3: {  	s28 =	sld [smem:$0x0];
	_ =	sdelay $0x1  }
0xb4: {  	s29 =	srdreg.scid  }
0xb5: {  	s30 =	sshll.u32 s29, $0xD;
	s31 =	sshrl.u32 s29, $0x2  }
0xb6: {  	s1 =	sand.u32 $0x1, s29;
	s2 =	sand.u32 $0x4000, s30;
	s0 =	sadd.s32 s31, s28  }
0xb7: {  	s1 =	sor.u32 s2, s1;
	s0 =	sshll.u32 s0, $0x11  }
0xb8: {  	s0 =	sor.u32 s0, s1  }
0xb9: {  	s0 =	sadd.s32 $0x8F2B, s0  }
0xba: {  	[sflag:s0] =	ssyncadd.remote.s32 $0x1  }
0xbb: {  	_ =	sfence.sel $0xFFFF  }
0xbc: {  	[dreg:$0x0] =	wrdreg $0xFFFFFFFF;
	(pc) =	sbr.abs _section_cstart, $3  }
0xbd: {  	[dreg:$0x1] =	wrdreg $0xFFFFFFFF  }
0xbe: {  	_ =	task.clear_ibuf [dreg:s4], $0x2FFFF;
	_ =	strace $0x9FFFFFFF  }
0xbf: {  	(tm) =	ssettm $0x7FFFFFFF  }
tec
execute0_lowered:
.L_overlay_start_1:
0x0: {  	(tag) =	ssettag $0x1  }
0x1: {  	s0 =	rddreg [dreg:$0x0]  }
0x2: {  	s6 =	stileid.u32;
	_ =	strace $0x80000062;
	s2 =	simm.s32 $0x1  }
0x3: {  	v1 =	vimm.s32 $0xFFFFFFFF;
	s1 =	smin.u32 s6, $0x9;
	[sflag:s2] =	ssyncpa.u1 $0x0  }
0x4: {  	s1 =	sadd.s32 s6, s1;
	[tilespmem:$0x10] =	vst v1  }
0x5: {  	v0 =	vimm.f32 $0.0e+00;
	p0 =	slt.u32 s6, $0x9;
	[tilespmem:$0x20] =	vst v1;
	s3 =	smul.u32 $0x1A90, s1;
	s1 =	simm.s32 $0x3520  }
0x6: {  	[tilespmem:$0x30] =	vst v0;
	s1 =	simm.s32 @!p0 $0x1A90  }
0x7: {  	[tilespmem:$0x40] =	vst v0;
	s1 =	sadd.s32 s1, s3  }
0x8: {  	[tilespmem:$0x50] =	vst v0;
	s4 =	smin.u32 s1, $0x29810  }
0x9: {  	s7 =	simm.s32 $0x2;
	[tilespmem:$0x60] =	vst v1;
	s9 =	ssub.s32 s4, s3  }
0xa: {  	s8 =	simm.s32 $0x8;
	s31 =	simm.s32 $0x9;
	[tilespmem:$0x70] =	vst v1;
	p0 =	sgt.s32 s9, $0x0  }
0xb: {  	s16 =	simm.s32 $0x0;
	s17 =	simm.s32 $0xF0;
	[tilespmem:$0x80] =	vst v1;
	s9 =	simm.s32 @!p0 $0x0  }
0xc: {  	s18 =	simm.s32 $0xFFFFFFFF;
	s19 =	simm.s32 $0xFFFFCBE0;
	v1 =	vimm.s32 $0x0;
	[tilespmem:$0xB0] =	vst v0;
	s5 =	smulhi.u32 $0x134679AD, s9  }
0xd: {  	s20 =	simm.s32 $0xFFFFFFFE;
	s21 =	simm.s32 $0xF;
	s25 =	simm.s32 $0x0;
	[tilespmem:$0x90] =	vst v1  }
0xe: {  	[tilespmem:$0xA0] =	vst v1;
	[sflag:s7] =	ssyncpa.u1 $0x0;
	s7 =	simm.s32 $0x7;
	s10 =	sshrl.u32 s5, $0x9  }
0xf: {  	s24 =	simm.s32 $0x0;
	[sflag:s7] =	ssyncpa.u1 $0x0;
	s11 =	smul.u32 $0x1A90, s10  }
0x10: {  	s14 =	sshllo.u32 s6, $0x1;
	[sflag:s8] =	ssyncpa.u1 $0x0;
	s23 =	smov.u32 s3  }
.Ltmp0:
0x11: {  	s1 =	sadd.s32 $0x2F400, s0;
	p0 =	sne.s32 s9, s11;
	(pc) =	sbr.rel .LBB2_1-.Ltmp0, $4  }
0x12: {  	s5 =	sadd.s32 $0x600, s0;
	s0 =	sadd.s32 $0x5A00, s0;
	s2 =	simm.s32 @!p0 $0x0  }
0x13: {  	[sflag:s31] =	ssyncpa.u1 $0x0;
	[dreg:$0x2] =	wrdreg s0;
	s9 =	sadd.s32 s2, s10  }
0x14: {  	vm0 =	vmmov $0xffff;
	v2 =	vlaneseq.u32;
	p0 =	por $0x0, $0x0;
	s10 =	sshll.u32 s6, $0x1;
	s11 =	sadd.s32 $0x1, s9  }
0x15: {  	vm1 =	vmxor vm1, vm1;
	vm2 =	vmmov $0x1;
	vm3 =	vcmask $0x3F3C;
	s12 =	sadd.s32 $0x2, s9;
	s13 =	sor.u32 $0x81, s10;
	s15 =	sor.u32 $0x80, s10  }
.LBB2_9:
0x16: {  	p1 =	slt.u32 s24, $0x3  }
0x17: {  	s0 =	simm.s32 @!p1 $0x2  }
0x18: {  	_ =	swait.ge @!p1 [sflag:s0], $0x1A90  }
0x19: {  	[sflag:s0] =	ssyncset.done @!p1 $0x0  }
0x1a: {  	[sflag:s0] =	ssyncadd.s32 @!p1 $0xFFFFE570;
	s0 =	simm.s32 @!p1 $0x9  }
0x1b: {  	_ =	swait.ge @!p1 [sflag:s0], $0x10  }
0x1c: {  	[sflag:s0] =	ssyncset.done @!p1 $0x0  }
0x1d: {  	[sflag:s0] =	ssyncadd.s32 @!p1 $0xFFFFFFF0;
	p1 =	sne.s32 s24, s12  }
.Ltmp1:
0x1e: {  	s2 =	sadd.s32 $0x1A90, s23;
	(pc) =	sbr.rel @!p1 .LBB2_10-.Ltmp1, $4  }
0x1f: {  	s6 =	smov.u32 s3;
	s31 =	sadd.s32 $0x1, s24;
	s17 =	sadd.s32 $0x1A90, s17  }
0x20: {  	s18 =	sadd.s32 $0x1, s18;
	s25 =	smov.u32 s23;
	p2 =	slt.s32 s2, s4  }
0x21: {  	p0 =	por !p0, !p0;
	s19 =	sadd.s32 $0x1A90, s19;
	s6 =	smov.u32 @p2 s2  }
0x22: {  	s20 =	sadd.s32 $0x1, s20;
	s23 =	smov.u32 s6;
	s24 =	smov.u32 s31  }
.LBB2_1:
0x23: {  	p1 =	sge.u32 s24, s9  }
0x24: {  	s0 =	smulhi.u32 @!p1 $0xAAAAAAAB, s24;
	_ =	sdelay $0x1  }
0x25: {  	s0 =	sshrl.u32 @!p1 s0, $0x1  }
0x26: {  	s0 =	smul.u32 @!p1 $0x3, s0;
	_ =	sdelay $0x1  }
0x27: {  	s0 =	ssub.s32 @!p1 s24, s0  }
0x28: {  	s0 =	smul.u32 @!p1 $0x6A40, s0;
	_ =	sdelay $0x1  }
0x29: {  	s2 =	sshrl.u32 @!p1 s23, $0x3;
	s0 =	sshrl.u32 @!p1 s0, $0x2  }
0x2a: {  	s22 =	sand.u32 @!p1 $0x7, s23;
	s2 =	sadd.s32 @!p1 s5, s2;
	s0 =	sadd.s32 @!p1 $0x100, s0  }
0x2b: {  	[tilespmem:s0], [sflag:$0x7] =	stream.linear.gather @!p1 [hbm4b:s2+s22], $0x1A90, $0x38;
	[tilespmem:$0xF030] =	vst v63  }
0x2c: {  	s0 =	sadd.s32 $0xFFFFFFFF, s24  }
0x2d: {  	p1 =	sge.u32 s0, s9  }
.Ltmp2:
0x2e: {  	_ = 	snop;
	(pc) =	sbr.rel @p1 .LBB2_5-.Ltmp2, $1  }
0x2f: {  	_ =	sdelay $0x3  }
0x30: {  	s2 =	smulhi.u32 $0xAAAAAAAB, s0;
	_ =	sdelay $0x1  }
0x31: {  	s2 =	sshrl.u32 s2, $0x1  }
0x32: {  	s2 =	smul.u32 $0x3, s2;
	_ =	sdelay $0x1  }
0x33: {  	s2 =	ssub.s32 s0, s2  }
0x34: {  	s2 =	smul.u32 $0x6A40, s2  }
0x35: {  	_ =	swait.ge [sflag:s7], $0x1A90  }
0x36: {  	[sflag:s7] =	ssyncset.done $0x0;
	s2 =	sshrl.u32 s2, $0x2  }
0x37: {  	[sflag:s7] =	ssyncadd.s32 $0xFFFFE570;
	(ifvalue) =	ssetifvalue $0xFFFFFFFF;
	v3 =	vld.msk [tilespmem:s2+$0x100 ss:$0x1], $0xffff;
	_ =	sdelay $0x2  }
0x38: {  	s30 =	smulhi.u32 $0xAAAAAAAB, s18;
	p1 =	sne.s32 s24, $0x1  }
0x39: {  	v4 =	vimm.s32 @!p1 $0x0  }
0x3a: {  	s2 =	sshrl.u32 s30, $0x1;
	v4 =	vperm.xlane @!p1 v3, v4  }
0x3b: {  	s22 =	sshll.u32 s24, $0x4;
	s2 =	smul.u32 $0xFFFEC140, s2;
	vm4 =	vlt.u32 v3, $0x4E4800  }
0x3c: {  	s22 =	sand.u32 $0x10, s22;
	v3 =	vnsel vm4, $0xFFFFFFFE, v3;
	vm4 =	vlt.u32 @!p1 v4, $0x4E4800  }
0x3d: {  	s2 =	sshra.s32 s2, $0x2;
	[tilespmem:s22+$0x60] =	vst v3;
	v3 =	vnsel @!p1 vm4, $0xFFFFFFFE, v4  }
0x3e: {  	s28 =	sadd.s32 s2, s17;
	[tilespmem:$0x80] =	vst @!p1 v3  }
0x3f: {  	v3 =	vld.msk [tilespmem:s28+$0x0 ss:$0x1], $0xffff;
	_ =	sdelay $0x4  }
0x40: {  	(xrf1) =	vunique.msk.u32 $0xffff, v3;
	_ =	sdelay $0xd  }
0x41: {  	v4 =	vimm.s32 $0xFFFFFFFF;
	v5, _, _ =	vpop (xrf1)  }
0x42: {  	vm5 =	vne.s32 v3, v4;
	vm4 =	veq.s32 v5, v2  }
0x43: {  	vm6 =	vlt.u32 v3, $0x4E4800;
	vm4 =	vmand vm5, vm4  }
0x44: {  	vm4 =	vmand vm6, vm4  }
0x45: {  	v4 =	vnsel vm4, $0xFFFFFFFF, v3  }
0x46: {  	s31 =	sand.u32 $0x1, s0  }
0x47: {  	s0 =	simm.s32 $0x1A90;
	p1 =	seq.s32 s31, $0x1  }
0x48: {  	s0 =	simm.s32 @!p1 $0x0  }
0x49: {  	s26 =	sadd.s32 $0x6B30, s0;
	(ifvalue) =	ssetifvalue $0xFFFFFFFF  }
0x4a: {  	v3 =	vperm.xlane v3, v1;
	[tilespmem:s26], [sflag:$0x8] =	stream.indirect_vreg.gather [hbm4b:s1+s16], $0x1, v4, vm0, $0x4038;
	v4 =	vnsel vm6, $0xFFFFFFFE, v4;
	[tilespmem:$0xF030] =	vst v63  }
0x4b: {  	s2 =	simm.s32 $0x0;
	s22 =	sadd.s32 $0xFFFFFFF0, s28;
	[tilespmem:s28+$0x0] =	vst v4  }
.LBB2_3:
0x4c: {  	v4 =	vld.msk [tilespmem:s22+$0x0 ss:$0x1], $0xffff;
	s2 =	sadd.s32 $0x10, s2;
	v5 =	vmov v3;
	s28 =	smov.u32 s22  }
0x4d: {  	p1 =	slt.u32 s2, $0x1A80;
	_ =	sdelay $0x4  }
0x4e: {  	v3 =	vperm.xlane v4, v1;
	(xrf1) =	vunique.msk.u32 $0xffff, v4;
	_ =	sdelay $0xd  }
0x4f: {  	v6, _, _ =	vpop (xrf1)  }
0x50: {  	vm5 =	vne.s32 v4, v5;
	vm4 =	veq.s32 v6, v2  }
0x51: {  	vm6 =	vlt.u32 v4, $0x4E4800;
	vm4 =	vmand vm5, vm4  }
0x52: {  	vm4 =	vmand vm6, vm4  }
0x53: {  	v4 =	vnsel vm4, $0xFFFFFFFF, v4  }
.Ltmp3:
0x54: {  	v5 =	vnsel vm6, $0xFFFFFFFE, v4;
	(pc) =	sbr.rel @p1 .LBB2_3-.Ltmp3, $3  }
0x55: {  	_ =	sdelay $0x1  }
0x56: {  	s22 =	sadd.s32 $0xFFFFFFF0, s22;
	s26 =	sadd.s32 $0xFFFFFFF0, s26;
	(ifvalue) =	ssetifvalue $0xFFFFFFFF  }
0x57: {  	[tilespmem:s26], [sflag:$0x8] =	stream.indirect_vreg.gather [hbm4b:s1+s16], $0x1, v4, vm0, $0x4038;
	[tilespmem:s28+$0x0] =	vst v5  }
0x58: {  	s2 =	sshrl.u32 s25, $0x3;
	s6 =	rddreg [dreg:$0x2]  }
0x59: {  	s0 =	sadd.s32 $0x85D0, s0;
	s2 =	sadd.s32 s6, s2  }
0x5a: {  	[tilespmem:s0], [sflag:$0x8] =	stream.linear.gather [hbm:s2], $0x1A90, $0x38;
	[tilespmem:$0xF030] =	vst v63  }
.LBB2_5:
0x5b: {  	p1 =	slt.u32 s24, $0x2  }
0x5c: {  	p2 =	sge.u32 @!p1 s24, s12  }
0x5d: {  	p1 =	por p1, p2  }
.Ltmp4:
0x5e: {  	_ = 	snop;
	(pc) =	sbr.rel @p1 .LBB2_9-.Ltmp4, $1  }
0x5f: {  	_ =	sdelay $0x3  }
0x60: {  	s0 =	sadd.s32 $0xFFFFFFFE, s24  }
0x61: {  	s2 =	smulhi.u32 $0xAAAAAAAB, s0;
	_ =	sdelay $0x1  }
0x62: {  	s2 =	sshrl.u32 s2, $0x1  }
0x63: {  	s2 =	smul.u32 $0x3, s2;
	_ =	sdelay $0x1  }
0x64: {  	s0 =	ssub.s32 s0, s2  }
0x65: {  	_ =	swait.ge [sflag:s8], $0x3520;
	s0 =	smul.u32 $0x1A90, s0  }
0x66: {  	p1 =	sne.s32 s24, s11;
	[sflag:s8] =	ssyncset.done $0x0  }
0x67: {  	[sflag:s8] =	ssyncadd.s32 $0xFFFFCAE0;
	s2 =	sadd.s32 @!p1 $0x1B8F, s0  }
0x68: {  	[spmem:s13] =	stream.linear.scatter @!p1 [tilespmem:s2], [sflag:$0x1], $0x1, $0x38;
	[tilespmem:$0xF030] =	vst v63  }
0x69: {  	s2 =	simm.s32 @!p1 $0x1  }
0x6a: {  	_ =	swait.ge @!p1 [sflag:s2], $0x1  }
0x6b: {  	s22 =	sshll.u32 s24, $0x4;
	[sflag:s2] =	ssyncset.done @!p1 $0x0  }
0x6c: {  	s25 =	sand.u32 $0x10, s22;
	[sflag:s2] =	ssyncadd.s32 @!p1 $0xFFFFFFFF  }
0x6d: {  	s2 =	sxor.u32 $0x10, s25;
	v4 =	vld [tilespmem:s25+$0x10]  }
0x6e: {  	v5 =	vld [tilespmem:s2+$0x60]  }
0x6f: {  	v3 =	vld [tilespmem:$0x80];
	_ =	sdelay $0x2  }
0x70: {  	(v2sf) =	vpush v4, $0x0  }
0x71: {  	(v2sf) =	vpush v5, $0x0  }
0x72: {  	(v2sf) =	vpush v3, $0x0;
	_ =	sdelay $0xc  }
0x73: {  	s6 =	spop (v2sf)  }
0x74: {  	s28 =	spop (v2sf)  }
0x75: {  	s26 =	spop (v2sf)  }
0x76: {  	p2 =	seq.s32 s6, s28;
	p3 =	seq.s32 s26, s6  }
0x77: {  	p3 =	por p2, p3  }
0x78: {  	s6 =	sand.u32 $0x1, s24;
	v4 =	vpsel p3, $0xFFFFFFFF, v4  }
0x79: {  	s28 =	smul.u32 $0x1A90, s6;
	[tilespmem:s25+$0x10] =	vst.msk $0x1, v4  }
0x7a: {  	v4 =	vld [tilespmem:$0x30]  }
0x7b: {  	v5 =	vld [tilespmem:s28+$0x85D0]  }
0x7c: {  	v6 =	vld [tilespmem:s25+$0x40];
	_ =	sdelay $0x3  }
0x7d: {  	vm4 =	vmmov vm1;
	v5 =	vadd.f32 v5, v4  }
0x7e: {  	vm5 =	vmmov vm2;
	vm4 =	vmmov @p2 vm2;
	v4 =	vadd.f32 v6, v4  }
0x7f: {  	s22 =	sshll.u32 s6, $0x4;
	vm5 =	vmmov @p3 vm1;
	[tilespmem:s28+$0x85D0] =	vst.msk vm4, v5  }
0x80: {  	[tilespmem:s22+$0xF010] =	vst.msk vm5, v4  }
0x81: {  	v4 =	vld [tilespmem:s28+$0x6B30];
	_ =	sdelay $0x3  }
0x82: {  	v5 =	vimm.f32 $0.0e+00  }
0x83: {  	v4 =	vshift.insert v4, v5, s21  }
0x84: {  	s29 =	sor.u32 $0x40, s2  }
0x85: {  	[tilespmem:s29+$0x0] =	vst.msk $0x1, v4  }
0x86: {  	[tilespmem:s28+$0x6B3F] =	vst.msk $0x1, v5  }
0x87: {  	v4 =	vld [tilespmem:s0+$0x1B80];
	_ =	sdelay $0x1  }
0x88: {  	s29 =	smulhi.u32 $0xAAAAAAAB, s20;
	s0 =	simm.s32 $0x1  }
0x89: {  	s0 =	simm.s32 @!p0 $0x0  }
0x8a: {  	s29 =	sshrl.u32 s29, $0x1;
	s0 =	smul.u32 $0x6A40, s0  }
0x8b: {  	s29 =	smul.u32 $0xFFFEC140, s29;
	v4 =	vshift.insert v4, v1, s21  }
0x8c: {  	s0 =	sshrl.u32 s0, $0x2  }
0x8d: {  	s29 =	sshra.s32 s29, $0x2;
	s30 =	sadd.s32 $0x85D0, s0;
	[tilespmem:s2+$0x10] =	vst.msk $0x1, v4  }
0x8e: {  	s6 =	sadd.s32 s29, s19;
	v6 =	vld [tilespmem:s30+$0x0]  }
0x8f: {  	v7 =	vld [tilespmem:s6+$0x0];
	_ =	sdelay $0x3  }
0x90: {  	v5 =	vadd.f32 v6, v5  }
0x91: {  	vm4 =	vne.s32 v7, $0xFFFFFFFF  }
0x92: {  	(xrf2) =	vadd.seg.scan.f32 vm4, v5;
	_ =	sdelay $0x3  }
0x93: {  	s31 =	sadd.s32 $0x50B0, s0;
	v5 =	vperm.xlane v4, v1  }
0x94: {  	v6 =	vld [tilespmem:s31+$0x0]  }
0x95: {  	vm5 =	veq.s32 v7, v3;
	vm6 =	veq.s32 v7, v5  }
0x96: {  	vm7 =	vgt.u32 v7, $0xFFFFFFFD;
	vm6 =	vmor vm6, vm5  }
0x97: {  	vm6 =	vmor vm6, vm7  }
0x98: {  	v9 =	vld [tilespmem:$0xA0];
	v7 =	vsel vm6, $0xFFFFFFFF, v7  }
0x99: {  	v10 =	vld [tilespmem:$0x90];
	v6 =	vsel vm5, $0x0, v6;
	v8, _, _ =	vpop (xrf2)  }
0x9a: {  	v6 =	vadd.f32 v8, v6  }
0x9b: {  	s0 =	sadd.s32 $0xBAF0, s0  }
0x9c: {  	vm4 =	vmand vm4, vm3;
	[tilespmem:s0+$0x0] =	vst v6;
	(ifvalue) =	ssetifvalue $0xFFFFFFFF  }
0x9d: {  	vm6 =	veq.s32 v9, $0x1;
	[hbm4b:s1+s16] =	stream.indirect_vreg.scatter [tilespmem:s0], [sflag:$0x2], $0x1, v7, vm0, $0x4038;
	v7 =	vsel vm4, $0x0, v8;
	[tilespmem:$0xF030] =	vst v63  }
0x9e: {  	s29 =	sadd.s32 $0xF010, s22;
	s22 =	sadd.s32 $0x10, s6;
	s2 =	simm.s32 $0x0;
	vm4 =	vmor vm6, vm5;
	v6 =	vsel vm5, v8, v10;
	v7 =	vshift.insert v7, v0, s21  }
.LBB2_7:
0x9f: {  	v8 =	vld [tilespmem:s22+$0x0];
	s30 =	sadd.s32 $0x10, s30  }
0xa0: {  	s31 =	sadd.s32 $0x10, s31;
	v9 =	vld [tilespmem:s30+$0x0]  }
0xa1: {  	s2 =	sadd.s32 $0x10, s2;
	v10 =	vld [tilespmem:s31+$0x0]  }
0xa2: {  	p2 =	slt.u32 s2, $0x1A80;
	_ =	sdelay $0x2  }
0xa3: {  	v7 =	vadd.f32 v9, v7  }
0xa4: {  	vm5 =	vne.s32 v8, $0xFFFFFFFF  }
0xa5: {  	vm6 =	vmand vm5, vm3;
	(xrf2) =	vadd.seg.scan.f32 vm5, v7;
	_ =	sdelay $0x5  }
0xa6: {  	vm7 =	veq.s32 v8, v5;
	vm5 =	veq.s32 v8, v3  }
0xa7: {  	vm8 =	vgt.u32 v8, $0xFFFFFFFD;
	vm4 =	vmor vm4, vm5;
	vm7 =	vmor vm7, vm5  }
0xa8: {  	vm7 =	vmor vm7, vm8  }
0xa9: {  	v8 =	vsel vm7, $0xFFFFFFFF, v8  }
.Ltmp5:
0xaa: {  	v7 =	vsel vm5, $0x0, v10;
	v9, _, _ =	vpop (xrf2);
	(pc) =	sbr.rel @p2 .LBB2_7-.Ltmp5, $4  }
0xab: {  	v6 =	vsel vm5, v9, v6;
	v10 =	vadd.f32 v9, v7;
	v7 =	vsel vm6, $0x0, v9  }
0xac: {  	s0 =	sadd.s32 $0x10, s0;
	v7 =	vshift.insert v7, v0, s21  }
0xad: {  	s22 =	sadd.s32 $0x10, s22;
	[tilespmem:s0+$0x0] =	vst v10;
	(ifvalue) =	ssetifvalue $0xFFFFFFFF  }
0xae: {  	[hbm4b:s1+s16] =	stream.indirect_vreg.scatter [tilespmem:s0], [sflag:$0x2], $0x1, v8, vm0, $0x4038;
	[tilespmem:$0xF030] =	vst v63  }
0xaf: {  	v3 =	vld [tilespmem:s28+$0xD570];
	_ =	sdelay $0x4  }
0xb0: {  	v3 =	vshift.insert v3, v0, s21  }
0xb1: {  	s0 =	simm.s32 $0x30  }
0xb2: {  	[tilespmem:s0+$0x0] =	vst.msk $0x1, v3  }
0xb3: {  	v3 =	vsel vm4, $0x1, v1;
	[tilespmem:$0x90] =	vst v6  }
0xb4: {  	s0 =	sadd.s32 @!p1 $0xD57F, s28;
	[tilespmem:$0xA0] =	vst v3  }
0xb5: {  	[spmem:s14] =	stream.linear.scatter @!p1 [tilespmem:s0], [sflag:$0x1], $0x1, $0x38;
	[tilespmem:$0xF030] =	vst v63  }
0xb6: {  	s0 =	simm.s32 @!p1 $0x1  }
0xb7: {  	v3 =	vmctz.xlane @!p1 vm4;
	_ =	swait.ge @!p1 [sflag:s0], $0x1  }
0xb8: {  	(v2sf) =	vpush @!p1 v4, $0x0  }
0xb9: {  	(v2sf) =	vpush @!p1 v3, $0x0;
	_ =	sdelay $0xd  }
0xba: {  	s2 =	spop @!p1 (v2sf)  }
0xbb: {  	s6 =	spop @!p1 (v2sf)  }
0xbc: {  	p2 =	sne.s32 @!p1 s26, s2;
	p3 =	slt.s32 @!p1 s6, $0xF  }
0xbd: {  	[sflag:s0] =	ssyncset.done @!p1 $0x0;
	p2 =	por p2, p1;
	p3 =	por !p3, p1  }
0xbe: {  	[sflag:s0] =	ssyncadd.s32 @!p1 $0xFFFFFFFF;
	v3 =	vimm.s32 @!p2 $0xFFFFFFFF;
	s6 =	simm.s32 @p3 $0xF  }
0xbf: {  	[tilespmem:$0x80] =	vst @!p2 v3;
	s2 =	sadd.s32 @!p1 $0x90, s6  }
0xc0: {  	[spmem:s10] =	stream.linear.scatter @!p1 [tilespmem:s2], [sflag:$0x1], $0x1, $0x38;
	[tilespmem:$0xF030] =	vst v63  }
0xc1: {  	_ =	swait.ge @!p1 [sflag:s0], $0x1  }
0xc2: {  	[sflag:s0] =	ssyncset.done @!p1 $0x0  }
0xc3: {  	s2 =	simm.s32 @!p1 $0x80;
	[sflag:s0] =	ssyncadd.s32 @!p1 $0xFFFFFFFF  }
0xc4: {  	[spmem:s15] =	stream.linear.scatter @!p1 [tilespmem:s2], [sflag:$0x1], $0x1, $0x38;
	[tilespmem:$0xF030] =	vst v63  }
0xc5: {  	_ =	swait.ge @!p1 [sflag:s0], $0x1  }
0xc6: {  	[sflag:s0] =	ssyncset.done @!p1 $0x0  }
0xc7: {  	[sflag:s0] =	ssyncadd.s32 @!p1 $0xFFFFFFFF;
	(ifvalue) =	ssetifvalue $0xFFFFFFFF;
	v3 =	vld [tilespmem:s25+$0x10];
	_ =	sdelay $0x3  }
.Ltmp6:
0xc8: {  	_ = 	snop;
	(pc) =	sbr.rel .LBB2_9-.Ltmp6, $3  }
0xc9: {  	_ =	sdelay $0x1  }
0xca: {  	(ifvalue) =	ssetifvalue $0xFFFFFFFF  }
0xcb: {  	[hbm4b:s1+s16] =	stream.indirect_vreg.scatter [tilespmem:s29], [sflag:$0x9], $0x1, v3, vm0, $0x4038;
	[tilespmem:$0xF030] =	vst v63  }
.LBB2_10:
0xcc: {  	_ =	sfence.sel $0x180000  }
0xcd: {  	s0 =	simm.s32 $0x7;
	[bflag:$0x0] =	sbarrier.arrive $0xFFFF  }
0xce: {  	s26 =	simm.s32 $0x8;
	[sflag:s0] =	ssyncpa.u1 $0x1  }
0xcf: {  	s28 =	simm.s32 $0x9;
	[sflag:s26] =	ssyncpa.u1 $0x1  }
0xd0: {  	[sflag:s28] =	ssyncpa.u1 $0x1  }
0xd1: {  	_ =	sfence.stream.spmem  }
0xd2: {  	s29 =	simm.s32 $0x3;
	[bflag:$0x0] =	sbarrier.arrive $0xFFFF  }
0xd3: {  	s30 =	simm.s32 $0x4;
	[sflag:s29] =	ssyncpa.u1 $0x1  }
0xd4: {  	s31 =	simm.s32 $0x3C;
	s2 =	stileid.u32;
	[sflag:s30] =	ssyncpa.u1 $0x1  }
0xd5: {  	p0 =	sne.s32 s2, $0x0;
	[sflag:s31] =	ssyncpa.u1 $0x1  }
0xd6: {  	s0 =	simm.s32 @p0 $0x1;
	_ =	sfence @p0  }
0xd7: {  	[sflag:s0] =	ssyncpa.u1 @p0 $0x1;
	s0 =	simm.s32 @p0 $0x2  }
0xd8: {  	[sflag:s0] =	ssyncpa.u1 @p0 $0x1  }
0xd9: {  	_ =	strace @p0 $0x90000062  }
0xda: {  	[bflag:$0x2] =	sbarrier.arrive @p0 $0xFFFF  }
0xdb: {  	_ =	shalt @p0  }
.LBB2_11:
0xdc: {  	_ =	sfence.stream.spmem;
	s0 =	simm.s32 $0x5  }
0xdd: {  	s2 =	simm.s32 $0x80;
	s3 =	simm.s32 $0xC0;
	[sflag:s0] =	ssyncpa.u1 $0x0  }
0xde: {  	[tilespmem:s3], [sflag:$0x5] =	stream.linear.gather [spmem:s2], $0x20, $0x38;
	[tilespmem:$0xF030] =	vst v63  }
0xdf: {  	s2 =	simm.s32 $0x0;
	s3 =	simm.s32 $0xE0  }
0xe0: {  	[tilespmem:s3], [sflag:$0x5] =	stream.linear.gather [spmem:s2], $0x20, $0x38;
	[tilespmem:$0xF030] =	vst v63  }
.Ltmp7:
0xe1: {  	_ = 	snop;
	(pc) =	sbr.rel .LBB2_12-.Ltmp7, $4  }
0xe2: {  	_ =	swait.ge [sflag:s0], $0x40  }
0xe3: {  	[sflag:s0] =	ssyncset.done $0x0  }
0xe4: {  	s31 =	simm.s32 $0x6;
	[sflag:s0] =	ssyncadd.s32 $0xFFFFFFC0  }
0xe5: {  	s4 =	simm.s32 $0x0;
	[sflag:s31] =	ssyncpa.u1 $0x0  }
.LBB2_17:
0xe6: {  	p0 =	sgt.u32 s5, $0x4E47FF  }
0xe7: {  	s0 =	sshrl.u32 @!p0 s5, $0x3  }
0xe8: {  	s5 =	sand.u32 @!p0 $0x7, s5;
	s6 =	simm.s32 @!p0 $0xB0;
	s0 =	sadd.s32 @!p0 s1, s0  }
0xe9: {  	[tilespmem:s6], [sflag:$0x6] =	stream.linear.gather @!p0 [hbm4b:s0+s5], $0x1, $0x38;
	[tilespmem:$0xF030] =	vst v63  }
0xea: {  	s0 =	simm.s32 @!p0 $0x6  }
0xeb: {  	_ =	swait.ge @!p0 [sflag:s0], $0x1  }
0xec: {  	[sflag:s0] =	ssyncset.done @!p0 $0x0  }
0xed: {  	[sflag:s0] =	ssyncadd.s32 @!p0 $0xFFFFFFFF  }
0xee: {  	v2 =	vmov @!p0 s4;
	v1 =	vld.msk @!p0 [tilespmem:$0xB0], $0x1;
	_ =	sdelay $0x3  }
0xef: {  	s0 =	simm.s32 @!p0 $0xE0  }
0xf0: {  	[tilespmem:v2+s0+$0x0], v1 =	vst.idx.ret.add.f32.msk @!p0 $0x1, v1  }
0xf1: {  	[tilespmem:s2+$0xC0] =	vst.msk $0x1, v0  }
0xf2: {  	v0 =	vld.msk [tilespmem:s4+$0xE0], $0x1;
	_ =	sdelay $0x4  }
0xf3: {  	[tilespmem:s2+$0xE0] =	vst.msk $0x1, v0;
	s2 =	sadd.s32 $0x1, s2  }
.LBB2_19:
0xf4: {  	s4 =	sadd.s32 $0x1, s4  }
0xf5: {  	p0 =	sne.s32 s4, $0x20  }
.Ltmp8:
0xf6: {  	_ = 	snop;
	(pc) =	sbr.rel @!p0 .LBB2_20-.Ltmp8, $1  }
0xf7: {  	_ =	sdelay $0x3  }
.LBB2_12:
0xf8: {  	v0 =	vld.msk [tilespmem:s4+$0xC0], $0x1;
	_ =	sdelay $0x4  }
0xf9: {  	(v2sf) =	vpush v0, $0x0;
	_ =	sdelay $0xe  }
0xfa: {  	s5 =	spop (v2sf)  }
0xfb: {  	p0 =	seq.s32 s5, $0xFFFFFFFF  }
.Ltmp9:
0xfc: {  	_ = 	snop;
	(pc) =	sbr.rel @p0 .LBB2_19-.Ltmp9, $1  }
0xfd: {  	_ =	sdelay $0x3  }
0xfe: {  	p0 =	slt.s32 s2, $0x1  }
.Ltmp10:
0xff: {  	_ = 	snop;
	(pc) =	sbr.rel @p0 .LBB2_17-.Ltmp10, $1  }
0x100: {  	_ =	sdelay $0x3  }
0x101: {  	s0 =	simm.s32 $0xC0;
	p0 =	por $0x0, $0x0  }
0x102: {  	v1 =	vld.msk @!p0 [tilespmem:s0+$0x0], $0x1;
	_ =	sdelay $0x4  }
0x103: {  	(v2sf) =	vpush @!p0 v1, $0x0;
	_ =	sdelay $0xd  }
0x104: {  	p2 =	sne.s32 s2, $0x1  }
.Ltmp11:
0x105: {  	s6 =	spop @!p0 (v2sf);
	(pc) =	sbr.rel @!p2 .LBB2_16-.Ltmp11, $4  }
0x106: {  	p1 =	seq.s32 @!p0 s5, s6  }
0x107: {  	s6 =	simm.s32 $0x0;
	p1 =	por !p1, p0  }
0x108: {  	s8 =	simm.s32 $0xFFFFFFFF;
	s6 =	simm.s32 @p1 $0xFFFFFFFF  }
0x109: {  	s7 =	simm.s32 $0x1;
	s6 =	smov.u32 @p0 s8  }
.LBB2_15:
0x10a: {  	s8 =	smov.u32 s6;
	p0 =	sne.s32 s6, $0xFFFFFFFF  }
0x10b: {  	s0 =	sadd.s32 $0x1, s0;
	s6 =	smov.u32 s7;
	s7 =	sadd.s32 $0x1, s7  }
0x10c: {  	p1 =	sne.s32 s2, s7;
	v1 =	vld.msk @!p0 [tilespmem:s0+$0x0], $0x1;
	_ =	sdelay $0x4  }
0x10d: {  	(v2sf) =	vpush @!p0 v1, $0x0;
	_ =	sdelay $0xe  }
.Ltmp12:
0x10e: {  	s9 =	spop @!p0 (v2sf);
	(pc) =	sbr.rel @p1 .LBB2_15-.Ltmp12, $4  }
0x10f: {  	p2 =	seq.s32 @!p0 s5, s9  }
0x110: {  	p2 =	por !p2, p0  }
0x111: {  	s6 =	simm.s32 @p2 $0xFFFFFFFF  }
0x112: {  	s6 =	smov.u32 @p0 s8  }
.LBB2_16:
0x113: {  	p0 =	sne.s32 s6, $0xFFFFFFFF  }
.Ltmp13:
0x114: {  	_ = 	snop;
	(pc) =	sbr.rel @!p0 .LBB2_17-.Ltmp13, $1  }
0x115: {  	_ =	sdelay $0x3  }
0x116: {  	v0 =	vld.msk [tilespmem:s4+$0xE0], $0x1;
	v1 =	vmov s6  }
.Ltmp14:
0x117: {  	_ = 	snop;
	(pc) =	sbr.rel .LBB2_19-.Ltmp14, $2  }
0x118: {  	_ =	sdelay $0x2  }
0x119: {  	[tilespmem:v1+s3+$0x0], v0 =	vst.idx.ret.add.f32.msk $0x1, v0  }
.LBB2_20:
0x11a: {  	p0 =	slt.s32 s2, $0x1  }
.Ltmp15:
0x11b: {  	_ = 	snop;
	(pc) =	sbr.rel @p0 .LBB2_24-.Ltmp15, $3  }
0x11c: {  	_ =	sdelay $0x1  }
0x11d: {  	s0 =	simm.s32 $0x6  }
0x11e: {  	s3 =	simm.s32 $0x0;
	[sflag:s0] =	ssyncpa.u1 $0x1  }
0x11f: {  	s0 =	simm.s32 $0xC0  }
0x120: {  	v0 =	vld.msk [tilespmem:s0+$0x0], $0x1;
	_ =	sdelay $0x4  }
0x121: {  	(v2sf) =	vpush v0, $0x0;
	_ =	sdelay $0xe  }
0x122: {  	s2 =	sadd.s32 $0xFFFFFFFF, s2;
	s4 =	spop (v2sf)  }
0x123: {  	p1 =	sne.s32 s2, $0x0;
	p0 =	sgt.u32 s4, $0x4E47FF  }
.Ltmp16:
0x124: {  	s5 =	sshrl.u32 @!p0 s4, $0x3;
	(pc) =	sbr.rel @!p1 .LBB2_23-.Ltmp16, $4  }
0x125: {  	s0 =	simm.s32 $0xE0;
	s4 =	sand.u32 @!p0 $0x7, s4;
	s5 =	sadd.s32 @!p0 s1, s5  }
0x126: {  	[hbm4b:s5+s4] =	stream.linear.scatter @!p0 [tilespmem:s0], [sflag:$0x5], $0x1, $0x38;
	[tilespmem:$0xF030] =	vst v63  }
0x127: {  	s5 =	simm.s32 $0x0  }
0x128: {  	s4 =	simm.s32 $0xC1;
	s5 =	simm.s32 @!p0 $0x4  }
.LBB2_22:
0x129: {  	v0 =	vld.msk [tilespmem:s4+$0x0], $0x1;
	s2 =	sadd.s32 $0xFFFFFFFF, s2;
	s3 =	sadd.s32 s3, s5  }
0x12a: {  	p0 =	sne.s32 s2, $0x0;
	_ =	sdelay $0x3  }
0x12b: {  	(v2sf) =	vpush v0, $0x0;
	_ =	sdelay $0xe  }
.Ltmp17:
0x12c: {  	s6 =	spop (v2sf);
	(pc) =	sbr.rel @p0 .LBB2_22-.Ltmp17, $4  }
0x12d: {  	s5 =	simm.s32 $0x0;
	p1 =	sgt.u32 s6, $0x4E47FF  }
0x12e: {  	s0 =	sadd.s32 $0x1, s0;
	s5 =	simm.s32 @!p1 $0x4;
	s7 =	sshrl.u32 @!p1 s6, $0x3  }
0x12f: {  	s4 =	sadd.s32 $0x1, s4;
	s6 =	sand.u32 @!p1 $0x7, s6;
	s7 =	sadd.s32 @!p1 s1, s7  }
0x130: {  	[hbm4b:s7+s6] =	stream.linear.scatter @!p1 [tilespmem:s0], [sflag:$0x5], $0x1, $0x38;
	[tilespmem:$0xF030] =	vst v63  }
.LBB2_23:
0x131: {  	s0 =	sadd.s32 s3, s5  }
0x132: {  	s3 =	sshrl.u32 s0, $0x2  }
.LBB2_24:
0x133: {  	s0 =	simm.s32 $0x5  }
0x134: {  	_ =	swait.ge [sflag:s0], s3  }
0x135: {  	s1 =	ssub.s32 $0x0, s3;
	[sflag:s0] =	ssyncset.done $0x0  }
0x136: {  	[sflag:s0] =	ssyncadd.s32 s1  }
0x137: {  	[sflag:s0] =	ssyncpa.u1 $0x1  }
0x138: {  	s29 =	simm.s32 $0x1;
	_ =	sfence  }
0x139: {  	s30 =	simm.s32 $0x2;
	[sflag:s29] =	ssyncpa.u1 $0x1  }
0x13a: {  	[sflag:s30] =	ssyncpa.u1 $0x1  }
0x13b: {  	_ =	strace $0x90000062  }
0x13c: {  	[bflag:$0x2] =	sbarrier.arrive $0xFFFF  }
0x13d: {  	s31 =	rddreg [dreg:$0x1]  }
0x13e: {  	s0 =	sadd.s32 $0x100000, s31  }
0x13f: {  	[sflag:s0] =	ssyncadd.tile.s32 $0x1;
	_ =	shalt  }
.Lfunc_end2:
_tile_overlayer_lowered:
.L_overlay_start_2:
0x140: {  	(tag) =	ssettag $0x2  }
0x141: {  	s0 =	rddreg [dreg:$0x0];
	s2 =	stileid.u32  }
0x142: {  	s1 =	rddreg [dreg:$0x1];
	p0 =	sne.s32 s2, $0x0  }
0x143: {  	s3 =	rddreg [dreg:$0x2];
	[bflag:$0x3] =	sbarrier.arrive $0xFFFF;
	s2 =	simm.s32 @!p0 $0x1C01  }
0x144: {  	[timem:s3], [sflag:s2] =	dma.local @!p0 [hbm:s0], s1  }
0x145: {  	s0 =	simm.s32 @!p0 $0x1  }
0x146: {  	_ =	swait.ge @!p0 [sflag:s0], s1  }
0x147: {  	s1 =	ssub.s32 @!p0 $0x0, s1;
	[sflag:s0] =	ssyncset.done @!p0 $0x0  }
0x148: {  	[sflag:s0] =	ssyncadd.s32 @!p0 s1  }
0x149: {  	[bflag:$0x3] =	sbarrier.arrive $0xFFFF  }
0x14a: {  	_ =	shalt  }

// kernel: scatter_offload_async_start
scs
__scs_entry_jumppad:
0x0: {  	(pc) =	sbr.rel $0x88, $3  }
0x1: {  	(tag) =	ssettag $0x0;
	lr =	simm.s32 $0x1  }
0x2: {  	[smem:$0x3F94] =	sst lr;
	_ =	strace $0xD0000000  }
0x3: {  	_ = 	snop  }
0x4: {  	_ = 	snop  }
0x5: {  	_ = 	snop  }
0x6: {  	_ = 	snop  }
0x7: {  	_ = 	snop  }
__scs_overlays_trampoline_lowered:
0x8: {  	[smem:$0x3FA3] =	sst s0  }
0x9: {  	[smem:$0x3FA4] =	sst s1  }
0xa: {  	[smem:$0x3FA5] =	sst s2  }
0xb: {  	[smem:$0x3FA6] =	sst s3  }
0xc: {  	[smem:$0x3FA7] =	sst s4  }
0xd: {  	[smem:$0x3FA8] =	sst s5  }
0xe: {  	[smem:$0x3FA9] =	sst s6  }
0xf: {  	[smem:$0x3FAA] =	sst s7  }
0x10: {  	[smem:$0x3FAB] =	sst s8  }
0x11: {  	[smem:$0x3FAC] =	sst s9;
	s0 =	simm.s32 @!p0 $0x0  }
0x12: {  	s1 =	sld [smem:$0x3F92];
	s0 =	simm.s32 @p0 $0x1  }
0x13: {  	[smem:$0x3FAD] =	sst s0;
	s0 =	simm.s32 @!p1 $0x0  }
0x14: {  	s2 =	sld [smem:$0x3F91];
	s0 =	simm.s32 @p1 $0x1  }
0x15: {  	[smem:$0x3FAE] =	sst s0;
	s0 =	simm.s32 @!p2 $0x0  }
0x16: {  	s3 =	sld [smem:$0x3FDB];
	s0 =	simm.s32 @p2 $0x1  }
0x17: {  	s4 =	simm.s32 $0x1BF5;
	[smem:$0x3FB0] =	sst s0  }
0x18: {  	s0 =	sld [smem:$0x3F93];
	_ =	swait.ge [sflag:s4], $0x0  }
0x19: {  	s7 =	sld [smem:$0x3F94]  }
0x1a: {  	s8 =	sadd.s32 $0xFFFFE003, lr  }
0x1b: {  	s9 =	sadd.s32 $0xFFFFFEF7, lr;
	s5 =	simm.s32 $0xFFFFFFFF;
	p2 =	slt.u32 s8, $0xFFFFF086  }
0x1c: {  	p1 =	slt.u32 s9, $0xF7A;
	s5 =	simm.s32 @!p2 $0x0  }
0x1d: {  	s5 =	simm.s32 @p1 $0x1;
	p0 =	seq.s32 s7, s2  }
0x1e: {  	s7 =	smul.u32 @!p0 $0xF7A, s2;
	p2 =	seq.s32 @!p0 s5, $0x0  }
0x1f: {  	s9 =	smul.u32 $0xF7A, s1;
	s8 =	simm.s32 @!p0 $0x1BF5;
	p2 =	por !p2, p0  }
0x20: {  	[sflag:s8] =	ssyncset.s32 @!p0 $0xFFFFF086;
	s6 =	sadd.s32 @!p0 s3, s7;
	s7 =	simm.s32 @!p0 $0x108  }
0x21: {  	s3 =	sadd.s32 s3, s9;
	s6 =	sadd.s32 @!p0 $0x88, s6;
	s7 =	simm.s32 @p2 $0x1082  }
0x22: {  	[simem:s7], [sflag:s8] =	dma.local @!p0 [hbm:s6], $0xF7A  }
0x23: {  	s9 =	sor.u32 $0xD0000000, s2;
	s6 =	simm.s32 $0x108;
	_ =	swait.ge @!p0 [sflag:s8], $0x0  }
0x24: {  	s3 =	sadd.s32 $0x88, s3;
	s6 =	simm.s32 @!p1 $0x1082;
	[sflag:s4] =	ssyncset.s32 $0xFFFFF086  }
0x25: {  	[simem:s6], [sflag:s4] =	dma.local [hbm:s3], $0xF7A  }
0x26: {  	[smem:$0x3F94] =	sst s1;
	(tag) =	ssettag s2;
	_ =	strace s9  }
0x27: {  	s1 =	sld [smem:$0x3FA4]  }
0x28: {  	s2 =	sld [smem:$0x3FA5]  }
0x29: {  	s4 =	sld [smem:$0x3FA7]  }
0x2a: {  	p0 =	seq.s32 s5, $0x0;
	s5 =	sld [smem:$0x3FA8]  }
0x2b: {  	s6 =	sld [smem:$0x3FA9]  }
0x2c: {  	s7 =	sld [smem:$0x3FAA]  }
0x2d: {  	s3 =	simm.s32 $0x108;
	s8 =	sld [smem:$0x3FAB]  }
0x2e: {  	s3 =	simm.s32 @!p0 $0x1082;
	s9 =	sld [smem:$0x3FAC]  }
0x2f: {  	lr =	sadd.s32 s0, s3;
	s0 =	sld [smem:$0x3FA3]  }
0x30: {  	s3 =	sld [smem:$0x3FA6]  }
0x31: {  	[smem:$0x3FAF] =	sst s10  }
0x32: {  	s10 =	sld [smem:$0x3FAD];
	_ =	sdelay $0x3  }
0x33: {  	p0 =	seq.s32 s10, $0x1;
	s10 =	sld [smem:$0x3FAF];
	_ =	sdelay $0x3  }
0x34: {  	[smem:$0x3FAF] =	sst s10  }
0x35: {  	s10 =	sld [smem:$0x3FAE];
	_ =	sdelay $0x3  }
0x36: {  	p1 =	seq.s32 s10, $0x1;
	s10 =	sld [smem:$0x3FAF];
	_ =	sdelay $0x3  }
0x37: {  	[smem:$0x3FAF] =	sst s10  }
0x38: {  	s10 =	sld [smem:$0x3FB0]  }
0x39: {  	_ = 	snop;
	(pc) =	sbr.ind lr, $3  }
0x3a: {  	_ = 	snop  }
0x3b: {  	_ = 	snop  }
0x3c: {  	p2 =	seq.s32 s10, $0x1;
	s10 =	sld [smem:$0x3FAF]  }
0x3d: {  	_ =	shalt  }
0x3e: {  	_ =	shalt  }
0x3f: {  	_ =	shalt  }
0x40: {  	_ =	shalt  }
0x41: {  	_ =	shalt  }
0x42: {  	_ =	shalt  }
0x43: {  	_ =	shalt  }
0x44: {  	_ =	shalt  }
0x45: {  	_ =	shalt  }
0x46: {  	_ =	shalt  }
0x47: {  	_ =	shalt  }
0x48: {  	_ =	shalt  }
0x49: {  	_ =	shalt  }
0x4a: {  	_ =	shalt  }
0x4b: {  	_ =	shalt  }
0x4c: {  	_ =	shalt  }
0x4d: {  	_ =	shalt  }
0x4e: {  	_ =	shalt  }
0x4f: {  	_ =	shalt  }
0x50: {  	_ =	shalt  }
0x51: {  	_ =	shalt  }
0x52: {  	_ =	shalt  }
0x53: {  	_ =	shalt  }
0x54: {  	_ =	shalt  }
0x55: {  	_ =	shalt  }
0x56: {  	_ =	shalt  }
0x57: {  	_ =	shalt  }
0x58: {  	_ =	shalt  }
0x59: {  	_ =	shalt  }
0x5a: {  	_ =	shalt  }
0x5b: {  	_ =	shalt  }
0x5c: {  	_ =	shalt  }
0x5d: {  	_ =	shalt  }
0x5e: {  	_ =	shalt  }
0x5f: {  	_ =	shalt  }
0x60: {  	_ =	shalt  }
0x61: {  	_ =	shalt  }
0x62: {  	_ =	shalt  }
0x63: {  	_ =	shalt  }
0x64: {  	_ =	shalt  }
0x65: {  	_ =	shalt  }
0x66: {  	_ =	shalt  }
0x67: {  	_ =	shalt  }
0x68: {  	_ =	shalt  }
0x69: {  	_ =	shalt  }
0x6a: {  	_ =	shalt  }
0x6b: {  	_ =	shalt  }
0x6c: {  	_ =	shalt  }
0x6d: {  	_ =	shalt  }
0x6e: {  	_ =	shalt  }
0x6f: {  	_ =	shalt  }
0x70: {  	_ =	shalt  }
0x71: {  	_ =	shalt  }
0x72: {  	_ =	shalt  }
0x73: {  	_ =	shalt  }
0x74: {  	_ =	shalt  }
0x75: {  	_ =	shalt  }
0x76: {  	_ =	shalt  }
0x77: {  	_ =	shalt  }
0x78: {  	_ =	shalt  }
0x79: {  	_ =	shalt  }
0x7a: {  	_ =	shalt  }
0x7b: {  	_ =	shalt  }
0x7c: {  	_ =	shalt  }
0x7d: {  	_ =	shalt  }
0x7e: {  	_ =	shalt  }
0x7f: {  	_ =	shalt  }
0x80: {  	_ =	shalt  }
0x81: {  	_ =	shalt  }
0x82: {  	_ =	shalt  }
0x83: {  	_ =	shalt  }
0x84: {  	_ =	shalt  }
0x85: {  	_ =	shalt  }
0x86: {  	_ =	shalt  }
0x87: {  	_ =	shalt  }
.Lfunc_end0:
.L_simem_size_0:
called_computation_lowered:
.L_overlay_start_0:
0x88: {  	s0 =	sld [smem:$0x3FD9]  }
0x89: {  	s1 =	sld [smem:$0x3FFE];
	_ =	sdelay $0x3  }
0x8a: {  	s0 =	sadd.s32 s1, s0  }
0x8b: {  	[smem:$0x3FBB] =	sst s0  }
0x8c: {  	_ = 	snop  }
0x8d: {  	(tm) =	ssettm $0x1  }
0x8e: {  	s15 =	sld [smem:$0x3FFB];
	_ =	sdelay $0x3  }
0x8f: {  	_ =	strace s15  }
0x90: {  	s0 =	sld [smem:$0x3FFC];
	_ =	sdelay $0x3  }
0x91: {  	_ =	strace s0  }
0x92: {  	s0 =	sld [smem:$0x3FFD];
	_ =	sdelay $0x3  }
0x93: {  	_ =	strace s0  }
0x94: {  	_ =	strace $0x8FFFFFFF  }
0x95: {  	s16 =	sld [smem:$0x3FDB];
	_ =	sdelay $0x1  }
0x96: {  	s17 =	simm.s32 $_scs_section_size  }
0x97: {  	s2 =	simm.s32 $_size__tile_overlayer_lowered;
	s3 =	simm.s32 $_tile_overlayer_lowered  }
0x98: {  	s20 =	simm.s32 $0x1BFF;
	s19 =	sshll.u32 s3, $0x1;
	s0 =	sadd.s32 s17, s16  }
0x99: {  	s4 =	simm.s32 $0x0;
	s18 =	sshll.u32 s2, $0x1;
	s2 =	sadd.s32 s19, s0  }
0x9a: {  	[timem:s4], [sflag:s20] =	dma.local [hbm:s2], s18  }
0x9b: {  	_ =	swait.ge [sflag:s20], s18  }
0x9c: {  	s1 =	ssub.s32 $0x0, s18;
	[sflag:s20] =	ssyncset.done $0x0  }
0x9d: {  	[sflag:s20] =	ssyncadd.s32 s1;
	_ =	sdelay $0x1  }
0x9e: {  	s21 =	simm.s32 $0x1B8B  }
0x9f: {  	_ =	swait.ge [sflag:s21], $0x1  }
0xa0: {  	[sflag:s21] =	ssyncset.done $0x0  }
0xa1: {  	s23 =	simm.s32 $0x1B8E;
	s22 =	sld [smem:$0x3FFE];
	[sflag:s21] =	ssyncadd.s32 $0xFFFFFFFF  }
0xa2: {  	s24 =	simm.s32 $execute0_lowered;
	[smem:$0x3FD2] =	sst s23  }
0xa3: {  	s2 =	sshll.u32 s24, $0x1;
	_ =	strace $0x80000046;
	[dreg:$0x1] =	wrdreg $0xFFFFFFFF  }
0xa4: {  	s25 =	simm.s32 $_size_execute0_lowered;
	s0 =	sadd.s32 s0, s2;
	[dreg:$0x0] =	wrdreg $0x0  }
0xa5: {  	s2 =	sshll.u32 s25, $0x1;
	[dreg:$0x2] =	wrdreg s0  }
0xa6: {  	[dreg:$0x3] =	wrdreg s2  }
0xa7: {  	[dreg:$0x4] =	wrdreg $0xC0  }
0xa8: {  	_ =	task [dreg:s4], $0x5FFFF  }
0xa9: {  	[dreg:$0x1] =	wrdreg $0xFFFFFFFF  }
0xaa: {  	[dreg:$0x0] =	wrdreg $0x60  }
0xab: {  	[dreg:$0x2] =	wrdreg s22  }
0xac: {  	[dreg:$0x3] =	wrdreg $0x9  }
0xad: {  	_ =	task.clear_ibuf [dreg:s4], $0x4FFFF;
	_ =	strace $0x90000046  }
0xae: {  	s26 =	simm.s32 $0x9;
	_ =	strace $0x80000048  }
0xaf: {  	_ =	swait.ge [sflag:s26], $0x1  }
0xb0: {  	[sflag:s26] =	ssyncadd.s32 $0xFFFFFFFF  }
0xb1: {  	_ =	strace $0x90000048  }
0xb2: {  	_ =	sfence  }
0xb3: {  	s28 =	sld [smem:$0x0];
	_ =	sdelay $0x1  }
0xb4: {  	s29 =	srdreg.scid  }
0xb5: {  	s30 =	sshll.u32 s29, $0xD;
	s31 =	sshrl.u32 s29, $0x2  }
0xb6: {  	s1 =	sand.u32 $0x1, s29;
	s2 =	sand.u32 $0x4000, s30;
	s0 =	sadd.s32 s31, s28  }
0xb7: {  	s1 =	sor.u32 s2, s1;
	s0 =	sshll.u32 s0, $0x11  }
0xb8: {  	s0 =	sor.u32 s0, s1  }
0xb9: {  	s0 =	sadd.s32 $0x8F2B, s0  }
0xba: {  	[sflag:s0] =	ssyncadd.remote.s32 $0x1  }
0xbb: {  	_ =	sfence.sel $0xFFFF  }
0xbc: {  	[dreg:$0x0] =	wrdreg $0xFFFFFFFF;
	(pc) =	sbr.abs _section_cstart, $3  }
0xbd: {  	[dreg:$0x1] =	wrdreg $0xFFFFFFFF  }
0xbe: {  	_ =	task.clear_ibuf [dreg:s4], $0x2FFFF;
	_ =	strace $0x9FFFFFFF  }
0xbf: {  	(tm) =	ssettm $0x7FFFFFFF  }
tec
execute0_lowered:
.L_overlay_start_1:
0x0: {  	(tag) =	ssettag $0x1  }
0x1: {  	s0 =	rddreg [dreg:$0x0];
	_ =	strace $0x80000047;
	s1 =	simm.s32 $0x1  }
0x2: {  	s8 =	simm.s32 $0x108;
	v0 =	vimm.s32 $0x0;
	[sflag:s1] =	ssyncpa.u1 $0x0  }
0x3: {  	[tilespmem:s8+$0x70] =	vst v0  }
0x4: {  	[tilespmem:s8+$0x60] =	vst v0  }
0x5: {  	[tilespmem:s8+$0x50] =	vst v0  }
0x6: {  	[tilespmem:s8+$0x40] =	vst v0  }
0x7: {  	[tilespmem:s8+$0x30] =	vst v0  }
0x8: {  	s2 =	simm.s32 $0x40;
	s1 =	sadd.s32 $0x2B7A00, s0;
	[tilespmem:s8+$0x20] =	vst v0  }
0x9: {  	s3 =	sadd.s32 $0x5400, s0;
	s4 =	sadd.s32 $0x1F800, s0;
	s5 =	sadd.s32 $0xA800, s0;
	[tilespmem:s8+$0x10] =	vst v0  }
.LBB2_1:
0xa: {  	s2 =	sadd.s32 $0x40, s2;
	[tilespmem:s8+$0x0] =	vst v0;
	s8 =	sadd.s32 $0x80, s8  }
0xb: {  	p0 =	slt.u32 s2, $0x3C40;
	[tilespmem:s8+$0x70] =	vst v0  }
0xc: {  	[tilespmem:s8+$0x60] =	vst v0  }
.Ltmp0:
0xd: {  	[tilespmem:s8+$0x50] =	vst v0;
	(pc) =	sbr.rel @p0 .LBB2_1-.Ltmp0, $4  }
0xe: {  	[tilespmem:s8+$0x40] =	vst v0  }
0xf: {  	[tilespmem:s8+$0x30] =	vst v0  }
0x10: {  	[tilespmem:s8+$0x20] =	vst v0  }
0x11: {  	[tilespmem:s8+$0x10] =	vst v0  }
0x12: {  	s13 =	stileid.u32  }
0x13: {  	s0 =	smul.u32 $0x2C, s13  }
0x14: {  	s2 =	smin.u32 s13, $0x5  }
0x15: {  	s0 =	sadd.s32 s2, s0  }
0x16: {  	p0 =	slt.u32 s13, $0x5;
	s6 =	smul.u32 $0xF0, s0;
	s0 =	simm.s32 $0x2A30  }
0x17: {  	s0 =	simm.s32 @!p0 $0x2940  }
0x18: {  	s0 =	sadd.s32 s0, s6  }
0x19: {  	s7 =	smin.u32 s0, $0x29810  }
0x1a: {  	s0 =	ssub.s32 s7, s6  }
0x1b: {  	p0 =	sgt.s32 s0, $0x0  }
0x1c: {  	s0 =	simm.s32 @!p0 $0x0  }
0x1d: {  	s31 =	smulhi.u32 $0x88888889, s0  }
0x1e: {  	s30 =	simm.s32 $0x2;
	s9 =	simm.s32 $0x7;
	s10 =	simm.s32 $0x8  }
0x1f: {  	s19 =	simm.s32 $0x0;
	s15 =	simm.s32 $0xA;
	s2 =	sshrl.u32 s31, $0x7  }
0x20: {  	s17 =	simm.s32 $0x0;
	s18 =	simm.s32 $0x0;
	s11 =	smul.u32 $0xF0, s2  }
.Ltmp1:
0x21: {  	[tilespmem:s8+$0x0] =	vst v0;
	v0 =	vimm.s32 $0xFFFFFFFF;
	[sflag:s30] =	ssyncpa.u1 $0x0;
	s13 =	sshll.u32 s13, $0x8;
	(pc) =	sbr.rel .LBB2_3-.Ltmp1, $4  }
0x22: {  	[tilespmem:$0xF208] =	vst v0;
	[sflag:s9] =	ssyncpa.u1 $0x0;
	p0 =	sne.s32 s0, s11;
	s0 =	simm.s32 $0x1  }
0x23: {  	[sflag:s10] =	ssyncpa.u1 $0x0;
	s10 =	simm.s32 $0x9;
	s0 =	simm.s32 @!p0 $0x0  }
0x24: {  	[sflag:s10] =	ssyncpa.u1 $0x0;
	s16 =	smov.u32 s6;
	s12 =	sadd.s32 s0, s2  }
0x25: {  	v0 =	vlaneseq.u32;
	s11 =	simm.s32 $0x1;
	p0 =	por $0x0, $0x0;
	s14 =	sadd.s32 $0x1, s12  }
.LBB2_18:
0x26: {  	s0 =	sshrl.u32 s28, $0x2  }
.LBB2_20:
0x27: {  	_ =	swait.ge [sflag:s15], s0  }
0x28: {  	s31 =	ssub.s32 $0x0, s0;
	v1 =	vmov s21;
	vm0 =	veq.s32 v0, $0x0;
	[sflag:s15] =	ssyncset.done $0x0  }
0x29: {  	vm15 =	veq.s32 v0, $0x2;
	v1 =	vsel vm0, s26, v1;
	[sflag:s15] =	ssyncadd.s32 s31  }
0x2a: {  	v1 =	vsel vm15, s19, v1;
	[sflag:s15] =	ssyncpa.u1 $0x1  }
0x2b: {  	[tilespmem:$0xF208] =	vst v1  }
.LBB2_21:
0x2c: {  	s0 =	sadd.s32 $0xF0, s16  }
0x2d: {  	s2 =	smov.u32 s6;
	p1 =	slt.s32 s0, s7  }
0x2e: {  	s2 =	smov.u32 @p1 s0;
	p1 =	sne.s32 s18, s14  }
.Ltmp2:
0x2f: {  	_ = 	snop;
	(pc) =	sbr.rel @!p1 .LBB2_22-.Ltmp2, $3  }
0x30: {  	_ =	sdelay $0x1  }
0x31: {  	s19 =	smov.u32 s17;
	s31 =	sadd.s32 $0x1, s18;
	s17 =	smov.u32 s16  }
0x32: {  	p0 =	por !p0, !p0;
	s18 =	smov.u32 s31;
	s16 =	smov.u32 s2  }
.LBB2_3:
0x33: {  	p1 =	sge.u32 s18, s12  }
0x34: {  	s0 =	smulhi.u32 @!p1 $0xAAAAAAAB, s18  }
0x35: {  	s2 =	smov.u32 s16;
	p2 =	sgt.s32 @!p1 s16, $0x29720  }
0x36: {  	s20 =	sshra.s32 @!p1 s16, $0x1F;
	p2 =	por !p2, p1;
	s0 =	sshrl.u32 @!p1 s0, $0x1  }
0x37: {  	s20 =	sand.u32 @!p1 s20, s16;
	s2 =	simm.s32 @p2 $0x29720;
	s0 =	smul.u32 @!p1 $0x3, s0  }
0x38: {  	s2 =	ssub.s32 @!p1 s2, s20  }
0x39: {  	s2 =	sadd.s32 @!p1 $0xFFFD68E0, s2;
	s0 =	ssub.s32 @!p1 s18, s0  }
0x3a: {  	s20 =	sshll.u32 @!p1 s2, $0x2;
	p2 =	sgt.s32 @!p1 s2, $0xEF;
	s0 =	smul.u32 @!p1 $0x3C0, s0  }
0x3b: {  	s21 =	sand.u32 @!p1 $0x7, s16;
	s2 =	ssub.s32 @!p1 $0x3C0, s20;
	p2 =	por !p2, p1  }
0x3c: {  	s20 =	sshrl.u32 @!p1 s16, $0x3;
	s2 =	sshrl.u32 @!p1 s2, $0x2;
	s0 =	sshrl.u32 @!p1 s0, $0x2  }
0x3d: {  	s20 =	sadd.s32 @!p1 s5, s20;
	s2 =	simm.s32 @!p2 $0x0;
	s0 =	sadd.s32 @!p1 $0x10238, s0  }
0x3e: {  	[tilespmem:s0], [sflag:$0x8] =	stream.linear.gather @!p1 [hbm4b:s20+s21], s2, $0x38;
	[tilespmem:$0x1F6E8] =	vst v63  }
0x3f: {  	s0 =	sadd.s32 $0xFFFFFFFF, s18  }
0x40: {  	p1 =	sge.u32 s0, s12  }
0x41: {  	p2 =	sgt.s32 @!p1 s17, $0x29720  }
0x42: {  	s2 =	smov.u32 s17;
	s20 =	sshra.s32 @!p1 s17, $0x1F;
	p2 =	por !p2, p1  }
0x43: {  	s20 =	sand.u32 @!p1 s20, s17;
	s2 =	simm.s32 @p2 $0x29720  }
0x44: {  	s2 =	ssub.s32 @!p1 s2, s20  }
0x45: {  	s2 =	sadd.s32 @!p1 $0xFFFD68E0, s2  }
0x46: {  	s21 =	sand.u32 @!p1 $0x1, s0;
	s20 =	sshll.u32 @!p1 s2, $0x2  }
0x47: {  	p2 =	sgt.s32 @!p1 s2, $0xEF;
	s2 =	ssub.s32 @!p1 $0x3C0, s20;
	s20 =	smulhi.u32 @!p1 $0xAAAAAAAB, s0  }
0x48: {  	s23 =	smul.u32 @!p1 $0x3C0, s21;
	p2 =	por !p2, p1;
	s2 =	sshrl.u32 @!p1 s2, $0x2  }
0x49: {  	s22 =	simm.s32 @!p1 $0x8;
	s2 =	simm.s32 @!p2 $0x0;
	s20 =	sshrl.u32 @!p1 s20, $0x1  }
0x4a: {  	s23 =	sshrl.u32 @!p1 s23, $0x2;
	_ =	swait.ge @!p1 [sflag:s22], s2;
	s20 =	smul.u32 @!p1 $0x3, s20  }
0x4b: {  	s23 =	sor.u32 @!p1 $0x10508, s23;
	s24 =	ssub.s32 @!p1 $0x0, s2;
	[sflag:s22] =	ssyncset.done @!p1 $0x0  }
0x4c: {  	[sflag:s22] =	ssyncadd.s32 @!p1 s24;
	s22 =	sshrl.u32 @!p1 s17, $0x3;
	s0 =	ssub.s32 @!p1 s0, s20  }
0x4d: {  	s24 =	sand.u32 @!p1 $0x7, s17;
	s22 =	sadd.s32 @!p1 s3, s22;
	s0 =	smul.u32 @!p1 $0x3C0, s0  }
0x4e: {  	[tilespmem:s23], [sflag:$0x9] =	stream.linear.gather @!p1 [hbm4b:s22+s24], s2, $0x38;
	[tilespmem:$0x1F6E8] =	vst v63  }
0x4f: {  	s20 =	ssub.s32 @!p1 $0x29810, s17;
	s2 =	smul.u32 @!p1 $0x1E000, s21  }
0x50: {  	p2 =	slt.s32 @!p1 s20, $0xF0  }
0x51: {  	p2 =	por !p2, p1;
	s0 =	sshrl.u32 @!p1 s0, $0x2;
	s2 =	sshrl.u32 @!p1 s2, $0x2  }
0x52: {  	s20 =	simm.s32 @p2 $0xF0;
	s0 =	sadd.s32 @!p1 $0x10238, s0;
	s2 =	sor.u32 @!p1 $0x106E8, s2  }
0x53: {  	[tilespmem:s2], [sflag:$0x7] =	stream.indirect.gather @!p1 [hbm4b:s4+s20], $0x80, s0, s20, $0xb8;
	[tilespmem:$0x1F6E8] =	vst v63  }
0x54: {  	p1 =	slt.u32 s18, $0x2  }
.Ltmp3:
0x55: {  	_ = 	snop;
	(pc) =	sbr.rel @p1 .LBB2_21-.Ltmp3, $1  }
0x56: {  	_ =	sdelay $0x3  }
0x57: {  	p1 =	sgt.s32 s19, $0x29720;
	s0 =	smov.u32 s19  }
0x58: {  	s2 =	sshra.s32 s19, $0x1F;
	s20 =	ssub.s32 $0x29810, s19;
	s0 =	simm.s32 @!p1 $0x29720  }
0x59: {  	s2 =	sand.u32 s2, s19;
	p1 =	slt.s32 s20, $0xF0;
	s21 =	smov.u32 s20  }
0x5a: {  	s0 =	ssub.s32 s0, s2;
	s21 =	simm.s32 @!p1 $0xF0  }
0x5b: {  	s0 =	sadd.s32 $0xFFFD68E0, s0;
	s28 =	sshll.u32 s21, $0x7  }
0x5c: {  	s29 =	sshll.u32 s0, $0x2;
	s2 =	sand.u32 $0x3FFFFF80, s28  }
0x5d: {  	p1 =	sgt.s32 s0, $0xEF;
	s30 =	ssub.s32 $0x3C0, s29;
	_ =	swait.ge [sflag:s9], s2  }
0x5e: {  	s2 =	ssub.s32 $0x0, s2;
	[sflag:s9] =	ssyncset.done $0x0;
	s0 =	sshrl.u32 s30, $0x2  }
0x5f: {  	[sflag:s9] =	ssyncadd.s32 s2;
	s0 =	simm.s32 @p1 $0x0  }
0x60: {  	_ =	swait.ge [sflag:s10], s0  }
0x61: {  	s0 =	ssub.s32 $0x0, s0;
	[sflag:s10] =	ssyncset.done $0x0  }
0x62: {  	[sflag:s10] =	ssyncadd.s32 s0  }
0x63: {  	v1 =	vld [tilespmem:$0xF208];
	_ =	sdelay $0x4  }
0x64: {  	(v2sf) =	vpush v1, $0x0  }
0x65: {  	(v2sf) =	vpush v1, $0x1  }
0x66: {  	(v2sf) =	vpush v1, $0x2;
	_ =	sdelay $0x3  }
0x67: {  	s0 =	sadd.s32 $0xF0, s19  }
0x68: {  	p1 =	slt.s32 s7, s0  }
0x69: {  	s0 =	smov.u32 @p1 s7;
	p1 =	sgt.s32 s20, $0x0  }
0x6a: {  	s23 =	ssub.s32 s0, s19;
	s20 =	simm.s32 @!p1 $0x0  }
0x6b: {  	p1 =	slt.s32 s20, s23  }
0x6c: {  	s23 =	smov.u32 @p1 s20  }
0x6d: {  	s22 =	simm.s32 $0x1;
	p1 =	slt.s32 s23, $0x1  }
.Ltmp4:
0x6e: {  	s22 =	simm.s32 @!p0 $0x0;
	(pc) =	sbr.rel @p1 .LBB2_8-.Ltmp4, $4  }
0x6f: {  	s31 =	smul.u32 $0x3C0, s22  }
0x70: {  	s24 =	spop (v2sf)  }
0x71: {  	s0 =	sshrl.u32 s31, $0x2;
	s26 =	spop (v2sf)  }
0x72: {  	s20 =	sor.u32 $0x10508, s0;
	s19 =	spop (v2sf)  }
0x73: {  	s0 =	smin.u32 s23, $0x10  }
0x74: {  	v1 =	vmov s0  }
0x75: {  	p2 =	sgt.s32 s23, $0x10;
	vm1 =	vgt.u32 v1, v0  }
.Ltmp5:
0x76: {  	_ = 	snop;
	(pc) =	sbr.rel @!p2 .LBB2_7-.Ltmp5, $2  }
0x77: {  	_ =	sdelay $0x2  }
0x78: {  	s25 =	simm.s32 $0x10;
	s28 =	sadd.s32 $0xFFFFFFF0, s23;
	s21 =	smov.u32 s20;
	vm0 =	vmmov vm1  }
.LBB2_6:
0x79: {  	s0 =	smin.u32 s28, $0x10;
	s25 =	sadd.s32 $0x10, s25;
	v1 =	vld.msk [tilespmem:s21+$0x0 ss:$0x1], vm1  }
0x7a: {  	v2 =	vmov s0;
	p2 =	slt.s32 s25, s23  }
0x7b: {  	vm1 =	vgt.u32 v2, v0  }
.Ltmp6:
0x7c: {  	(pc) =	sbr.rel @p2 .LBB2_6-.Ltmp6, $3  }
0x7d: {  	_ =	sdelay $0x1  }
0x7e: {  	v1 =	vshll.u32 v1, $0x4  }
0x7f: {  	s28 =	sadd.s32 $0xFFFFFFF0, s28;
	[tilespmem:s21+$0x0] =	vst.msk vm0, v1;
	s21 =	sadd.s32 $0x10, s21;
	vm0 =	vmmov vm1  }
.LBB2_7:
0x80: {  	_ =	sdelay $0x4  }
0x81: {  	v1 =	vld.msk [tilespmem:s21+$0x0 ss:$0x1], vm1;
	_ =	sdelay $0x4  }
0x82: {  	v1 =	vshll.u32 v1, $0x4  }
0x83: {  	[tilespmem:s21+$0x0] =	vst.msk vm0, v1  }
.LBB2_8:
0x84: {  	s0 =	sand.u32 $0x1, s18  }
0x85: {  	s2 =	smul.u32 $0x7800, s0  }
0x86: {  	p2 =	sne.s32 s26, $0xFFFFFFFF  }
0x87: {  	v1 =	vld @!p2 [tilespmem:s2+$0x106E8];
	_ =	sdelay $0x2  }
0x88: {  	s0 =	smul.u32 $0xF0, s0;
	_ =	sdelay $0x1  }
0x89: {  	v2 =	vld.msk @!p2 [tilespmem:s0+$0x10508], $0x1;
	[tilespmem:$0x108] =	vst @!p2 v1  }
0x8a: {  	v1 =	vld @!p2 [tilespmem:s2+$0x106F8];
	_ =	sdelay $0x4  }
0x8b: {  	[tilespmem:$0x118] =	vst @!p2 v1  }
0x8c: {  	v1 =	vld @!p2 [tilespmem:s2+$0x10708];
	_ =	sdelay $0x4  }
0x8d: {  	[tilespmem:$0x128] =	vst @!p2 v1  }
0x8e: {  	v1 =	vld @!p2 [tilespmem:s2+$0x10718];
	_ =	sdelay $0x4  }
0x8f: {  	[tilespmem:$0x138] =	vst @!p2 v1  }
0x90: {  	v1 =	vld @!p2 [tilespmem:s2+$0x10728];
	_ =	sdelay $0x4  }
0x91: {  	[tilespmem:$0x148] =	vst @!p2 v1  }
0x92: {  	(v2sf) =	vpush @!p2 v2, $0x0;
	v1 =	vld @!p2 [tilespmem:s2+$0x10738];
	_ =	sdelay $0x4  }
0x93: {  	[tilespmem:$0x158] =	vst @!p2 v1  }
0x94: {  	v1 =	vld @!p2 [tilespmem:s2+$0x10748];
	_ =	sdelay $0x4  }
0x95: {  	[tilespmem:$0x168] =	vst @!p2 v1  }
0x96: {  	v1 =	vld @!p2 [tilespmem:s2+$0x10758]  }
.Ltmp7:
0x97: {  	_ = 	snop;
	(pc) =	sbr.rel @p1 .LBB2_19-.Ltmp7, $4  }
0x98: {  	_ = 	snop  }
0x99: {  	s25 =	spop @!p2 (v2sf)  }
0x9a: {  	s19 =	simm.s32 @!p2 $0x0;
	s21 =	smov.u32 s25  }
0x9b: {  	s25 =	smov.u32 @p2 s24;
	s21 =	smov.u32 @p2 s26;
	[tilespmem:$0x178] =	vst @!p2 v1;
	[sflag:s15] =	ssyncpa.u1 $0x0  }
0x9c: {  	v1 =	vld.msk [tilespmem:s20+$0x0], $0x1;
	_ =	sdelay $0x4  }
0x9d: {  	(v2sf) =	vpush v1, $0x0;
	_ =	sdelay $0xe  }
0x9e: {  	s0 =	smul.u32 $0x1E000, s22;
	s29 =	spop (v2sf)  }
0x9f: {  	s23 =	ssub.s32 $0x0, s23;
	p1 =	seq.s32 s25, s29  }
0xa0: {  	s26 =	sadd.s32 $0x1, s23;
	s0 =	sshrl.u32 s0, $0x2;
	p2 =	sgt.s32 @!p1 s25, $0x0  }
0xa1: {  	s22 =	sor.u32 $0x10728, s0;
	s0 =	smov.u32 s25;
	p2 =	por !p2, p1  }
0xa2: {  	s0 =	simm.s32 @p2 $0x0;
	p2 =	seq.s32 s26, $0x0  }
.Ltmp8:
0xa3: {  	_ = 	snop;
	(pc) =	sbr.rel @p2 .LBB2_11-.Ltmp8, $4  }
0xa4: {  	_ = 	snop  }
0xa5: {  	s24 =	simm.s32 $0x0;
	s28 =	sadd.s32 $0x1, s20;
	s0 =	smin.u32 @!p1 s0, $0x270F0  }
0xa6: {  	s30 =	simm.s32 @!p1 $0x1;
	s31 =	simm.s32 @!p1 $0x7988;
	s2 =	sand.u32 @!p1 $0x3FFF8, s0  }
0xa7: {  	s30 =	smov.u32 @p1 s24;
	s0 =	sand.u32 @!p1 $0x7, s0;
	s2 =	sadd.s32 @!p1 s1, s2  }
.LBB2_10:
0xa8: {  	s8 =	smov.u32 s30  }
0xa9: {  	[tilespmem:s31], [sflag:$0x2] =	stream.linear.gather @!p1 [hbm4b:s2+s0], $0x80, $0x38;
	[tilespmem:$0x1F6E8] =	vst v63  }
0xaa: {  	s26 =	sadd.s32 $0x1, s26;
	s0 =	smov.u32 s29;
	v1 =	vld.msk [tilespmem:s28+$0x0], $0x1  }
0xab: {  	p2 =	seq.s32 s26, $0x0;
	_ =	sdelay $0x3  }
0xac: {  	(v2sf) =	vpush v1, $0x0;
	_ =	sdelay $0xe  }
0xad: {  	s29 =	spop (v2sf)  }
0xae: {  	p1 =	seq.s32 s0, s29  }
0xaf: {  	p3 =	sgt.s32 @!p1 s0, $0x0;
	s2 =	sshll.u32 @!p1 s30, $0x9;
	s30 =	sadd.s32 @!p1 $0x1, s30  }
.Ltmp9:
0xb0: {  	p3 =	por !p3, p1;
	s2 =	sshra.s32 @!p1 s2, $0x2;
	(pc) =	sbr.rel @!p2 .LBB2_10-.Ltmp9, $4  }
0xb1: {  	s30 =	smov.u32 @p1 s8;
	s0 =	simm.s32 @p3 $0x0;
	s31 =	sadd.s32 @!p1 $0x7988, s2  }
0xb2: {  	s0 =	smin.u32 @!p1 s0, $0x270F0  }
0xb3: {  	s2 =	sand.u32 @!p1 $0x3FFF8, s0;
	s0 =	sand.u32 @!p1 $0x7, s0  }
0xb4: {  	s28 =	sadd.s32 $0x1, s28;
	s2 =	sadd.s32 @!p1 s1, s2  }
.LBB2_11:
0xb5: {  	[tilespmem:s31], [sflag:$0x2] =	stream.linear.gather @!p1 [hbm4b:s2+s0], $0x80, $0x38;
	[tilespmem:$0x1F6E8] =	vst v63  }
.Ltmp10:
0xb6: {  	s30 =	sshll.u32 s30, $0x7;
	(pc) =	sbr.rel .LBB2_12-.Ltmp10, $4  }
0xb7: {  	s31 =	simm.s32 $0x2;
	s0 =	sand.u32 $0x3FFFFF80, s30  }
0xb8: {  	_ =	swait.ge [sflag:s31], s0  }
0xb9: {  	s0 =	ssub.s32 $0x0, s0;
	[sflag:s31] =	ssyncset.done $0x0  }
0xba: {  	s28 =	simm.s32 $0x0;
	[sflag:s31] =	ssyncadd.s32 s0  }
.LBB2_13:
0xbb: {  	s0 =	sshra.s32 s0, $0x2;
	v1 =	vld [tilespmem:s22+$0xFFFFFFC0]  }
0xbc: {  	v2 =	vld [tilespmem:s0+$0x108];
	_ =	sdelay $0x4  }
0xbd: {  	v1 =	vmax.f32 v1, v2  }
0xbe: {  	v2 =	vld [tilespmem:s0+$0x118];
	[tilespmem:s0+$0x108] =	vst v1  }
0xbf: {  	v1 =	vld [tilespmem:s22+$0xFFFFFFD0];
	_ =	sdelay $0x4  }
0xc0: {  	v1 =	vmax.f32 v1, v2  }
0xc1: {  	v2 =	vld [tilespmem:s0+$0x128];
	[tilespmem:s0+$0x118] =	vst v1  }
0xc2: {  	v1 =	vld [tilespmem:s22+$0xFFFFFFE0];
	_ =	sdelay $0x4  }
0xc3: {  	v1 =	vmax.f32 v1, v2  }
0xc4: {  	v2 =	vld [tilespmem:s0+$0x138];
	[tilespmem:s0+$0x128] =	vst v1  }
0xc5: {  	v1 =	vld [tilespmem:s22+$0xFFFFFFF0];
	_ =	sdelay $0x4  }
0xc6: {  	v1 =	vmax.f32 v1, v2  }
0xc7: {  	v2 =	vld [tilespmem:s0+$0x148];
	[tilespmem:s0+$0x138] =	vst v1  }
0xc8: {  	v1 =	vld [tilespmem:s22+$0x0];
	_ =	sdelay $0x4  }
0xc9: {  	v1 =	vmax.f32 v1, v2  }
0xca: {  	v2 =	vld [tilespmem:s0+$0x158];
	[tilespmem:s0+$0x148] =	vst v1  }
0xcb: {  	v1 =	vld [tilespmem:s22+$0x10];
	_ =	sdelay $0x4  }
0xcc: {  	v1 =	vmax.f32 v1, v2  }
0xcd: {  	v2 =	vld [tilespmem:s0+$0x168];
	[tilespmem:s0+$0x158] =	vst v1  }
0xce: {  	v1 =	vld [tilespmem:s22+$0x20];
	_ =	sdelay $0x4  }
0xcf: {  	v1 =	vmax.f32 v1, v2  }
0xd0: {  	v2 =	vld [tilespmem:s0+$0x178];
	[tilespmem:s0+$0x168] =	vst v1  }
0xd1: {  	v1 =	vld [tilespmem:s22+$0x30];
	_ =	sdelay $0x4  }
0xd2: {  	v1 =	vmax.f32 v1, v2  }
0xd3: {  	[tilespmem:s0+$0x178] =	vst v1  }
.LBB2_17:
0xd4: {  	s23 =	sadd.s32 $0x1, s23  }
0xd5: {  	p1 =	seq.s32 s23, $0x0  }
.Ltmp11:
0xd6: {  	_ = 	snop;
	(pc) =	sbr.rel @p1 .LBB2_18-.Ltmp11, $2  }
0xd7: {  	_ =	sdelay $0x2  }
0xd8: {  	s20 =	sadd.s32 $0x1, s20;
	s22 =	sadd.s32 $0x80, s22;
	s25 =	smov.u32 s26  }
.LBB2_12:
0xd9: {  	v1 =	vld.msk [tilespmem:s20+$0x0], $0x1;
	_ =	sdelay $0x4  }
0xda: {  	(v2sf) =	vpush v1, $0x0;
	_ =	sdelay $0xe  }
0xdb: {  	s26 =	spop (v2sf)  }
0xdc: {  	p1 =	sne.s32 s25, s26  }
.Ltmp12:
0xdd: {  	_ = 	snop;
	(pc) =	sbr.rel @!p1 .LBB2_13-.Ltmp12, $2  }
0xde: {  	_ =	sdelay $0x2  }
0xdf: {  	s0 =	sshll.u32 s19, $0x9  }
0xe0: {  	p1 =	seq.s32 s25, s21  }
.Ltmp13:
0xe1: {  	_ = 	snop;
	(pc) =	sbr.rel @!p1 .LBB2_15-.Ltmp13, $1  }
0xe2: {  	_ =	sdelay $0x3  }
0xe3: {  	s0 =	sshra.s32 s0, $0x2  }
.Ltmp14:
0xe4: {  	s0 =	sadd.s32 $0x108, s0;
	(pc) =	sbr.rel .LBB2_16-.Ltmp14, $4  }
0xe5: {  	[spmem:s13] =	stream.linear.scatter [tilespmem:s0], [sflag:$0x1], $0x80, $0x38;
	[tilespmem:$0x1F6E8] =	vst v63  }
0xe6: {  	_ =	swait.ge [sflag:s11], $0x80  }
0xe7: {  	[sflag:s11] =	ssyncset.done $0x0  }
0xe8: {  	[sflag:s11] =	ssyncadd.s32 $0xFFFFFF80  }
.LBB2_15:
0xe9: {  	s2 =	sshll.u32 s24, $0x9;
	s0 =	sshra.s32 s0, $0x2  }
0xea: {  	s2 =	sshra.s32 s2, $0x2;
	v2 =	vld [tilespmem:s0+$0x108]  }
0xeb: {  	v1 =	vld [tilespmem:s2+$0x7988];
	_ =	sdelay $0x4  }
0xec: {  	v1 =	vmax.f32 v1, v2  }
0xed: {  	v2 =	vld [tilespmem:s0+$0x118];
	[tilespmem:s0+$0x108] =	vst v1  }
0xee: {  	v1 =	vld [tilespmem:s2+$0x7998];
	_ =	sdelay $0x4  }
0xef: {  	v1 =	vmax.f32 v1, v2  }
0xf0: {  	v2 =	vld [tilespmem:s0+$0x128];
	[tilespmem:s0+$0x118] =	vst v1  }
0xf1: {  	v1 =	vld [tilespmem:s2+$0x79A8];
	_ =	sdelay $0x4  }
0xf2: {  	v1 =	vmax.f32 v1, v2  }
0xf3: {  	v2 =	vld [tilespmem:s0+$0x138];
	[tilespmem:s0+$0x128] =	vst v1  }
0xf4: {  	v1 =	vld [tilespmem:s2+$0x79B8];
	_ =	sdelay $0x4  }
0xf5: {  	v1 =	vmax.f32 v1, v2  }
0xf6: {  	v2 =	vld [tilespmem:s0+$0x148];
	[tilespmem:s0+$0x138] =	vst v1  }
0xf7: {  	v1 =	vld [tilespmem:s2+$0x79C8];
	_ =	sdelay $0x4  }
0xf8: {  	v1 =	vmax.f32 v1, v2  }
0xf9: {  	v2 =	vld [tilespmem:s0+$0x158];
	[tilespmem:s0+$0x148] =	vst v1  }
0xfa: {  	v1 =	vld [tilespmem:s2+$0x79D8];
	_ =	sdelay $0x4  }
0xfb: {  	v1 =	vmax.f32 v1, v2  }
0xfc: {  	v2 =	vld [tilespmem:s0+$0x168];
	[tilespmem:s0+$0x158] =	vst v1  }
0xfd: {  	v1 =	vld [tilespmem:s2+$0x79E8];
	_ =	sdelay $0x4  }
0xfe: {  	v1 =	vmax.f32 v1, v2  }
0xff: {  	v2 =	vld [tilespmem:s0+$0x178];
	[tilespmem:s0+$0x168] =	vst v1  }
0x100: {  	v1 =	vld [tilespmem:s2+$0x79F8];
	_ =	sdelay $0x3  }
0x101: {  	p1 =	sgt.u32 s25, $0x270F0  }
0x102: {  	s2 =	sand.u32 @!p1 $0x3FFF8, s25;
	v1 =	vmax.f32 v1, v2  }
0x103: {  	s8 =	sadd.s32 $0x108, s0;
	[tilespmem:s0+$0x178] =	vst v1;
	s0 =	sadd.s32 @!p1 s1, s2;
	s2 =	sand.u32 @!p1 $0x7, s25  }
0x104: {  	[hbm4b:s0+s2] =	stream.linear.scatter @!p1 [tilespmem:s8], [sflag:$0xA], $0x80, $0x38;
	[tilespmem:$0x1F6E8] =	vst v63  }
0x105: {  	s0 =	simm.s32 $0x0  }
0x106: {  	s0 =	simm.s32 @!p1 $0x200  }
0x107: {  	s28 =	sadd.s32 s0, s28  }
.LBB2_16:
0x108: {  	s0 =	sadd.s32 $0x1, s19  }
0x109: {  	s2 =	smulhi.u32 $0x88888889, s0;
	_ =	sdelay $0x1  }
0x10a: {  	v1 =	vld [tilespmem:s22+$0xFFFFFFC0];
	s2 =	sshrl.u32 s2, $0x7  }
0x10b: {  	s2 =	smul.u32 $0xF0, s2;
	_ =	sdelay $0x1  }
0x10c: {  	s19 =	ssub.s32 s0, s2  }
0x10d: {  	s0 =	sshll.u32 s19, $0x7  }
0x10e: {  	[tilespmem:s0+$0x108] =	vst v1  }
0x10f: {  	v1 =	vld [tilespmem:s22+$0xFFFFFFD0];
	_ =	sdelay $0x4  }
0x110: {  	[tilespmem:s0+$0x118] =	vst v1  }
0x111: {  	v1 =	vld [tilespmem:s22+$0xFFFFFFE0];
	_ =	sdelay $0x4  }
0x112: {  	[tilespmem:s0+$0x128] =	vst v1  }
0x113: {  	v1 =	vld [tilespmem:s22+$0xFFFFFFF0];
	_ =	sdelay $0x4  }
0x114: {  	[tilespmem:s0+$0x138] =	vst v1  }
0x115: {  	v1 =	vld [tilespmem:s22+$0x0];
	_ =	sdelay $0x4  }
0x116: {  	[tilespmem:s0+$0x148] =	vst v1  }
0x117: {  	v1 =	vld [tilespmem:s22+$0x10];
	_ =	sdelay $0x4  }
0x118: {  	[tilespmem:s0+$0x158] =	vst v1  }
0x119: {  	v1 =	vld [tilespmem:s22+$0x20];
	_ =	sdelay $0x4  }
0x11a: {  	[tilespmem:s0+$0x168] =	vst v1  }
0x11b: {  	v1 =	vld [tilespmem:s22+$0x30]  }
.Ltmp15:
0x11c: {  	_ = 	snop;
	(pc) =	sbr.rel .LBB2_17-.Ltmp15, $2  }
0x11d: {  	_ =	sdelay $0x2  }
0x11e: {  	s24 =	sadd.s32 $0x1, s24;
	[tilespmem:s0+$0x178] =	vst v1  }
.LBB2_19:
.Ltmp16:
0x11f: {  	(pc) =	sbr.rel .LBB2_20-.Ltmp16, $4  }
0x120: {  	_ = 	snop  }
0x121: {  	s0 =	simm.s32 $0x2  }
0x122: {  	_ =	swait.ge [sflag:s0], $0x0  }
0x123: {  	s26 =	smov.u32 s25;
	[sflag:s0] =	ssyncset.done $0x0;
	s0 =	simm.s32 $0x0  }
.LBB2_22:
0x124: {  	_ =	sfence.sel $0x180000  }
0x125: {  	s0 =	simm.s32 $0x7;
	[bflag:$0x0] =	sbarrier.arrive $0xFFFF  }
0x126: {  	s25 =	simm.s32 $0x8;
	[sflag:s0] =	ssyncpa.u1 $0x1  }
0x127: {  	s26 =	simm.s32 $0x9;
	[sflag:s25] =	ssyncpa.u1 $0x1  }
0x128: {  	s28 =	simm.s32 $0x2;
	[sflag:s26] =	ssyncpa.u1 $0x1  }
0x129: {  	[sflag:s28] =	ssyncpa.u1 $0x1  }
0x12a: {  	v0 =	vld [tilespmem:$0xF208];
	_ =	sdelay $0x4  }
0x12b: {  	(v2sf) =	vpush v0, $0x0  }
0x12c: {  	(v2sf) =	vpush v0, $0x1;
	_ =	sdelay $0x1  }
0x12d: {  	(v2sf) =	vpush v0, $0x2;
	_ =	sdelay $0xb  }
0x12e: {  	s0 =	spop (v2sf)  }
0x12f: {  	s2 =	spop (v2sf)  }
0x130: {  	s3 =	smov.u32 s0;
	p0 =	sne.s32 s0, s2  }
0x131: {  	s4 =	spop (v2sf);
	s3 =	simm.s32 @!p0 $0xFFFFFFFF  }
0x132: {  	v2 =	vimm.s32 $0x1;
	v3 =	vlaneseq.u32;
	p0 =	seq.s32 s4, $0xFFFFFFFF;
	v1 =	vmov s3  }
0x133: {  	s7 =	stileid.u32;
	v0 =	vperm.xlane v0, v2;
	p1 =	sne.s32 @!p0 s0, s2;
	v1 =	vperm.xlane v1, v3  }
0x134: {  	vm0 =	vcmask $0x3F04;
	s6 =	simm.s32 $0xF208;
	s0 =	simm.s32 @!p0 $0x1;
	p1 =	por !p1, p0  }
0x135: {  	s3 =	sshll.u32 s7, $0x1;
	s2 =	sshll.u32 @!p0 s4, $0x9;
	s0 =	simm.s32 @p1 $0x0;
	v0 =	vsel vm0, v1, v0  }
0x136: {  	s5 =	sor.u32 $0x1000, s3;
	s2 =	sshra.s32 @!p0 s2, $0x2;
	s0 =	sor.u32 @!p0 s0, s3;
	[tilespmem:$0xF208] =	vst v0  }
0x137: {  	[spmem:s5] =	stream.linear.scatter [tilespmem:s6], [sflag:$0x1], $0x2, $0x38;
	[tilespmem:$0x1F6E8] =	vst v63  }
0x138: {  	s2 =	sadd.s32 @!p0 $0x108, s2;
	s0 =	sshll.u32 @!p0 s0, $0x7  }
0x139: {  	[spmem:s0] =	stream.linear.scatter @!p0 [tilespmem:s2], [sflag:$0x1], $0x80, $0x38;
	[tilespmem:$0x1F6E8] =	vst v63  }
0x13a: {  	s0 =	simm.s32 @!p0 $0x82  }
0x13b: {  	s3 =	simm.s32 $0x1;
	s0 =	simm.s32 @p0 $0x2  }
0x13c: {  	_ =	swait.ge [sflag:s3], s0  }
0x13d: {  	s0 =	ssub.s32 $0x0, s0;
	[sflag:s3] =	ssyncset.done $0x0  }
0x13e: {  	[sflag:s3] =	ssyncadd.s32 s0  }
0x13f: {  	_ =	sfence.stream.spmem  }
0x140: {  	s29 =	simm.s32 $0x3;
	[bflag:$0x0] =	sbarrier.arrive $0xFFFF  }
0x141: {  	s30 =	simm.s32 $0x4;
	[sflag:s29] =	ssyncpa.u1 $0x1  }
0x142: {  	s31 =	simm.s32 $0x3C;
	[sflag:s30] =	ssyncpa.u1 $0x1  }
0x143: {  	p0 =	sne.s32 s7, $0x0;
	[sflag:s31] =	ssyncpa.u1 $0x1  }
0x144: {  	_ =	sfence @p0  }
0x145: {  	[sflag:s3] =	ssyncpa.u1 @p0 $0x1  }
0x146: {  	_ =	strace @p0 $0x90000047  }
0x147: {  	[bflag:$0x2] =	sbarrier.arrive @p0 $0xFFFF  }
0x148: {  	_ =	shalt @p0  }
.LBB2_23:
0x149: {  	_ =	sfence.stream.spmem;
	s0 =	simm.s32 $0x5  }
0x14a: {  	s2 =	simm.s32 $0x1000;
	s3 =	simm.s32 $0xF218;
	[sflag:s0] =	ssyncpa.u1 $0x0  }
0x14b: {  	[tilespmem:s3], [sflag:$0x5] =	stream.linear.gather [spmem:s2], $0x20, $0x38;
	[tilespmem:$0x1F6E8] =	vst v63  }
0x14c: {  	s30 =	simm.s32 $0xF238;
	s2 =	simm.s32 $0x0  }
0x14d: {  	[tilespmem:s30], [sflag:$0x5] =	stream.linear.gather [spmem:s2], $0x1000, $0x38;
	[tilespmem:$0x1F6E8] =	vst v63  }
.Ltmp17:
0x14e: {  	_ = 	snop;
	(pc) =	sbr.rel .LBB2_24-.Ltmp17, $4  }
0x14f: {  	_ =	swait.ge [sflag:s0], $0x1020  }
0x150: {  	[sflag:s0] =	ssyncset.done $0x0  }
0x151: {  	s31 =	simm.s32 $0x6;
	[sflag:s0] =	ssyncadd.s32 $0xFFFFEFE0  }
0x152: {  	s3 =	simm.s32 $0x0;
	[sflag:s31] =	ssyncpa.u1 $0x0  }
.LBB2_30:
0x153: {  	p0 =	slt.u32 s4, $0x270F1  }
0x154: {  	s0 =	sand.u32 @p0 $0x3FFF8, s4  }
0x155: {  	s4 =	sand.u32 @p0 $0x7, s4;
	s5 =	simm.s32 @p0 $0xF188;
	s0 =	sadd.s32 @p0 s1, s0  }
0x156: {  	[tilespmem:s5], [sflag:$0x6] =	stream.linear.gather @p0 [hbm4b:s0+s4], $0x80, $0x38;
	[tilespmem:$0x1F6E8] =	vst v63  }
0x157: {  	s0 =	simm.s32 @p0 $0x6  }
0x158: {  	_ =	swait.ge @p0 [sflag:s0], $0x80  }
0x159: {  	[sflag:s0] =	ssyncset.done @p0 $0x0  }
0x15a: {  	[sflag:s0] =	ssyncadd.s32 @p0 $0xFFFFFF80;
	s0 =	sshll.u32 @p0 s3, $0x9  }
0x15b: {  	s4 =	sshrl.u32 @p0 s0, $0x2;
	v1 =	vld @p0 [tilespmem:$0xF188]  }
0x15c: {  	v2 =	vld @p0 [tilespmem:s4+$0xF238];
	_ =	sdelay $0x4  }
0x15d: {  	v1 =	vmax.f32 @p0 v1, v2  }
0x15e: {  	v2 =	vld @p0 [tilespmem:s4+$0xF248];
	[tilespmem:s4+$0xF238] =	vst @p0 v1  }
0x15f: {  	v1 =	vld @p0 [tilespmem:$0xF198];
	_ =	sdelay $0x4  }
0x160: {  	v1 =	vmax.f32 @p0 v1, v2  }
0x161: {  	v2 =	vld @p0 [tilespmem:s4+$0xF258];
	[tilespmem:s4+$0xF248] =	vst @p0 v1  }
0x162: {  	v1 =	vld @p0 [tilespmem:$0xF1A8];
	_ =	sdelay $0x4  }
0x163: {  	v1 =	vmax.f32 @p0 v1, v2  }
0x164: {  	v2 =	vld @p0 [tilespmem:s4+$0xF268];
	[tilespmem:s4+$0xF258] =	vst @p0 v1  }
0x165: {  	v1 =	vld @p0 [tilespmem:$0xF1B8];
	_ =	sdelay $0x4  }
0x166: {  	v1 =	vmax.f32 @p0 v1, v2  }
0x167: {  	v2 =	vld @p0 [tilespmem:s4+$0xF278];
	[tilespmem:s4+$0xF268] =	vst @p0 v1  }
0x168: {  	v1 =	vld @p0 [tilespmem:$0xF1C8];
	_ =	sdelay $0x4  }
0x169: {  	v1 =	vmax.f32 @p0 v1, v2  }
0x16a: {  	v2 =	vld @p0 [tilespmem:s4+$0xF288];
	[tilespmem:s4+$0xF278] =	vst @p0 v1  }
0x16b: {  	v1 =	vld @p0 [tilespmem:$0xF1D8];
	_ =	sdelay $0x4  }
0x16c: {  	v1 =	vmax.f32 @p0 v1, v2  }
0x16d: {  	v2 =	vld @p0 [tilespmem:s4+$0xF298];
	[tilespmem:s4+$0xF288] =	vst @p0 v1  }
0x16e: {  	v1 =	vld @p0 [tilespmem:$0xF1E8];
	_ =	sdelay $0x4  }
0x16f: {  	v1 =	vmax.f32 @p0 v1, v2  }
0x170: {  	v2 =	vld @p0 [tilespmem:s4+$0xF2A8];
	[tilespmem:s4+$0xF298] =	vst @p0 v1  }
0x171: {  	v1 =	vld @p0 [tilespmem:$0xF1F8];
	_ =	sdelay $0x4  }
0x172: {  	s5 =	sshll.u32 @!p0 s3, $0x9;
	v1 =	vmax.f32 @p0 v1, v2  }
0x173: {  	s5 =	smov.u32 @p0 s0;
	[tilespmem:s4+$0xF2A8] =	vst @p0 v1  }
0x174: {  	s0 =	sshrl.u32 s5, $0x2;
	[tilespmem:s2+$0xF218] =	vst.msk $0x1, v0  }
0x175: {  	v0 =	vld [tilespmem:s0+$0xF238];
	_ =	sdelay $0x2  }
0x176: {  	s31 =	sshll.u32 s2, $0x9  }
0x177: {  	s4 =	sshra.s32 s31, $0x2  }
0x178: {  	[tilespmem:s4+$0xF238] =	vst v0  }
0x179: {  	v0 =	vld [tilespmem:s0+$0xF248];
	_ =	sdelay $0x4  }
0x17a: {  	[tilespmem:s4+$0xF248] =	vst v0  }
0x17b: {  	v0 =	vld [tilespmem:s0+$0xF258];
	_ =	sdelay $0x4  }
0x17c: {  	[tilespmem:s4+$0xF258] =	vst v0  }
0x17d: {  	v0 =	vld [tilespmem:s0+$0xF268];
	_ =	sdelay $0x4  }
0x17e: {  	[tilespmem:s4+$0xF268] =	vst v0  }
0x17f: {  	v0 =	vld [tilespmem:s0+$0xF278];
	_ =	sdelay $0x4  }
0x180: {  	[tilespmem:s4+$0xF278] =	vst v0  }
0x181: {  	v0 =	vld [tilespmem:s0+$0xF288];
	_ =	sdelay $0x4  }
0x182: {  	[tilespmem:s4+$0xF288] =	vst v0  }
0x183: {  	v0 =	vld [tilespmem:s0+$0xF298];
	_ =	sdelay $0x4  }
0x184: {  	[tilespmem:s4+$0xF298] =	vst v0  }
0x185: {  	v0 =	vld [tilespmem:s0+$0xF2A8];
	_ =	sdelay $0x4  }
0x186: {  	s2 =	sadd.s32 $0x1, s2;
	[tilespmem:s4+$0xF2A8] =	vst v0  }
.LBB2_31:
0x187: {  	s3 =	sadd.s32 $0x1, s3  }
0x188: {  	p0 =	sne.s32 s3, $0x20  }
.Ltmp18:
0x189: {  	_ = 	snop;
	(pc) =	sbr.rel @!p0 .LBB2_32-.Ltmp18, $1  }
0x18a: {  	_ =	sdelay $0x3  }
.LBB2_24:
0x18b: {  	v0 =	vld.msk [tilespmem:s3+$0xF218], $0x1;
	_ =	sdelay $0x4  }
0x18c: {  	(v2sf) =	vpush v0, $0x0;
	_ =	sdelay $0xe  }
0x18d: {  	s4 =	spop (v2sf)  }
0x18e: {  	p0 =	seq.s32 s4, $0xFFFFFFFF  }
.Ltmp19:
0x18f: {  	_ = 	snop;
	(pc) =	sbr.rel @p0 .LBB2_31-.Ltmp19, $1  }
0x190: {  	_ =	sdelay $0x3  }
0x191: {  	p0 =	slt.s32 s2, $0x1  }
.Ltmp20:
0x192: {  	_ = 	snop;
	(pc) =	sbr.rel @p0 .LBB2_30-.Ltmp20, $1  }
0x193: {  	_ =	sdelay $0x3  }
0x194: {  	s5 =	simm.s32 $0xF218;
	p0 =	por $0x0, $0x0  }
0x195: {  	v1 =	vld.msk @!p0 [tilespmem:s5+$0x0], $0x1;
	_ =	sdelay $0x4  }
0x196: {  	(v2sf) =	vpush @!p0 v1, $0x0;
	_ =	sdelay $0xd  }
0x197: {  	p2 =	sne.s32 s2, $0x1  }
.Ltmp21:
0x198: {  	s0 =	spop @!p0 (v2sf);
	(pc) =	sbr.rel @!p2 .LBB2_28-.Ltmp21, $4  }
0x199: {  	p1 =	seq.s32 @!p0 s4, s0  }
0x19a: {  	s6 =	simm.s32 $0x0;
	p1 =	por !p1, p0  }
0x19b: {  	s0 =	simm.s32 $0xFFFFFFFF;
	s6 =	simm.s32 @p1 $0xFFFFFFFF  }
0x19c: {  	s7 =	simm.s32 $0x1;
	s6 =	smov.u32 @p0 s0  }
.LBB2_27:
0x19d: {  	s0 =	smov.u32 s6;
	p0 =	sne.s32 s6, $0xFFFFFFFF  }
0x19e: {  	s5 =	sadd.s32 $0x1, s5;
	s6 =	smov.u32 s7;
	s7 =	sadd.s32 $0x1, s7  }
0x19f: {  	p1 =	sne.s32 s2, s7;
	v1 =	vld.msk @!p0 [tilespmem:s5+$0x0], $0x1;
	_ =	sdelay $0x4  }
0x1a0: {  	(v2sf) =	vpush @!p0 v1, $0x0;
	_ =	sdelay $0xe  }
.Ltmp22:
0x1a1: {  	s8 =	spop @!p0 (v2sf);
	(pc) =	sbr.rel @p1 .LBB2_27-.Ltmp22, $4  }
0x1a2: {  	p2 =	seq.s32 @!p0 s4, s8  }
0x1a3: {  	p2 =	por !p2, p0  }
0x1a4: {  	s6 =	simm.s32 @p2 $0xFFFFFFFF  }
0x1a5: {  	s6 =	smov.u32 @p0 s0  }
.LBB2_28:
0x1a6: {  	p0 =	seq.s32 s6, $0xFFFFFFFF  }
.Ltmp23:
0x1a7: {  	_ = 	snop;
	(pc) =	sbr.rel @p0 .LBB2_30-.Ltmp23, $1  }
0x1a8: {  	_ =	sdelay $0x3  }
0x1a9: {  	s0 =	sshll.u32 s3, $0x7  }
0x1aa: {  	s4 =	sshll.u32 s6, $0x9;
	s0 =	sand.u32 $0x3FFFFF80, s0  }
0x1ab: {  	s4 =	sshra.s32 s4, $0x2;
	v0 =	vld [tilespmem:s0+$0xF238]  }
0x1ac: {  	v1 =	vld [tilespmem:s4+$0xF238];
	_ =	sdelay $0x4  }
0x1ad: {  	v0 =	vmax.f32 v0, v1  }
0x1ae: {  	v57 =	vld [tilespmem:s4+$0xF248];
	[tilespmem:s4+$0xF238] =	vst v0  }
0x1af: {  	v0 =	vld [tilespmem:s0+$0xF248];
	_ =	sdelay $0x4  }
0x1b0: {  	v0 =	vmax.f32 v0, v57  }
0x1b1: {  	v58 =	vld [tilespmem:s4+$0xF258];
	[tilespmem:s4+$0xF248] =	vst v0  }
0x1b2: {  	v0 =	vld [tilespmem:s0+$0xF258];
	_ =	sdelay $0x4  }
0x1b3: {  	v0 =	vmax.f32 v0, v58  }
0x1b4: {  	v59 =	vld [tilespmem:s4+$0xF268];
	[tilespmem:s4+$0xF258] =	vst v0  }
0x1b5: {  	v0 =	vld [tilespmem:s0+$0xF268];
	_ =	sdelay $0x4  }
0x1b6: {  	v0 =	vmax.f32 v0, v59  }
0x1b7: {  	v60 =	vld [tilespmem:s4+$0xF278];
	[tilespmem:s4+$0xF268] =	vst v0  }
0x1b8: {  	v0 =	vld [tilespmem:s0+$0xF278];
	_ =	sdelay $0x4  }
0x1b9: {  	v0 =	vmax.f32 v0, v60  }
0x1ba: {  	v61 =	vld [tilespmem:s4+$0xF288];
	[tilespmem:s4+$0xF278] =	vst v0  }
0x1bb: {  	v0 =	vld [tilespmem:s0+$0xF288];
	_ =	sdelay $0x4  }
0x1bc: {  	v0 =	vmax.f32 v0, v61  }
0x1bd: {  	v62 =	vld [tilespmem:s4+$0xF298];
	[tilespmem:s4+$0xF288] =	vst v0  }
0x1be: {  	v0 =	vld [tilespmem:s0+$0xF298];
	_ =	sdelay $0x4  }
0x1bf: {  	v0 =	vmax.f32 v0, v62  }
0x1c0: {  	v63 =	vld [tilespmem:s4+$0xF2A8];
	[tilespmem:s4+$0xF298] =	vst v0  }
0x1c1: {  	v0 =	vld [tilespmem:s0+$0xF2A8];
	_ =	sdelay $0x1  }
.Ltmp24:
0x1c2: {  	_ = 	snop;
	(pc) =	sbr.rel .LBB2_31-.Ltmp24, $3  }
0x1c3: {  	_ =	sdelay $0x1  }
0x1c4: {  	v0 =	vmax.f32 v0, v63  }
0x1c5: {  	[tilespmem:s4+$0xF2A8] =	vst v0  }
.LBB2_32:
0x1c6: {  	p0 =	slt.s32 s2, $0x1  }
.Ltmp25:
0x1c7: {  	_ = 	snop;
	(pc) =	sbr.rel @p0 .LBB2_36-.Ltmp25, $3  }
0x1c8: {  	_ =	sdelay $0x1  }
0x1c9: {  	s0 =	simm.s32 $0x6  }
0x1ca: {  	s3 =	simm.s32 $0x0;
	[sflag:s0] =	ssyncpa.u1 $0x1  }
0x1cb: {  	s0 =	simm.s32 $0xF218  }
0x1cc: {  	v0 =	vld.msk [tilespmem:s0+$0x0], $0x1;
	_ =	sdelay $0x4  }
0x1cd: {  	(v2sf) =	vpush v0, $0x0;
	_ =	sdelay $0xd  }
0x1ce: {  	s2 =	sadd.s32 $0xFFFFFFFF, s2  }
0x1cf: {  	p1 =	sne.s32 s2, $0x0;
	s0 =	spop (v2sf)  }
.Ltmp26:
0x1d0: {  	p0 =	sgt.u32 s0, $0x270F0;
	(pc) =	sbr.rel @!p1 .LBB2_35-.Ltmp26, $4  }
0x1d1: {  	s4 =	simm.s32 $0xF238;
	s5 =	sand.u32 @!p0 $0x3FFF8, s0  }
0x1d2: {  	s6 =	simm.s32 $0x0;
	s0 =	sand.u32 @!p0 $0x7, s0;
	s5 =	sadd.s32 @!p0 s1, s5  }
0x1d3: {  	[hbm4b:s5+s0] =	stream.linear.scatter @!p0 [tilespmem:s4], [sflag:$0x5], $0x80, $0x38;
	[tilespmem:$0x1F6E8] =	vst v63  }
0x1d4: {  	s6 =	simm.s32 @!p0 $0x200;
	s5 =	simm.s32 $0xF219  }
.LBB2_34:
0x1d5: {  	v0 =	vld.msk [tilespmem:s5+$0x0], $0x1;
	s2 =	sadd.s32 $0xFFFFFFFF, s2;
	s3 =	sadd.s32 s3, s6  }
0x1d6: {  	p0 =	sne.s32 s2, $0x0;
	_ =	sdelay $0x3  }
0x1d7: {  	(v2sf) =	vpush v0, $0x0;
	_ =	sdelay $0xe  }
.Ltmp27:
0x1d8: {  	s0 =	spop (v2sf);
	(pc) =	sbr.rel @p0 .LBB2_34-.Ltmp27, $4  }
0x1d9: {  	s6 =	simm.s32 $0x0;
	p1 =	sgt.u32 s0, $0x270F0  }
0x1da: {  	s4 =	sadd.s32 $0x80, s4;
	s6 =	simm.s32 @!p1 $0x200;
	s7 =	sand.u32 @!p1 $0x3FFF8, s0  }
0x1db: {  	s5 =	sadd.s32 $0x1, s5;
	s0 =	sand.u32 @!p1 $0x7, s0;
	s7 =	sadd.s32 @!p1 s1, s7  }
0x1dc: {  	[hbm4b:s7+s0] =	stream.linear.scatter @!p1 [tilespmem:s4], [sflag:$0x5], $0x80, $0x38;
	[tilespmem:$0x1F6E8] =	vst v63  }
.LBB2_35:
0x1dd: {  	s0 =	sadd.s32 s3, s6  }
0x1de: {  	s3 =	sshrl.u32 s0, $0x2  }
.LBB2_36:
0x1df: {  	s0 =	simm.s32 $0x5  }
0x1e0: {  	_ =	swait.ge [sflag:s0], s3  }
0x1e1: {  	s1 =	ssub.s32 $0x0, s3;
	[sflag:s0] =	ssyncset.done $0x0  }
0x1e2: {  	[sflag:s0] =	ssyncadd.s32 s1  }
0x1e3: {  	[sflag:s0] =	ssyncpa.u1 $0x1  }
0x1e4: {  	s30 =	simm.s32 $0x1;
	_ =	sfence  }
0x1e5: {  	[sflag:s30] =	ssyncpa.u1 $0x1  }
0x1e6: {  	_ =	strace $0x90000047  }
0x1e7: {  	[bflag:$0x2] =	sbarrier.arrive $0xFFFF  }
0x1e8: {  	s31 =	rddreg [dreg:$0x1]  }
0x1e9: {  	s0 =	sadd.s32 $0x100000, s31  }
0x1ea: {  	[sflag:s0] =	ssyncadd.tile.s32 $0x1;
	_ =	shalt  }
.Lfunc_end2:
_tile_overlayer_lowered:
.L_overlay_start_2:
0x1eb: {  	(tag) =	ssettag $0x2  }
0x1ec: {  	s0 =	rddreg [dreg:$0x0];
	s2 =	stileid.u32  }
0x1ed: {  	s1 =	rddreg [dreg:$0x1];
	p0 =	sne.s32 s2, $0x0  }
0x1ee: {  	s3 =	rddreg [dreg:$0x2];
	[bflag:$0x3] =	sbarrier.arrive $0xFFFF;
	s2 =	simm.s32 @!p0 $0x1C01  }
0x1ef: {  	[timem:s3], [sflag:s2] =	dma.local @!p0 [hbm:s0], s1  }
0x1f0: {  	s0 =	simm.s32 @!p0 $0x1  }
0x1f1: {  	_ =	swait.ge @!p0 [sflag:s0], s1  }
0x1f2: {  	s1 =	ssub.s32 @!p0 $0x0, s1;
	[sflag:s0] =	ssyncset.done @!p0 $0x0  }
0x1f3: {  	[sflag:s0] =	ssyncadd.s32 @!p0 s1  }
0x1f4: {  	[bflag:$0x3] =	sbarrier.arrive $0xFFFF  }
0x1f5: {  	_ =	shalt  }

</sc_bundles>
